<compile_context>
chip_gen: v7x
topology: tpu7x:2x2x1
jax: 0.10.2.dev20260603
libtpu: 0.0.44.dev20260713+nightly
codegen_flags: <defaults>
</compile_context>

<pallas_src>
import functools

import jax
import jax.numpy as jnp
from jax import lax
from jax.experimental import pallas as pl
from jax.experimental.pallas import tpu as pltpu
from jax.experimental.pallas import tpu_sc as plsc

N_NODES = 10000
N_EDGES = 160000
IN_FEATS = 128
OUT_FEATS = 64
MEM_SIZE = 4
NUM_RELS = 4

NQ = 8
QW = IN_FEATS // NQ
NTILES = 16
EDGES_PER_TILE = N_EDGES // NTILES
CHUNK = 1024
NCHUNK = 10
NPAD = 10016
ROWS_OUT = NUM_RELS * NPAD
ROWS_SH = ROWS_OUT + 16
ROWS_PER_TILE = ROWS_OUT // NTILES
NDEG = 10240
DEG_PER_TILE = NDEG // NTILES
PAD_DST = NPAD
PAD_REL = NUM_RELS - 1


def _sc_aggregate(feat4, srcE, dstE, relE, zrows, zdeg):
  mesh = plsc.VectorSubcoreMesh(core_axis_name="c", subcore_axis_name="s")

  @functools.partial(
      pl.kernel,
      mesh=mesh,
      compiler_params=pltpu.CompilerParams(use_tc_tiling_on_sc=False),
      out_type=[
          jax.ShapeDtypeStruct((NUM_RELS, NPAD, IN_FEATS), jnp.float32),
          jax.ShapeDtypeStruct((NDEG, 16), jnp.float32),
      ],
      scratch_types=[
          pltpu.VMEM((NCHUNK, CHUNK), jnp.int32),
          pltpu.VMEM((NCHUNK, CHUNK), jnp.int32),
          pltpu.VMEM((NCHUNK, CHUNK), jnp.int32),
          pltpu.VMEM((CHUNK, QW), jnp.float32),
          pltpu.VMEM((CHUNK, QW), jnp.float32),
          pltpu.VMEM((CHUNK, 16), jnp.float32),
          pltpu.VMEM_SHARED((ROWS_SH, QW), jnp.float32),
          pltpu.VMEM_SHARED((NDEG, 16), jnp.float32),
          pltpu.SemaphoreType.DMA,
          pltpu.SemaphoreType.DMA,
      ],
  )
  def k(feat4_h, src_h, dst_h, rel_h, zrows_h, zdeg_h,
        f_out, deg_out,
        gidx_v, dst_v, sidx_v, rows_a, rows_b, ones_v, f_sh, deg_sh, sem_a, sem_b):
    c = lax.axis_index("c")
    s = lax.axis_index("s")
    row0 = pl.multiple_of(s * ROWS_PER_TILE, 8)
    deg0 = pl.multiple_of(s * DEG_PER_TILE, 8)
    bufs = (rows_a, rows_b)
    sems = (sem_a, sem_b)

    pltpu.sync_copy(src_h.at[s], gidx_v)
    pltpu.sync_copy(dst_h.at[s], dst_v)
    pltpu.sync_copy(rel_h.at[s], sidx_v)
    pltpu.sync_copy(zrows_h, f_sh.at[pl.ds(row0, ROWS_PER_TILE)])

    @pl.when(c == 0)
    def _():
      pltpu.sync_copy(zdeg_h, deg_sh.at[pl.ds(deg0, DEG_PER_TILE)])

    def sidx_body(b, carry):
      def lane_body(j, carry2):
        rv = sidx_v[b, pl.ds(j * 16, 16)]
        dv = dst_v[b, pl.ds(j * 16, 16)]
        sidx_v[b, pl.ds(j * 16, 16)] = rv * NPAD + dv
        return carry2
      return lax.fori_loop(0, CHUNK // 16, lane_body, carry)
    lax.fori_loop(0, NCHUNK, sidx_body, 0)

    @pl.when(c == 0)
    def _():
      onehot = jnp.where(lax.iota(jnp.int32, 16) == 0, 1.0, 0.0).astype(jnp.float32)
      def fill_body(i, carry):
        ones_v[i] = onehot
        return carry
      lax.fori_loop(0, CHUNK, fill_body, 0)

    plsc.subcore_barrier()

    def bump_gidx(b0, b1):
      def gidx_body(b, carry):
        def lane_body(j, carry2):
          gidx_v[b, pl.ds(j * 16, 16)] = gidx_v[b, pl.ds(j * 16, 16)] + 1
          return carry2
        return lax.fori_loop(0, CHUNK // 16, lane_body, carry)
      lax.fori_loop(b0, b1, gidx_body, 0)

    q0 = (NQ // 2) * c
    def gidx0_body(b, carry):
      def lane_body(j, carry2):
        sv = gidx_v[b, pl.ds(j * 16, 16)]
        gidx_v[b, pl.ds(j * 16, 16)] = sv * NQ + q0
        return carry2
      return lax.fori_loop(0, CHUNK // 16, lane_body, carry)
    lax.fori_loop(0, NCHUNK, gidx0_body, 0)

    copies = [None] * (NCHUNK + 1)
    copies[0] = pltpu.async_copy(feat4_h.at[gidx_v.at[0]], bufs[0], sems[0])

    for p in range(NQ // 2):
      if p > 0:
        bump_gidx(1, NCHUNK)

      for kk in range(NCHUNK):
        if kk + 1 < NCHUNK:
          copies[kk + 1] = pltpu.async_copy(
              feat4_h.at[gidx_v.at[kk + 1]], bufs[(kk + 1) % 2], sems[(kk + 1) % 2])
        copies[kk].wait()
        pltpu.sync_copy(bufs[kk % 2], f_sh.at[sidx_v.at[kk]], add=True)
        if p == 0:
          @pl.when(c == 0)
          def _():
            pltpu.sync_copy(ones_v, deg_sh.at[dst_v.at[kk]], add=True)

      if p < NQ // 2 - 1:
        bump_gidx(0, 1)
        copies[0] = pltpu.async_copy(feat4_h.at[gidx_v.at[0]], bufs[0], sems[0])

      plsc.subcore_barrier()

      q = (NQ // 2) * c + p
      r_s = s // 4
      off = pl.multiple_of((s % 4) * ROWS_PER_TILE, 8)
      colq = pl.multiple_of(q * QW, 16)
      pltpu.sync_copy(f_sh.at[pl.ds(row0, ROWS_PER_TILE)],
                      f_out.at[r_s, pl.ds(off, ROWS_PER_TILE), pl.ds(colq, QW)])

      if p == 0:
        @pl.when(c == 0)
        def _():
          pltpu.sync_copy(deg_sh.at[pl.ds(deg0, DEG_PER_TILE)],
                          deg_out.at[pl.ds(deg0, DEG_PER_TILE)])
      if p < NQ // 2 - 1:
        pltpu.sync_copy(zrows_h, f_sh.at[pl.ds(row0, ROWS_PER_TILE)])
        plsc.subcore_barrier()

  return k(feat4, srcE, dstE, relE, zrows, zdeg)


def _tc_self_body(feat_ref, wct_ref, bc_ref, wtnode_ref, coef_ref, self_ref):
  x = feat_ref[...]
  coef = jnp.dot(x, wct_ref[...], preferred_element_type=jnp.float32)
  coef = coef + bc_ref[...]
  coef = jnp.where(coef > 0, coef, 0.2 * coef)
  coef_ref[...] = coef
  gn = jnp.dot(x, wtnode_ref[...], preferred_element_type=jnp.float32)
  acc = jnp.zeros((self_ref.shape[0], OUT_FEATS), jnp.float32)
  for m in range(MEM_SIZE):
    acc = acc + gn[:, m * OUT_FEATS:(m + 1) * OUT_FEATS] * coef[:, 16 + m][:, None]
  self_ref[...] = acc


def _tc_agg_body(f_ref, deg_ref, coef_ref, self_ref, wtrel_ref, hb_ref, out_ref):
  coef = coef_ref[...]
  acc = jnp.zeros((out_ref.shape[0], OUT_FEATS), jnp.float32)
  for r in range(NUM_RELS):
    g = jnp.dot(f_ref[r], wtrel_ref[r], preferred_element_type=jnp.float32)
    for m in range(MEM_SIZE):
      acc = acc + g[:, m * OUT_FEATS:(m + 1) * OUT_FEATS] * coef[:, r * 4 + m][:, None]
  deg = jnp.maximum(deg_ref[:, 0:1], 1.0)
  out_ref[...] = acc / deg + self_ref[...] + hb_ref[...]


def kernel(feat, edge_index, edge_type, node_Wc, node_bc, node_Ww,
           rel_Wc, rel_bc, rel_Ww, h_bias):
  feat4 = feat.reshape(N_NODES * NQ, QW)
  npadc = NCHUNK * CHUNK - EDGES_PER_TILE
  def slab(x, fill):
    x2 = x.reshape(NTILES, EDGES_PER_TILE)
    padc = jnp.full((NTILES, npadc), fill, jnp.int32)
    return jnp.concatenate([x2, padc], axis=1).reshape(NTILES, NCHUNK, CHUNK)
  srcE = slab(edge_index[0], 0)
  dstE = slab(edge_index[1], PAD_DST)
  relE = slab(edge_type, PAD_REL)
  zrows = jnp.zeros((ROWS_PER_TILE, QW), jnp.float32)
  zdeg = jnp.zeros((DEG_PER_TILE, 16), jnp.float32)

  F, degq = _sc_aggregate(feat4, srcE, dstE, relE, zrows, zdeg)

  wtrel = rel_Ww.reshape(NUM_RELS, OUT_FEATS, IN_FEATS, MEM_SIZE)
  wtrel = wtrel.transpose(0, 2, 3, 1).reshape(NUM_RELS, IN_FEATS, MEM_SIZE * OUT_FEATS)
  wtnode = node_Ww.reshape(OUT_FEATS, IN_FEATS, MEM_SIZE)
  wtnode = wtnode.transpose(1, 2, 0).reshape(IN_FEATS, MEM_SIZE * OUT_FEATS)
  w20 = jnp.concatenate([rel_Wc.reshape(NUM_RELS * MEM_SIZE, IN_FEATS), node_Wc], 0)
  wct = jnp.zeros((IN_FEATS, 32), jnp.float32).at[:, :20].set(w20.T)
  bc = jnp.zeros((1, 32), jnp.float32)
  bc = bc.at[0, :16].set(rel_bc.reshape(16)).at[0, 16:20].set(node_bc)
  hb = h_bias.reshape(1, OUT_FEATS)

  BN = 1000
  grid = (N_NODES // BN,)
  coefs, selfp = pl.pallas_call(
      _tc_self_body,
      grid=grid,
      in_specs=[
          pl.BlockSpec((BN, IN_FEATS), lambda i: (i, 0)),
          pl.BlockSpec((IN_FEATS, 32), lambda i: (0, 0)),
          pl.BlockSpec((1, 32), lambda i: (0, 0)),
          pl.BlockSpec((IN_FEATS, MEM_SIZE * OUT_FEATS), lambda i: (0, 0)),
      ],
      out_specs=[
          pl.BlockSpec((BN, 32), lambda i: (i, 0)),
          pl.BlockSpec((BN, OUT_FEATS), lambda i: (i, 0)),
      ],
      out_shape=[
          jax.ShapeDtypeStruct((N_NODES, 32), jnp.float32),
          jax.ShapeDtypeStruct((N_NODES, OUT_FEATS), jnp.float32),
      ],
  )(feat, wct, bc, wtnode)

  out = pl.pallas_call(
      _tc_agg_body,
      grid=grid,
      in_specs=[
          pl.BlockSpec((NUM_RELS, BN, IN_FEATS), lambda i: (0, i, 0)),
          pl.BlockSpec((BN, 16), lambda i: (i, 0)),
          pl.BlockSpec((BN, 32), lambda i: (i, 0)),
          pl.BlockSpec((BN, OUT_FEATS), lambda i: (i, 0)),
          pl.BlockSpec((NUM_RELS, IN_FEATS, MEM_SIZE * OUT_FEATS), lambda i: (0, 0, 0)),
          pl.BlockSpec((1, OUT_FEATS), lambda i: (0, 0)),
      ],
      out_specs=pl.BlockSpec((BN, OUT_FEATS), lambda i: (i, 0)),
      out_shape=jax.ShapeDtypeStruct((N_NODES, OUT_FEATS), jnp.float32),
  )(F, degq, coefs, selfp, wtrel, hb)
  return out

# --- scband reference (transcript-rebuilt; emitter-appended) ---
"""Pipeline reference for scband-memory-layer-41747082117534 (READ-ONLY COPY).

The authoritative reference and input builder live on the scoring server;
editing this copy changes nothing except your own understanding.
"""

import jax, jax.numpy as jnp
import numpy as np

N_NODES = 10000
N_EDGES = 160000
IN_FEATS = 128
OUT_FEATS = 64
MEM_SIZE = 4
NUM_RELS = 4


def _me_apply(h_dst, h_src, Wc, bc, Ww):
    # MemoryEncoding: coef = LeakyReLU(h_dst @ Wc.T + bc, 0.2)
    coef = h_dst @ Wc.T + bc
    coef = jnp.where(coef > 0, coef, 0.2 * coef)
    # w[b,o,i] = sum_m coef[b,m] * Ww[o*IN+i, m]; res[b,o] = sum_i w[b,o,i]*h_src[b,i]
    # fused to avoid materializing [B, out, in]
    Ww3 = Ww.reshape(OUT_FEATS, IN_FEATS, MEM_SIZE)
    return jnp.einsum('bm,bi,oim->bo', coef, h_src, Ww3)


def setup_inputs(seed: int = 0):
    key = jax.random.key(seed)
    ks = jax.random.split(key, 10)
    feat = jax.random.normal(ks[0], (N_NODES, IN_FEATS), dtype=jnp.float32)
    edge_index = jax.random.randint(ks[1], (2, N_EDGES), 0, N_NODES, dtype=jnp.int32)
    edge_type = jax.random.randint(ks[2], (N_EDGES,), 0, NUM_RELS, dtype=jnp.int32)
    s = 0.05
    node_Wc = s * jax.random.normal(ks[3], (MEM_SIZE, IN_FEATS), dtype=jnp.float32)
    node_bc = jnp.zeros((MEM_SIZE,), jnp.float32)
    node_Ww = s * jax.random.normal(ks[4], (OUT_FEATS * IN_FEATS, MEM_SIZE), dtype=jnp.float32)
    rel_Wc = s * jax.random.normal(ks[5], (NUM_RELS, MEM_SIZE, IN_FEATS), dtype=jnp.float32)
    rel_bc = jnp.zeros((NUM_RELS, MEM_SIZE), jnp.float32)
    rel_Ww = s * jax.random.normal(ks[6], (NUM_RELS, OUT_FEATS * IN_FEATS, MEM_SIZE), dtype=jnp.float32)
    h_bias = jnp.zeros((OUT_FEATS,), jnp.float32)
    return {"feat": feat, "edge_index": edge_index, "edge_type": edge_type,
            "node_Wc": node_Wc, "node_bc": node_bc, "node_Ww": node_Ww,
            "rel_Wc": rel_Wc, "rel_bc": rel_bc, "rel_Ww": rel_Ww, "h_bias": h_bias}


def reference(feat, edge_index, edge_type, node_Wc, node_bc, node_Ww,
              rel_Wc, rel_bc, rel_Ww, h_bias):
    src = edge_index[0]
    dst = edge_index[1]
    h_src = feat[src]
    h_dst = feat[dst]
    # per-relation memory-encoded messages (masked sum == torch per-etype fill)
    msg = jnp.zeros((N_EDGES, OUT_FEATS), jnp.float32)
    for r in range(NUM_RELS):
        m_r = _me_apply(h_dst, h_src, rel_Wc[r], rel_bc[r], rel_Ww[r])
        mask = (edge_type == r).astype(jnp.float32)[:, None]
        msg = msg + mask * m_r
    # fn.mean aggregation over incoming edges per dst node (0 for isolated nodes)
    agg = jax.ops.segment_sum(msg, dst, num_segments=N_NODES)
    deg = jax.ops.segment_sum(jnp.ones((N_EDGES,), jnp.float32), dst, num_segments=N_NODES)
    node_rep = agg / jnp.maximum(deg, 1.0)[:, None]
    node_rep = node_rep + h_bias
    node_rep = node_rep + _me_apply(feat, feat, node_Wc, node_bc, node_Ww)
    # activation=None, dropout=0.0 (eval) -> identity
    return node_rep

if __name__ == "__main__":
    import jax
    _d = setup_inputs()
    print(jax.jit(kernel)(*tuple(_d.values())))

</pallas_src>

<mosaic_0001>
#map = affine_map<(d0, d1) -> (0, 0)>
#map1 = affine_map<(d0, d1) -> (0, 0, 0)>
module attributes {stable_mosaic.version = 14 : i64} {
  func.func @k(%arg0: i32, %arg1: i32, %arg2: memref<80000x16xf32, #tpu.memory_space<hbm>>, %arg3: memref<16x10x1024xi32, #tpu.memory_space<hbm>>, %arg4: memref<16x10x1024xi32, #tpu.memory_space<hbm>>, %arg5: memref<16x10x1024xi32, #tpu.memory_space<hbm>>, %arg6: memref<2504x16xf32, #tpu.memory_space<hbm>>, %arg7: memref<640x16xf32, #tpu.memory_space<hbm>>, %arg8: memref<4x10016x128xf32, #tpu.memory_space<hbm>>, %arg9: memref<10240x16xf32, #tpu.memory_space<hbm>>, %arg10: memref<10x1024xi32, #tpu.memory_space<vmem>>, %arg11: memref<10x1024xi32, #tpu.memory_space<vmem>>, %arg12: memref<10x1024xi32, #tpu.memory_space<vmem>>, %arg13: memref<1024x16xf32, #tpu.memory_space<vmem>>, %arg14: memref<1024x16xf32, #tpu.memory_space<vmem>>, %arg15: memref<1024x16xf32, #tpu.memory_space<vmem>>, %arg16: memref<40080x16xf32, #tpu.memory_space<vmem_shared>>, %arg17: memref<10240x16xf32, #tpu.memory_space<vmem_shared>>, %arg18: memref<!tpu.dma_semaphore, #tpu.memory_space<semaphore_mem>>, %arg19: memref<!tpu.dma_semaphore, #tpu.memory_space<semaphore_mem>>) attributes {dimension_semantics = [#tpu.dimension_semantics<core_parallel>, #tpu.dimension_semantics<subcore_parallel>], iteration_bounds = array<i64: 2, 16>, scalar_prefetch = 0 : i64, scratch_operands = 10 : i64, tpu.core_type = #tpu.core_type<sc_vector_subcore>, window_params = [{transform_indices = #map}, {transform_indices = #map1}, {transform_indices = #map1}, {transform_indices = #map1}, {transform_indices = #map}, {transform_indices = #map}, {transform_indices = #map1}, {transform_indices = #map}]} {
    %mul3A = arith.constant 2504 : i32
    %mul3A_0 = arith.muli %arg1, %mul3A : i32
    %multiple_of3A = tpu.assume_multiple %mul3A_0, 8 : i32
    %mul3A_1 = arith.constant 640 : i32
    %mul3A_2 = arith.muli %arg1, %mul3A_1 : i32
    %multiple_of3A_3 = tpu.assume_multiple %mul3A_2, 8 : i32
    "tpu.region"() ({
      %run_scoped3A_915 = tpu.sem_alloc : memref<!tpu.dma_semaphore, #tpu.memory_space<semaphore_mem>>
      %dma_start3A_916 = arith.constant 0 : i32
      %dma_start3A_917 = arith.constant 0 : i32
      %dma_start3A_918 = tpu.memref_slice %arg3[%arg1, %dma_start3A_916, %dma_start3A_917] : memref<16x10x1024xi32, #tpu.memory_space<hbm>> -> memref<1x10x1024xi32, #tpu.memory_space<hbm>>
      %dma_start3A_919 = tpu.memref_squeeze %dma_start3A_918 : memref<1x10x1024xi32, #tpu.memory_space<hbm>> -> memref<10x1024xi32, #tpu.memory_space<hbm>>
      %dma_start3A_920 = arith.constant 0 : i32
      %dma_start3A_921 = arith.constant 0 : i32
      %dma_start3A_922 = tpu.memref_slice %arg3[%arg1, %dma_start3A_920, %dma_start3A_921] : memref<16x10x1024xi32, #tpu.memory_space<hbm>> -> memref<1x10x1024xi32, #tpu.memory_space<hbm>>
      %dma_start3A_923 = tpu.memref_squeeze %dma_start3A_922 : memref<1x10x1024xi32, #tpu.memory_space<hbm>> -> memref<10x1024xi32, #tpu.memory_space<hbm>>
      tpu.enqueue_dma source(%dma_start3A_923 : memref<10x1024xi32, #tpu.memory_space<hbm>>) target(%arg10 : memref<10x1024xi32, #tpu.memory_space<vmem>>) target_semaphore(%run_scoped3A_915 : memref<!tpu.dma_semaphore, #tpu.memory_space<semaphore_mem>>)
      %dma_wait3A_924 = arith.constant 0 : i32
      %dma_wait3A_925 = arith.constant 0 : i32
      %dma_wait3A_926 = tpu.memref_slice %arg3[%arg1, %dma_wait3A_924, %dma_wait3A_925] : memref<16x10x1024xi32, #tpu.memory_space<hbm>> -> memref<1x10x1024xi32, #tpu.memory_space<hbm>>
      %dma_wait3A_927 = tpu.memref_squeeze %dma_wait3A_926 : memref<1x10x1024xi32, #tpu.memory_space<hbm>> -> memref<10x1024xi32, #tpu.memory_space<hbm>>
      %dma_wait3A_928 = arith.constant 0 : i32
      %dma_wait3A_929 = arith.constant 0 : i32
      %dma_wait3A_930 = tpu.memref_slice %arg3[%arg1, %dma_wait3A_928, %dma_wait3A_929] : memref<16x10x1024xi32, #tpu.memory_space<hbm>> -> memref<1x10x1024xi32, #tpu.memory_space<hbm>>
      %dma_wait3A_931 = tpu.memref_squeeze %dma_wait3A_930 : memref<1x10x1024xi32, #tpu.memory_space<hbm>> -> memref<10x1024xi32, #tpu.memory_space<hbm>>
      tpu.wait_dma2 semaphore(%run_scoped3A_915 : memref<!tpu.dma_semaphore, #tpu.memory_space<semaphore_mem>>) src(%dma_wait3A_931 : memref<10x1024xi32, #tpu.memory_space<hbm>>) dst(%arg10 : memref<10x1024xi32, #tpu.memory_space<vmem>>)
      tpu.yield
    }) : () -> ()
    "tpu.region"() ({
      %run_scoped3A_915 = tpu.sem_alloc : memref<!tpu.dma_semaphore, #tpu.memory_space<semaphore_mem>>
      %dma_start3A_916 = arith.constant 0 : i32
      %dma_start3A_917 = arith.constant 0 : i32
      %dma_start3A_918 = tpu.memref_slice %arg4[%arg1, %dma_start3A_916, %dma_start3A_917] : memref<16x10x1024xi32, #tpu.memory_space<hbm>> -> memref<1x10x1024xi32, #tpu.memory_space<hbm>>
      %dma_start3A_919 = tpu.memref_squeeze %dma_start3A_918 : memref<1x10x1024xi32, #tpu.memory_space<hbm>> -> memref<10x1024xi32, #tpu.memory_space<hbm>>
      %dma_start3A_920 = arith.constant 0 : i32
      %dma_start3A_921 = arith.constant 0 : i32
      %dma_start3A_922 = tpu.memref_slice %arg4[%arg1, %dma_start3A_920, %dma_start3A_921] : memref<16x10x1024xi32, #tpu.memory_space<hbm>> -> memref<1x10x1024xi32, #tpu.memory_space<hbm>>
      %dma_start3A_923 = tpu.memref_squeeze %dma_start3A_922 : memref<1x10x1024xi32, #tpu.memory_space<hbm>> -> memref<10x1024xi32, #tpu.memory_space<hbm>>
      tpu.enqueue_dma source(%dma_start3A_923 : memref<10x1024xi32, #tpu.memory_space<hbm>>) target(%arg11 : memref<10x1024xi32, #tpu.memory_space<vmem>>) target_semaphore(%run_scoped3A_915 : memref<!tpu.dma_semaphore, #tpu.memory_space<semaphore_mem>>)
      %dma_wait3A_924 = arith.constant 0 : i32
      %dma_wait3A_925 = arith.constant 0 : i32
      %dma_wait3A_926 = tpu.memref_slice %arg4[%arg1, %dma_wait3A_924, %dma_wait3A_925] : memref<16x10x1024xi32, #tpu.memory_space<hbm>> -> memref<1x10x1024xi32, #tpu.memory_space<hbm>>
      %dma_wait3A_927 = tpu.memref_squeeze %dma_wait3A_926 : memref<1x10x1024xi32, #tpu.memory_space<hbm>> -> memref<10x1024xi32, #tpu.memory_space<hbm>>
      %dma_wait3A_928 = arith.constant 0 : i32
      %dma_wait3A_929 = arith.constant 0 : i32
      %dma_wait3A_930 = tpu.memref_slice %arg4[%arg1, %dma_wait3A_928, %dma_wait3A_929] : memref<16x10x1024xi32, #tpu.memory_space<hbm>> -> memref<1x10x1024xi32, #tpu.memory_space<hbm>>
      %dma_wait3A_931 = tpu.memref_squeeze %dma_wait3A_930 : memref<1x10x1024xi32, #tpu.memory_space<hbm>> -> memref<10x1024xi32, #tpu.memory_space<hbm>>
      tpu.wait_dma2 semaphore(%run_scoped3A_915 : memref<!tpu.dma_semaphore, #tpu.memory_space<semaphore_mem>>) src(%dma_wait3A_931 : memref<10x1024xi32, #tpu.memory_space<hbm>>) dst(%arg11 : memref<10x1024xi32, #tpu.memory_space<vmem>>)
      tpu.yield
    }) : () -> ()
    "tpu.region"() ({
      %run_scoped3A_915 = tpu.sem_alloc : memref<!tpu.dma_semaphore, #tpu.memory_space<semaphore_mem>>
      %dma_start3A_916 = arith.constant 0 : i32
      %dma_start3A_917 = arith.constant 0 : i32
      %dma_start3A_918 = tpu.memref_slice %arg5[%arg1, %dma_start3A_916, %dma_start3A_917] : memref<16x10x1024xi32, #tpu.memory_space<hbm>> -> memref<1x10x1024xi32, #tpu.memory_space<hbm>>
      %dma_start3A_919 = tpu.memref_squeeze %dma_start3A_918 : memref<1x10x1024xi32, #tpu.memory_space<hbm>> -> memref<10x1024xi32, #tpu.memory_space<hbm>>
      %dma_start3A_920 = arith.constant 0 : i32
      %dma_start3A_921 = arith.constant 0 : i32
      %dma_start3A_922 = tpu.memref_slice %arg5[%arg1, %dma_start3A_920, %dma_start3A_921] : memref<16x10x1024xi32, #tpu.memory_space<hbm>> -> memref<1x10x1024xi32, #tpu.memory_space<hbm>>
      %dma_start3A_923 = tpu.memref_squeeze %dma_start3A_922 : memref<1x10x1024xi32, #tpu.memory_space<hbm>> -> memref<10x1024xi32, #tpu.memory_space<hbm>>
      tpu.enqueue_dma source(%dma_start3A_923 : memref<10x1024xi32, #tpu.memory_space<hbm>>) target(%arg12 : memref<10x1024xi32, #tpu.memory_space<vmem>>) target_semaphore(%run_scoped3A_915 : memref<!tpu.dma_semaphore, #tpu.memory_space<semaphore_mem>>)
      %dma_wait3A_924 = arith.constant 0 : i32
      %dma_wait3A_925 = arith.constant 0 : i32
      %dma_wait3A_926 = tpu.memref_slice %arg5[%arg1, %dma_wait3A_924, %dma_wait3A_925] : memref<16x10x1024xi32, #tpu.memory_space<hbm>> -> memref<1x10x1024xi32, #tpu.memory_space<hbm>>
      %dma_wait3A_927 = tpu.memref_squeeze %dma_wait3A_926 : memref<1x10x1024xi32, #tpu.memory_space<hbm>> -> memref<10x1024xi32, #tpu.memory_space<hbm>>
      %dma_wait3A_928 = arith.constant 0 : i32
      %dma_wait3A_929 = arith.constant 0 : i32
      %dma_wait3A_930 = tpu.memref_slice %arg5[%arg1, %dma_wait3A_928, %dma_wait3A_929] : memref<16x10x1024xi32, #tpu.memory_space<hbm>> -> memref<1x10x1024xi32, #tpu.memory_space<hbm>>
      %dma_wait3A_931 = tpu.memref_squeeze %dma_wait3A_930 : memref<1x10x1024xi32, #tpu.memory_space<hbm>> -> memref<10x1024xi32, #tpu.memory_space<hbm>>
      tpu.wait_dma2 semaphore(%run_scoped3A_915 : memref<!tpu.dma_semaphore, #tpu.memory_space<semaphore_mem>>) src(%dma_wait3A_931 : memref<10x1024xi32, #tpu.memory_space<hbm>>) dst(%arg12 : memref<10x1024xi32, #tpu.memory_space<vmem>>)
      tpu.yield
    }) : () -> ()
    "tpu.region"() ({
      %run_scoped3A_915 = tpu.sem_alloc : memref<!tpu.dma_semaphore, #tpu.memory_space<semaphore_mem>>
      %dma_start3A_916 = arith.constant 0 : i32
      %dma_start3A_917 = tpu.memref_slice %arg16[%multiple_of3A, %dma_start3A_916] : memref<40080x16xf32, #tpu.memory_space<vmem_shared>> -> memref<2504x16xf32, #tpu.memory_space<vmem_shared>>
      tpu.enqueue_dma source(%arg6 : memref<2504x16xf32, #tpu.memory_space<hbm>>) target(%dma_start3A_917 : memref<2504x16xf32, #tpu.memory_space<vmem_shared>>) target_semaphore(%run_scoped3A_915 : memref<!tpu.dma_semaphore, #tpu.memory_space<semaphore_mem>>)
      %dma_wait3A_918 = arith.constant 0 : i32
      %dma_wait3A_919 = tpu.memref_slice %arg16[%multiple_of3A, %dma_wait3A_918] : memref<40080x16xf32, #tpu.memory_space<vmem_shared>> -> memref<2504x16xf32, #tpu.memory_space<vmem_shared>>
      tpu.wait_dma2 semaphore(%run_scoped3A_915 : memref<!tpu.dma_semaphore, #tpu.memory_space<semaphore_mem>>) src(%arg6 : memref<2504x16xf32, #tpu.memory_space<hbm>>) dst(%dma_wait3A_919 : memref<2504x16xf32, #tpu.memory_space<vmem_shared>>)
      tpu.yield
    }) : () -> ()
    %eq3A = arith.constant 0 : i32
    %eq3A_4 = arith.cmpi eq, %arg0, %eq3A : i32
    %convert_element_type3A = arith.extui %eq3A_4 : i1 to i32
    %cond3A = arith.constant 0 : i32
    %cond3A_5 = arith.cmpi ne, %convert_element_type3A, %cond3A : i32
    scf.if %cond3A_5 {
      "tpu.region"() ({
        %run_scoped3A_915 = tpu.sem_alloc : memref<!tpu.dma_semaphore, #tpu.memory_space<semaphore_mem>>
        %dma_start3A_916 = arith.constant 0 : i32
        %dma_start3A_917 = tpu.memref_slice %arg17[%multiple_of3A_3, %dma_start3A_916] : memref<10240x16xf32, #tpu.memory_space<vmem_shared>> -> memref<640x16xf32, #tpu.memory_space<vmem_shared>>
        tpu.enqueue_dma source(%arg7 : memref<640x16xf32, #tpu.memory_space<hbm>>) target(%dma_start3A_917 : memref<640x16xf32, #tpu.memory_space<vmem_shared>>) target_semaphore(%run_scoped3A_915 : memref<!tpu.dma_semaphore, #tpu.memory_space<semaphore_mem>>)
        %dma_wait3A_918 = arith.constant 0 : i32
        %dma_wait3A_919 = tpu.memref_slice %arg17[%multiple_of3A_3, %dma_wait3A_918] : memref<10240x16xf32, #tpu.memory_space<vmem_shared>> -> memref<640x16xf32, #tpu.memory_space<vmem_shared>>
        tpu.wait_dma2 semaphore(%run_scoped3A_915 : memref<!tpu.dma_semaphore, #tpu.memory_space<semaphore_mem>>) src(%arg7 : memref<640x16xf32, #tpu.memory_space<hbm>>) dst(%dma_wait3A_919 : memref<640x16xf32, #tpu.memory_space<vmem_shared>>)
        tpu.yield
      }) : () -> ()
    } else {
    }
    %scan3A = arith.constant 0 : i32
    %scan3A_6 = arith.constant 0 : i32
    %scan3A_7 = arith.constant 10 : i32
    %scan3A_8 = arith.addi %scan3A_6, %scan3A_7 : i32
    %scan3A_9 = arith.constant 1 : i32
    scf.for %scan3A_915 = %scan3A_6 to %scan3A_8 step %scan3A_9  : i32 {
      %scan3A_916 = arith.constant 0 : i32
      %scan3A_917 = arith.constant 64 : i32
      %scan3A_918 = arith.addi %scan3A_916, %scan3A_917 : i32
      %scan3A_919 = arith.constant 1 : i32
      scf.for %scan3A_921 = %scan3A_916 to %scan3A_918 step %scan3A_919  : i32 {
        %mul3A_922 = arith.constant 16 : i32
        %mul3A_923 = arith.muli %scan3A_921, %mul3A_922 : i32
        %get3A = arith.index_cast %scan3A_915 : i32 to index
        %get3A_924 = arith.index_cast %mul3A_923 : i32 to index
        %get3A_925 = tpu.vector_load %arg12[%get3A, %get3A_924] {strides = array<i32>} : memref<10x1024xi32, #tpu.memory_space<vmem>>, vector<1x16xi32>,
        %get3A_926 = vector.shape_cast %get3A_925 : vector<1x16xi32> to vector<16xi32>
        %mul3A_927 = arith.constant 16 : i32
        %mul3A_928 = arith.muli %scan3A_921, %mul3A_927 : i32
        %get3A_929 = arith.index_cast %scan3A_915 : i32 to index
        %get3A_930 = arith.index_cast %mul3A_928 : i32 to index
        %get3A_931 = tpu.vector_load %arg11[%get3A_929, %get3A_930] {strides = array<i32>} : memref<10x1024xi32, #tpu.memory_space<vmem>>, vector<1x16xi32>,
        %get3A_932 = vector.shape_cast %get3A_931 : vector<1x16xi32> to vector<16xi32>
        %mul3A_933 = arith.constant 10016 : i32
        %mul3A_934 = vector.broadcast %mul3A_933 : i32 to vector<16xi32>
        %mul3A_935 = arith.muli %get3A_926, %mul3A_934 : vector<16xi32>
        %add3A_936 = arith.addi %mul3A_935, %get3A_932 : vector<16xi32>
        %mul3A_937 = arith.constant 16 : i32
        %mul3A_938 = arith.muli %scan3A_921, %mul3A_937 : i32
        %swap3A = arith.index_cast %scan3A_915 : i32 to index
        %swap3A_939 = arith.index_cast %mul3A_938 : i32 to index
        %swap3A_940 = tpu.vector_load %arg12[%swap3A, %swap3A_939] {strides = array<i32>} : memref<10x1024xi32, #tpu.memory_space<vmem>>, vector<1x16xi32>,
        %swap3A_941 = vector.shape_cast %swap3A_940 : vector<1x16xi32> to vector<16xi32>
        %swap3A_942 = vector.shape_cast %add3A_936 : vector<16xi32> to vector<1x16xi32>
        tpu.vector_store %arg12[%swap3A, %swap3A_939], %swap3A_942 {strides = array<i32>} : memref<10x1024xi32, #tpu.memory_space<vmem>>, vector<1x16xi32>,
      }
      %scan3A_920 = arith.constant 64 : i32
    }
    %scan3A_10 = arith.constant 10 : i32
    %eq3A_11 = arith.constant 0 : i32
    %eq3A_12 = arith.cmpi eq, %arg0, %eq3A_11 : i32
    %convert_element_type3A_13 = arith.extui %eq3A_12 : i1 to i32
    %cond3A_14 = arith.constant 0 : i32
    %cond3A_15 = arith.cmpi ne, %convert_element_type3A_13, %cond3A_14 : i32
    scf.if %cond3A_15 {
      %iota3A = tpu.iota {dimensions = array<i32: 0>} : vector<16xi32>
      %eq3A_915 = arith.constant 0 : i32
      %eq3A_916 = vector.broadcast %eq3A_915 : i32 to vector<16xi32>
      %eq3A_917 = arith.cmpi eq, %iota3A, %eq3A_916 : vector<16xi32>
      %jit3A_918 = arith.constant 1.000000e+00 : f32
      %jit3A_919 = arith.constant 0.000000e+00 : f32
      %broadcast_in_dim3A = vector.broadcast %jit3A_918 : f32 to vector<16xf32>
      %broadcast_in_dim3A_920 = vector.broadcast %jit3A_919 : f32 to vector<16xf32>
      %select_n3A_921 = arith.select %eq3A_917, %broadcast_in_dim3A, %broadcast_in_dim3A_920 : vector<16xi1>, vector<16xf32>
      %scan3A_922 = arith.constant 0 : i32
      %scan3A_923 = arith.constant 0 : i32
      %scan3A_924 = arith.constant 1024 : i32
      %scan3A_925 = arith.addi %scan3A_923, %scan3A_924 : i32
      %scan3A_926 = arith.constant 1 : i32
      scf.for %scan3A_928 = %scan3A_923 to %scan3A_925 step %scan3A_926  : i32 {
        %swap3A = arith.index_cast %scan3A_928 : i32 to index
        %swap3A_929 = arith.constant 0 : index
        %swap3A_930 = tpu.vector_load %arg15[%swap3A, %swap3A_929] {strides = array<i32>} : memref<1024x16xf32, #tpu.memory_space<vmem>>, vector<1x16xf32>,
        %swap3A_931 = vector.shape_cast %swap3A_930 : vector<1x16xf32> to vector<16xf32>
        %swap3A_932 = vector.shape_cast %select_n3A_921 : vector<16xf32> to vector<1x16xf32>
        tpu.vector_store %arg15[%swap3A, %swap3A_929], %swap3A_932 {strides = array<i32>} : memref<1024x16xf32, #tpu.memory_space<vmem>>, vector<1x16xf32>,
      }
      %scan3A_927 = arith.constant 1024 : i32
    } else {
    }
    %barrier3A = arith.constant 0 : index
    tpu.barrier barrier_id(%barrier3A)
    %mul3A_16 = arith.constant 4 : i32
    %mul3A_17 = arith.muli %mul3A_16, %arg0 : i32
    %scan3A_18 = arith.constant 0 : i32
    %scan3A_19 = arith.constant 0 : i32
    %scan3A_20 = arith.constant 10 : i32
    %scan3A_21 = arith.addi %scan3A_19, %scan3A_20 : i32
    %scan3A_22 = arith.constant 1 : i32
    scf.for %scan3A_915 = %scan3A_19 to %scan3A_21 step %scan3A_22  : i32 {
      %scan3A_916 = arith.constant 0 : i32
      %scan3A_917 = arith.constant 64 : i32
      %scan3A_918 = arith.addi %scan3A_916, %scan3A_917 : i32
      %scan3A_919 = arith.constant 1 : i32
      scf.for %scan3A_921 = %scan3A_916 to %scan3A_918 step %scan3A_919  : i32 {
        %mul3A_922 = arith.constant 16 : i32
        %mul3A_923 = arith.muli %scan3A_921, %mul3A_922 : i32
        %get3A = arith.index_cast %scan3A_915 : i32 to index
        %get3A_924 = arith.index_cast %mul3A_923 : i32 to index
        %get3A_925 = tpu.vector_load %arg10[%get3A, %get3A_924] {strides = array<i32>} : memref<10x1024xi32, #tpu.memory_space<vmem>>, vector<1x16xi32>,
        %get3A_926 = vector.shape_cast %get3A_925 : vector<1x16xi32> to vector<16xi32>
        %mul3A_927 = arith.constant 8 : i32
        %mul3A_928 = vector.broadcast %mul3A_927 : i32 to vector<16xi32>
        %mul3A_929 = arith.muli %get3A_926, %mul3A_928 : vector<16xi32>
        %add3A_930 = vector.broadcast %mul3A_17 : i32 to vector<16xi32>
        %add3A_931 = arith.addi %mul3A_929, %add3A_930 : vector<16xi32>
        %mul3A_932 = arith.constant 16 : i32
        %mul3A_933 = arith.muli %scan3A_921, %mul3A_932 : i32
        %swap3A = arith.index_cast %scan3A_915 : i32 to index
        %swap3A_934 = arith.index_cast %mul3A_933 : i32 to index
        %swap3A_935 = tpu.vector_load %arg10[%swap3A, %swap3A_934] {strides = array<i32>} : memref<10x1024xi32, #tpu.memory_space<vmem>>, vector<1x16xi32>,
        %swap3A_936 = vector.shape_cast %swap3A_935 : vector<1x16xi32> to vector<16xi32>
        %swap3A_937 = vector.shape_cast %add3A_931 : vector<16xi32> to vector<1x16xi32>
        tpu.vector_store %arg10[%swap3A, %swap3A_934], %swap3A_937 {strides = array<i32>} : memref<10x1024xi32, #tpu.memory_space<vmem>>, vector<1x16xi32>,
      }
      %scan3A_920 = arith.constant 64 : i32
    }
    %scan3A_23 = arith.constant 10 : i32
    %dma_start3A = arith.constant 0 : i32
    %dma_start3A_24 = arith.constant 0 : i32
    %dma_start3A_25 = tpu.memref_slice %arg10[%dma_start3A, %dma_start3A_24] : memref<10x1024xi32, #tpu.memory_space<vmem>> -> memref<1x1024xi32, #tpu.memory_space<vmem>>
    %dma_start3A_26 = tpu.memref_squeeze %dma_start3A_25 : memref<1x1024xi32, #tpu.memory_space<vmem>> -> memref<1024xi32, #tpu.memory_space<vmem>>
    %dma_start3A_27 = arith.constant 0 : i32
    %dma_start3A_28 = arith.constant 0 : i32
    %dma_start3A_29 = tpu.memref_slice %arg2[%dma_start3A_27, %dma_start3A_28] : memref<80000x16xf32, #tpu.memory_space<hbm>> -> memref<80000x16xf32, #tpu.memory_space<hbm>>
    tpu.enqueue_indirect_dma source(%dma_start3A_29 : memref<80000x16xf32, #tpu.memory_space<hbm>>) target(%arg13 : memref<1024x16xf32, #tpu.memory_space<vmem>>) offsets(%dma_start3A_26 : memref<1024xi32, #tpu.memory_space<vmem>>) semaphore(%arg18 : memref<!tpu.dma_semaphore, #tpu.memory_space<semaphore_mem>>)
    %dma_start3A_30 = arith.constant 1 : i32
    %dma_start3A_31 = arith.constant 0 : i32
    %dma_start3A_32 = tpu.memref_slice %arg10[%dma_start3A_30, %dma_start3A_31] : memref<10x1024xi32, #tpu.memory_space<vmem>> -> memref<1x1024xi32, #tpu.memory_space<vmem>>
    %dma_start3A_33 = tpu.memref_squeeze %dma_start3A_32 : memref<1x1024xi32, #tpu.memory_space<vmem>> -> memref<1024xi32, #tpu.memory_space<vmem>>
    %dma_start3A_34 = arith.constant 0 : i32
    %dma_start3A_35 = arith.constant 0 : i32
    %dma_start3A_36 = tpu.memref_slice %arg2[%dma_start3A_34, %dma_start3A_35] : memref<80000x16xf32, #tpu.memory_space<hbm>> -> memref<80000x16xf32, #tpu.memory_space<hbm>>
    tpu.enqueue_indirect_dma source(%dma_start3A_36 : memref<80000x16xf32, #tpu.memory_space<hbm>>) target(%arg14 : memref<1024x16xf32, #tpu.memory_space<vmem>>) offsets(%dma_start3A_33 : memref<1024xi32, #tpu.memory_space<vmem>>) semaphore(%arg19 : memref<!tpu.dma_semaphore, #tpu.memory_space<semaphore_mem>>)
    %dma_wait3A = arith.constant 0 : i32
    %dma_wait3A_37 = arith.constant 0 : i32
    %dma_wait3A_38 = tpu.memref_slice %arg10[%dma_wait3A, %dma_wait3A_37] : memref<10x1024xi32, #tpu.memory_space<vmem>> -> memref<1x1024xi32, #tpu.memory_space<vmem>>
    %dma_wait3A_39 = tpu.memref_squeeze %dma_wait3A_38 : memref<1x1024xi32, #tpu.memory_space<vmem>> -> memref<1024xi32, #tpu.memory_space<vmem>>
    %dma_wait3A_40 = arith.constant 0 : i32
    %dma_wait3A_41 = arith.constant 0 : i32
    %dma_wait3A_42 = tpu.memref_slice %arg2[%dma_wait3A_40, %dma_wait3A_41] : memref<80000x16xf32, #tpu.memory_space<hbm>> -> memref<80000x16xf32, #tpu.memory_space<hbm>>
    tpu.wait_indirect_dma semaphore(%arg18 : memref<!tpu.dma_semaphore, #tpu.memory_space<semaphore_mem>>) src(%dma_wait3A_42 : memref<80000x16xf32, #tpu.memory_space<hbm>>) dst(%arg13 : memref<1024x16xf32, #tpu.memory_space<vmem>>)
    %run_scoped3A = arith.constant 0 : i32
    "tpu.region"() ({
      %run_scoped3A_915 = tpu.sem_alloc : memref<!tpu.dma_semaphore, #tpu.memory_space<semaphore_mem>>
      %dma_start3A_916 = arith.constant 0 : i32
      %dma_start3A_917 = tpu.memref_slice %arg12[%run_scoped3A, %dma_start3A_916] : memref<10x1024xi32, #tpu.memory_space<vmem>> -> memref<1x1024xi32, #tpu.memory_space<vmem>>
      %dma_start3A_918 = tpu.memref_squeeze %dma_start3A_917 : memref<1x1024xi32, #tpu.memory_space<vmem>> -> memref<1024xi32, #tpu.memory_space<vmem>>
      %dma_start3A_919 = arith.constant 0 : i32
      %dma_start3A_920 = arith.constant 0 : i32
      %dma_start3A_921 = tpu.memref_slice %arg16[%dma_start3A_919, %dma_start3A_920] : memref<40080x16xf32, #tpu.memory_space<vmem_shared>> -> memref<40080x16xf32, #tpu.memory_space<vmem_shared>>
      tpu.enqueue_indirect_dma source(%arg13 : memref<1024x16xf32, #tpu.memory_space<vmem>>) target(%dma_start3A_921 : memref<40080x16xf32, #tpu.memory_space<vmem_shared>>) offsets(%dma_start3A_918 : memref<1024xi32, #tpu.memory_space<vmem>>) semaphore(%run_scoped3A_915 : memref<!tpu.dma_semaphore, #tpu.memory_space<semaphore_mem>>) {add = true}
      %dma_wait3A_922 = arith.constant 0 : i32
      %dma_wait3A_923 = tpu.memref_slice %arg12[%run_scoped3A, %dma_wait3A_922] : memref<10x1024xi32, #tpu.memory_space<vmem>> -> memref<1x1024xi32, #tpu.memory_space<vmem>>
      %dma_wait3A_924 = tpu.memref_squeeze %dma_wait3A_923 : memref<1x1024xi32, #tpu.memory_space<vmem>> -> memref<1024xi32, #tpu.memory_space<vmem>>
      %dma_wait3A_925 = arith.constant 0 : i32
      %dma_wait3A_926 = arith.constant 0 : i32
      %dma_wait3A_927 = tpu.memref_slice %arg16[%dma_wait3A_925, %dma_wait3A_926] : memref<40080x16xf32, #tpu.memory_space<vmem_shared>> -> memref<40080x16xf32, #tpu.memory_space<vmem_shared>>
      tpu.wait_indirect_dma semaphore(%run_scoped3A_915 : memref<!tpu.dma_semaphore, #tpu.memory_space<semaphore_mem>>) src(%arg13 : memref<1024x16xf32, #tpu.memory_space<vmem>>) dst(%dma_wait3A_927 : memref<40080x16xf32, #tpu.memory_space<vmem_shared>>)
      tpu.yield
    }) : () -> ()
    %eq3A_43 = arith.constant 0 : i32
    %eq3A_44 = arith.cmpi eq, %arg0, %eq3A_43 : i32
    %convert_element_type3A_45 = arith.extui %eq3A_44 : i1 to i32
    %cond3A_46 = arith.constant 0 : i32
    %cond3A_47 = arith.cmpi ne, %convert_element_type3A_45, %cond3A_46 : i32
    scf.if %cond3A_47 {
      %run_scoped3A_915 = arith.constant 0 : i32
      "tpu.region"() ({
        %run_scoped3A_916 = tpu.sem_alloc : memref<!tpu.dma_semaphore, #tpu.memory_space<semaphore_mem>>
        %dma_start3A_917 = arith.constant 0 : i32
        %dma_start3A_918 = tpu.memref_slice %arg11[%run_scoped3A_915, %dma_start3A_917] : memref<10x1024xi32, #tpu.memory_space<vmem>> -> memref<1x1024xi32, #tpu.memory_space<vmem>>
        %dma_start3A_919 = tpu.memref_squeeze %dma_start3A_918 : memref<1x1024xi32, #tpu.memory_space<vmem>> -> memref<1024xi32, #tpu.memory_space<vmem>>
        %dma_start3A_920 = arith.constant 0 : i32
        %dma_start3A_921 = arith.constant 0 : i32
        %dma_start3A_922 = tpu.memref_slice %arg17[%dma_start3A_920, %dma_start3A_921] : memref<10240x16xf32, #tpu.memory_space<vmem_shared>> -> memref<10240x16xf32, #tpu.memory_space<vmem_shared>>
        tpu.enqueue_indirect_dma source(%arg15 : memref<1024x16xf32, #tpu.memory_space<vmem>>) target(%dma_start3A_922 : memref<10240x16xf32, #tpu.memory_space<vmem_shared>>) offsets(%dma_start3A_919 : memref<1024xi32, #tpu.memory_space<vmem>>) semaphore(%run_scoped3A_916 : memref<!tpu.dma_semaphore, #tpu.memory_space<semaphore_mem>>) {add = true}
        %dma_wait3A_923 = arith.constant 0 : i32
        %dma_wait3A_924 = tpu.memref_slice %arg11[%run_scoped3A_915, %dma_wait3A_923] : memref<10x1024xi32, #tpu.memory_space<vmem>> -> memref<1x1024xi32, #tpu.memory_space<vmem>>
        %dma_wait3A_925 = tpu.memref_squeeze %dma_wait3A_924 : memref<1x1024xi32, #tpu.memory_space<vmem>> -> memref<1024xi32, #tpu.memory_space<vmem>>
        %dma_wait3A_926 = arith.constant 0 : i32
        %dma_wait3A_927 = arith.constant 0 : i32
        %dma_wait3A_928 = tpu.memref_slice %arg17[%dma_wait3A_926, %dma_wait3A_927] : memref<10240x16xf32, #tpu.memory_space<vmem_shared>> -> memref<10240x16xf32, #tpu.memory_space<vmem_shared>>
        tpu.wait_indirect_dma semaphore(%run_scoped3A_916 : memref<!tpu.dma_semaphore, #tpu.memory_space<semaphore_mem>>) src(%arg15 : memref<1024x16xf32, #tpu.memory_space<vmem>>) dst(%dma_wait3A_928 : memref<10240x16xf32, #tpu.memory_space<vmem_shared>>)
        tpu.yield
      }) : () -> ()
    } else {
    }
    %dma_start3A_48 = arith.constant 2 : i32
    %dma_start3A_49 = arith.constant 0 : i32
    %dma_start3A_50 = tpu.memref_slice %arg10[%dma_start3A_48, %dma_start3A_49] : memref<10x1024xi32, #tpu.memory_space<vmem>> -> memref<1x1024xi32, #tpu.memory_space<vmem>>
    %dma_start3A_51 = tpu.memref_squeeze %dma_start3A_50 : memref<1x1024xi32, #tpu.memory_space<vmem>> -> memref<1024xi32, #tpu.memory_space<vmem>>
    %dma_start3A_52 = arith.constant 0 : i32
    %dma_start3A_53 = arith.constant 0 : i32
    %dma_start3A_54 = tpu.memref_slice %arg2[%dma_start3A_52, %dma_start3A_53] : memref<80000x16xf32, #tpu.memory_space<hbm>> -> memref<80000x16xf32, #tpu.memory_space<hbm>>
    tpu.enqueue_indirect_dma source(%dma_start3A_54 : memref<80000x16xf32, #tpu.memory_space<hbm>>) target(%arg13 : memref<1024x16xf32, #tpu.memory_space<vmem>>) offsets(%dma_start3A_51 : memref<1024xi32, #tpu.memory_space<vmem>>) semaphore(%arg18 : memref<!tpu.dma_semaphore, #tpu.memory_space<semaphore_mem>>)
    %dma_wait3A_55 = arith.constant 1 : i32
    %dma_wait3A_56 = arith.constant 0 : i32
    %dma_wait3A_57 = tpu.memref_slice %arg10[%dma_wait3A_55, %dma_wait3A_56] : memref<10x1024xi32, #tpu.memory_space<vmem>> -> memref<1x1024xi32, #tpu.memory_space<vmem>>
    %dma_wait3A_58 = tpu.memref_squeeze %dma_wait3A_57 : memref<1x1024xi32, #tpu.memory_space<vmem>> -> memref<1024xi32, #tpu.memory_space<vmem>>
    %dma_wait3A_59 = arith.constant 0 : i32
    %dma_wait3A_60 = arith.constant 0 : i32
    %dma_wait3A_61 = tpu.memref_slice %arg2[%dma_wait3A_59, %dma_wait3A_60] : memref<80000x16xf32, #tpu.memory_space<hbm>> -> memref<80000x16xf32, #tpu.memory_space<hbm>>
    tpu.wait_indirect_dma semaphore(%arg19 : memref<!tpu.dma_semaphore, #tpu.memory_space<semaphore_mem>>) src(%dma_wait3A_61 : memref<80000x16xf32, #tpu.memory_space<hbm>>) dst(%arg14 : memref<1024x16xf32, #tpu.memory_space<vmem>>)
    %run_scoped3A_62 = arith.constant 1 : i32
    "tpu.region"() ({
      %run_scoped3A_915 = tpu.sem_alloc : memref<!tpu.dma_semaphore, #tpu.memory_space<semaphore_mem>>
      %dma_start3A_916 = arith.constant 0 : i32
      %dma_start3A_917 = tpu.memref_slice %arg12[%run_scoped3A_62, %dma_start3A_916] : memref<10x1024xi32, #tpu.memory_space<vmem>> -> memref<1x1024xi32, #tpu.memory_space<vmem>>
      %dma_start3A_918 = tpu.memref_squeeze %dma_start3A_917 : memref<1x1024xi32, #tpu.memory_space<vmem>> -> memref<1024xi32, #tpu.memory_space<vmem>>
      %dma_start3A_919 = arith.constant 0 : i32
      %dma_start3A_920 = arith.constant 0 : i32
      %dma_start3A_921 = tpu.memref_slice %arg16[%dma_start3A_919, %dma_start3A_920] : memref<40080x16xf32, #tpu.memory_space<vmem_shared>> -> memref<40080x16xf32, #tpu.memory_space<vmem_shared>>
      tpu.enqueue_indirect_dma source(%arg14 : memref<1024x16xf32, #tpu.memory_space<vmem>>) target(%dma_start3A_921 : memref<40080x16xf32, #tpu.memory_space<vmem_shared>>) offsets(%dma_start3A_918 : memref<1024xi32, #tpu.memory_space<vmem>>) semaphore(%run_scoped3A_915 : memref<!tpu.dma_semaphore, #tpu.memory_space<semaphore_mem>>) {add = true}
      %dma_wait3A_922 = arith.constant 0 : i32
      %dma_wait3A_923 = tpu.memref_slice %arg12[%run_scoped3A_62, %dma_wait3A_922] : memref<10x1024xi32, #tpu.memory_space<vmem>> -> memref<1x1024xi32, #tpu.memory_space<vmem>>
      %dma_wait3A_924 = tpu.memref_squeeze %dma_wait3A_923 : memref<1x1024xi32, #tpu.memory_space<vmem>> -> memref<1024xi32, #tpu.memory_space<vmem>>
      %dma_wait3A_925 = arith.constant 0 : i32
      %dma_wait3A_926 = arith.constant 0 : i32
      %dma_wait3A_927 = tpu.memref_slice %arg16[%dma_wait3A_925, %dma_wait3A_926] : memref<40080x16xf32, #tpu.memory_space<vmem_shared>> -> memref<40080x16xf32, #tpu.memory_space<vmem_shared>>
      tpu.wait_indirect_dma semaphore(%run_scoped3A_915 : memref<!tpu.dma_semaphore, #tpu.memory_space<semaphore_mem>>) src(%arg14 : memref<1024x16xf32, #tpu.memory_space<vmem>>) dst(%dma_wait3A_927 : memref<40080x16xf32, #tpu.memory_space<vmem_shared>>)
      tpu.yield
    }) : () -> ()
    %eq3A_63 = arith.constant 0 : i32
    %eq3A_64 = arith.cmpi eq, %arg0, %eq3A_63 : i32
    %convert_element_type3A_65 = arith.extui %eq3A_64 : i1 to i32
    %cond3A_66 = arith.constant 0 : i32
    %cond3A_67 = arith.cmpi ne, %convert_element_type3A_65, %cond3A_66 : i32
    scf.if %cond3A_67 {
      %run_scoped3A_915 = arith.constant 1 : i32
      "tpu.region"() ({
        %run_scoped3A_916 = tpu.sem_alloc : memref<!tpu.dma_semaphore, #tpu.memory_space<semaphore_mem>>
        %dma_start3A_917 = arith.constant 0 : i32
        %dma_start3A_918 = tpu.memref_slice %arg11[%run_scoped3A_915, %dma_start3A_917] : memref<10x1024xi32, #tpu.memory_space<vmem>> -> memref<1x1024xi32, #tpu.memory_space<vmem>>
        %dma_start3A_919 = tpu.memref_squeeze %dma_start3A_918 : memref<1x1024xi32, #tpu.memory_space<vmem>> -> memref<1024xi32, #tpu.memory_space<vmem>>
        %dma_start3A_920 = arith.constant 0 : i32
        %dma_start3A_921 = arith.constant 0 : i32
        %dma_start3A_922 = tpu.memref_slice %arg17[%dma_start3A_920, %dma_start3A_921] : memref<10240x16xf32, #tpu.memory_space<vmem_shared>> -> memref<10240x16xf32, #tpu.memory_space<vmem_shared>>
        tpu.enqueue_indirect_dma source(%arg15 : memref<1024x16xf32, #tpu.memory_space<vmem>>) target(%dma_start3A_922 : memref<10240x16xf32, #tpu.memory_space<vmem_shared>>) offsets(%dma_start3A_919 : memref<1024xi32, #tpu.memory_space<vmem>>) semaphore(%run_scoped3A_916 : memref<!tpu.dma_semaphore, #tpu.memory_space<semaphore_mem>>) {add = true}
        %dma_wait3A_923 = arith.constant 0 : i32
        %dma_wait3A_924 = tpu.memref_slice %arg11[%run_scoped3A_915, %dma_wait3A_923] : memref<10x1024xi32, #tpu.memory_space<vmem>> -> memref<1x1024xi32, #tpu.memory_space<vmem>>
        %dma_wait3A_925 = tpu.memref_squeeze %dma_wait3A_924 : memref<1x1024xi32, #tpu.memory_space<vmem>> -> memref<1024xi32, #tpu.memory_space<vmem>>
        %dma_wait3A_926 = arith.constant 0 : i32
        %dma_wait3A_927 = arith.constant 0 : i32
        %dma_wait3A_928 = tpu.memref_slice %arg17[%dma_wait3A_926, %dma_wait3A_927] : memref<10240x16xf32, #tpu.memory_space<vmem_shared>> -> memref<10240x16xf32, #tpu.memory_space<vmem_shared>>
        tpu.wait_indirect_dma semaphore(%run_scoped3A_916 : memref<!tpu.dma_semaphore, #tpu.memory_space<semaphore_mem>>) src(%arg15 : memref<1024x16xf32, #tpu.memory_space<vmem>>) dst(%dma_wait3A_928 : memref<10240x16xf32, #tpu.memory_space<vmem_shared>>)
        tpu.yield
      }) : () -> ()
    } else {
    }
    %dma_start3A_68 = arith.constant 3 : i32
    %dma_start3A_69 = arith.constant 0 : i32
    %dma_start3A_70 = tpu.memref_slice %arg10[%dma_start3A_68, %dma_start3A_69] : memref<10x1024xi32, #tpu.memory_space<vmem>> -> memref<1x1024xi32, #tpu.memory_space<vmem>>
    %dma_start3A_71 = tpu.memref_squeeze %dma_start3A_70 : memref<1x1024xi32, #tpu.memory_space<vmem>> -> memref<1024xi32, #tpu.memory_space<vmem>>
    %dma_start3A_72 = arith.constant 0 : i32
    %dma_start3A_73 = arith.constant 0 : i32
    %dma_start3A_74 = tpu.memref_slice %arg2[%dma_start3A_72, %dma_start3A_73] : memref<80000x16xf32, #tpu.memory_space<hbm>> -> memref<80000x16xf32, #tpu.memory_space<hbm>>
    tpu.enqueue_indirect_dma source(%dma_start3A_74 : memref<80000x16xf32, #tpu.memory_space<hbm>>) target(%arg14 : memref<1024x16xf32, #tpu.memory_space<vmem>>) offsets(%dma_start3A_71 : memref<1024xi32, #tpu.memory_space<vmem>>) semaphore(%arg19 : memref<!tpu.dma_semaphore, #tpu.memory_space<semaphore_mem>>)
    %dma_wait3A_75 = arith.constant 2 : i32
    %dma_wait3A_76 = arith.constant 0 : i32
    %dma_wait3A_77 = tpu.memref_slice %arg10[%dma_wait3A_75, %dma_wait3A_76] : memref<10x1024xi32, #tpu.memory_space<vmem>> -> memref<1x1024xi32, #tpu.memory_space<vmem>>
    %dma_wait3A_78 = tpu.memref_squeeze %dma_wait3A_77 : memref<1x1024xi32, #tpu.memory_space<vmem>> -> memref<1024xi32, #tpu.memory_space<vmem>>
    %dma_wait3A_79 = arith.constant 0 : i32
    %dma_wait3A_80 = arith.constant 0 : i32
    %dma_wait3A_81 = tpu.memref_slice %arg2[%dma_wait3A_79, %dma_wait3A_80] : memref<80000x16xf32, #tpu.memory_space<hbm>> -> memref<80000x16xf32, #tpu.memory_space<hbm>>
    tpu.wait_indirect_dma semaphore(%arg18 : memref<!tpu.dma_semaphore, #tpu.memory_space<semaphore_mem>>) src(%dma_wait3A_81 : memref<80000x16xf32, #tpu.memory_space<hbm>>) dst(%arg13 : memref<1024x16xf32, #tpu.memory_space<vmem>>)
    %run_scoped3A_82 = arith.constant 2 : i32
    "tpu.region"() ({
      %run_scoped3A_915 = tpu.sem_alloc : memref<!tpu.dma_semaphore, #tpu.memory_space<semaphore_mem>>
      %dma_start3A_916 = arith.constant 0 : i32
      %dma_start3A_917 = tpu.memref_slice %arg12[%run_scoped3A_82, %dma_start3A_916] : memref<10x1024xi32, #tpu.memory_space<vmem>> -> memref<1x1024xi32, #tpu.memory_space<vmem>>
      %dma_start3A_918 = tpu.memref_squeeze %dma_start3A_917 : memref<1x1024xi32, #tpu.memory_space<vmem>> -> memref<1024xi32, #tpu.memory_space<vmem>>
      %dma_start3A_919 = arith.constant 0 : i32
      %dma_start3A_920 = arith.constant 0 : i32
      %dma_start3A_921 = tpu.memref_slice %arg16[%dma_start3A_919, %dma_start3A_920] : memref<40080x16xf32, #tpu.memory_space<vmem_shared>> -> memref<40080x16xf32, #tpu.memory_space<vmem_shared>>
      tpu.enqueue_indirect_dma source(%arg13 : memref<1024x16xf32, #tpu.memory_space<vmem>>) target(%dma_start3A_921 : memref<40080x16xf32, #tpu.memory_space<vmem_shared>>) offsets(%dma_start3A_918 : memref<1024xi32, #tpu.memory_space<vmem>>) semaphore(%run_scoped3A_915 : memref<!tpu.dma_semaphore, #tpu.memory_space<semaphore_mem>>) {add = true}
      %dma_wait3A_922 = arith.constant 0 : i32
      %dma_wait3A_923 = tpu.memref_slice %arg12[%run_scoped3A_82, %dma_wait3A_922] : memref<10x1024xi32, #tpu.memory_space<vmem>> -> memref<1x1024xi32, #tpu.memory_space<vmem>>
      %dma_wait3A_924 = tpu.memref_squeeze %dma_wait3A_923 : memref<1x1024xi32, #tpu.memory_space<vmem>> -> memref<1024xi32, #tpu.memory_space<vmem>>
      %dma_wait3A_925 = arith.constant 0 : i32
      %dma_wait3A_926 = arith.constant 0 : i32
      %dma_wait3A_927 = tpu.memref_slice %arg16[%dma_wait3A_925, %dma_wait3A_926] : memref<40080x16xf32, #tpu.memory_space<vmem_shared>> -> memref<40080x16xf32, #tpu.memory_space<vmem_shared>>
      tpu.wait_indirect_dma semaphore(%run_scoped3A_915 : memref<!tpu.dma_semaphore, #tpu.memory_space<semaphore_mem>>) src(%arg13 : memref<1024x16xf32, #tpu.memory_space<vmem>>) dst(%dma_wait3A_927 : memref<40080x16xf32, #tpu.memory_space<vmem_shared>>)
      tpu.yield
    }) : () -> ()
    %eq3A_83 = arith.constant 0 : i32
    %eq3A_84 = arith.cmpi eq, %arg0, %eq3A_83 : i32
    %convert_element_type3A_85 = arith.extui %eq3A_84 : i1 to i32
    %cond3A_86 = arith.constant 0 : i32
    %cond3A_87 = arith.cmpi ne, %convert_element_type3A_85, %cond3A_86 : i32
    scf.if %cond3A_87 {
      %run_scoped3A_915 = arith.constant 2 : i32
      "tpu.region"() ({
        %run_scoped3A_916 = tpu.sem_alloc : memref<!tpu.dma_semaphore, #tpu.memory_space<semaphore_mem>>
        %dma_start3A_917 = arith.constant 0 : i32
        %dma_start3A_918 = tpu.memref_slice %arg11[%run_scoped3A_915, %dma_start3A_917] : memref<10x1024xi32, #tpu.memory_space<vmem>> -> memref<1x1024xi32, #tpu.memory_space<vmem>>
        %dma_start3A_919 = tpu.memref_squeeze %dma_start3A_918 : memref<1x1024xi32, #tpu.memory_space<vmem>> -> memref<1024xi32, #tpu.memory_space<vmem>>
        %dma_start3A_920 = arith.constant 0 : i32
        %dma_start3A_921 = arith.constant 0 : i32
        %dma_start3A_922 = tpu.memref_slice %arg17[%dma_start3A_920, %dma_start3A_921] : memref<10240x16xf32, #tpu.memory_space<vmem_shared>> -> memref<10240x16xf32, #tpu.memory_space<vmem_shared>>
        tpu.enqueue_indirect_dma source(%arg15 : memref<1024x16xf32, #tpu.memory_space<vmem>>) target(%dma_start3A_922 : memref<10240x16xf32, #tpu.memory_space<vmem_shared>>) offsets(%dma_start3A_919 : memref<1024xi32, #tpu.memory_space<vmem>>) semaphore(%run_scoped3A_916 : memref<!tpu.dma_semaphore, #tpu.memory_space<semaphore_mem>>) {add = true}
        %dma_wait3A_923 = arith.constant 0 : i32
        %dma_wait3A_924 = tpu.memref_slice %arg11[%run_scoped3A_915, %dma_wait3A_923] : memref<10x1024xi32, #tpu.memory_space<vmem>> -> memref<1x1024xi32, #tpu.memory_space<vmem>>
        %dma_wait3A_925 = tpu.memref_squeeze %dma_wait3A_924 : memref<1x1024xi32, #tpu.memory_space<vmem>> -> memref<1024xi32, #tpu.memory_space<vmem>>
        %dma_wait3A_926 = arith.constant 0 : i32
        %dma_wait3A_927 = arith.constant 0 : i32
        %dma_wait3A_928 = tpu.memref_slice %arg17[%dma_wait3A_926, %dma_wait3A_927] : memref<10240x16xf32, #tpu.memory_space<vmem_shared>> -> memref<10240x16xf32, #tpu.memory_space<vmem_shared>>
        tpu.wait_indirect_dma semaphore(%run_scoped3A_916 : memref<!tpu.dma_semaphore, #tpu.memory_space<semaphore_mem>>) src(%arg15 : memref<1024x16xf32, #tpu.memory_space<vmem>>) dst(%dma_wait3A_928 : memref<10240x16xf32, #tpu.memory_space<vmem_shared>>)
        tpu.yield
      }) : () -> ()
    } else {
    }
    %dma_start3A_88 = arith.constant 4 : i32
    %dma_start3A_89 = arith.constant 0 : i32
    %dma_start3A_90 = tpu.memref_slice %arg10[%dma_start3A_88, %dma_start3A_89] : memref<10x1024xi32, #tpu.memory_space<vmem>> -> memref<1x1024xi32, #tpu.memory_space<vmem>>
    %dma_start3A_91 = tpu.memref_squeeze %dma_start3A_90 : memref<1x1024xi32, #tpu.memory_space<vmem>> -> memref<1024xi32, #tpu.memory_space<vmem>>
    %dma_start3A_92 = arith.constant 0 : i32
    %dma_start3A_93 = arith.constant 0 : i32
    %dma_start3A_94 = tpu.memref_slice %arg2[%dma_start3A_92, %dma_start3A_93] : memref<80000x16xf32, #tpu.memory_space<hbm>> -> memref<80000x16xf32, #tpu.memory_space<hbm>>
    tpu.enqueue_indirect_dma source(%dma_start3A_94 : memref<80000x16xf32, #tpu.memory_space<hbm>>) target(%arg13 : memref<1024x16xf32, #tpu.memory_space<vmem>>) offsets(%dma_start3A_91 : memref<1024xi32, #tpu.memory_space<vmem>>) semaphore(%arg18 : memref<!tpu.dma_semaphore, #tpu.memory_space<semaphore_mem>>)
    %dma_wait3A_95 = arith.constant 3 : i32
    %dma_wait3A_96 = arith.constant 0 : i32
    %dma_wait3A_97 = tpu.memref_slice %arg10[%dma_wait3A_95, %dma_wait3A_96] : memref<10x1024xi32, #tpu.memory_space<vmem>> -> memref<1x1024xi32, #tpu.memory_space<vmem>>
    %dma_wait3A_98 = tpu.memref_squeeze %dma_wait3A_97 : memref<1x1024xi32, #tpu.memory_space<vmem>> -> memref<1024xi32, #tpu.memory_space<vmem>>
    %dma_wait3A_99 = arith.constant 0 : i32
    %dma_wait3A_100 = arith.constant 0 : i32
    %dma_wait3A_101 = tpu.memref_slice %arg2[%dma_wait3A_99, %dma_wait3A_100] : memref<80000x16xf32, #tpu.memory_space<hbm>> -> memref<80000x16xf32, #tpu.memory_space<hbm>>
    tpu.wait_indirect_dma semaphore(%arg19 : memref<!tpu.dma_semaphore, #tpu.memory_space<semaphore_mem>>) src(%dma_wait3A_101 : memref<80000x16xf32, #tpu.memory_space<hbm>>) dst(%arg14 : memref<1024x16xf32, #tpu.memory_space<vmem>>)
    %run_scoped3A_102 = arith.constant 3 : i32
    "tpu.region"() ({
      %run_scoped3A_915 = tpu.sem_alloc : memref<!tpu.dma_semaphore, #tpu.memory_space<semaphore_mem>>
      %dma_start3A_916 = arith.constant 0 : i32
      %dma_start3A_917 = tpu.memref_slice %arg12[%run_scoped3A_102, %dma_start3A_916] : memref<10x1024xi32, #tpu.memory_space<vmem>> -> memref<1x1024xi32, #tpu.memory_space<vmem>>
      %dma_start3A_918 = tpu.memref_squeeze %dma_start3A_917 : memref<1x1024xi32, #tpu.memory_space<vmem>> -> memref<1024xi32, #tpu.memory_space<vmem>>
      %dma_start3A_919 = arith.constant 0 : i32
      %dma_start3A_920 = arith.constant 0 : i32
      %dma_start3A_921 = tpu.memref_slice %arg16[%dma_start3A_919, %dma_start3A_920] : memref<40080x16xf32, #tpu.memory_space<vmem_shared>> -> memref<40080x16xf32, #tpu.memory_space<vmem_shared>>
      tpu.enqueue_indirect_dma source(%arg14 : memref<1024x16xf32, #tpu.memory_space<vmem>>) target(%dma_start3A_921 : memref<40080x16xf32, #tpu.memory_space<vmem_shared>>) offsets(%dma_start3A_918 : memref<1024xi32, #tpu.memory_space<vmem>>) semaphore(%run_scoped3A_915 : memref<!tpu.dma_semaphore, #tpu.memory_space<semaphore_mem>>) {add = true}
      %dma_wait3A_922 = arith.constant 0 : i32
      %dma_wait3A_923 = tpu.memref_slice %arg12[%run_scoped3A_102, %dma_wait3A_922] : memref<10x1024xi32, #tpu.memory_space<vmem>> -> memref<1x1024xi32, #tpu.memory_space<vmem>>
      %dma_wait3A_924 = tpu.memref_squeeze %dma_wait3A_923 : memref<1x1024xi32, #tpu.memory_space<vmem>> -> memref<1024xi32, #tpu.memory_space<vmem>>
      %dma_wait3A_925 = arith.constant 0 : i32
      %dma_wait3A_926 = arith.constant 0 : i32
      %dma_wait3A_927 = tpu.memref_slice %arg16[%dma_wait3A_925, %dma_wait3A_926] : memref<40080x16xf32, #tpu.memory_space<vmem_shared>> -> memref<40080x16xf32, #tpu.memory_space<vmem_shared>>
      tpu.wait_indirect_dma semaphore(%run_scoped3A_915 : memref<!tpu.dma_semaphore, #tpu.memory_space<semaphore_mem>>) src(%arg14 : memref<1024x16xf32, #tpu.memory_space<vmem>>) dst(%dma_wait3A_927 : memref<40080x16xf32, #tpu.memory_space<vmem_shared>>)
      tpu.yield
    }) : () -> ()
    %eq3A_103 = arith.constant 0 : i32
    %eq3A_104 = arith.cmpi eq, %arg0, %eq3A_103 : i32
    %convert_element_type3A_105 = arith.extui %eq3A_104 : i1 to i32
    %cond3A_106 = arith.constant 0 : i32
    %cond3A_107 = arith.cmpi ne, %convert_element_type3A_105, %cond3A_106 : i32
    scf.if %cond3A_107 {
      %run_scoped3A_915 = arith.constant 3 : i32
      "tpu.region"() ({
        %run_scoped3A_916 = tpu.sem_alloc : memref<!tpu.dma_semaphore, #tpu.memory_space<semaphore_mem>>
        %dma_start3A_917 = arith.constant 0 : i32
        %dma_start3A_918 = tpu.memref_slice %arg11[%run_scoped3A_915, %dma_start3A_917] : memref<10x1024xi32, #tpu.memory_space<vmem>> -> memref<1x1024xi32, #tpu.memory_space<vmem>>
        %dma_start3A_919 = tpu.memref_squeeze %dma_start3A_918 : memref<1x1024xi32, #tpu.memory_space<vmem>> -> memref<1024xi32, #tpu.memory_space<vmem>>
        %dma_start3A_920 = arith.constant 0 : i32
        %dma_start3A_921 = arith.constant 0 : i32
        %dma_start3A_922 = tpu.memref_slice %arg17[%dma_start3A_920, %dma_start3A_921] : memref<10240x16xf32, #tpu.memory_space<vmem_shared>> -> memref<10240x16xf32, #tpu.memory_space<vmem_shared>>
        tpu.enqueue_indirect_dma source(%arg15 : memref<1024x16xf32, #tpu.memory_space<vmem>>) target(%dma_start3A_922 : memref<10240x16xf32, #tpu.memory_space<vmem_shared>>) offsets(%dma_start3A_919 : memref<1024xi32, #tpu.memory_space<vmem>>) semaphore(%run_scoped3A_916 : memref<!tpu.dma_semaphore, #tpu.memory_space<semaphore_mem>>) {add = true}
        %dma_wait3A_923 = arith.constant 0 : i32
        %dma_wait3A_924 = tpu.memref_slice %arg11[%run_scoped3A_915, %dma_wait3A_923] : memref<10x1024xi32, #tpu.memory_space<vmem>> -> memref<1x1024xi32, #tpu.memory_space<vmem>>
        %dma_wait3A_925 = tpu.memref_squeeze %dma_wait3A_924 : memref<1x1024xi32, #tpu.memory_space<vmem>> -> memref<1024xi32, #tpu.memory_space<vmem>>
        %dma_wait3A_926 = arith.constant 0 : i32
        %dma_wait3A_927 = arith.constant 0 : i32
        %dma_wait3A_928 = tpu.memref_slice %arg17[%dma_wait3A_926, %dma_wait3A_927] : memref<10240x16xf32, #tpu.memory_space<vmem_shared>> -> memref<10240x16xf32, #tpu.memory_space<vmem_shared>>
        tpu.wait_indirect_dma semaphore(%run_scoped3A_916 : memref<!tpu.dma_semaphore, #tpu.memory_space<semaphore_mem>>) src(%arg15 : memref<1024x16xf32, #tpu.memory_space<vmem>>) dst(%dma_wait3A_928 : memref<10240x16xf32, #tpu.memory_space<vmem_shared>>)
        tpu.yield
      }) : () -> ()
    } else {
    }
    %dma_start3A_108 = arith.constant 5 : i32
    %dma_start3A_109 = arith.constant 0 : i32
    %dma_start3A_110 = tpu.memref_slice %arg10[%dma_start3A_108, %dma_start3A_109] : memref<10x1024xi32, #tpu.memory_space<vmem>> -> memref<1x1024xi32, #tpu.memory_space<vmem>>
    %dma_start3A_111 = tpu.memref_squeeze %dma_start3A_110 : memref<1x1024xi32, #tpu.memory_space<vmem>> -> memref<1024xi32, #tpu.memory_space<vmem>>
    %dma_start3A_112 = arith.constant 0 : i32
    %dma_start3A_113 = arith.constant 0 : i32
    %dma_start3A_114 = tpu.memref_slice %arg2[%dma_start3A_112, %dma_start3A_113] : memref<80000x16xf32, #tpu.memory_space<hbm>> -> memref<80000x16xf32, #tpu.memory_space<hbm>>
    tpu.enqueue_indirect_dma source(%dma_start3A_114 : memref<80000x16xf32, #tpu.memory_space<hbm>>) target(%arg14 : memref<1024x16xf32, #tpu.memory_space<vmem>>) offsets(%dma_start3A_111 : memref<1024xi32, #tpu.memory_space<vmem>>) semaphore(%arg19 : memref<!tpu.dma_semaphore, #tpu.memory_space<semaphore_mem>>)
    %dma_wait3A_115 = arith.constant 4 : i32
    %dma_wait3A_116 = arith.constant 0 : i32
    %dma_wait3A_117 = tpu.memref_slice %arg10[%dma_wait3A_115, %dma_wait3A_116] : memref<10x1024xi32, #tpu.memory_space<vmem>> -> memref<1x1024xi32, #tpu.memory_space<vmem>>
    %dma_wait3A_118 = tpu.memref_squeeze %dma_wait3A_117 : memref<1x1024xi32, #tpu.memory_space<vmem>> -> memref<1024xi32, #tpu.memory_space<vmem>>
    %dma_wait3A_119 = arith.constant 0 : i32
    %dma_wait3A_120 = arith.constant 0 : i32
    %dma_wait3A_121 = tpu.memref_slice %arg2[%dma_wait3A_119, %dma_wait3A_120] : memref<80000x16xf32, #tpu.memory_space<hbm>> -> memref<80000x16xf32, #tpu.memory_space<hbm>>
    tpu.wait_indirect_dma semaphore(%arg18 : memref<!tpu.dma_semaphore, #tpu.memory_space<semaphore_mem>>) src(%dma_wait3A_121 : memref<80000x16xf32, #tpu.memory_space<hbm>>) dst(%arg13 : memref<1024x16xf32, #tpu.memory_space<vmem>>)
    %run_scoped3A_122 = arith.constant 4 : i32
    "tpu.region"() ({
      %run_scoped3A_915 = tpu.sem_alloc : memref<!tpu.dma_semaphore, #tpu.memory_space<semaphore_mem>>
      %dma_start3A_916 = arith.constant 0 : i32
      %dma_start3A_917 = tpu.memref_slice %arg12[%run_scoped3A_122, %dma_start3A_916] : memref<10x1024xi32, #tpu.memory_space<vmem>> -> memref<1x1024xi32, #tpu.memory_space<vmem>>
      %dma_start3A_918 = tpu.memref_squeeze %dma_start3A_917 : memref<1x1024xi32, #tpu.memory_space<vmem>> -> memref<1024xi32, #tpu.memory_space<vmem>>
      %dma_start3A_919 = arith.constant 0 : i32
      %dma_start3A_920 = arith.constant 0 : i32
      %dma_start3A_921 = tpu.memref_slice %arg16[%dma_start3A_919, %dma_start3A_920] : memref<40080x16xf32, #tpu.memory_space<vmem_shared>> -> memref<40080x16xf32, #tpu.memory_space<vmem_shared>>
      tpu.enqueue_indirect_dma source(%arg13 : memref<1024x16xf32, #tpu.memory_space<vmem>>) target(%dma_start3A_921 : memref<40080x16xf32, #tpu.memory_space<vmem_shared>>) offsets(%dma_start3A_918 : memref<1024xi32, #tpu.memory_space<vmem>>) semaphore(%run_scoped3A_915 : memref<!tpu.dma_semaphore, #tpu.memory_space<semaphore_mem>>) {add = true}
      %dma_wait3A_922 = arith.constant 0 : i32
      %dma_wait3A_923 = tpu.memref_slice %arg12[%run_scoped3A_122, %dma_wait3A_922] : memref<10x1024xi32, #tpu.memory_space<vmem>> -> memref<1x1024xi32, #tpu.memory_space<vmem>>
      %dma_wait3A_924 = tpu.memref_squeeze %dma_wait3A_923 : memref<1x1024xi32, #tpu.memory_space<vmem>> -> memref<1024xi32, #tpu.memory_space<vmem>>
      %dma_wait3A_925 = arith.constant 0 : i32
      %dma_wait3A_926 = arith.constant 0 : i32
      %dma_wait3A_927 = tpu.memref_slice %arg16[%dma_wait3A_925, %dma_wait3A_926] : memref<40080x16xf32, #tpu.memory_space<vmem_shared>> -> memref<40080x16xf32, #tpu.memory_space<vmem_shared>>
      tpu.wait_indirect_dma semaphore(%run_scoped3A_915 : memref<!tpu.dma_semaphore, #tpu.memory_space<semaphore_mem>>) src(%arg13 : memref<1024x16xf32, #tpu.memory_space<vmem>>) dst(%dma_wait3A_927 : memref<40080x16xf32, #tpu.memory_space<vmem_shared>>)
      tpu.yield
    }) : () -> ()
    %eq3A_123 = arith.constant 0 : i32
    %eq3A_124 = arith.cmpi eq, %arg0, %eq3A_123 : i32
    %convert_element_type3A_125 = arith.extui %eq3A_124 : i1 to i32
    %cond3A_126 = arith.constant 0 : i32
    %cond3A_127 = arith.cmpi ne, %convert_element_type3A_125, %cond3A_126 : i32
    scf.if %cond3A_127 {
      %run_scoped3A_915 = arith.constant 4 : i32
      "tpu.region"() ({
        %run_scoped3A_916 = tpu.sem_alloc : memref<!tpu.dma_semaphore, #tpu.memory_space<semaphore_mem>>
        %dma_start3A_917 = arith.constant 0 : i32
        %dma_start3A_918 = tpu.memref_slice %arg11[%run_scoped3A_915, %dma_start3A_917] : memref<10x1024xi32, #tpu.memory_space<vmem>> -> memref<1x1024xi32, #tpu.memory_space<vmem>>
        %dma_start3A_919 = tpu.memref_squeeze %dma_start3A_918 : memref<1x1024xi32, #tpu.memory_space<vmem>> -> memref<1024xi32, #tpu.memory_space<vmem>>
        %dma_start3A_920 = arith.constant 0 : i32
        %dma_start3A_921 = arith.constant 0 : i32
        %dma_start3A_922 = tpu.memref_slice %arg17[%dma_start3A_920, %dma_start3A_921] : memref<10240x16xf32, #tpu.memory_space<vmem_shared>> -> memref<10240x16xf32, #tpu.memory_space<vmem_shared>>
        tpu.enqueue_indirect_dma source(%arg15 : memref<1024x16xf32, #tpu.memory_space<vmem>>) target(%dma_start3A_922 : memref<10240x16xf32, #tpu.memory_space<vmem_shared>>) offsets(%dma_start3A_919 : memref<1024xi32, #tpu.memory_space<vmem>>) semaphore(%run_scoped3A_916 : memref<!tpu.dma_semaphore, #tpu.memory_space<semaphore_mem>>) {add = true}
        %dma_wait3A_923 = arith.constant 0 : i32
        %dma_wait3A_924 = tpu.memref_slice %arg11[%run_scoped3A_915, %dma_wait3A_923] : memref<10x1024xi32, #tpu.memory_space<vmem>> -> memref<1x1024xi32, #tpu.memory_space<vmem>>
        %dma_wait3A_925 = tpu.memref_squeeze %dma_wait3A_924 : memref<1x1024xi32, #tpu.memory_space<vmem>> -> memref<1024xi32, #tpu.memory_space<vmem>>
        %dma_wait3A_926 = arith.constant 0 : i32
        %dma_wait3A_927 = arith.constant 0 : i32
        %dma_wait3A_928 = tpu.memref_slice %arg17[%dma_wait3A_926, %dma_wait3A_927] : memref<10240x16xf32, #tpu.memory_space<vmem_shared>> -> memref<10240x16xf32, #tpu.memory_space<vmem_shared>>
        tpu.wait_indirect_dma semaphore(%run_scoped3A_916 : memref<!tpu.dma_semaphore, #tpu.memory_space<semaphore_mem>>) src(%arg15 : memref<1024x16xf32, #tpu.memory_space<vmem>>) dst(%dma_wait3A_928 : memref<10240x16xf32, #tpu.memory_space<vmem_shared>>)
        tpu.yield
      }) : () -> ()
    } else {
    }
    %dma_start3A_128 = arith.constant 6 : i32
    %dma_start3A_129 = arith.constant 0 : i32
    %dma_start3A_130 = tpu.memref_slice %arg10[%dma_start3A_128, %dma_start3A_129] : memref<10x1024xi32, #tpu.memory_space<vmem>> -> memref<1x1024xi32, #tpu.memory_space<vmem>>
    %dma_start3A_131 = tpu.memref_squeeze %dma_start3A_130 : memref<1x1024xi32, #tpu.memory_space<vmem>> -> memref<1024xi32, #tpu.memory_space<vmem>>
    %dma_start3A_132 = arith.constant 0 : i32
    %dma_start3A_133 = arith.constant 0 : i32
    %dma_start3A_134 = tpu.memref_slice %arg2[%dma_start3A_132, %dma_start3A_133] : memref<80000x16xf32, #tpu.memory_space<hbm>> -> memref<80000x16xf32, #tpu.memory_space<hbm>>
    tpu.enqueue_indirect_dma source(%dma_start3A_134 : memref<80000x16xf32, #tpu.memory_space<hbm>>) target(%arg13 : memref<1024x16xf32, #tpu.memory_space<vmem>>) offsets(%dma_start3A_131 : memref<1024xi32, #tpu.memory_space<vmem>>) semaphore(%arg18 : memref<!tpu.dma_semaphore, #tpu.memory_space<semaphore_mem>>)
    %dma_wait3A_135 = arith.constant 5 : i32
    %dma_wait3A_136 = arith.constant 0 : i32
    %dma_wait3A_137 = tpu.memref_slice %arg10[%dma_wait3A_135, %dma_wait3A_136] : memref<10x1024xi32, #tpu.memory_space<vmem>> -> memref<1x1024xi32, #tpu.memory_space<vmem>>
    %dma_wait3A_138 = tpu.memref_squeeze %dma_wait3A_137 : memref<1x1024xi32, #tpu.memory_space<vmem>> -> memref<1024xi32, #tpu.memory_space<vmem>>
    %dma_wait3A_139 = arith.constant 0 : i32
    %dma_wait3A_140 = arith.constant 0 : i32
    %dma_wait3A_141 = tpu.memref_slice %arg2[%dma_wait3A_139, %dma_wait3A_140] : memref<80000x16xf32, #tpu.memory_space<hbm>> -> memref<80000x16xf32, #tpu.memory_space<hbm>>
    tpu.wait_indirect_dma semaphore(%arg19 : memref<!tpu.dma_semaphore, #tpu.memory_space<semaphore_mem>>) src(%dma_wait3A_141 : memref<80000x16xf32, #tpu.memory_space<hbm>>) dst(%arg14 : memref<1024x16xf32, #tpu.memory_space<vmem>>)
    %run_scoped3A_142 = arith.constant 5 : i32
    "tpu.region"() ({
      %run_scoped3A_915 = tpu.sem_alloc : memref<!tpu.dma_semaphore, #tpu.memory_space<semaphore_mem>>
      %dma_start3A_916 = arith.constant 0 : i32
      %dma_start3A_917 = tpu.memref_slice %arg12[%run_scoped3A_142, %dma_start3A_916] : memref<10x1024xi32, #tpu.memory_space<vmem>> -> memref<1x1024xi32, #tpu.memory_space<vmem>>
      %dma_start3A_918 = tpu.memref_squeeze %dma_start3A_917 : memref<1x1024xi32, #tpu.memory_space<vmem>> -> memref<1024xi32, #tpu.memory_space<vmem>>
      %dma_start3A_919 = arith.constant 0 : i32
      %dma_start3A_920 = arith.constant 0 : i32
      %dma_start3A_921 = tpu.memref_slice %arg16[%dma_start3A_919, %dma_start3A_920] : memref<40080x16xf32, #tpu.memory_space<vmem_shared>> -> memref<40080x16xf32, #tpu.memory_space<vmem_shared>>
      tpu.enqueue_indirect_dma source(%arg14 : memref<1024x16xf32, #tpu.memory_space<vmem>>) target(%dma_start3A_921 : memref<40080x16xf32, #tpu.memory_space<vmem_shared>>) offsets(%dma_start3A_918 : memref<1024xi32, #tpu.memory_space<vmem>>) semaphore(%run_scoped3A_915 : memref<!tpu.dma_semaphore, #tpu.memory_space<semaphore_mem>>) {add = true}
      %dma_wait3A_922 = arith.constant 0 : i32
      %dma_wait3A_923 = tpu.memref_slice %arg12[%run_scoped3A_142, %dma_wait3A_922] : memref<10x1024xi32, #tpu.memory_space<vmem>> -> memref<1x1024xi32, #tpu.memory_space<vmem>>
      %dma_wait3A_924 = tpu.memref_squeeze %dma_wait3A_923 : memref<1x1024xi32, #tpu.memory_space<vmem>> -> memref<1024xi32, #tpu.memory_space<vmem>>
      %dma_wait3A_925 = arith.constant 0 : i32
      %dma_wait3A_926 = arith.constant 0 : i32
      %dma_wait3A_927 = tpu.memref_slice %arg16[%dma_wait3A_925, %dma_wait3A_926] : memref<40080x16xf32, #tpu.memory_space<vmem_shared>> -> memref<40080x16xf32, #tpu.memory_space<vmem_shared>>
      tpu.wait_indirect_dma semaphore(%run_scoped3A_915 : memref<!tpu.dma_semaphore, #tpu.memory_space<semaphore_mem>>) src(%arg14 : memref<1024x16xf32, #tpu.memory_space<vmem>>) dst(%dma_wait3A_927 : memref<40080x16xf32, #tpu.memory_space<vmem_shared>>)
      tpu.yield
    }) : () -> ()
    %eq3A_143 = arith.constant 0 : i32
    %eq3A_144 = arith.cmpi eq, %arg0, %eq3A_143 : i32
    %convert_element_type3A_145 = arith.extui %eq3A_144 : i1 to i32
    %cond3A_146 = arith.constant 0 : i32
    %cond3A_147 = arith.cmpi ne, %convert_element_type3A_145, %cond3A_146 : i32
    scf.if %cond3A_147 {
      %run_scoped3A_915 = arith.constant 5 : i32
      "tpu.region"() ({
        %run_scoped3A_916 = tpu.sem_alloc : memref<!tpu.dma_semaphore, #tpu.memory_space<semaphore_mem>>
        %dma_start3A_917 = arith.constant 0 : i32
        %dma_start3A_918 = tpu.memref_slice %arg11[%run_scoped3A_915, %dma_start3A_917] : memref<10x1024xi32, #tpu.memory_space<vmem>> -> memref<1x1024xi32, #tpu.memory_space<vmem>>
        %dma_start3A_919 = tpu.memref_squeeze %dma_start3A_918 : memref<1x1024xi32, #tpu.memory_space<vmem>> -> memref<1024xi32, #tpu.memory_space<vmem>>
        %dma_start3A_920 = arith.constant 0 : i32
        %dma_start3A_921 = arith.constant 0 : i32
        %dma_start3A_922 = tpu.memref_slice %arg17[%dma_start3A_920, %dma_start3A_921] : memref<10240x16xf32, #tpu.memory_space<vmem_shared>> -> memref<10240x16xf32, #tpu.memory_space<vmem_shared>>
        tpu.enqueue_indirect_dma source(%arg15 : memref<1024x16xf32, #tpu.memory_space<vmem>>) target(%dma_start3A_922 : memref<10240x16xf32, #tpu.memory_space<vmem_shared>>) offsets(%dma_start3A_919 : memref<1024xi32, #tpu.memory_space<vmem>>) semaphore(%run_scoped3A_916 : memref<!tpu.dma_semaphore, #tpu.memory_space<semaphore_mem>>) {add = true}
        %dma_wait3A_923 = arith.constant 0 : i32
        %dma_wait3A_924 = tpu.memref_slice %arg11[%run_scoped3A_915, %dma_wait3A_923] : memref<10x1024xi32, #tpu.memory_space<vmem>> -> memref<1x1024xi32, #tpu.memory_space<vmem>>
        %dma_wait3A_925 = tpu.memref_squeeze %dma_wait3A_924 : memref<1x1024xi32, #tpu.memory_space<vmem>> -> memref<1024xi32, #tpu.memory_space<vmem>>
        %dma_wait3A_926 = arith.constant 0 : i32
        %dma_wait3A_927 = arith.constant 0 : i32
        %dma_wait3A_928 = tpu.memref_slice %arg17[%dma_wait3A_926, %dma_wait3A_927] : memref<10240x16xf32, #tpu.memory_space<vmem_shared>> -> memref<10240x16xf32, #tpu.memory_space<vmem_shared>>
        tpu.wait_indirect_dma semaphore(%run_scoped3A_916 : memref<!tpu.dma_semaphore, #tpu.memory_space<semaphore_mem>>) src(%arg15 : memref<1024x16xf32, #tpu.memory_space<vmem>>) dst(%dma_wait3A_928 : memref<10240x16xf32, #tpu.memory_space<vmem_shared>>)
        tpu.yield
      }) : () -> ()
    } else {
    }
    %dma_start3A_148 = arith.constant 7 : i32
    %dma_start3A_149 = arith.constant 0 : i32
    %dma_start3A_150 = tpu.memref_slice %arg10[%dma_start3A_148, %dma_start3A_149] : memref<10x1024xi32, #tpu.memory_space<vmem>> -> memref<1x1024xi32, #tpu.memory_space<vmem>>
    %dma_start3A_151 = tpu.memref_squeeze %dma_start3A_150 : memref<1x1024xi32, #tpu.memory_space<vmem>> -> memref<1024xi32, #tpu.memory_space<vmem>>
    %dma_start3A_152 = arith.constant 0 : i32
    %dma_start3A_153 = arith.constant 0 : i32
    %dma_start3A_154 = tpu.memref_slice %arg2[%dma_start3A_152, %dma_start3A_153] : memref<80000x16xf32, #tpu.memory_space<hbm>> -> memref<80000x16xf32, #tpu.memory_space<hbm>>
    tpu.enqueue_indirect_dma source(%dma_start3A_154 : memref<80000x16xf32, #tpu.memory_space<hbm>>) target(%arg14 : memref<1024x16xf32, #tpu.memory_space<vmem>>) offsets(%dma_start3A_151 : memref<1024xi32, #tpu.memory_space<vmem>>) semaphore(%arg19 : memref<!tpu.dma_semaphore, #tpu.memory_space<semaphore_mem>>)
    %dma_wait3A_155 = arith.constant 6 : i32
    %dma_wait3A_156 = arith.constant 0 : i32
    %dma_wait3A_157 = tpu.memref_slice %arg10[%dma_wait3A_155, %dma_wait3A_156] : memref<10x1024xi32, #tpu.memory_space<vmem>> -> memref<1x1024xi32, #tpu.memory_space<vmem>>
    %dma_wait3A_158 = tpu.memref_squeeze %dma_wait3A_157 : memref<1x1024xi32, #tpu.memory_space<vmem>> -> memref<1024xi32, #tpu.memory_space<vmem>>
    %dma_wait3A_159 = arith.constant 0 : i32
    %dma_wait3A_160 = arith.constant 0 : i32
    %dma_wait3A_161 = tpu.memref_slice %arg2[%dma_wait3A_159, %dma_wait3A_160] : memref<80000x16xf32, #tpu.memory_space<hbm>> -> memref<80000x16xf32, #tpu.memory_space<hbm>>
    tpu.wait_indirect_dma semaphore(%arg18 : memref<!tpu.dma_semaphore, #tpu.memory_space<semaphore_mem>>) src(%dma_wait3A_161 : memref<80000x16xf32, #tpu.memory_space<hbm>>) dst(%arg13 : memref<1024x16xf32, #tpu.memory_space<vmem>>)
    %run_scoped3A_162 = arith.constant 6 : i32
    "tpu.region"() ({
      %run_scoped3A_915 = tpu.sem_alloc : memref<!tpu.dma_semaphore, #tpu.memory_space<semaphore_mem>>
      %dma_start3A_916 = arith.constant 0 : i32
      %dma_start3A_917 = tpu.memref_slice %arg12[%run_scoped3A_162, %dma_start3A_916] : memref<10x1024xi32, #tpu.memory_space<vmem>> -> memref<1x1024xi32, #tpu.memory_space<vmem>>
      %dma_start3A_918 = tpu.memref_squeeze %dma_start3A_917 : memref<1x1024xi32, #tpu.memory_space<vmem>> -> memref<1024xi32, #tpu.memory_space<vmem>>
      %dma_start3A_919 = arith.constant 0 : i32
      %dma_start3A_920 = arith.constant 0 : i32
      %dma_start3A_921 = tpu.memref_slice %arg16[%dma_start3A_919, %dma_start3A_920] : memref<40080x16xf32, #tpu.memory_space<vmem_shared>> -> memref<40080x16xf32, #tpu.memory_space<vmem_shared>>
      tpu.enqueue_indirect_dma source(%arg13 : memref<1024x16xf32, #tpu.memory_space<vmem>>) target(%dma_start3A_921 : memref<40080x16xf32, #tpu.memory_space<vmem_shared>>) offsets(%dma_start3A_918 : memref<1024xi32, #tpu.memory_space<vmem>>) semaphore(%run_scoped3A_915 : memref<!tpu.dma_semaphore, #tpu.memory_space<semaphore_mem>>) {add = true}
      %dma_wait3A_922 = arith.constant 0 : i32
      %dma_wait3A_923 = tpu.memref_slice %arg12[%run_scoped3A_162, %dma_wait3A_922] : memref<10x1024xi32, #tpu.memory_space<vmem>> -> memref<1x1024xi32, #tpu.memory_space<vmem>>
      %dma_wait3A_924 = tpu.memref_squeeze %dma_wait3A_923 : memref<1x1024xi32, #tpu.memory_space<vmem>> -> memref<1024xi32, #tpu.memory_space<vmem>>
      %dma_wait3A_925 = arith.constant 0 : i32
      %dma_wait3A_926 = arith.constant 0 : i32
      %dma_wait3A_927 = tpu.memref_slice %arg16[%dma_wait3A_925, %dma_wait3A_926] : memref<40080x16xf32, #tpu.memory_space<vmem_shared>> -> memref<40080x16xf32, #tpu.memory_space<vmem_shared>>
      tpu.wait_indirect_dma semaphore(%run_scoped3A_915 : memref<!tpu.dma_semaphore, #tpu.memory_space<semaphore_mem>>) src(%arg13 : memref<1024x16xf32, #tpu.memory_space<vmem>>) dst(%dma_wait3A_927 : memref<40080x16xf32, #tpu.memory_space<vmem_shared>>)
      tpu.yield
    }) : () -> ()
    %eq3A_163 = arith.constant 0 : i32
    %eq3A_164 = arith.cmpi eq, %arg0, %eq3A_163 : i32
    %convert_element_type3A_165 = arith.extui %eq3A_164 : i1 to i32
    %cond3A_166 = arith.constant 0 : i32
    %cond3A_167 = arith.cmpi ne, %convert_element_type3A_165, %cond3A_166 : i32
    scf.if %cond3A_167 {
      %run_scoped3A_915 = arith.constant 6 : i32
      "tpu.region"() ({
        %run_scoped3A_916 = tpu.sem_alloc : memref<!tpu.dma_semaphore, #tpu.memory_space<semaphore_mem>>
        %dma_start3A_917 = arith.constant 0 : i32
        %dma_start3A_918 = tpu.memref_slice %arg11[%run_scoped3A_915, %dma_start3A_917] : memref<10x1024xi32, #tpu.memory_space<vmem>> -> memref<1x1024xi32, #tpu.memory_space<vmem>>
        %dma_start3A_919 = tpu.memref_squeeze %dma_start3A_918 : memref<1x1024xi32, #tpu.memory_space<vmem>> -> memref<1024xi32, #tpu.memory_space<vmem>>
        %dma_start3A_920 = arith.constant 0 : i32
        %dma_start3A_921 = arith.constant 0 : i32
        %dma_start3A_922 = tpu.memref_slice %arg17[%dma_start3A_920, %dma_start3A_921] : memref<10240x16xf32, #tpu.memory_space<vmem_shared>> -> memref<10240x16xf32, #tpu.memory_space<vmem_shared>>
        tpu.enqueue_indirect_dma source(%arg15 : memref<1024x16xf32, #tpu.memory_space<vmem>>) target(%dma_start3A_922 : memref<10240x16xf32, #tpu.memory_space<vmem_shared>>) offsets(%dma_start3A_919 : memref<1024xi32, #tpu.memory_space<vmem>>) semaphore(%run_scoped3A_916 : memref<!tpu.dma_semaphore, #tpu.memory_space<semaphore_mem>>) {add = true}
        %dma_wait3A_923 = arith.constant 0 : i32
        %dma_wait3A_924 = tpu.memref_slice %arg11[%run_scoped3A_915, %dma_wait3A_923] : memref<10x1024xi32, #tpu.memory_space<vmem>> -> memref<1x1024xi32, #tpu.memory_space<vmem>>
        %dma_wait3A_925 = tpu.memref_squeeze %dma_wait3A_924 : memref<1x1024xi32, #tpu.memory_space<vmem>> -> memref<1024xi32, #tpu.memory_space<vmem>>
        %dma_wait3A_926 = arith.constant 0 : i32
        %dma_wait3A_927 = arith.constant 0 : i32
        %dma_wait3A_928 = tpu.memref_slice %arg17[%dma_wait3A_926, %dma_wait3A_927] : memref<10240x16xf32, #tpu.memory_space<vmem_shared>> -> memref<10240x16xf32, #tpu.memory_space<vmem_shared>>
        tpu.wait_indirect_dma semaphore(%run_scoped3A_916 : memref<!tpu.dma_semaphore, #tpu.memory_space<semaphore_mem>>) src(%arg15 : memref<1024x16xf32, #tpu.memory_space<vmem>>) dst(%dma_wait3A_928 : memref<10240x16xf32, #tpu.memory_space<vmem_shared>>)
        tpu.yield
      }) : () -> ()
    } else {
    }
    %dma_start3A_168 = arith.constant 8 : i32
    %dma_start3A_169 = arith.constant 0 : i32
    %dma_start3A_170 = tpu.memref_slice %arg10[%dma_start3A_168, %dma_start3A_169] : memref<10x1024xi32, #tpu.memory_space<vmem>> -> memref<1x1024xi32, #tpu.memory_space<vmem>>
    %dma_start3A_171 = tpu.memref_squeeze %dma_start3A_170 : memref<1x1024xi32, #tpu.memory_space<vmem>> -> memref<1024xi32, #tpu.memory_space<vmem>>
    %dma_start3A_172 = arith.constant 0 : i32
    %dma_start3A_173 = arith.constant 0 : i32
    %dma_start3A_174 = tpu.memref_slice %arg2[%dma_start3A_172, %dma_start3A_173] : memref<80000x16xf32, #tpu.memory_space<hbm>> -> memref<80000x16xf32, #tpu.memory_space<hbm>>
    tpu.enqueue_indirect_dma source(%dma_start3A_174 : memref<80000x16xf32, #tpu.memory_space<hbm>>) target(%arg13 : memref<1024x16xf32, #tpu.memory_space<vmem>>) offsets(%dma_start3A_171 : memref<1024xi32, #tpu.memory_space<vmem>>) semaphore(%arg18 : memref<!tpu.dma_semaphore, #tpu.memory_space<semaphore_mem>>)
    %dma_wait3A_175 = arith.constant 7 : i32
    %dma_wait3A_176 = arith.constant 0 : i32
    %dma_wait3A_177 = tpu.memref_slice %arg10[%dma_wait3A_175, %dma_wait3A_176] : memref<10x1024xi32, #tpu.memory_space<vmem>> -> memref<1x1024xi32, #tpu.memory_space<vmem>>
    %dma_wait3A_178 = tpu.memref_squeeze %dma_wait3A_177 : memref<1x1024xi32, #tpu.memory_space<vmem>> -> memref<1024xi32, #tpu.memory_space<vmem>>
    %dma_wait3A_179 = arith.constant 0 : i32
    %dma_wait3A_180 = arith.constant 0 : i32
    %dma_wait3A_181 = tpu.memref_slice %arg2[%dma_wait3A_179, %dma_wait3A_180] : memref<80000x16xf32, #tpu.memory_space<hbm>> -> memref<80000x16xf32, #tpu.memory_space<hbm>>
    tpu.wait_indirect_dma semaphore(%arg19 : memref<!tpu.dma_semaphore, #tpu.memory_space<semaphore_mem>>) src(%dma_wait3A_181 : memref<80000x16xf32, #tpu.memory_space<hbm>>) dst(%arg14 : memref<1024x16xf32, #tpu.memory_space<vmem>>)
    %run_scoped3A_182 = arith.constant 7 : i32
    "tpu.region"() ({
      %run_scoped3A_915 = tpu.sem_alloc : memref<!tpu.dma_semaphore, #tpu.memory_space<semaphore_mem>>
      %dma_start3A_916 = arith.constant 0 : i32
      %dma_start3A_917 = tpu.memref_slice %arg12[%run_scoped3A_182, %dma_start3A_916] : memref<10x1024xi32, #tpu.memory_space<vmem>> -> memref<1x1024xi32, #tpu.memory_space<vmem>>
      %dma_start3A_918 = tpu.memref_squeeze %dma_start3A_917 : memref<1x1024xi32, #tpu.memory_space<vmem>> -> memref<1024xi32, #tpu.memory_space<vmem>>
      %dma_start3A_919 = arith.constant 0 : i32
      %dma_start3A_920 = arith.constant 0 : i32
      %dma_start3A_921 = tpu.memref_slice %arg16[%dma_start3A_919, %dma_start3A_920] : memref<40080x16xf32, #tpu.memory_space<vmem_shared>> -> memref<40080x16xf32, #tpu.memory_space<vmem_shared>>
      tpu.enqueue_indirect_dma source(%arg14 : memref<1024x16xf32, #tpu.memory_space<vmem>>) target(%dma_start3A_921 : memref<40080x16xf32, #tpu.memory_space<vmem_shared>>) offsets(%dma_start3A_918 : memref<1024xi32, #tpu.memory_space<vmem>>) semaphore(%run_scoped3A_915 : memref<!tpu.dma_semaphore, #tpu.memory_space<semaphore_mem>>) {add = true}
      %dma_wait3A_922 = arith.constant 0 : i32
      %dma_wait3A_923 = tpu.memref_slice %arg12[%run_scoped3A_182, %dma_wait3A_922] : memref<10x1024xi32, #tpu.memory_space<vmem>> -> memref<1x1024xi32, #tpu.memory_space<vmem>>
      %dma_wait3A_924 = tpu.memref_squeeze %dma_wait3A_923 : memref<1x1024xi32, #tpu.memory_space<vmem>> -> memref<1024xi32, #tpu.memory_space<vmem>>
      %dma_wait3A_925 = arith.constant 0 : i32
      %dma_wait3A_926 = arith.constant 0 : i32
      %dma_wait3A_927 = tpu.memref_slice %arg16[%dma_wait3A_925, %dma_wait3A_926] : memref<40080x16xf32, #tpu.memory_space<vmem_shared>> -> memref<40080x16xf32, #tpu.memory_space<vmem_shared>>
      tpu.wait_indirect_dma semaphore(%run_scoped3A_915 : memref<!tpu.dma_semaphore, #tpu.memory_space<semaphore_mem>>) src(%arg14 : memref<1024x16xf32, #tpu.memory_space<vmem>>) dst(%dma_wait3A_927 : memref<40080x16xf32, #tpu.memory_space<vmem_shared>>)
      tpu.yield
    }) : () -> ()
    %eq3A_183 = arith.constant 0 : i32
    %eq3A_184 = arith.cmpi eq, %arg0, %eq3A_183 : i32
    %convert_element_type3A_185 = arith.extui %eq3A_184 : i1 to i32
    %cond3A_186 = arith.constant 0 : i32
    %cond3A_187 = arith.cmpi ne, %convert_element_type3A_185, %cond3A_186 : i32
    scf.if %cond3A_187 {
      %run_scoped3A_915 = arith.constant 7 : i32
      "tpu.region"() ({
        %run_scoped3A_916 = tpu.sem_alloc : memref<!tpu.dma_semaphore, #tpu.memory_space<semaphore_mem>>
        %dma_start3A_917 = arith.constant 0 : i32
        %dma_start3A_918 = tpu.memref_slice %arg11[%run_scoped3A_915, %dma_start3A_917] : memref<10x1024xi32, #tpu.memory_space<vmem>> -> memref<1x1024xi32, #tpu.memory_space<vmem>>
        %dma_start3A_919 = tpu.memref_squeeze %dma_start3A_918 : memref<1x1024xi32, #tpu.memory_space<vmem>> -> memref<1024xi32, #tpu.memory_space<vmem>>
        %dma_start3A_920 = arith.constant 0 : i32
        %dma_start3A_921 = arith.constant 0 : i32
        %dma_start3A_922 = tpu.memref_slice %arg17[%dma_start3A_920, %dma_start3A_921] : memref<10240x16xf32, #tpu.memory_space<vmem_shared>> -> memref<10240x16xf32, #tpu.memory_space<vmem_shared>>
        tpu.enqueue_indirect_dma source(%arg15 : memref<1024x16xf32, #tpu.memory_space<vmem>>) target(%dma_start3A_922 : memref<10240x16xf32, #tpu.memory_space<vmem_shared>>) offsets(%dma_start3A_919 : memref<1024xi32, #tpu.memory_space<vmem>>) semaphore(%run_scoped3A_916 : memref<!tpu.dma_semaphore, #tpu.memory_space<semaphore_mem>>) {add = true}
        %dma_wait3A_923 = arith.constant 0 : i32
        %dma_wait3A_924 = tpu.memref_slice %arg11[%run_scoped3A_915, %dma_wait3A_923] : memref<10x1024xi32, #tpu.memory_space<vmem>> -> memref<1x1024xi32, #tpu.memory_space<vmem>>
        %dma_wait3A_925 = tpu.memref_squeeze %dma_wait3A_924 : memref<1x1024xi32, #tpu.memory_space<vmem>> -> memref<1024xi32, #tpu.memory_space<vmem>>
        %dma_wait3A_926 = arith.constant 0 : i32
        %dma_wait3A_927 = arith.constant 0 : i32
        %dma_wait3A_928 = tpu.memref_slice %arg17[%dma_wait3A_926, %dma_wait3A_927] : memref<10240x16xf32, #tpu.memory_space<vmem_shared>> -> memref<10240x16xf32, #tpu.memory_space<vmem_shared>>
        tpu.wait_indirect_dma semaphore(%run_scoped3A_916 : memref<!tpu.dma_semaphore, #tpu.memory_space<semaphore_mem>>) src(%arg15 : memref<1024x16xf32, #tpu.memory_space<vmem>>) dst(%dma_wait3A_928 : memref<10240x16xf32, #tpu.memory_space<vmem_shared>>)
        tpu.yield
      }) : () -> ()
    } else {
    }
    %dma_start3A_188 = arith.constant 9 : i32
    %dma_start3A_189 = arith.constant 0 : i32
    %dma_start3A_190 = tpu.memref_slice %arg10[%dma_start3A_188, %dma_start3A_189] : memref<10x1024xi32, #tpu.memory_space<vmem>> -> memref<1x1024xi32, #tpu.memory_space<vmem>>
    %dma_start3A_191 = tpu.memref_squeeze %dma_start3A_190 : memref<1x1024xi32, #tpu.memory_space<vmem>> -> memref<1024xi32, #tpu.memory_space<vmem>>
    %dma_start3A_192 = arith.constant 0 : i32
    %dma_start3A_193 = arith.constant 0 : i32
    %dma_start3A_194 = tpu.memref_slice %arg2[%dma_start3A_192, %dma_start3A_193] : memref<80000x16xf32, #tpu.memory_space<hbm>> -> memref<80000x16xf32, #tpu.memory_space<hbm>>
    tpu.enqueue_indirect_dma source(%dma_start3A_194 : memref<80000x16xf32, #tpu.memory_space<hbm>>) target(%arg14 : memref<1024x16xf32, #tpu.memory_space<vmem>>) offsets(%dma_start3A_191 : memref<1024xi32, #tpu.memory_space<vmem>>) semaphore(%arg19 : memref<!tpu.dma_semaphore, #tpu.memory_space<semaphore_mem>>)
    %dma_wait3A_195 = arith.constant 8 : i32
    %dma_wait3A_196 = arith.constant 0 : i32
    %dma_wait3A_197 = tpu.memref_slice %arg10[%dma_wait3A_195, %dma_wait3A_196] : memref<10x1024xi32, #tpu.memory_space<vmem>> -> memref<1x1024xi32, #tpu.memory_space<vmem>>
    %dma_wait3A_198 = tpu.memref_squeeze %dma_wait3A_197 : memref<1x1024xi32, #tpu.memory_space<vmem>> -> memref<1024xi32, #tpu.memory_space<vmem>>
    %dma_wait3A_199 = arith.constant 0 : i32
    %dma_wait3A_200 = arith.constant 0 : i32
    %dma_wait3A_201 = tpu.memref_slice %arg2[%dma_wait3A_199, %dma_wait3A_200] : memref<80000x16xf32, #tpu.memory_space<hbm>> -> memref<80000x16xf32, #tpu.memory_space<hbm>>
    tpu.wait_indirect_dma semaphore(%arg18 : memref<!tpu.dma_semaphore, #tpu.memory_space<semaphore_mem>>) src(%dma_wait3A_201 : memref<80000x16xf32, #tpu.memory_space<hbm>>) dst(%arg13 : memref<1024x16xf32, #tpu.memory_space<vmem>>)
    %run_scoped3A_202 = arith.constant 8 : i32
    "tpu.region"() ({
      %run_scoped3A_915 = tpu.sem_alloc : memref<!tpu.dma_semaphore, #tpu.memory_space<semaphore_mem>>
      %dma_start3A_916 = arith.constant 0 : i32
      %dma_start3A_917 = tpu.memref_slice %arg12[%run_scoped3A_202, %dma_start3A_916] : memref<10x1024xi32, #tpu.memory_space<vmem>> -> memref<1x1024xi32, #tpu.memory_space<vmem>>
      %dma_start3A_918 = tpu.memref_squeeze %dma_start3A_917 : memref<1x1024xi32, #tpu.memory_space<vmem>> -> memref<1024xi32, #tpu.memory_space<vmem>>
      %dma_start3A_919 = arith.constant 0 : i32
      %dma_start3A_920 = arith.constant 0 : i32
      %dma_start3A_921 = tpu.memref_slice %arg16[%dma_start3A_919, %dma_start3A_920] : memref<40080x16xf32, #tpu.memory_space<vmem_shared>> -> memref<40080x16xf32, #tpu.memory_space<vmem_shared>>
      tpu.enqueue_indirect_dma source(%arg13 : memref<1024x16xf32, #tpu.memory_space<vmem>>) target(%dma_start3A_921 : memref<40080x16xf32, #tpu.memory_space<vmem_shared>>) offsets(%dma_start3A_918 : memref<1024xi32, #tpu.memory_space<vmem>>) semaphore(%run_scoped3A_915 : memref<!tpu.dma_semaphore, #tpu.memory_space<semaphore_mem>>) {add = true}
      %dma_wait3A_922 = arith.constant 0 : i32
      %dma_wait3A_923 = tpu.memref_slice %arg12[%run_scoped3A_202, %dma_wait3A_922] : memref<10x1024xi32, #tpu.memory_space<vmem>> -> memref<1x1024xi32, #tpu.memory_space<vmem>>
      %dma_wait3A_924 = tpu.memref_squeeze %dma_wait3A_923 : memref<1x1024xi32, #tpu.memory_space<vmem>> -> memref<1024xi32, #tpu.memory_space<vmem>>
      %dma_wait3A_925 = arith.constant 0 : i32
      %dma_wait3A_926 = arith.constant 0 : i32
      %dma_wait3A_927 = tpu.memref_slice %arg16[%dma_wait3A_925, %dma_wait3A_926] : memref<40080x16xf32, #tpu.memory_space<vmem_shared>> -> memref<40080x16xf32, #tpu.memory_space<vmem_shared>>
      tpu.wait_indirect_dma semaphore(%run_scoped3A_915 : memref<!tpu.dma_semaphore, #tpu.memory_space<semaphore_mem>>) src(%arg13 : memref<1024x16xf32, #tpu.memory_space<vmem>>) dst(%dma_wait3A_927 : memref<40080x16xf32, #tpu.memory_space<vmem_shared>>)
      tpu.yield
    }) : () -> ()
    %eq3A_203 = arith.constant 0 : i32
    %eq3A_204 = arith.cmpi eq, %arg0, %eq3A_203 : i32
    %convert_element_type3A_205 = arith.extui %eq3A_204 : i1 to i32
    %cond3A_206 = arith.constant 0 : i32
    %cond3A_207 = arith.cmpi ne, %convert_element_type3A_205, %cond3A_206 : i32
    scf.if %cond3A_207 {
      %run_scoped3A_915 = arith.constant 8 : i32
      "tpu.region"() ({
        %run_scoped3A_916 = tpu.sem_alloc : memref<!tpu.dma_semaphore, #tpu.memory_space<semaphore_mem>>
        %dma_start3A_917 = arith.constant 0 : i32
        %dma_start3A_918 = tpu.memref_slice %arg11[%run_scoped3A_915, %dma_start3A_917] : memref<10x1024xi32, #tpu.memory_space<vmem>> -> memref<1x1024xi32, #tpu.memory_space<vmem>>
        %dma_start3A_919 = tpu.memref_squeeze %dma_start3A_918 : memref<1x1024xi32, #tpu.memory_space<vmem>> -> memref<1024xi32, #tpu.memory_space<vmem>>
        %dma_start3A_920 = arith.constant 0 : i32
        %dma_start3A_921 = arith.constant 0 : i32
        %dma_start3A_922 = tpu.memref_slice %arg17[%dma_start3A_920, %dma_start3A_921] : memref<10240x16xf32, #tpu.memory_space<vmem_shared>> -> memref<10240x16xf32, #tpu.memory_space<vmem_shared>>
        tpu.enqueue_indirect_dma source(%arg15 : memref<1024x16xf32, #tpu.memory_space<vmem>>) target(%dma_start3A_922 : memref<10240x16xf32, #tpu.memory_space<vmem_shared>>) offsets(%dma_start3A_919 : memref<1024xi32, #tpu.memory_space<vmem>>) semaphore(%run_scoped3A_916 : memref<!tpu.dma_semaphore, #tpu.memory_space<semaphore_mem>>) {add = true}
        %dma_wait3A_923 = arith.constant 0 : i32
        %dma_wait3A_924 = tpu.memref_slice %arg11[%run_scoped3A_915, %dma_wait3A_923] : memref<10x1024xi32, #tpu.memory_space<vmem>> -> memref<1x1024xi32, #tpu.memory_space<vmem>>
        %dma_wait3A_925 = tpu.memref_squeeze %dma_wait3A_924 : memref<1x1024xi32, #tpu.memory_space<vmem>> -> memref<1024xi32, #tpu.memory_space<vmem>>
        %dma_wait3A_926 = arith.constant 0 : i32
        %dma_wait3A_927 = arith.constant 0 : i32
        %dma_wait3A_928 = tpu.memref_slice %arg17[%dma_wait3A_926, %dma_wait3A_927] : memref<10240x16xf32, #tpu.memory_space<vmem_shared>> -> memref<10240x16xf32, #tpu.memory_space<vmem_shared>>
        tpu.wait_indirect_dma semaphore(%run_scoped3A_916 : memref<!tpu.dma_semaphore, #tpu.memory_space<semaphore_mem>>) src(%arg15 : memref<1024x16xf32, #tpu.memory_space<vmem>>) dst(%dma_wait3A_928 : memref<10240x16xf32, #tpu.memory_space<vmem_shared>>)
        tpu.yield
      }) : () -> ()
    } else {
    }
    %dma_wait3A_208 = arith.constant 9 : i32
    %dma_wait3A_209 = arith.constant 0 : i32
    %dma_wait3A_210 = tpu.memref_slice %arg10[%dma_wait3A_208, %dma_wait3A_209] : memref<10x1024xi32, #tpu.memory_space<vmem>> -> memref<1x1024xi32, #tpu.memory_space<vmem>>
    %dma_wait3A_211 = tpu.memref_squeeze %dma_wait3A_210 : memref<1x1024xi32, #tpu.memory_space<vmem>> -> memref<1024xi32, #tpu.memory_space<vmem>>
    %dma_wait3A_212 = arith.constant 0 : i32
    %dma_wait3A_213 = arith.constant 0 : i32
    %dma_wait3A_214 = tpu.memref_slice %arg2[%dma_wait3A_212, %dma_wait3A_213] : memref<80000x16xf32, #tpu.memory_space<hbm>> -> memref<80000x16xf32, #tpu.memory_space<hbm>>
    tpu.wait_indirect_dma semaphore(%arg19 : memref<!tpu.dma_semaphore, #tpu.memory_space<semaphore_mem>>) src(%dma_wait3A_214 : memref<80000x16xf32, #tpu.memory_space<hbm>>) dst(%arg14 : memref<1024x16xf32, #tpu.memory_space<vmem>>)
    %run_scoped3A_215 = arith.constant 9 : i32
    "tpu.region"() ({
      %run_scoped3A_915 = tpu.sem_alloc : memref<!tpu.dma_semaphore, #tpu.memory_space<semaphore_mem>>
      %dma_start3A_916 = arith.constant 0 : i32
      %dma_start3A_917 = tpu.memref_slice %arg12[%run_scoped3A_215, %dma_start3A_916] : memref<10x1024xi32, #tpu.memory_space<vmem>> -> memref<1x1024xi32, #tpu.memory_space<vmem>>
      %dma_start3A_918 = tpu.memref_squeeze %dma_start3A_917 : memref<1x1024xi32, #tpu.memory_space<vmem>> -> memref<1024xi32, #tpu.memory_space<vmem>>
      %dma_start3A_919 = arith.constant 0 : i32
      %dma_start3A_920 = arith.constant 0 : i32
      %dma_start3A_921 = tpu.memref_slice %arg16[%dma_start3A_919, %dma_start3A_920] : memref<40080x16xf32, #tpu.memory_space<vmem_shared>> -> memref<40080x16xf32, #tpu.memory_space<vmem_shared>>
      tpu.enqueue_indirect_dma source(%arg14 : memref<1024x16xf32, #tpu.memory_space<vmem>>) target(%dma_start3A_921 : memref<40080x16xf32, #tpu.memory_space<vmem_shared>>) offsets(%dma_start3A_918 : memref<1024xi32, #tpu.memory_space<vmem>>) semaphore(%run_scoped3A_915 : memref<!tpu.dma_semaphore, #tpu.memory_space<semaphore_mem>>) {add = true}
      %dma_wait3A_922 = arith.constant 0 : i32
      %dma_wait3A_923 = tpu.memref_slice %arg12[%run_scoped3A_215, %dma_wait3A_922] : memref<10x1024xi32, #tpu.memory_space<vmem>> -> memref<1x1024xi32, #tpu.memory_space<vmem>>
      %dma_wait3A_924 = tpu.memref_squeeze %dma_wait3A_923 : memref<1x1024xi32, #tpu.memory_space<vmem>> -> memref<1024xi32, #tpu.memory_space<vmem>>
      %dma_wait3A_925 = arith.constant 0 : i32
      %dma_wait3A_926 = arith.constant 0 : i32
      %dma_wait3A_927 = tpu.memref_slice %arg16[%dma_wait3A_925, %dma_wait3A_926] : memref<40080x16xf32, #tpu.memory_space<vmem_shared>> -> memref<40080x16xf32, #tpu.memory_space<vmem_shared>>
      tpu.wait_indirect_dma semaphore(%run_scoped3A_915 : memref<!tpu.dma_semaphore, #tpu.memory_space<semaphore_mem>>) src(%arg14 : memref<1024x16xf32, #tpu.memory_space<vmem>>) dst(%dma_wait3A_927 : memref<40080x16xf32, #tpu.memory_space<vmem_shared>>)
      tpu.yield
    }) : () -> ()
    %eq3A_216 = arith.constant 0 : i32
    %eq3A_217 = arith.cmpi eq, %arg0, %eq3A_216 : i32
    %convert_element_type3A_218 = arith.extui %eq3A_217 : i1 to i32
    %cond3A_219 = arith.constant 0 : i32
    %cond3A_220 = arith.cmpi ne, %convert_element_type3A_218, %cond3A_219 : i32
    scf.if %cond3A_220 {
      %run_scoped3A_915 = arith.constant 9 : i32
      "tpu.region"() ({
        %run_scoped3A_916 = tpu.sem_alloc : memref<!tpu.dma_semaphore, #tpu.memory_space<semaphore_mem>>
        %dma_start3A_917 = arith.constant 0 : i32
        %dma_start3A_918 = tpu.memref_slice %arg11[%run_scoped3A_915, %dma_start3A_917] : memref<10x1024xi32, #tpu.memory_space<vmem>> -> memref<1x1024xi32, #tpu.memory_space<vmem>>
        %dma_start3A_919 = tpu.memref_squeeze %dma_start3A_918 : memref<1x1024xi32, #tpu.memory_space<vmem>> -> memref<1024xi32, #tpu.memory_space<vmem>>
        %dma_start3A_920 = arith.constant 0 : i32
        %dma_start3A_921 = arith.constant 0 : i32
        %dma_start3A_922 = tpu.memref_slice %arg17[%dma_start3A_920, %dma_start3A_921] : memref<10240x16xf32, #tpu.memory_space<vmem_shared>> -> memref<10240x16xf32, #tpu.memory_space<vmem_shared>>
        tpu.enqueue_indirect_dma source(%arg15 : memref<1024x16xf32, #tpu.memory_space<vmem>>) target(%dma_start3A_922 : memref<10240x16xf32, #tpu.memory_space<vmem_shared>>) offsets(%dma_start3A_919 : memref<1024xi32, #tpu.memory_space<vmem>>) semaphore(%run_scoped3A_916 : memref<!tpu.dma_semaphore, #tpu.memory_space<semaphore_mem>>) {add = true}
        %dma_wait3A_923 = arith.constant 0 : i32
        %dma_wait3A_924 = tpu.memref_slice %arg11[%run_scoped3A_915, %dma_wait3A_923] : memref<10x1024xi32, #tpu.memory_space<vmem>> -> memref<1x1024xi32, #tpu.memory_space<vmem>>
        %dma_wait3A_925 = tpu.memref_squeeze %dma_wait3A_924 : memref<1x1024xi32, #tpu.memory_space<vmem>> -> memref<1024xi32, #tpu.memory_space<vmem>>
        %dma_wait3A_926 = arith.constant 0 : i32
        %dma_wait3A_927 = arith.constant 0 : i32
        %dma_wait3A_928 = tpu.memref_slice %arg17[%dma_wait3A_926, %dma_wait3A_927] : memref<10240x16xf32, #tpu.memory_space<vmem_shared>> -> memref<10240x16xf32, #tpu.memory_space<vmem_shared>>
        tpu.wait_indirect_dma semaphore(%run_scoped3A_916 : memref<!tpu.dma_semaphore, #tpu.memory_space<semaphore_mem>>) src(%arg15 : memref<1024x16xf32, #tpu.memory_space<vmem>>) dst(%dma_wait3A_928 : memref<10240x16xf32, #tpu.memory_space<vmem_shared>>)
        tpu.yield
      }) : () -> ()
    } else {
    }
    %scan3A_221 = arith.constant 0 : i32
    %scan3A_222 = arith.constant 0 : i32
    %scan3A_223 = arith.constant 0 : i32
    %scan3A_224 = arith.constant 64 : i32
    %scan3A_225 = arith.addi %scan3A_223, %scan3A_224 : i32
    %scan3A_226 = arith.constant 1 : i32
    scf.for %scan3A_915 = %scan3A_223 to %scan3A_225 step %scan3A_226  : i32 {
      %mul3A_916 = arith.constant 16 : i32
      %mul3A_917 = arith.muli %scan3A_915, %mul3A_916 : i32
      %get3A = arith.index_cast %scan3A_222 : i32 to index
      %get3A_918 = arith.index_cast %mul3A_917 : i32 to index
      %get3A_919 = tpu.vector_load %arg10[%get3A, %get3A_918] {strides = array<i32>} : memref<10x1024xi32, #tpu.memory_space<vmem>>, vector<1x16xi32>,
      %get3A_920 = vector.shape_cast %get3A_919 : vector<1x16xi32> to vector<16xi32>
      %add3A_921 = arith.constant 1 : i32
      %add3A_922 = vector.broadcast %add3A_921 : i32 to vector<16xi32>
      %add3A_923 = arith.addi %get3A_920, %add3A_922 : vector<16xi32>
      %mul3A_924 = arith.constant 16 : i32
      %mul3A_925 = arith.muli %scan3A_915, %mul3A_924 : i32
      %swap3A = arith.index_cast %scan3A_222 : i32 to index
      %swap3A_926 = arith.index_cast %mul3A_925 : i32 to index
      %swap3A_927 = tpu.vector_load %arg10[%swap3A, %swap3A_926] {strides = array<i32>} : memref<10x1024xi32, #tpu.memory_space<vmem>>, vector<1x16xi32>,
      %swap3A_928 = vector.shape_cast %swap3A_927 : vector<1x16xi32> to vector<16xi32>
      %swap3A_929 = vector.shape_cast %add3A_923 : vector<16xi32> to vector<1x16xi32>
      tpu.vector_store %arg10[%swap3A, %swap3A_926], %swap3A_929 {strides = array<i32>} : memref<10x1024xi32, #tpu.memory_space<vmem>>, vector<1x16xi32>,
    }
    %scan3A_227 = arith.constant 64 : i32
    %scan3A_228 = arith.constant 1 : i32
    %dma_start3A_229 = arith.constant 0 : i32
    %dma_start3A_230 = arith.constant 0 : i32
    %dma_start3A_231 = tpu.memref_slice %arg10[%dma_start3A_229, %dma_start3A_230] : memref<10x1024xi32, #tpu.memory_space<vmem>> -> memref<1x1024xi32, #tpu.memory_space<vmem>>
    %dma_start3A_232 = tpu.memref_squeeze %dma_start3A_231 : memref<1x1024xi32, #tpu.memory_space<vmem>> -> memref<1024xi32, #tpu.memory_space<vmem>>
    %dma_start3A_233 = arith.constant 0 : i32
    %dma_start3A_234 = arith.constant 0 : i32
    %dma_start3A_235 = tpu.memref_slice %arg2[%dma_start3A_233, %dma_start3A_234] : memref<80000x16xf32, #tpu.memory_space<hbm>> -> memref<80000x16xf32, #tpu.memory_space<hbm>>
    tpu.enqueue_indirect_dma source(%dma_start3A_235 : memref<80000x16xf32, #tpu.memory_space<hbm>>) target(%arg13 : memref<1024x16xf32, #tpu.memory_space<vmem>>) offsets(%dma_start3A_232 : memref<1024xi32, #tpu.memory_space<vmem>>) semaphore(%arg18 : memref<!tpu.dma_semaphore, #tpu.memory_space<semaphore_mem>>)
    %barrier3A_236 = arith.constant 0 : index
    tpu.barrier barrier_id(%barrier3A_236)
    %mul3A_237 = arith.constant 4 : i32
    %mul3A_238 = arith.muli %mul3A_237, %arg0 : i32
    %add3A = arith.constant 0 : i32
    %add3A_239 = arith.addi %mul3A_238, %add3A : i32
    %jit3A = arith.constant 4 : i32
    %div3A = arith.divsi %arg1, %jit3A : i32
    %sign3A = arith.constant 0 : i32
    %sign3A_240 = arith.cmpi sgt, %arg1, %sign3A : i32
    %sign3A_241 = arith.extui %sign3A_240 : i1 to i32
    %sign3A_242 = arith.constant 0 : i32
    %sign3A_243 = arith.cmpi slt, %arg1, %sign3A_242 : i32
    %sign3A_244 = arith.extui %sign3A_243 : i1 to i32
    %sign3A_245 = arith.subi %sign3A_241, %sign3A_244 : i32
    %sign3A_246 = arith.constant 0 : i32
    %sign3A_247 = arith.cmpi sgt, %jit3A, %sign3A_246 : i32
    %sign3A_248 = arith.extui %sign3A_247 : i1 to i32
    %sign3A_249 = arith.constant 0 : i32
    %sign3A_250 = arith.cmpi slt, %jit3A, %sign3A_249 : i32
    %sign3A_251 = arith.extui %sign3A_250 : i1 to i32
    %sign3A_252 = arith.subi %sign3A_248, %sign3A_251 : i32
    %ne3A = arith.cmpi ne, %sign3A_245, %sign3A_252 : i32
    %rem3A = arith.remsi %arg1, %jit3A : i32
    %ne3A_253 = arith.constant 0 : i32
    %ne3A_254 = arith.cmpi ne, %rem3A, %ne3A_253 : i32
    %and3A = arith.andi %ne3A, %ne3A_254 : i1
    %sub3A = arith.constant 1 : i32
    %sub3A_255 = arith.subi %div3A, %sub3A : i32
    %select_n3A = arith.select %and3A, %sub3A_255, %div3A : i32
    %jit3A_256 = arith.constant 4 : i32
    %eq3A_257 = arith.constant 0 : i32
    %eq3A_258 = arith.cmpi eq, %jit3A_256, %eq3A_257 : i32
    %jit3A_259 = arith.constant 1 : i32
    %select_n3A_260 = arith.select %eq3A_258, %jit3A_259, %jit3A_256 : i32
    %rem3A_261 = arith.remsi %arg1, %select_n3A_260 : i32
    %ne3A_262 = arith.constant 0 : i32
    %ne3A_263 = arith.cmpi ne, %rem3A_261, %ne3A_262 : i32
    %lt3A = arith.constant 0 : i32
    %lt3A_264 = arith.cmpi slt, %rem3A_261, %lt3A : i32
    %lt3A_265 = arith.constant 0 : i32
    %lt3A_266 = arith.cmpi slt, %select_n3A_260, %lt3A_265 : i32
    %ne3A_267 = arith.xori %lt3A_264, %lt3A_266 : i1
    %and3A_268 = arith.andi %ne3A_267, %ne3A_263 : i1
    %add3A_269 = arith.addi %rem3A_261, %select_n3A_260 : i32
    %select_n3A_270 = arith.select %and3A_268, %add3A_269, %rem3A_261 : i32
    %mul3A_271 = arith.constant 2504 : i32
    %mul3A_272 = arith.muli %select_n3A_270, %mul3A_271 : i32
    %multiple_of3A_273 = tpu.assume_multiple %mul3A_272, 8 : i32
    %mul3A_274 = arith.constant 16 : i32
    %mul3A_275 = arith.muli %add3A_239, %mul3A_274 : i32
    %multiple_of3A_276 = tpu.assume_multiple %mul3A_275, 16 : i32
    "tpu.region"() ({
      %run_scoped3A_915 = tpu.sem_alloc : memref<!tpu.dma_semaphore, #tpu.memory_space<semaphore_mem>>
      %dma_start3A_916 = tpu.memref_slice %arg8[%select_n3A, %multiple_of3A_273, %multiple_of3A_276] : memref<4x10016x128xf32, #tpu.memory_space<hbm>> -> memref<1x2504x16xf32, #tpu.memory_space<hbm>>
      %dma_start3A_917 = tpu.memref_squeeze %dma_start3A_916 : memref<1x2504x16xf32, #tpu.memory_space<hbm>> -> memref<2504x16xf32, #tpu.memory_space<hbm>>
      %dma_start3A_918 = arith.constant 0 : i32
      %dma_start3A_919 = tpu.memref_slice %arg16[%multiple_of3A, %dma_start3A_918] : memref<40080x16xf32, #tpu.memory_space<vmem_shared>> -> memref<2504x16xf32, #tpu.memory_space<vmem_shared>>
      tpu.enqueue_dma source(%dma_start3A_919 : memref<2504x16xf32, #tpu.memory_space<vmem_shared>>) target(%dma_start3A_917 : memref<2504x16xf32, #tpu.memory_space<hbm>>) target_semaphore(%run_scoped3A_915 : memref<!tpu.dma_semaphore, #tpu.memory_space<semaphore_mem>>)
      %dma_wait3A_920 = tpu.memref_slice %arg8[%select_n3A, %multiple_of3A_273, %multiple_of3A_276] : memref<4x10016x128xf32, #tpu.memory_space<hbm>> -> memref<1x2504x16xf32, #tpu.memory_space<hbm>>
      %dma_wait3A_921 = tpu.memref_squeeze %dma_wait3A_920 : memref<1x2504x16xf32, #tpu.memory_space<hbm>> -> memref<2504x16xf32, #tpu.memory_space<hbm>>
      %dma_wait3A_922 = arith.constant 0 : i32
      %dma_wait3A_923 = tpu.memref_slice %arg16[%multiple_of3A, %dma_wait3A_922] : memref<40080x16xf32, #tpu.memory_space<vmem_shared>> -> memref<2504x16xf32, #tpu.memory_space<vmem_shared>>
      tpu.wait_dma2 semaphore(%run_scoped3A_915 : memref<!tpu.dma_semaphore, #tpu.memory_space<semaphore_mem>>) src(%dma_wait3A_923 : memref<2504x16xf32, #tpu.memory_space<vmem_shared>>) dst(%dma_wait3A_921 : memref<2504x16xf32, #tpu.memory_space<hbm>>)
      tpu.yield
    }) : () -> ()
    %eq3A_277 = arith.constant 0 : i32
    %eq3A_278 = arith.cmpi eq, %arg0, %eq3A_277 : i32
    %convert_element_type3A_279 = arith.extui %eq3A_278 : i1 to i32
    %cond3A_280 = arith.constant 0 : i32
    %cond3A_281 = arith.cmpi ne, %convert_element_type3A_279, %cond3A_280 : i32
    scf.if %cond3A_281 {
      "tpu.region"() ({
        %run_scoped3A_915 = tpu.sem_alloc : memref<!tpu.dma_semaphore, #tpu.memory_space<semaphore_mem>>
        %dma_start3A_916 = arith.constant 0 : i32
        %dma_start3A_917 = tpu.memref_slice %arg9[%multiple_of3A_3, %dma_start3A_916] : memref<10240x16xf32, #tpu.memory_space<hbm>> -> memref<640x16xf32, #tpu.memory_space<hbm>>
        %dma_start3A_918 = arith.constant 0 : i32
        %dma_start3A_919 = tpu.memref_slice %arg17[%multiple_of3A_3, %dma_start3A_918] : memref<10240x16xf32, #tpu.memory_space<vmem_shared>> -> memref<640x16xf32, #tpu.memory_space<vmem_shared>>
        tpu.enqueue_dma source(%dma_start3A_919 : memref<640x16xf32, #tpu.memory_space<vmem_shared>>) target(%dma_start3A_917 : memref<640x16xf32, #tpu.memory_space<hbm>>) target_semaphore(%run_scoped3A_915 : memref<!tpu.dma_semaphore, #tpu.memory_space<semaphore_mem>>)
        %dma_wait3A_920 = arith.constant 0 : i32
        %dma_wait3A_921 = tpu.memref_slice %arg9[%multiple_of3A_3, %dma_wait3A_920] : memref<10240x16xf32, #tpu.memory_space<hbm>> -> memref<640x16xf32, #tpu.memory_space<hbm>>
        %dma_wait3A_922 = arith.constant 0 : i32
        %dma_wait3A_923 = tpu.memref_slice %arg17[%multiple_of3A_3, %dma_wait3A_922] : memref<10240x16xf32, #tpu.memory_space<vmem_shared>> -> memref<640x16xf32, #tpu.memory_space<vmem_shared>>
        tpu.wait_dma2 semaphore(%run_scoped3A_915 : memref<!tpu.dma_semaphore, #tpu.memory_space<semaphore_mem>>) src(%dma_wait3A_923 : memref<640x16xf32, #tpu.memory_space<vmem_shared>>) dst(%dma_wait3A_921 : memref<640x16xf32, #tpu.memory_space<hbm>>)
        tpu.yield
      }) : () -> ()
    } else {
    }
    "tpu.region"() ({
      %run_scoped3A_915 = tpu.sem_alloc : memref<!tpu.dma_semaphore, #tpu.memory_space<semaphore_mem>>
      %dma_start3A_916 = arith.constant 0 : i32
      %dma_start3A_917 = tpu.memref_slice %arg16[%multiple_of3A, %dma_start3A_916] : memref<40080x16xf32, #tpu.memory_space<vmem_shared>> -> memref<2504x16xf32, #tpu.memory_space<vmem_shared>>
      tpu.enqueue_dma source(%arg6 : memref<2504x16xf32, #tpu.memory_space<hbm>>) target(%dma_start3A_917 : memref<2504x16xf32, #tpu.memory_space<vmem_shared>>) target_semaphore(%run_scoped3A_915 : memref<!tpu.dma_semaphore, #tpu.memory_space<semaphore_mem>>)
      %dma_wait3A_918 = arith.constant 0 : i32
      %dma_wait3A_919 = tpu.memref_slice %arg16[%multiple_of3A, %dma_wait3A_918] : memref<40080x16xf32, #tpu.memory_space<vmem_shared>> -> memref<2504x16xf32, #tpu.memory_space<vmem_shared>>
      tpu.wait_dma2 semaphore(%run_scoped3A_915 : memref<!tpu.dma_semaphore, #tpu.memory_space<semaphore_mem>>) src(%arg6 : memref<2504x16xf32, #tpu.memory_space<hbm>>) dst(%dma_wait3A_919 : memref<2504x16xf32, #tpu.memory_space<vmem_shared>>)
      tpu.yield
    }) : () -> ()
    %barrier3A_282 = arith.constant 0 : index
    tpu.barrier barrier_id(%barrier3A_282)
    %scan3A_283 = arith.constant 0 : i32
    %scan3A_284 = arith.constant 1 : i32
    %scan3A_285 = arith.constant 9 : i32
    %scan3A_286 = arith.addi %scan3A_284, %scan3A_285 : i32
    %scan3A_287 = arith.constant 1 : i32
    scf.for %scan3A_915 = %scan3A_284 to %scan3A_286 step %scan3A_287  : i32 {
      %scan3A_916 = arith.constant 0 : i32
      %scan3A_917 = arith.constant 64 : i32
      %scan3A_918 = arith.addi %scan3A_916, %scan3A_917 : i32
      %scan3A_919 = arith.constant 1 : i32
      scf.for %scan3A_921 = %scan3A_916 to %scan3A_918 step %scan3A_919  : i32 {
        %mul3A_922 = arith.constant 16 : i32
        %mul3A_923 = arith.muli %scan3A_921, %mul3A_922 : i32
        %get3A = arith.index_cast %scan3A_915 : i32 to index
        %get3A_924 = arith.index_cast %mul3A_923 : i32 to index
        %get3A_925 = tpu.vector_load %arg10[%get3A, %get3A_924] {strides = array<i32>} : memref<10x1024xi32, #tpu.memory_space<vmem>>, vector<1x16xi32>,
        %get3A_926 = vector.shape_cast %get3A_925 : vector<1x16xi32> to vector<16xi32>
        %add3A_927 = arith.constant 1 : i32
        %add3A_928 = vector.broadcast %add3A_927 : i32 to vector<16xi32>
        %add3A_929 = arith.addi %get3A_926, %add3A_928 : vector<16xi32>
        %mul3A_930 = arith.constant 16 : i32
        %mul3A_931 = arith.muli %scan3A_921, %mul3A_930 : i32
        %swap3A = arith.index_cast %scan3A_915 : i32 to index
        %swap3A_932 = arith.index_cast %mul3A_931 : i32 to index
        %swap3A_933 = tpu.vector_load %arg10[%swap3A, %swap3A_932] {strides = array<i32>} : memref<10x1024xi32, #tpu.memory_space<vmem>>, vector<1x16xi32>,
        %swap3A_934 = vector.shape_cast %swap3A_933 : vector<1x16xi32> to vector<16xi32>
        %swap3A_935 = vector.shape_cast %add3A_929 : vector<16xi32> to vector<1x16xi32>
        tpu.vector_store %arg10[%swap3A, %swap3A_932], %swap3A_935 {strides = array<i32>} : memref<10x1024xi32, #tpu.memory_space<vmem>>, vector<1x16xi32>,
      }
      %scan3A_920 = arith.constant 64 : i32
    }
    %scan3A_288 = arith.constant 9 : i32
    %dma_start3A_289 = arith.constant 1 : i32
    %dma_start3A_290 = arith.constant 0 : i32
    %dma_start3A_291 = tpu.memref_slice %arg10[%dma_start3A_289, %dma_start3A_290] : memref<10x1024xi32, #tpu.memory_space<vmem>> -> memref<1x1024xi32, #tpu.memory_space<vmem>>
    %dma_start3A_292 = tpu.memref_squeeze %dma_start3A_291 : memref<1x1024xi32, #tpu.memory_space<vmem>> -> memref<1024xi32, #tpu.memory_space<vmem>>
    %dma_start3A_293 = arith.constant 0 : i32
    %dma_start3A_294 = arith.constant 0 : i32
    %dma_start3A_295 = tpu.memref_slice %arg2[%dma_start3A_293, %dma_start3A_294] : memref<80000x16xf32, #tpu.memory_space<hbm>> -> memref<80000x16xf32, #tpu.memory_space<hbm>>
    tpu.enqueue_indirect_dma source(%dma_start3A_295 : memref<80000x16xf32, #tpu.memory_space<hbm>>) target(%arg14 : memref<1024x16xf32, #tpu.memory_space<vmem>>) offsets(%dma_start3A_292 : memref<1024xi32, #tpu.memory_space<vmem>>) semaphore(%arg19 : memref<!tpu.dma_semaphore, #tpu.memory_space<semaphore_mem>>)
    %dma_wait3A_296 = arith.constant 0 : i32
    %dma_wait3A_297 = arith.constant 0 : i32
    %dma_wait3A_298 = tpu.memref_slice %arg10[%dma_wait3A_296, %dma_wait3A_297] : memref<10x1024xi32, #tpu.memory_space<vmem>> -> memref<1x1024xi32, #tpu.memory_space<vmem>>
    %dma_wait3A_299 = tpu.memref_squeeze %dma_wait3A_298 : memref<1x1024xi32, #tpu.memory_space<vmem>> -> memref<1024xi32, #tpu.memory_space<vmem>>
    %dma_wait3A_300 = arith.constant 0 : i32
    %dma_wait3A_301 = arith.constant 0 : i32
    %dma_wait3A_302 = tpu.memref_slice %arg2[%dma_wait3A_300, %dma_wait3A_301] : memref<80000x16xf32, #tpu.memory_space<hbm>> -> memref<80000x16xf32, #tpu.memory_space<hbm>>
    tpu.wait_indirect_dma semaphore(%arg18 : memref<!tpu.dma_semaphore, #tpu.memory_space<semaphore_mem>>) src(%dma_wait3A_302 : memref<80000x16xf32, #tpu.memory_space<hbm>>) dst(%arg13 : memref<1024x16xf32, #tpu.memory_space<vmem>>)
    %run_scoped3A_303 = arith.constant 0 : i32
    "tpu.region"() ({
      %run_scoped3A_915 = tpu.sem_alloc : memref<!tpu.dma_semaphore, #tpu.memory_space<semaphore_mem>>
      %dma_start3A_916 = arith.constant 0 : i32
      %dma_start3A_917 = tpu.memref_slice %arg12[%run_scoped3A_303, %dma_start3A_916] : memref<10x1024xi32, #tpu.memory_space<vmem>> -> memref<1x1024xi32, #tpu.memory_space<vmem>>
      %dma_start3A_918 = tpu.memref_squeeze %dma_start3A_917 : memref<1x1024xi32, #tpu.memory_space<vmem>> -> memref<1024xi32, #tpu.memory_space<vmem>>
      %dma_start3A_919 = arith.constant 0 : i32
      %dma_start3A_920 = arith.constant 0 : i32
      %dma_start3A_921 = tpu.memref_slice %arg16[%dma_start3A_919, %dma_start3A_920] : memref<40080x16xf32, #tpu.memory_space<vmem_shared>> -> memref<40080x16xf32, #tpu.memory_space<vmem_shared>>
      tpu.enqueue_indirect_dma source(%arg13 : memref<1024x16xf32, #tpu.memory_space<vmem>>) target(%dma_start3A_921 : memref<40080x16xf32, #tpu.memory_space<vmem_shared>>) offsets(%dma_start3A_918 : memref<1024xi32, #tpu.memory_space<vmem>>) semaphore(%run_scoped3A_915 : memref<!tpu.dma_semaphore, #tpu.memory_space<semaphore_mem>>) {add = true}
      %dma_wait3A_922 = arith.constant 0 : i32
      %dma_wait3A_923 = tpu.memref_slice %arg12[%run_scoped3A_303, %dma_wait3A_922] : memref<10x1024xi32, #tpu.memory_space<vmem>> -> memref<1x1024xi32, #tpu.memory_space<vmem>>
      %dma_wait3A_924 = tpu.memref_squeeze %dma_wait3A_923 : memref<1x1024xi32, #tpu.memory_space<vmem>> -> memref<1024xi32, #tpu.memory_space<vmem>>
      %dma_wait3A_925 = arith.constant 0 : i32
      %dma_wait3A_926 = arith.constant 0 : i32
      %dma_wait3A_927 = tpu.memref_slice %arg16[%dma_wait3A_925, %dma_wait3A_926] : memref<40080x16xf32, #tpu.memory_space<vmem_shared>> -> memref<40080x16xf32, #tpu.memory_space<vmem_shared>>
      tpu.wait_indirect_dma semaphore(%run_scoped3A_915 : memref<!tpu.dma_semaphore, #tpu.memory_space<semaphore_mem>>) src(%arg13 : memref<1024x16xf32, #tpu.memory_space<vmem>>) dst(%dma_wait3A_927 : memref<40080x16xf32, #tpu.memory_space<vmem_shared>>)
      tpu.yield
    }) : () -> ()
    %dma_start3A_304 = arith.constant 2 : i32
    %dma_start3A_305 = arith.constant 0 : i32
    %dma_start3A_306 = tpu.memref_slice %arg10[%dma_start3A_304, %dma_start3A_305] : memref<10x1024xi32, #tpu.memory_space<vmem>> -> memref<1x1024xi32, #tpu.memory_space<vmem>>
    %dma_start3A_307 = tpu.memref_squeeze %dma_start3A_306 : memref<1x1024xi32, #tpu.memory_space<vmem>> -> memref<1024xi32, #tpu.memory_space<vmem>>
    %dma_start3A_308 = arith.constant 0 : i32
    %dma_start3A_309 = arith.constant 0 : i32
    %dma_start3A_310 = tpu.memref_slice %arg2[%dma_start3A_308, %dma_start3A_309] : memref<80000x16xf32, #tpu.memory_space<hbm>> -> memref<80000x16xf32, #tpu.memory_space<hbm>>
    tpu.enqueue_indirect_dma source(%dma_start3A_310 : memref<80000x16xf32, #tpu.memory_space<hbm>>) target(%arg13 : memref<1024x16xf32, #tpu.memory_space<vmem>>) offsets(%dma_start3A_307 : memref<1024xi32, #tpu.memory_space<vmem>>) semaphore(%arg18 : memref<!tpu.dma_semaphore, #tpu.memory_space<semaphore_mem>>)
    %dma_wait3A_311 = arith.constant 1 : i32
    %dma_wait3A_312 = arith.constant 0 : i32
    %dma_wait3A_313 = tpu.memref_slice %arg10[%dma_wait3A_311, %dma_wait3A_312] : memref<10x1024xi32, #tpu.memory_space<vmem>> -> memref<1x1024xi32, #tpu.memory_space<vmem>>
    %dma_wait3A_314 = tpu.memref_squeeze %dma_wait3A_313 : memref<1x1024xi32, #tpu.memory_space<vmem>> -> memref<1024xi32, #tpu.memory_space<vmem>>
    %dma_wait3A_315 = arith.constant 0 : i32
    %dma_wait3A_316 = arith.constant 0 : i32
    %dma_wait3A_317 = tpu.memref_slice %arg2[%dma_wait3A_315, %dma_wait3A_316] : memref<80000x16xf32, #tpu.memory_space<hbm>> -> memref<80000x16xf32, #tpu.memory_space<hbm>>
    tpu.wait_indirect_dma semaphore(%arg19 : memref<!tpu.dma_semaphore, #tpu.memory_space<semaphore_mem>>) src(%dma_wait3A_317 : memref<80000x16xf32, #tpu.memory_space<hbm>>) dst(%arg14 : memref<1024x16xf32, #tpu.memory_space<vmem>>)
    %run_scoped3A_318 = arith.constant 1 : i32
    "tpu.region"() ({
      %run_scoped3A_915 = tpu.sem_alloc : memref<!tpu.dma_semaphore, #tpu.memory_space<semaphore_mem>>
      %dma_start3A_916 = arith.constant 0 : i32
      %dma_start3A_917 = tpu.memref_slice %arg12[%run_scoped3A_318, %dma_start3A_916] : memref<10x1024xi32, #tpu.memory_space<vmem>> -> memref<1x1024xi32, #tpu.memory_space<vmem>>
      %dma_start3A_918 = tpu.memref_squeeze %dma_start3A_917 : memref<1x1024xi32, #tpu.memory_space<vmem>> -> memref<1024xi32, #tpu.memory_space<vmem>>
      %dma_start3A_919 = arith.constant 0 : i32
      %dma_start3A_920 = arith.constant 0 : i32
      %dma_start3A_921 = tpu.memref_slice %arg16[%dma_start3A_919, %dma_start3A_920] : memref<40080x16xf32, #tpu.memory_space<vmem_shared>> -> memref<40080x16xf32, #tpu.memory_space<vmem_shared>>
      tpu.enqueue_indirect_dma source(%arg14 : memref<1024x16xf32, #tpu.memory_space<vmem>>) target(%dma_start3A_921 : memref<40080x16xf32, #tpu.memory_space<vmem_shared>>) offsets(%dma_start3A_918 : memref<1024xi32, #tpu.memory_space<vmem>>) semaphore(%run_scoped3A_915 : memref<!tpu.dma_semaphore, #tpu.memory_space<semaphore_mem>>) {add = true}
      %dma_wait3A_922 = arith.constant 0 : i32
      %dma_wait3A_923 = tpu.memref_slice %arg12[%run_scoped3A_318, %dma_wait3A_922] : memref<10x1024xi32, #tpu.memory_space<vmem>> -> memref<1x1024xi32, #tpu.memory_space<vmem>>
      %dma_wait3A_924 = tpu.memref_squeeze %dma_wait3A_923 : memref<1x1024xi32, #tpu.memory_space<vmem>> -> memref<1024xi32, #tpu.memory_space<vmem>>
      %dma_wait3A_925 = arith.constant 0 : i32
      %dma_wait3A_926 = arith.constant 0 : i32
      %dma_wait3A_927 = tpu.memref_slice %arg16[%dma_wait3A_925, %dma_wait3A_926] : memref<40080x16xf32, #tpu.memory_space<vmem_shared>> -> memref<40080x16xf32, #tpu.memory_space<vmem_shared>>
      tpu.wait_indirect_dma semaphore(%run_scoped3A_915 : memref<!tpu.dma_semaphore, #tpu.memory_space<semaphore_mem>>) src(%arg14 : memref<1024x16xf32, #tpu.memory_space<vmem>>) dst(%dma_wait3A_927 : memref<40080x16xf32, #tpu.memory_space<vmem_shared>>)
      tpu.yield
    }) : () -> ()
    %dma_start3A_319 = arith.constant 3 : i32
    %dma_start3A_320 = arith.constant 0 : i32
    %dma_start3A_321 = tpu.memref_slice %arg10[%dma_start3A_319, %dma_start3A_320] : memref<10x1024xi32, #tpu.memory_space<vmem>> -> memref<1x1024xi32, #tpu.memory_space<vmem>>
    %dma_start3A_322 = tpu.memref_squeeze %dma_start3A_321 : memref<1x1024xi32, #tpu.memory_space<vmem>> -> memref<1024xi32, #tpu.memory_space<vmem>>
    %dma_start3A_323 = arith.constant 0 : i32
    %dma_start3A_324 = arith.constant 0 : i32
    %dma_start3A_325 = tpu.memref_slice %arg2[%dma_start3A_323, %dma_start3A_324] : memref<80000x16xf32, #tpu.memory_space<hbm>> -> memref<80000x16xf32, #tpu.memory_space<hbm>>
    tpu.enqueue_indirect_dma source(%dma_start3A_325 : memref<80000x16xf32, #tpu.memory_space<hbm>>) target(%arg14 : memref<1024x16xf32, #tpu.memory_space<vmem>>) offsets(%dma_start3A_322 : memref<1024xi32, #tpu.memory_space<vmem>>) semaphore(%arg19 : memref<!tpu.dma_semaphore, #tpu.memory_space<semaphore_mem>>)
    %dma_wait3A_326 = arith.constant 2 : i32
    %dma_wait3A_327 = arith.constant 0 : i32
    %dma_wait3A_328 = tpu.memref_slice %arg10[%dma_wait3A_326, %dma_wait3A_327] : memref<10x1024xi32, #tpu.memory_space<vmem>> -> memref<1x1024xi32, #tpu.memory_space<vmem>>
    %dma_wait3A_329 = tpu.memref_squeeze %dma_wait3A_328 : memref<1x1024xi32, #tpu.memory_space<vmem>> -> memref<1024xi32, #tpu.memory_space<vmem>>
    %dma_wait3A_330 = arith.constant 0 : i32
    %dma_wait3A_331 = arith.constant 0 : i32
    %dma_wait3A_332 = tpu.memref_slice %arg2[%dma_wait3A_330, %dma_wait3A_331] : memref<80000x16xf32, #tpu.memory_space<hbm>> -> memref<80000x16xf32, #tpu.memory_space<hbm>>
    tpu.wait_indirect_dma semaphore(%arg18 : memref<!tpu.dma_semaphore, #tpu.memory_space<semaphore_mem>>) src(%dma_wait3A_332 : memref<80000x16xf32, #tpu.memory_space<hbm>>) dst(%arg13 : memref<1024x16xf32, #tpu.memory_space<vmem>>)
    %run_scoped3A_333 = arith.constant 2 : i32
    "tpu.region"() ({
      %run_scoped3A_915 = tpu.sem_alloc : memref<!tpu.dma_semaphore, #tpu.memory_space<semaphore_mem>>
      %dma_start3A_916 = arith.constant 0 : i32
      %dma_start3A_917 = tpu.memref_slice %arg12[%run_scoped3A_333, %dma_start3A_916] : memref<10x1024xi32, #tpu.memory_space<vmem>> -> memref<1x1024xi32, #tpu.memory_space<vmem>>
      %dma_start3A_918 = tpu.memref_squeeze %dma_start3A_917 : memref<1x1024xi32, #tpu.memory_space<vmem>> -> memref<1024xi32, #tpu.memory_space<vmem>>
      %dma_start3A_919 = arith.constant 0 : i32
      %dma_start3A_920 = arith.constant 0 : i32
      %dma_start3A_921 = tpu.memref_slice %arg16[%dma_start3A_919, %dma_start3A_920] : memref<40080x16xf32, #tpu.memory_space<vmem_shared>> -> memref<40080x16xf32, #tpu.memory_space<vmem_shared>>
      tpu.enqueue_indirect_dma source(%arg13 : memref<1024x16xf32, #tpu.memory_space<vmem>>) target(%dma_start3A_921 : memref<40080x16xf32, #tpu.memory_space<vmem_shared>>) offsets(%dma_start3A_918 : memref<1024xi32, #tpu.memory_space<vmem>>) semaphore(%run_scoped3A_915 : memref<!tpu.dma_semaphore, #tpu.memory_space<semaphore_mem>>) {add = true}
      %dma_wait3A_922 = arith.constant 0 : i32
      %dma_wait3A_923 = tpu.memref_slice %arg12[%run_scoped3A_333, %dma_wait3A_922] : memref<10x1024xi32, #tpu.memory_space<vmem>> -> memref<1x1024xi32, #tpu.memory_space<vmem>>
      %dma_wait3A_924 = tpu.memref_squeeze %dma_wait3A_923 : memref<1x1024xi32, #tpu.memory_space<vmem>> -> memref<1024xi32, #tpu.memory_space<vmem>>
      %dma_wait3A_925 = arith.constant 0 : i32
      %dma_wait3A_926 = arith.constant 0 : i32
      %dma_wait3A_927 = tpu.memref_slice %arg16[%dma_wait3A_925, %dma_wait3A_926] : memref<40080x16xf32, #tpu.memory_space<vmem_shared>> -> memref<40080x16xf32, #tpu.memory_space<vmem_shared>>
      tpu.wait_indirect_dma semaphore(%run_scoped3A_915 : memref<!tpu.dma_semaphore, #tpu.memory_space<semaphore_mem>>) src(%arg13 : memref<1024x16xf32, #tpu.memory_space<vmem>>) dst(%dma_wait3A_927 : memref<40080x16xf32, #tpu.memory_space<vmem_shared>>)
      tpu.yield
    }) : () -> ()
    %dma_start3A_334 = arith.constant 4 : i32
    %dma_start3A_335 = arith.constant 0 : i32
    %dma_start3A_336 = tpu.memref_slice %arg10[%dma_start3A_334, %dma_start3A_335] : memref<10x1024xi32, #tpu.memory_space<vmem>> -> memref<1x1024xi32, #tpu.memory_space<vmem>>
    %dma_start3A_337 = tpu.memref_squeeze %dma_start3A_336 : memref<1x1024xi32, #tpu.memory_space<vmem>> -> memref<1024xi32, #tpu.memory_space<vmem>>
    %dma_start3A_338 = arith.constant 0 : i32
    %dma_start3A_339 = arith.constant 0 : i32
    %dma_start3A_340 = tpu.memref_slice %arg2[%dma_start3A_338, %dma_start3A_339] : memref<80000x16xf32, #tpu.memory_space<hbm>> -> memref<80000x16xf32, #tpu.memory_space<hbm>>
    tpu.enqueue_indirect_dma source(%dma_start3A_340 : memref<80000x16xf32, #tpu.memory_space<hbm>>) target(%arg13 : memref<1024x16xf32, #tpu.memory_space<vmem>>) offsets(%dma_start3A_337 : memref<1024xi32, #tpu.memory_space<vmem>>) semaphore(%arg18 : memref<!tpu.dma_semaphore, #tpu.memory_space<semaphore_mem>>)
    %dma_wait3A_341 = arith.constant 3 : i32
    %dma_wait3A_342 = arith.constant 0 : i32
    %dma_wait3A_343 = tpu.memref_slice %arg10[%dma_wait3A_341, %dma_wait3A_342] : memref<10x1024xi32, #tpu.memory_space<vmem>> -> memref<1x1024xi32, #tpu.memory_space<vmem>>
    %dma_wait3A_344 = tpu.memref_squeeze %dma_wait3A_343 : memref<1x1024xi32, #tpu.memory_space<vmem>> -> memref<1024xi32, #tpu.memory_space<vmem>>
    %dma_wait3A_345 = arith.constant 0 : i32
    %dma_wait3A_346 = arith.constant 0 : i32
    %dma_wait3A_347 = tpu.memref_slice %arg2[%dma_wait3A_345, %dma_wait3A_346] : memref<80000x16xf32, #tpu.memory_space<hbm>> -> memref<80000x16xf32, #tpu.memory_space<hbm>>
    tpu.wait_indirect_dma semaphore(%arg19 : memref<!tpu.dma_semaphore, #tpu.memory_space<semaphore_mem>>) src(%dma_wait3A_347 : memref<80000x16xf32, #tpu.memory_space<hbm>>) dst(%arg14 : memref<1024x16xf32, #tpu.memory_space<vmem>>)
    %run_scoped3A_348 = arith.constant 3 : i32
    "tpu.region"() ({
      %run_scoped3A_915 = tpu.sem_alloc : memref<!tpu.dma_semaphore, #tpu.memory_space<semaphore_mem>>
      %dma_start3A_916 = arith.constant 0 : i32
      %dma_start3A_917 = tpu.memref_slice %arg12[%run_scoped3A_348, %dma_start3A_916] : memref<10x1024xi32, #tpu.memory_space<vmem>> -> memref<1x1024xi32, #tpu.memory_space<vmem>>
      %dma_start3A_918 = tpu.memref_squeeze %dma_start3A_917 : memref<1x1024xi32, #tpu.memory_space<vmem>> -> memref<1024xi32, #tpu.memory_space<vmem>>
      %dma_start3A_919 = arith.constant 0 : i32
      %dma_start3A_920 = arith.constant 0 : i32
      %dma_start3A_921 = tpu.memref_slice %arg16[%dma_start3A_919, %dma_start3A_920] : memref<40080x16xf32, #tpu.memory_space<vmem_shared>> -> memref<40080x16xf32, #tpu.memory_space<vmem_shared>>
      tpu.enqueue_indirect_dma source(%arg14 : memref<1024x16xf32, #tpu.memory_space<vmem>>) target(%dma_start3A_921 : memref<40080x16xf32, #tpu.memory_space<vmem_shared>>) offsets(%dma_start3A_918 : memref<1024xi32, #tpu.memory_space<vmem>>) semaphore(%run_scoped3A_915 : memref<!tpu.dma_semaphore, #tpu.memory_space<semaphore_mem>>) {add = true}
      %dma_wait3A_922 = arith.constant 0 : i32
      %dma_wait3A_923 = tpu.memref_slice %arg12[%run_scoped3A_348, %dma_wait3A_922] : memref<10x1024xi32, #tpu.memory_space<vmem>> -> memref<1x1024xi32, #tpu.memory_space<vmem>>
      %dma_wait3A_924 = tpu.memref_squeeze %dma_wait3A_923 : memref<1x1024xi32, #tpu.memory_space<vmem>> -> memref<1024xi32, #tpu.memory_space<vmem>>
      %dma_wait3A_925 = arith.constant 0 : i32
      %dma_wait3A_926 = arith.constant 0 : i32
      %dma_wait3A_927 = tpu.memref_slice %arg16[%dma_wait3A_925, %dma_wait3A_926] : memref<40080x16xf32, #tpu.memory_space<vmem_shared>> -> memref<40080x16xf32, #tpu.memory_space<vmem_shared>>
      tpu.wait_indirect_dma semaphore(%run_scoped3A_915 : memref<!tpu.dma_semaphore, #tpu.memory_space<semaphore_mem>>) src(%arg14 : memref<1024x16xf32, #tpu.memory_space<vmem>>) dst(%dma_wait3A_927 : memref<40080x16xf32, #tpu.memory_space<vmem_shared>>)
      tpu.yield
    }) : () -> ()
    %dma_start3A_349 = arith.constant 5 : i32
    %dma_start3A_350 = arith.constant 0 : i32
    %dma_start3A_351 = tpu.memref_slice %arg10[%dma_start3A_349, %dma_start3A_350] : memref<10x1024xi32, #tpu.memory_space<vmem>> -> memref<1x1024xi32, #tpu.memory_space<vmem>>
    %dma_start3A_352 = tpu.memref_squeeze %dma_start3A_351 : memref<1x1024xi32, #tpu.memory_space<vmem>> -> memref<1024xi32, #tpu.memory_space<vmem>>
    %dma_start3A_353 = arith.constant 0 : i32
    %dma_start3A_354 = arith.constant 0 : i32
    %dma_start3A_355 = tpu.memref_slice %arg2[%dma_start3A_353, %dma_start3A_354] : memref<80000x16xf32, #tpu.memory_space<hbm>> -> memref<80000x16xf32, #tpu.memory_space<hbm>>
    tpu.enqueue_indirect_dma source(%dma_start3A_355 : memref<80000x16xf32, #tpu.memory_space<hbm>>) target(%arg14 : memref<1024x16xf32, #tpu.memory_space<vmem>>) offsets(%dma_start3A_352 : memref<1024xi32, #tpu.memory_space<vmem>>) semaphore(%arg19 : memref<!tpu.dma_semaphore, #tpu.memory_space<semaphore_mem>>)
    %dma_wait3A_356 = arith.constant 4 : i32
    %dma_wait3A_357 = arith.constant 0 : i32
    %dma_wait3A_358 = tpu.memref_slice %arg10[%dma_wait3A_356, %dma_wait3A_357] : memref<10x1024xi32, #tpu.memory_space<vmem>> -> memref<1x1024xi32, #tpu.memory_space<vmem>>
    %dma_wait3A_359 = tpu.memref_squeeze %dma_wait3A_358 : memref<1x1024xi32, #tpu.memory_space<vmem>> -> memref<1024xi32, #tpu.memory_space<vmem>>
    %dma_wait3A_360 = arith.constant 0 : i32
    %dma_wait3A_361 = arith.constant 0 : i32
    %dma_wait3A_362 = tpu.memref_slice %arg2[%dma_wait3A_360, %dma_wait3A_361] : memref<80000x16xf32, #tpu.memory_space<hbm>> -> memref<80000x16xf32, #tpu.memory_space<hbm>>
    tpu.wait_indirect_dma semaphore(%arg18 : memref<!tpu.dma_semaphore, #tpu.memory_space<semaphore_mem>>) src(%dma_wait3A_362 : memref<80000x16xf32, #tpu.memory_space<hbm>>) dst(%arg13 : memref<1024x16xf32, #tpu.memory_space<vmem>>)
    %run_scoped3A_363 = arith.constant 4 : i32
    "tpu.region"() ({
      %run_scoped3A_915 = tpu.sem_alloc : memref<!tpu.dma_semaphore, #tpu.memory_space<semaphore_mem>>
      %dma_start3A_916 = arith.constant 0 : i32
      %dma_start3A_917 = tpu.memref_slice %arg12[%run_scoped3A_363, %dma_start3A_916] : memref<10x1024xi32, #tpu.memory_space<vmem>> -> memref<1x1024xi32, #tpu.memory_space<vmem>>
      %dma_start3A_918 = tpu.memref_squeeze %dma_start3A_917 : memref<1x1024xi32, #tpu.memory_space<vmem>> -> memref<1024xi32, #tpu.memory_space<vmem>>
      %dma_start3A_919 = arith.constant 0 : i32
      %dma_start3A_920 = arith.constant 0 : i32
      %dma_start3A_921 = tpu.memref_slice %arg16[%dma_start3A_919, %dma_start3A_920] : memref<40080x16xf32, #tpu.memory_space<vmem_shared>> -> memref<40080x16xf32, #tpu.memory_space<vmem_shared>>
      tpu.enqueue_indirect_dma source(%arg13 : memref<1024x16xf32, #tpu.memory_space<vmem>>) target(%dma_start3A_921 : memref<40080x16xf32, #tpu.memory_space<vmem_shared>>) offsets(%dma_start3A_918 : memref<1024xi32, #tpu.memory_space<vmem>>) semaphore(%run_scoped3A_915 : memref<!tpu.dma_semaphore, #tpu.memory_space<semaphore_mem>>) {add = true}
      %dma_wait3A_922 = arith.constant 0 : i32
      %dma_wait3A_923 = tpu.memref_slice %arg12[%run_scoped3A_363, %dma_wait3A_922] : memref<10x1024xi32, #tpu.memory_space<vmem>> -> memref<1x1024xi32, #tpu.memory_space<vmem>>
      %dma_wait3A_924 = tpu.memref_squeeze %dma_wait3A_923 : memref<1x1024xi32, #tpu.memory_space<vmem>> -> memref<1024xi32, #tpu.memory_space<vmem>>
      %dma_wait3A_925 = arith.constant 0 : i32
      %dma_wait3A_926 = arith.constant 0 : i32
      %dma_wait3A_927 = tpu.memref_slice %arg16[%dma_wait3A_925, %dma_wait3A_926] : memref<40080x16xf32, #tpu.memory_space<vmem_shared>> -> memref<40080x16xf32, #tpu.memory_space<vmem_shared>>
      tpu.wait_indirect_dma semaphore(%run_scoped3A_915 : memref<!tpu.dma_semaphore, #tpu.memory_space<semaphore_mem>>) src(%arg13 : memref<1024x16xf32, #tpu.memory_space<vmem>>) dst(%dma_wait3A_927 : memref<40080x16xf32, #tpu.memory_space<vmem_shared>>)
      tpu.yield
    }) : () -> ()
    %dma_start3A_364 = arith.constant 6 : i32
    %dma_start3A_365 = arith.constant 0 : i32
    %dma_start3A_366 = tpu.memref_slice %arg10[%dma_start3A_364, %dma_start3A_365] : memref<10x1024xi32, #tpu.memory_space<vmem>> -> memref<1x1024xi32, #tpu.memory_space<vmem>>
    %dma_start3A_367 = tpu.memref_squeeze %dma_start3A_366 : memref<1x1024xi32, #tpu.memory_space<vmem>> -> memref<1024xi32, #tpu.memory_space<vmem>>
    %dma_start3A_368 = arith.constant 0 : i32
    %dma_start3A_369 = arith.constant 0 : i32
    %dma_start3A_370 = tpu.memref_slice %arg2[%dma_start3A_368, %dma_start3A_369] : memref<80000x16xf32, #tpu.memory_space<hbm>> -> memref<80000x16xf32, #tpu.memory_space<hbm>>
    tpu.enqueue_indirect_dma source(%dma_start3A_370 : memref<80000x16xf32, #tpu.memory_space<hbm>>) target(%arg13 : memref<1024x16xf32, #tpu.memory_space<vmem>>) offsets(%dma_start3A_367 : memref<1024xi32, #tpu.memory_space<vmem>>) semaphore(%arg18 : memref<!tpu.dma_semaphore, #tpu.memory_space<semaphore_mem>>)
    %dma_wait3A_371 = arith.constant 5 : i32
    %dma_wait3A_372 = arith.constant 0 : i32
    %dma_wait3A_373 = tpu.memref_slice %arg10[%dma_wait3A_371, %dma_wait3A_372] : memref<10x1024xi32, #tpu.memory_space<vmem>> -> memref<1x1024xi32, #tpu.memory_space<vmem>>
    %dma_wait3A_374 = tpu.memref_squeeze %dma_wait3A_373 : memref<1x1024xi32, #tpu.memory_space<vmem>> -> memref<1024xi32, #tpu.memory_space<vmem>>
    %dma_wait3A_375 = arith.constant 0 : i32
    %dma_wait3A_376 = arith.constant 0 : i32
    %dma_wait3A_377 = tpu.memref_slice %arg2[%dma_wait3A_375, %dma_wait3A_376] : memref<80000x16xf32, #tpu.memory_space<hbm>> -> memref<80000x16xf32, #tpu.memory_space<hbm>>
    tpu.wait_indirect_dma semaphore(%arg19 : memref<!tpu.dma_semaphore, #tpu.memory_space<semaphore_mem>>) src(%dma_wait3A_377 : memref<80000x16xf32, #tpu.memory_space<hbm>>) dst(%arg14 : memref<1024x16xf32, #tpu.memory_space<vmem>>)
    %run_scoped3A_378 = arith.constant 5 : i32
    "tpu.region"() ({
      %run_scoped3A_915 = tpu.sem_alloc : memref<!tpu.dma_semaphore, #tpu.memory_space<semaphore_mem>>
      %dma_start3A_916 = arith.constant 0 : i32
      %dma_start3A_917 = tpu.memref_slice %arg12[%run_scoped3A_378, %dma_start3A_916] : memref<10x1024xi32, #tpu.memory_space<vmem>> -> memref<1x1024xi32, #tpu.memory_space<vmem>>
      %dma_start3A_918 = tpu.memref_squeeze %dma_start3A_917 : memref<1x1024xi32, #tpu.memory_space<vmem>> -> memref<1024xi32, #tpu.memory_space<vmem>>
      %dma_start3A_919 = arith.constant 0 : i32
      %dma_start3A_920 = arith.constant 0 : i32
      %dma_start3A_921 = tpu.memref_slice %arg16[%dma_start3A_919, %dma_start3A_920] : memref<40080x16xf32, #tpu.memory_space<vmem_shared>> -> memref<40080x16xf32, #tpu.memory_space<vmem_shared>>
      tpu.enqueue_indirect_dma source(%arg14 : memref<1024x16xf32, #tpu.memory_space<vmem>>) target(%dma_start3A_921 : memref<40080x16xf32, #tpu.memory_space<vmem_shared>>) offsets(%dma_start3A_918 : memref<1024xi32, #tpu.memory_space<vmem>>) semaphore(%run_scoped3A_915 : memref<!tpu.dma_semaphore, #tpu.memory_space<semaphore_mem>>) {add = true}
      %dma_wait3A_922 = arith.constant 0 : i32
      %dma_wait3A_923 = tpu.memref_slice %arg12[%run_scoped3A_378, %dma_wait3A_922] : memref<10x1024xi32, #tpu.memory_space<vmem>> -> memref<1x1024xi32, #tpu.memory_space<vmem>>
      %dma_wait3A_924 = tpu.memref_squeeze %dma_wait3A_923 : memref<1x1024xi32, #tpu.memory_space<vmem>> -> memref<1024xi32, #tpu.memory_space<vmem>>
      %dma_wait3A_925 = arith.constant 0 : i32
      %dma_wait3A_926 = arith.constant 0 : i32
      %dma_wait3A_927 = tpu.memref_slice %arg16[%dma_wait3A_925, %dma_wait3A_926] : memref<40080x16xf32, #tpu.memory_space<vmem_shared>> -> memref<40080x16xf32, #tpu.memory_space<vmem_shared>>
      tpu.wait_indirect_dma semaphore(%run_scoped3A_915 : memref<!tpu.dma_semaphore, #tpu.memory_space<semaphore_mem>>) src(%arg14 : memref<1024x16xf32, #tpu.memory_space<vmem>>) dst(%dma_wait3A_927 : memref<40080x16xf32, #tpu.memory_space<vmem_shared>>)
      tpu.yield
    }) : () -> ()
    %dma_start3A_379 = arith.constant 7 : i32
    %dma_start3A_380 = arith.constant 0 : i32
    %dma_start3A_381 = tpu.memref_slice %arg10[%dma_start3A_379, %dma_start3A_380] : memref<10x1024xi32, #tpu.memory_space<vmem>> -> memref<1x1024xi32, #tpu.memory_space<vmem>>
    %dma_start3A_382 = tpu.memref_squeeze %dma_start3A_381 : memref<1x1024xi32, #tpu.memory_space<vmem>> -> memref<1024xi32, #tpu.memory_space<vmem>>
    %dma_start3A_383 = arith.constant 0 : i32
    %dma_start3A_384 = arith.constant 0 : i32
    %dma_start3A_385 = tpu.memref_slice %arg2[%dma_start3A_383, %dma_start3A_384] : memref<80000x16xf32, #tpu.memory_space<hbm>> -> memref<80000x16xf32, #tpu.memory_space<hbm>>
    tpu.enqueue_indirect_dma source(%dma_start3A_385 : memref<80000x16xf32, #tpu.memory_space<hbm>>) target(%arg14 : memref<1024x16xf32, #tpu.memory_space<vmem>>) offsets(%dma_start3A_382 : memref<1024xi32, #tpu.memory_space<vmem>>) semaphore(%arg19 : memref<!tpu.dma_semaphore, #tpu.memory_space<semaphore_mem>>)
    %dma_wait3A_386 = arith.constant 6 : i32
    %dma_wait3A_387 = arith.constant 0 : i32
    %dma_wait3A_388 = tpu.memref_slice %arg10[%dma_wait3A_386, %dma_wait3A_387] : memref<10x1024xi32, #tpu.memory_space<vmem>> -> memref<1x1024xi32, #tpu.memory_space<vmem>>
    %dma_wait3A_389 = tpu.memref_squeeze %dma_wait3A_388 : memref<1x1024xi32, #tpu.memory_space<vmem>> -> memref<1024xi32, #tpu.memory_space<vmem>>
    %dma_wait3A_390 = arith.constant 0 : i32
    %dma_wait3A_391 = arith.constant 0 : i32
    %dma_wait3A_392 = tpu.memref_slice %arg2[%dma_wait3A_390, %dma_wait3A_391] : memref<80000x16xf32, #tpu.memory_space<hbm>> -> memref<80000x16xf32, #tpu.memory_space<hbm>>
    tpu.wait_indirect_dma semaphore(%arg18 : memref<!tpu.dma_semaphore, #tpu.memory_space<semaphore_mem>>) src(%dma_wait3A_392 : memref<80000x16xf32, #tpu.memory_space<hbm>>) dst(%arg13 : memref<1024x16xf32, #tpu.memory_space<vmem>>)
    %run_scoped3A_393 = arith.constant 6 : i32
    "tpu.region"() ({
      %run_scoped3A_915 = tpu.sem_alloc : memref<!tpu.dma_semaphore, #tpu.memory_space<semaphore_mem>>
      %dma_start3A_916 = arith.constant 0 : i32
      %dma_start3A_917 = tpu.memref_slice %arg12[%run_scoped3A_393, %dma_start3A_916] : memref<10x1024xi32, #tpu.memory_space<vmem>> -> memref<1x1024xi32, #tpu.memory_space<vmem>>
      %dma_start3A_918 = tpu.memref_squeeze %dma_start3A_917 : memref<1x1024xi32, #tpu.memory_space<vmem>> -> memref<1024xi32, #tpu.memory_space<vmem>>
      %dma_start3A_919 = arith.constant 0 : i32
      %dma_start3A_920 = arith.constant 0 : i32
      %dma_start3A_921 = tpu.memref_slice %arg16[%dma_start3A_919, %dma_start3A_920] : memref<40080x16xf32, #tpu.memory_space<vmem_shared>> -> memref<40080x16xf32, #tpu.memory_space<vmem_shared>>
      tpu.enqueue_indirect_dma source(%arg13 : memref<1024x16xf32, #tpu.memory_space<vmem>>) target(%dma_start3A_921 : memref<40080x16xf32, #tpu.memory_space<vmem_shared>>) offsets(%dma_start3A_918 : memref<1024xi32, #tpu.memory_space<vmem>>) semaphore(%run_scoped3A_915 : memref<!tpu.dma_semaphore, #tpu.memory_space<semaphore_mem>>) {add = true}
      %dma_wait3A_922 = arith.constant 0 : i32
      %dma_wait3A_923 = tpu.memref_slice %arg12[%run_scoped3A_393, %dma_wait3A_922] : memref<10x1024xi32, #tpu.memory_space<vmem>> -> memref<1x1024xi32, #tpu.memory_space<vmem>>
      %dma_wait3A_924 = tpu.memref_squeeze %dma_wait3A_923 : memref<1x1024xi32, #tpu.memory_space<vmem>> -> memref<1024xi32, #tpu.memory_space<vmem>>
      %dma_wait3A_925 = arith.constant 0 : i32
      %dma_wait3A_926 = arith.constant 0 : i32
      %dma_wait3A_927 = tpu.memref_slice %arg16[%dma_wait3A_925, %dma_wait3A_926] : memref<40080x16xf32, #tpu.memory_space<vmem_shared>> -> memref<40080x16xf32, #tpu.memory_space<vmem_shared>>
      tpu.wait_indirect_dma semaphore(%run_scoped3A_915 : memref<!tpu.dma_semaphore, #tpu.memory_space<semaphore_mem>>) src(%arg13 : memref<1024x16xf32, #tpu.memory_space<vmem>>) dst(%dma_wait3A_927 : memref<40080x16xf32, #tpu.memory_space<vmem_shared>>)
      tpu.yield
    }) : () -> ()
    %dma_start3A_394 = arith.constant 8 : i32
    %dma_start3A_395 = arith.constant 0 : i32
    %dma_start3A_396 = tpu.memref_slice %arg10[%dma_start3A_394, %dma_start3A_395] : memref<10x1024xi32, #tpu.memory_space<vmem>> -> memref<1x1024xi32, #tpu.memory_space<vmem>>
    %dma_start3A_397 = tpu.memref_squeeze %dma_start3A_396 : memref<1x1024xi32, #tpu.memory_space<vmem>> -> memref<1024xi32, #tpu.memory_space<vmem>>
    %dma_start3A_398 = arith.constant 0 : i32
    %dma_start3A_399 = arith.constant 0 : i32
    %dma_start3A_400 = tpu.memref_slice %arg2[%dma_start3A_398, %dma_start3A_399] : memref<80000x16xf32, #tpu.memory_space<hbm>> -> memref<80000x16xf32, #tpu.memory_space<hbm>>
    tpu.enqueue_indirect_dma source(%dma_start3A_400 : memref<80000x16xf32, #tpu.memory_space<hbm>>) target(%arg13 : memref<1024x16xf32, #tpu.memory_space<vmem>>) offsets(%dma_start3A_397 : memref<1024xi32, #tpu.memory_space<vmem>>) semaphore(%arg18 : memref<!tpu.dma_semaphore, #tpu.memory_space<semaphore_mem>>)
    %dma_wait3A_401 = arith.constant 7 : i32
    %dma_wait3A_402 = arith.constant 0 : i32
    %dma_wait3A_403 = tpu.memref_slice %arg10[%dma_wait3A_401, %dma_wait3A_402] : memref<10x1024xi32, #tpu.memory_space<vmem>> -> memref<1x1024xi32, #tpu.memory_space<vmem>>
    %dma_wait3A_404 = tpu.memref_squeeze %dma_wait3A_403 : memref<1x1024xi32, #tpu.memory_space<vmem>> -> memref<1024xi32, #tpu.memory_space<vmem>>
    %dma_wait3A_405 = arith.constant 0 : i32
    %dma_wait3A_406 = arith.constant 0 : i32
    %dma_wait3A_407 = tpu.memref_slice %arg2[%dma_wait3A_405, %dma_wait3A_406] : memref<80000x16xf32, #tpu.memory_space<hbm>> -> memref<80000x16xf32, #tpu.memory_space<hbm>>
    tpu.wait_indirect_dma semaphore(%arg19 : memref<!tpu.dma_semaphore, #tpu.memory_space<semaphore_mem>>) src(%dma_wait3A_407 : memref<80000x16xf32, #tpu.memory_space<hbm>>) dst(%arg14 : memref<1024x16xf32, #tpu.memory_space<vmem>>)
    %run_scoped3A_408 = arith.constant 7 : i32
    "tpu.region"() ({
      %run_scoped3A_915 = tpu.sem_alloc : memref<!tpu.dma_semaphore, #tpu.memory_space<semaphore_mem>>
      %dma_start3A_916 = arith.constant 0 : i32
      %dma_start3A_917 = tpu.memref_slice %arg12[%run_scoped3A_408, %dma_start3A_916] : memref<10x1024xi32, #tpu.memory_space<vmem>> -> memref<1x1024xi32, #tpu.memory_space<vmem>>
      %dma_start3A_918 = tpu.memref_squeeze %dma_start3A_917 : memref<1x1024xi32, #tpu.memory_space<vmem>> -> memref<1024xi32, #tpu.memory_space<vmem>>
      %dma_start3A_919 = arith.constant 0 : i32
      %dma_start3A_920 = arith.constant 0 : i32
      %dma_start3A_921 = tpu.memref_slice %arg16[%dma_start3A_919, %dma_start3A_920] : memref<40080x16xf32, #tpu.memory_space<vmem_shared>> -> memref<40080x16xf32, #tpu.memory_space<vmem_shared>>
      tpu.enqueue_indirect_dma source(%arg14 : memref<1024x16xf32, #tpu.memory_space<vmem>>) target(%dma_start3A_921 : memref<40080x16xf32, #tpu.memory_space<vmem_shared>>) offsets(%dma_start3A_918 : memref<1024xi32, #tpu.memory_space<vmem>>) semaphore(%run_scoped3A_915 : memref<!tpu.dma_semaphore, #tpu.memory_space<semaphore_mem>>) {add = true}
      %dma_wait3A_922 = arith.constant 0 : i32
      %dma_wait3A_923 = tpu.memref_slice %arg12[%run_scoped3A_408, %dma_wait3A_922] : memref<10x1024xi32, #tpu.memory_space<vmem>> -> memref<1x1024xi32, #tpu.memory_space<vmem>>
      %dma_wait3A_924 = tpu.memref_squeeze %dma_wait3A_923 : memref<1x1024xi32, #tpu.memory_space<vmem>> -> memref<1024xi32, #tpu.memory_space<vmem>>
      %dma_wait3A_925 = arith.constant 0 : i32
      %dma_wait3A_926 = arith.constant 0 : i32
      %dma_wait3A_927 = tpu.memref_slice %arg16[%dma_wait3A_925, %dma_wait3A_926] : memref<40080x16xf32, #tpu.memory_space<vmem_shared>> -> memref<40080x16xf32, #tpu.memory_space<vmem_shared>>
      tpu.wait_indirect_dma semaphore(%run_scoped3A_915 : memref<!tpu.dma_semaphore, #tpu.memory_space<semaphore_mem>>) src(%arg14 : memref<1024x16xf32, #tpu.memory_space<vmem>>) dst(%dma_wait3A_927 : memref<40080x16xf32, #tpu.memory_space<vmem_shared>>)
      tpu.yield
    }) : () -> ()
    %dma_start3A_409 = arith.constant 9 : i32
    %dma_start3A_410 = arith.constant 0 : i32
    %dma_start3A_411 = tpu.memref_slice %arg10[%dma_start3A_409, %dma_start3A_410] : memref<10x1024xi32, #tpu.memory_space<vmem>> -> memref<1x1024xi32, #tpu.memory_space<vmem>>
    %dma_start3A_412 = tpu.memref_squeeze %dma_start3A_411 : memref<1x1024xi32, #tpu.memory_space<vmem>> -> memref<1024xi32, #tpu.memory_space<vmem>>
    %dma_start3A_413 = arith.constant 0 : i32
    %dma_start3A_414 = arith.constant 0 : i32
    %dma_start3A_415 = tpu.memref_slice %arg2[%dma_start3A_413, %dma_start3A_414] : memref<80000x16xf32, #tpu.memory_space<hbm>> -> memref<80000x16xf32, #tpu.memory_space<hbm>>
    tpu.enqueue_indirect_dma source(%dma_start3A_415 : memref<80000x16xf32, #tpu.memory_space<hbm>>) target(%arg14 : memref<1024x16xf32, #tpu.memory_space<vmem>>) offsets(%dma_start3A_412 : memref<1024xi32, #tpu.memory_space<vmem>>) semaphore(%arg19 : memref<!tpu.dma_semaphore, #tpu.memory_space<semaphore_mem>>)
    %dma_wait3A_416 = arith.constant 8 : i32
    %dma_wait3A_417 = arith.constant 0 : i32
    %dma_wait3A_418 = tpu.memref_slice %arg10[%dma_wait3A_416, %dma_wait3A_417] : memref<10x1024xi32, #tpu.memory_space<vmem>> -> memref<1x1024xi32, #tpu.memory_space<vmem>>
    %dma_wait3A_419 = tpu.memref_squeeze %dma_wait3A_418 : memref<1x1024xi32, #tpu.memory_space<vmem>> -> memref<1024xi32, #tpu.memory_space<vmem>>
    %dma_wait3A_420 = arith.constant 0 : i32
    %dma_wait3A_421 = arith.constant 0 : i32
    %dma_wait3A_422 = tpu.memref_slice %arg2[%dma_wait3A_420, %dma_wait3A_421] : memref<80000x16xf32, #tpu.memory_space<hbm>> -> memref<80000x16xf32, #tpu.memory_space<hbm>>
    tpu.wait_indirect_dma semaphore(%arg18 : memref<!tpu.dma_semaphore, #tpu.memory_space<semaphore_mem>>) src(%dma_wait3A_422 : memref<80000x16xf32, #tpu.memory_space<hbm>>) dst(%arg13 : memref<1024x16xf32, #tpu.memory_space<vmem>>)
    %run_scoped3A_423 = arith.constant 8 : i32
    "tpu.region"() ({
      %run_scoped3A_915 = tpu.sem_alloc : memref<!tpu.dma_semaphore, #tpu.memory_space<semaphore_mem>>
      %dma_start3A_916 = arith.constant 0 : i32
      %dma_start3A_917 = tpu.memref_slice %arg12[%run_scoped3A_423, %dma_start3A_916] : memref<10x1024xi32, #tpu.memory_space<vmem>> -> memref<1x1024xi32, #tpu.memory_space<vmem>>
      %dma_start3A_918 = tpu.memref_squeeze %dma_start3A_917 : memref<1x1024xi32, #tpu.memory_space<vmem>> -> memref<1024xi32, #tpu.memory_space<vmem>>
      %dma_start3A_919 = arith.constant 0 : i32
      %dma_start3A_920 = arith.constant 0 : i32
      %dma_start3A_921 = tpu.memref_slice %arg16[%dma_start3A_919, %dma_start3A_920] : memref<40080x16xf32, #tpu.memory_space<vmem_shared>> -> memref<40080x16xf32, #tpu.memory_space<vmem_shared>>
      tpu.enqueue_indirect_dma source(%arg13 : memref<1024x16xf32, #tpu.memory_space<vmem>>) target(%dma_start3A_921 : memref<40080x16xf32, #tpu.memory_space<vmem_shared>>) offsets(%dma_start3A_918 : memref<1024xi32, #tpu.memory_space<vmem>>) semaphore(%run_scoped3A_915 : memref<!tpu.dma_semaphore, #tpu.memory_space<semaphore_mem>>) {add = true}
      %dma_wait3A_922 = arith.constant 0 : i32
      %dma_wait3A_923 = tpu.memref_slice %arg12[%run_scoped3A_423, %dma_wait3A_922] : memref<10x1024xi32, #tpu.memory_space<vmem>> -> memref<1x1024xi32, #tpu.memory_space<vmem>>
      %dma_wait3A_924 = tpu.memref_squeeze %dma_wait3A_923 : memref<1x1024xi32, #tpu.memory_space<vmem>> -> memref<1024xi32, #tpu.memory_space<vmem>>
      %dma_wait3A_925 = arith.constant 0 : i32
      %dma_wait3A_926 = arith.constant 0 : i32
      %dma_wait3A_927 = tpu.memref_slice %arg16[%dma_wait3A_925, %dma_wait3A_926] : memref<40080x16xf32, #tpu.memory_space<vmem_shared>> -> memref<40080x16xf32, #tpu.memory_space<vmem_shared>>
      tpu.wait_indirect_dma semaphore(%run_scoped3A_915 : memref<!tpu.dma_semaphore, #tpu.memory_space<semaphore_mem>>) src(%arg13 : memref<1024x16xf32, #tpu.memory_space<vmem>>) dst(%dma_wait3A_927 : memref<40080x16xf32, #tpu.memory_space<vmem_shared>>)
      tpu.yield
    }) : () -> ()
    %dma_wait3A_424 = arith.constant 9 : i32
    %dma_wait3A_425 = arith.constant 0 : i32
    %dma_wait3A_426 = tpu.memref_slice %arg10[%dma_wait3A_424, %dma_wait3A_425] : memref<10x1024xi32, #tpu.memory_space<vmem>> -> memref<1x1024xi32, #tpu.memory_space<vmem>>
    %dma_wait3A_427 = tpu.memref_squeeze %dma_wait3A_426 : memref<1x1024xi32, #tpu.memory_space<vmem>> -> memref<1024xi32, #tpu.memory_space<vmem>>
    %dma_wait3A_428 = arith.constant 0 : i32
    %dma_wait3A_429 = arith.constant 0 : i32
    %dma_wait3A_430 = tpu.memref_slice %arg2[%dma_wait3A_428, %dma_wait3A_429] : memref<80000x16xf32, #tpu.memory_space<hbm>> -> memref<80000x16xf32, #tpu.memory_space<hbm>>
    tpu.wait_indirect_dma semaphore(%arg19 : memref<!tpu.dma_semaphore, #tpu.memory_space<semaphore_mem>>) src(%dma_wait3A_430 : memref<80000x16xf32, #tpu.memory_space<hbm>>) dst(%arg14 : memref<1024x16xf32, #tpu.memory_space<vmem>>)
    %run_scoped3A_431 = arith.constant 9 : i32
    "tpu.region"() ({
      %run_scoped3A_915 = tpu.sem_alloc : memref<!tpu.dma_semaphore, #tpu.memory_space<semaphore_mem>>
      %dma_start3A_916 = arith.constant 0 : i32
      %dma_start3A_917 = tpu.memref_slice %arg12[%run_scoped3A_431, %dma_start3A_916] : memref<10x1024xi32, #tpu.memory_space<vmem>> -> memref<1x1024xi32, #tpu.memory_space<vmem>>
      %dma_start3A_918 = tpu.memref_squeeze %dma_start3A_917 : memref<1x1024xi32, #tpu.memory_space<vmem>> -> memref<1024xi32, #tpu.memory_space<vmem>>
      %dma_start3A_919 = arith.constant 0 : i32
      %dma_start3A_920 = arith.constant 0 : i32
      %dma_start3A_921 = tpu.memref_slice %arg16[%dma_start3A_919, %dma_start3A_920] : memref<40080x16xf32, #tpu.memory_space<vmem_shared>> -> memref<40080x16xf32, #tpu.memory_space<vmem_shared>>
      tpu.enqueue_indirect_dma source(%arg14 : memref<1024x16xf32, #tpu.memory_space<vmem>>) target(%dma_start3A_921 : memref<40080x16xf32, #tpu.memory_space<vmem_shared>>) offsets(%dma_start3A_918 : memref<1024xi32, #tpu.memory_space<vmem>>) semaphore(%run_scoped3A_915 : memref<!tpu.dma_semaphore, #tpu.memory_space<semaphore_mem>>) {add = true}
      %dma_wait3A_922 = arith.constant 0 : i32
      %dma_wait3A_923 = tpu.memref_slice %arg12[%run_scoped3A_431, %dma_wait3A_922] : memref<10x1024xi32, #tpu.memory_space<vmem>> -> memref<1x1024xi32, #tpu.memory_space<vmem>>
      %dma_wait3A_924 = tpu.memref_squeeze %dma_wait3A_923 : memref<1x1024xi32, #tpu.memory_space<vmem>> -> memref<1024xi32, #tpu.memory_space<vmem>>
      %dma_wait3A_925 = arith.constant 0 : i32
      %dma_wait3A_926 = arith.constant 0 : i32
      %dma_wait3A_927 = tpu.memref_slice %arg16[%dma_wait3A_925, %dma_wait3A_926] : memref<40080x16xf32, #tpu.memory_space<vmem_shared>> -> memref<40080x16xf32, #tpu.memory_space<vmem_shared>>
      tpu.wait_indirect_dma semaphore(%run_scoped3A_915 : memref<!tpu.dma_semaphore, #tpu.memory_space<semaphore_mem>>) src(%arg14 : memref<1024x16xf32, #tpu.memory_space<vmem>>) dst(%dma_wait3A_927 : memref<40080x16xf32, #tpu.memory_space<vmem_shared>>)
      tpu.yield
    }) : () -> ()
    %scan3A_432 = arith.constant 0 : i32
    %scan3A_433 = arith.constant 0 : i32
    %scan3A_434 = arith.constant 0 : i32
    %scan3A_435 = arith.constant 64 : i32
    %scan3A_436 = arith.addi %scan3A_434, %scan3A_435 : i32
    %scan3A_437 = arith.constant 1 : i32
    scf.for %scan3A_915 = %scan3A_434 to %scan3A_436 step %scan3A_437  : i32 {
      %mul3A_916 = arith.constant 16 : i32
      %mul3A_917 = arith.muli %scan3A_915, %mul3A_916 : i32
      %get3A = arith.index_cast %scan3A_433 : i32 to index
      %get3A_918 = arith.index_cast %mul3A_917 : i32 to index
      %get3A_919 = tpu.vector_load %arg10[%get3A, %get3A_918] {strides = array<i32>} : memref<10x1024xi32, #tpu.memory_space<vmem>>, vector<1x16xi32>,
      %get3A_920 = vector.shape_cast %get3A_919 : vector<1x16xi32> to vector<16xi32>
      %add3A_921 = arith.constant 1 : i32
      %add3A_922 = vector.broadcast %add3A_921 : i32 to vector<16xi32>
      %add3A_923 = arith.addi %get3A_920, %add3A_922 : vector<16xi32>
      %mul3A_924 = arith.constant 16 : i32
      %mul3A_925 = arith.muli %scan3A_915, %mul3A_924 : i32
      %swap3A = arith.index_cast %scan3A_433 : i32 to index
      %swap3A_926 = arith.index_cast %mul3A_925 : i32 to index
      %swap3A_927 = tpu.vector_load %arg10[%swap3A, %swap3A_926] {strides = array<i32>} : memref<10x1024xi32, #tpu.memory_space<vmem>>, vector<1x16xi32>,
      %swap3A_928 = vector.shape_cast %swap3A_927 : vector<1x16xi32> to vector<16xi32>
      %swap3A_929 = vector.shape_cast %add3A_923 : vector<16xi32> to vector<1x16xi32>
      tpu.vector_store %arg10[%swap3A, %swap3A_926], %swap3A_929 {strides = array<i32>} : memref<10x1024xi32, #tpu.memory_space<vmem>>, vector<1x16xi32>,
    }
    %scan3A_438 = arith.constant 64 : i32
    %scan3A_439 = arith.constant 1 : i32
    %dma_start3A_440 = arith.constant 0 : i32
    %dma_start3A_441 = arith.constant 0 : i32
    %dma_start3A_442 = tpu.memref_slice %arg10[%dma_start3A_440, %dma_start3A_441] : memref<10x1024xi32, #tpu.memory_space<vmem>> -> memref<1x1024xi32, #tpu.memory_space<vmem>>
    %dma_start3A_443 = tpu.memref_squeeze %dma_start3A_442 : memref<1x1024xi32, #tpu.memory_space<vmem>> -> memref<1024xi32, #tpu.memory_space<vmem>>
    %dma_start3A_444 = arith.constant 0 : i32
    %dma_start3A_445 = arith.constant 0 : i32
    %dma_start3A_446 = tpu.memref_slice %arg2[%dma_start3A_444, %dma_start3A_445] : memref<80000x16xf32, #tpu.memory_space<hbm>> -> memref<80000x16xf32, #tpu.memory_space<hbm>>
    tpu.enqueue_indirect_dma source(%dma_start3A_446 : memref<80000x16xf32, #tpu.memory_space<hbm>>) target(%arg13 : memref<1024x16xf32, #tpu.memory_space<vmem>>) offsets(%dma_start3A_443 : memref<1024xi32, #tpu.memory_space<vmem>>) semaphore(%arg18 : memref<!tpu.dma_semaphore, #tpu.memory_space<semaphore_mem>>)
    %barrier3A_447 = arith.constant 0 : index
    tpu.barrier barrier_id(%barrier3A_447)
    %mul3A_448 = arith.constant 4 : i32
    %mul3A_449 = arith.muli %mul3A_448, %arg0 : i32
    %add3A_450 = arith.constant 1 : i32
    %add3A_451 = arith.addi %mul3A_449, %add3A_450 : i32
    %jit3A_452 = arith.constant 4 : i32
    %div3A_453 = arith.divsi %arg1, %jit3A_452 : i32
    %sign3A_454 = arith.constant 0 : i32
    %sign3A_455 = arith.cmpi sgt, %arg1, %sign3A_454 : i32
    %sign3A_456 = arith.extui %sign3A_455 : i1 to i32
    %sign3A_457 = arith.constant 0 : i32
    %sign3A_458 = arith.cmpi slt, %arg1, %sign3A_457 : i32
    %sign3A_459 = arith.extui %sign3A_458 : i1 to i32
    %sign3A_460 = arith.subi %sign3A_456, %sign3A_459 : i32
    %sign3A_461 = arith.constant 0 : i32
    %sign3A_462 = arith.cmpi sgt, %jit3A_452, %sign3A_461 : i32
    %sign3A_463 = arith.extui %sign3A_462 : i1 to i32
    %sign3A_464 = arith.constant 0 : i32
    %sign3A_465 = arith.cmpi slt, %jit3A_452, %sign3A_464 : i32
    %sign3A_466 = arith.extui %sign3A_465 : i1 to i32
    %sign3A_467 = arith.subi %sign3A_463, %sign3A_466 : i32
    %ne3A_468 = arith.cmpi ne, %sign3A_460, %sign3A_467 : i32
    %rem3A_469 = arith.remsi %arg1, %jit3A_452 : i32
    %ne3A_470 = arith.constant 0 : i32
    %ne3A_471 = arith.cmpi ne, %rem3A_469, %ne3A_470 : i32
    %and3A_472 = arith.andi %ne3A_468, %ne3A_471 : i1
    %sub3A_473 = arith.constant 1 : i32
    %sub3A_474 = arith.subi %div3A_453, %sub3A_473 : i32
    %select_n3A_475 = arith.select %and3A_472, %sub3A_474, %div3A_453 : i32
    %jit3A_476 = arith.constant 4 : i32
    %eq3A_477 = arith.constant 0 : i32
    %eq3A_478 = arith.cmpi eq, %jit3A_476, %eq3A_477 : i32
    %jit3A_479 = arith.constant 1 : i32
    %select_n3A_480 = arith.select %eq3A_478, %jit3A_479, %jit3A_476 : i32
    %rem3A_481 = arith.remsi %arg1, %select_n3A_480 : i32
    %ne3A_482 = arith.constant 0 : i32
    %ne3A_483 = arith.cmpi ne, %rem3A_481, %ne3A_482 : i32
    %lt3A_484 = arith.constant 0 : i32
    %lt3A_485 = arith.cmpi slt, %rem3A_481, %lt3A_484 : i32
    %lt3A_486 = arith.constant 0 : i32
    %lt3A_487 = arith.cmpi slt, %select_n3A_480, %lt3A_486 : i32
    %ne3A_488 = arith.xori %lt3A_485, %lt3A_487 : i1
    %and3A_489 = arith.andi %ne3A_488, %ne3A_483 : i1
    %add3A_490 = arith.addi %rem3A_481, %select_n3A_480 : i32
    %select_n3A_491 = arith.select %and3A_489, %add3A_490, %rem3A_481 : i32
    %mul3A_492 = arith.constant 2504 : i32
    %mul3A_493 = arith.muli %select_n3A_491, %mul3A_492 : i32
    %multiple_of3A_494 = tpu.assume_multiple %mul3A_493, 8 : i32
    %mul3A_495 = arith.constant 16 : i32
    %mul3A_496 = arith.muli %add3A_451, %mul3A_495 : i32
    %multiple_of3A_497 = tpu.assume_multiple %mul3A_496, 16 : i32
    "tpu.region"() ({
      %run_scoped3A_915 = tpu.sem_alloc : memref<!tpu.dma_semaphore, #tpu.memory_space<semaphore_mem>>
      %dma_start3A_916 = tpu.memref_slice %arg8[%select_n3A_475, %multiple_of3A_494, %multiple_of3A_497] : memref<4x10016x128xf32, #tpu.memory_space<hbm>> -> memref<1x2504x16xf32, #tpu.memory_space<hbm>>
      %dma_start3A_917 = tpu.memref_squeeze %dma_start3A_916 : memref<1x2504x16xf32, #tpu.memory_space<hbm>> -> memref<2504x16xf32, #tpu.memory_space<hbm>>
      %dma_start3A_918 = arith.constant 0 : i32
      %dma_start3A_919 = tpu.memref_slice %arg16[%multiple_of3A, %dma_start3A_918] : memref<40080x16xf32, #tpu.memory_space<vmem_shared>> -> memref<2504x16xf32, #tpu.memory_space<vmem_shared>>
      tpu.enqueue_dma source(%dma_start3A_919 : memref<2504x16xf32, #tpu.memory_space<vmem_shared>>) target(%dma_start3A_917 : memref<2504x16xf32, #tpu.memory_space<hbm>>) target_semaphore(%run_scoped3A_915 : memref<!tpu.dma_semaphore, #tpu.memory_space<semaphore_mem>>)
      %dma_wait3A_920 = tpu.memref_slice %arg8[%select_n3A_475, %multiple_of3A_494, %multiple_of3A_497] : memref<4x10016x128xf32, #tpu.memory_space<hbm>> -> memref<1x2504x16xf32, #tpu.memory_space<hbm>>
      %dma_wait3A_921 = tpu.memref_squeeze %dma_wait3A_920 : memref<1x2504x16xf32, #tpu.memory_space<hbm>> -> memref<2504x16xf32, #tpu.memory_space<hbm>>
      %dma_wait3A_922 = arith.constant 0 : i32
      %dma_wait3A_923 = tpu.memref_slice %arg16[%multiple_of3A, %dma_wait3A_922] : memref<40080x16xf32, #tpu.memory_space<vmem_shared>> -> memref<2504x16xf32, #tpu.memory_space<vmem_shared>>
      tpu.wait_dma2 semaphore(%run_scoped3A_915 : memref<!tpu.dma_semaphore, #tpu.memory_space<semaphore_mem>>) src(%dma_wait3A_923 : memref<2504x16xf32, #tpu.memory_space<vmem_shared>>) dst(%dma_wait3A_921 : memref<2504x16xf32, #tpu.memory_space<hbm>>)
      tpu.yield
    }) : () -> ()
    "tpu.region"() ({
      %run_scoped3A_915 = tpu.sem_alloc : memref<!tpu.dma_semaphore, #tpu.memory_space<semaphore_mem>>
      %dma_start3A_916 = arith.constant 0 : i32
      %dma_start3A_917 = tpu.memref_slice %arg16[%multiple_of3A, %dma_start3A_916] : memref<40080x16xf32, #tpu.memory_space<vmem_shared>> -> memref<2504x16xf32, #tpu.memory_space<vmem_shared>>
      tpu.enqueue_dma source(%arg6 : memref<2504x16xf32, #tpu.memory_space<hbm>>) target(%dma_start3A_917 : memref<2504x16xf32, #tpu.memory_space<vmem_shared>>) target_semaphore(%run_scoped3A_915 : memref<!tpu.dma_semaphore, #tpu.memory_space<semaphore_mem>>)
      %dma_wait3A_918 = arith.constant 0 : i32
      %dma_wait3A_919 = tpu.memref_slice %arg16[%multiple_of3A, %dma_wait3A_918] : memref<40080x16xf32, #tpu.memory_space<vmem_shared>> -> memref<2504x16xf32, #tpu.memory_space<vmem_shared>>
      tpu.wait_dma2 semaphore(%run_scoped3A_915 : memref<!tpu.dma_semaphore, #tpu.memory_space<semaphore_mem>>) src(%arg6 : memref<2504x16xf32, #tpu.memory_space<hbm>>) dst(%dma_wait3A_919 : memref<2504x16xf32, #tpu.memory_space<vmem_shared>>)
      tpu.yield
    }) : () -> ()
    %barrier3A_498 = arith.constant 0 : index
    tpu.barrier barrier_id(%barrier3A_498)
    %scan3A_499 = arith.constant 0 : i32
    %scan3A_500 = arith.constant 1 : i32
    %scan3A_501 = arith.constant 9 : i32
    %scan3A_502 = arith.addi %scan3A_500, %scan3A_501 : i32
    %scan3A_503 = arith.constant 1 : i32
    scf.for %scan3A_915 = %scan3A_500 to %scan3A_502 step %scan3A_503  : i32 {
      %scan3A_916 = arith.constant 0 : i32
      %scan3A_917 = arith.constant 64 : i32
      %scan3A_918 = arith.addi %scan3A_916, %scan3A_917 : i32
      %scan3A_919 = arith.constant 1 : i32
      scf.for %scan3A_921 = %scan3A_916 to %scan3A_918 step %scan3A_919  : i32 {
        %mul3A_922 = arith.constant 16 : i32
        %mul3A_923 = arith.muli %scan3A_921, %mul3A_922 : i32
        %get3A = arith.index_cast %scan3A_915 : i32 to index
        %get3A_924 = arith.index_cast %mul3A_923 : i32 to index
        %get3A_925 = tpu.vector_load %arg10[%get3A, %get3A_924] {strides = array<i32>} : memref<10x1024xi32, #tpu.memory_space<vmem>>, vector<1x16xi32>,
        %get3A_926 = vector.shape_cast %get3A_925 : vector<1x16xi32> to vector<16xi32>
        %add3A_927 = arith.constant 1 : i32
        %add3A_928 = vector.broadcast %add3A_927 : i32 to vector<16xi32>
        %add3A_929 = arith.addi %get3A_926, %add3A_928 : vector<16xi32>
        %mul3A_930 = arith.constant 16 : i32
        %mul3A_931 = arith.muli %scan3A_921, %mul3A_930 : i32
        %swap3A = arith.index_cast %scan3A_915 : i32 to index
        %swap3A_932 = arith.index_cast %mul3A_931 : i32 to index
        %swap3A_933 = tpu.vector_load %arg10[%swap3A, %swap3A_932] {strides = array<i32>} : memref<10x1024xi32, #tpu.memory_space<vmem>>, vector<1x16xi32>,
        %swap3A_934 = vector.shape_cast %swap3A_933 : vector<1x16xi32> to vector<16xi32>
        %swap3A_935 = vector.shape_cast %add3A_929 : vector<16xi32> to vector<1x16xi32>
        tpu.vector_store %arg10[%swap3A, %swap3A_932], %swap3A_935 {strides = array<i32>} : memref<10x1024xi32, #tpu.memory_space<vmem>>, vector<1x16xi32>,
      }
      %scan3A_920 = arith.constant 64 : i32
    }
    %scan3A_504 = arith.constant 9 : i32
    %dma_start3A_505 = arith.constant 1 : i32
    %dma_start3A_506 = arith.constant 0 : i32
    %dma_start3A_507 = tpu.memref_slice %arg10[%dma_start3A_505, %dma_start3A_506] : memref<10x1024xi32, #tpu.memory_space<vmem>> -> memref<1x1024xi32, #tpu.memory_space<vmem>>
    %dma_start3A_508 = tpu.memref_squeeze %dma_start3A_507 : memref<1x1024xi32, #tpu.memory_space<vmem>> -> memref<1024xi32, #tpu.memory_space<vmem>>
    %dma_start3A_509 = arith.constant 0 : i32
    %dma_start3A_510 = arith.constant 0 : i32
    %dma_start3A_511 = tpu.memref_slice %arg2[%dma_start3A_509, %dma_start3A_510] : memref<80000x16xf32, #tpu.memory_space<hbm>> -> memref<80000x16xf32, #tpu.memory_space<hbm>>
    tpu.enqueue_indirect_dma source(%dma_start3A_511 : memref<80000x16xf32, #tpu.memory_space<hbm>>) target(%arg14 : memref<1024x16xf32, #tpu.memory_space<vmem>>) offsets(%dma_start3A_508 : memref<1024xi32, #tpu.memory_space<vmem>>) semaphore(%arg19 : memref<!tpu.dma_semaphore, #tpu.memory_space<semaphore_mem>>)
    %dma_wait3A_512 = arith.constant 0 : i32
    %dma_wait3A_513 = arith.constant 0 : i32
    %dma_wait3A_514 = tpu.memref_slice %arg10[%dma_wait3A_512, %dma_wait3A_513] : memref<10x1024xi32, #tpu.memory_space<vmem>> -> memref<1x1024xi32, #tpu.memory_space<vmem>>
    %dma_wait3A_515 = tpu.memref_squeeze %dma_wait3A_514 : memref<1x1024xi32, #tpu.memory_space<vmem>> -> memref<1024xi32, #tpu.memory_space<vmem>>
    %dma_wait3A_516 = arith.constant 0 : i32
    %dma_wait3A_517 = arith.constant 0 : i32
    %dma_wait3A_518 = tpu.memref_slice %arg2[%dma_wait3A_516, %dma_wait3A_517] : memref<80000x16xf32, #tpu.memory_space<hbm>> -> memref<80000x16xf32, #tpu.memory_space<hbm>>
    tpu.wait_indirect_dma semaphore(%arg18 : memref<!tpu.dma_semaphore, #tpu.memory_space<semaphore_mem>>) src(%dma_wait3A_518 : memref<80000x16xf32, #tpu.memory_space<hbm>>) dst(%arg13 : memref<1024x16xf32, #tpu.memory_space<vmem>>)
    %run_scoped3A_519 = arith.constant 0 : i32
    "tpu.region"() ({
      %run_scoped3A_915 = tpu.sem_alloc : memref<!tpu.dma_semaphore, #tpu.memory_space<semaphore_mem>>
      %dma_start3A_916 = arith.constant 0 : i32
      %dma_start3A_917 = tpu.memref_slice %arg12[%run_scoped3A_519, %dma_start3A_916] : memref<10x1024xi32, #tpu.memory_space<vmem>> -> memref<1x1024xi32, #tpu.memory_space<vmem>>
      %dma_start3A_918 = tpu.memref_squeeze %dma_start3A_917 : memref<1x1024xi32, #tpu.memory_space<vmem>> -> memref<1024xi32, #tpu.memory_space<vmem>>
      %dma_start3A_919 = arith.constant 0 : i32
      %dma_start3A_920 = arith.constant 0 : i32
      %dma_start3A_921 = tpu.memref_slice %arg16[%dma_start3A_919, %dma_start3A_920] : memref<40080x16xf32, #tpu.memory_space<vmem_shared>> -> memref<40080x16xf32, #tpu.memory_space<vmem_shared>>
      tpu.enqueue_indirect_dma source(%arg13 : memref<1024x16xf32, #tpu.memory_space<vmem>>) target(%dma_start3A_921 : memref<40080x16xf32, #tpu.memory_space<vmem_shared>>) offsets(%dma_start3A_918 : memref<1024xi32, #tpu.memory_space<vmem>>) semaphore(%run_scoped3A_915 : memref<!tpu.dma_semaphore, #tpu.memory_space<semaphore_mem>>) {add = true}
      %dma_wait3A_922 = arith.constant 0 : i32
      %dma_wait3A_923 = tpu.memref_slice %arg12[%run_scoped3A_519, %dma_wait3A_922] : memref<10x1024xi32, #tpu.memory_space<vmem>> -> memref<1x1024xi32, #tpu.memory_space<vmem>>
      %dma_wait3A_924 = tpu.memref_squeeze %dma_wait3A_923 : memref<1x1024xi32, #tpu.memory_space<vmem>> -> memref<1024xi32, #tpu.memory_space<vmem>>
      %dma_wait3A_925 = arith.constant 0 : i32
      %dma_wait3A_926 = arith.constant 0 : i32
      %dma_wait3A_927 = tpu.memref_slice %arg16[%dma_wait3A_925, %dma_wait3A_926] : memref<40080x16xf32, #tpu.memory_space<vmem_shared>> -> memref<40080x16xf32, #tpu.memory_space<vmem_shared>>
      tpu.wait_indirect_dma semaphore(%run_scoped3A_915 : memref<!tpu.dma_semaphore, #tpu.memory_space<semaphore_mem>>) src(%arg13 : memref<1024x16xf32, #tpu.memory_space<vmem>>) dst(%dma_wait3A_927 : memref<40080x16xf32, #tpu.memory_space<vmem_shared>>)
      tpu.yield
    }) : () -> ()
    %dma_start3A_520 = arith.constant 2 : i32
    %dma_start3A_521 = arith.constant 0 : i32
    %dma_start3A_522 = tpu.memref_slice %arg10[%dma_start3A_520, %dma_start3A_521] : memref<10x1024xi32, #tpu.memory_space<vmem>> -> memref<1x1024xi32, #tpu.memory_space<vmem>>
    %dma_start3A_523 = tpu.memref_squeeze %dma_start3A_522 : memref<1x1024xi32, #tpu.memory_space<vmem>> -> memref<1024xi32, #tpu.memory_space<vmem>>
    %dma_start3A_524 = arith.constant 0 : i32
    %dma_start3A_525 = arith.constant 0 : i32
    %dma_start3A_526 = tpu.memref_slice %arg2[%dma_start3A_524, %dma_start3A_525] : memref<80000x16xf32, #tpu.memory_space<hbm>> -> memref<80000x16xf32, #tpu.memory_space<hbm>>
    tpu.enqueue_indirect_dma source(%dma_start3A_526 : memref<80000x16xf32, #tpu.memory_space<hbm>>) target(%arg13 : memref<1024x16xf32, #tpu.memory_space<vmem>>) offsets(%dma_start3A_523 : memref<1024xi32, #tpu.memory_space<vmem>>) semaphore(%arg18 : memref<!tpu.dma_semaphore, #tpu.memory_space<semaphore_mem>>)
    %dma_wait3A_527 = arith.constant 1 : i32
    %dma_wait3A_528 = arith.constant 0 : i32
    %dma_wait3A_529 = tpu.memref_slice %arg10[%dma_wait3A_527, %dma_wait3A_528] : memref<10x1024xi32, #tpu.memory_space<vmem>> -> memref<1x1024xi32, #tpu.memory_space<vmem>>
    %dma_wait3A_530 = tpu.memref_squeeze %dma_wait3A_529 : memref<1x1024xi32, #tpu.memory_space<vmem>> -> memref<1024xi32, #tpu.memory_space<vmem>>
    %dma_wait3A_531 = arith.constant 0 : i32
    %dma_wait3A_532 = arith.constant 0 : i32
    %dma_wait3A_533 = tpu.memref_slice %arg2[%dma_wait3A_531, %dma_wait3A_532] : memref<80000x16xf32, #tpu.memory_space<hbm>> -> memref<80000x16xf32, #tpu.memory_space<hbm>>
    tpu.wait_indirect_dma semaphore(%arg19 : memref<!tpu.dma_semaphore, #tpu.memory_space<semaphore_mem>>) src(%dma_wait3A_533 : memref<80000x16xf32, #tpu.memory_space<hbm>>) dst(%arg14 : memref<1024x16xf32, #tpu.memory_space<vmem>>)
    %run_scoped3A_534 = arith.constant 1 : i32
    "tpu.region"() ({
      %run_scoped3A_915 = tpu.sem_alloc : memref<!tpu.dma_semaphore, #tpu.memory_space<semaphore_mem>>
      %dma_start3A_916 = arith.constant 0 : i32
      %dma_start3A_917 = tpu.memref_slice %arg12[%run_scoped3A_534, %dma_start3A_916] : memref<10x1024xi32, #tpu.memory_space<vmem>> -> memref<1x1024xi32, #tpu.memory_space<vmem>>
      %dma_start3A_918 = tpu.memref_squeeze %dma_start3A_917 : memref<1x1024xi32, #tpu.memory_space<vmem>> -> memref<1024xi32, #tpu.memory_space<vmem>>
      %dma_start3A_919 = arith.constant 0 : i32
      %dma_start3A_920 = arith.constant 0 : i32
      %dma_start3A_921 = tpu.memref_slice %arg16[%dma_start3A_919, %dma_start3A_920] : memref<40080x16xf32, #tpu.memory_space<vmem_shared>> -> memref<40080x16xf32, #tpu.memory_space<vmem_shared>>
      tpu.enqueue_indirect_dma source(%arg14 : memref<1024x16xf32, #tpu.memory_space<vmem>>) target(%dma_start3A_921 : memref<40080x16xf32, #tpu.memory_space<vmem_shared>>) offsets(%dma_start3A_918 : memref<1024xi32, #tpu.memory_space<vmem>>) semaphore(%run_scoped3A_915 : memref<!tpu.dma_semaphore, #tpu.memory_space<semaphore_mem>>) {add = true}
      %dma_wait3A_922 = arith.constant 0 : i32
      %dma_wait3A_923 = tpu.memref_slice %arg12[%run_scoped3A_534, %dma_wait3A_922] : memref<10x1024xi32, #tpu.memory_space<vmem>> -> memref<1x1024xi32, #tpu.memory_space<vmem>>
      %dma_wait3A_924 = tpu.memref_squeeze %dma_wait3A_923 : memref<1x1024xi32, #tpu.memory_space<vmem>> -> memref<1024xi32, #tpu.memory_space<vmem>>
      %dma_wait3A_925 = arith.constant 0 : i32
      %dma_wait3A_926 = arith.constant 0 : i32
      %dma_wait3A_927 = tpu.memref_slice %arg16[%dma_wait3A_925, %dma_wait3A_926] : memref<40080x16xf32, #tpu.memory_space<vmem_shared>> -> memref<40080x16xf32, #tpu.memory_space<vmem_shared>>
      tpu.wait_indirect_dma semaphore(%run_scoped3A_915 : memref<!tpu.dma_semaphore, #tpu.memory_space<semaphore_mem>>) src(%arg14 : memref<1024x16xf32, #tpu.memory_space<vmem>>) dst(%dma_wait3A_927 : memref<40080x16xf32, #tpu.memory_space<vmem_shared>>)
      tpu.yield
    }) : () -> ()
    %dma_start3A_535 = arith.constant 3 : i32
    %dma_start3A_536 = arith.constant 0 : i32
    %dma_start3A_537 = tpu.memref_slice %arg10[%dma_start3A_535, %dma_start3A_536] : memref<10x1024xi32, #tpu.memory_space<vmem>> -> memref<1x1024xi32, #tpu.memory_space<vmem>>
    %dma_start3A_538 = tpu.memref_squeeze %dma_start3A_537 : memref<1x1024xi32, #tpu.memory_space<vmem>> -> memref<1024xi32, #tpu.memory_space<vmem>>
    %dma_start3A_539 = arith.constant 0 : i32
    %dma_start3A_540 = arith.constant 0 : i32
    %dma_start3A_541 = tpu.memref_slice %arg2[%dma_start3A_539, %dma_start3A_540] : memref<80000x16xf32, #tpu.memory_space<hbm>> -> memref<80000x16xf32, #tpu.memory_space<hbm>>
    tpu.enqueue_indirect_dma source(%dma_start3A_541 : memref<80000x16xf32, #tpu.memory_space<hbm>>) target(%arg14 : memref<1024x16xf32, #tpu.memory_space<vmem>>) offsets(%dma_start3A_538 : memref<1024xi32, #tpu.memory_space<vmem>>) semaphore(%arg19 : memref<!tpu.dma_semaphore, #tpu.memory_space<semaphore_mem>>)
    %dma_wait3A_542 = arith.constant 2 : i32
    %dma_wait3A_543 = arith.constant 0 : i32
    %dma_wait3A_544 = tpu.memref_slice %arg10[%dma_wait3A_542, %dma_wait3A_543] : memref<10x1024xi32, #tpu.memory_space<vmem>> -> memref<1x1024xi32, #tpu.memory_space<vmem>>
    %dma_wait3A_545 = tpu.memref_squeeze %dma_wait3A_544 : memref<1x1024xi32, #tpu.memory_space<vmem>> -> memref<1024xi32, #tpu.memory_space<vmem>>
    %dma_wait3A_546 = arith.constant 0 : i32
    %dma_wait3A_547 = arith.constant 0 : i32
    %dma_wait3A_548 = tpu.memref_slice %arg2[%dma_wait3A_546, %dma_wait3A_547] : memref<80000x16xf32, #tpu.memory_space<hbm>> -> memref<80000x16xf32, #tpu.memory_space<hbm>>
    tpu.wait_indirect_dma semaphore(%arg18 : memref<!tpu.dma_semaphore, #tpu.memory_space<semaphore_mem>>) src(%dma_wait3A_548 : memref<80000x16xf32, #tpu.memory_space<hbm>>) dst(%arg13 : memref<1024x16xf32, #tpu.memory_space<vmem>>)
    %run_scoped3A_549 = arith.constant 2 : i32
    "tpu.region"() ({
      %run_scoped3A_915 = tpu.sem_alloc : memref<!tpu.dma_semaphore, #tpu.memory_space<semaphore_mem>>
      %dma_start3A_916 = arith.constant 0 : i32
      %dma_start3A_917 = tpu.memref_slice %arg12[%run_scoped3A_549, %dma_start3A_916] : memref<10x1024xi32, #tpu.memory_space<vmem>> -> memref<1x1024xi32, #tpu.memory_space<vmem>>
      %dma_start3A_918 = tpu.memref_squeeze %dma_start3A_917 : memref<1x1024xi32, #tpu.memory_space<vmem>> -> memref<1024xi32, #tpu.memory_space<vmem>>
      %dma_start3A_919 = arith.constant 0 : i32
      %dma_start3A_920 = arith.constant 0 : i32
      %dma_start3A_921 = tpu.memref_slice %arg16[%dma_start3A_919, %dma_start3A_920] : memref<40080x16xf32, #tpu.memory_space<vmem_shared>> -> memref<40080x16xf32, #tpu.memory_space<vmem_shared>>
      tpu.enqueue_indirect_dma source(%arg13 : memref<1024x16xf32, #tpu.memory_space<vmem>>) target(%dma_start3A_921 : memref<40080x16xf32, #tpu.memory_space<vmem_shared>>) offsets(%dma_start3A_918 : memref<1024xi32, #tpu.memory_space<vmem>>) semaphore(%run_scoped3A_915 : memref<!tpu.dma_semaphore, #tpu.memory_space<semaphore_mem>>) {add = true}
      %dma_wait3A_922 = arith.constant 0 : i32
      %dma_wait3A_923 = tpu.memref_slice %arg12[%run_scoped3A_549, %dma_wait3A_922] : memref<10x1024xi32, #tpu.memory_space<vmem>> -> memref<1x1024xi32, #tpu.memory_space<vmem>>
      %dma_wait3A_924 = tpu.memref_squeeze %dma_wait3A_923 : memref<1x1024xi32, #tpu.memory_space<vmem>> -> memref<1024xi32, #tpu.memory_space<vmem>>
      %dma_wait3A_925 = arith.constant 0 : i32
      %dma_wait3A_926 = arith.constant 0 : i32
      %dma_wait3A_927 = tpu.memref_slice %arg16[%dma_wait3A_925, %dma_wait3A_926] : memref<40080x16xf32, #tpu.memory_space<vmem_shared>> -> memref<40080x16xf32, #tpu.memory_space<vmem_shared>>
      tpu.wait_indirect_dma semaphore(%run_scoped3A_915 : memref<!tpu.dma_semaphore, #tpu.memory_space<semaphore_mem>>) src(%arg13 : memref<1024x16xf32, #tpu.memory_space<vmem>>) dst(%dma_wait3A_927 : memref<40080x16xf32, #tpu.memory_space<vmem_shared>>)
      tpu.yield
    }) : () -> ()
    %dma_start3A_550 = arith.constant 4 : i32
    %dma_start3A_551 = arith.constant 0 : i32
    %dma_start3A_552 = tpu.memref_slice %arg10[%dma_start3A_550, %dma_start3A_551] : memref<10x1024xi32, #tpu.memory_space<vmem>> -> memref<1x1024xi32, #tpu.memory_space<vmem>>
    %dma_start3A_553 = tpu.memref_squeeze %dma_start3A_552 : memref<1x1024xi32, #tpu.memory_space<vmem>> -> memref<1024xi32, #tpu.memory_space<vmem>>
    %dma_start3A_554 = arith.constant 0 : i32
    %dma_start3A_555 = arith.constant 0 : i32
    %dma_start3A_556 = tpu.memref_slice %arg2[%dma_start3A_554, %dma_start3A_555] : memref<80000x16xf32, #tpu.memory_space<hbm>> -> memref<80000x16xf32, #tpu.memory_space<hbm>>
    tpu.enqueue_indirect_dma source(%dma_start3A_556 : memref<80000x16xf32, #tpu.memory_space<hbm>>) target(%arg13 : memref<1024x16xf32, #tpu.memory_space<vmem>>) offsets(%dma_start3A_553 : memref<1024xi32, #tpu.memory_space<vmem>>) semaphore(%arg18 : memref<!tpu.dma_semaphore, #tpu.memory_space<semaphore_mem>>)
    %dma_wait3A_557 = arith.constant 3 : i32
    %dma_wait3A_558 = arith.constant 0 : i32
    %dma_wait3A_559 = tpu.memref_slice %arg10[%dma_wait3A_557, %dma_wait3A_558] : memref<10x1024xi32, #tpu.memory_space<vmem>> -> memref<1x1024xi32, #tpu.memory_space<vmem>>
    %dma_wait3A_560 = tpu.memref_squeeze %dma_wait3A_559 : memref<1x1024xi32, #tpu.memory_space<vmem>> -> memref<1024xi32, #tpu.memory_space<vmem>>
    %dma_wait3A_561 = arith.constant 0 : i32
    %dma_wait3A_562 = arith.constant 0 : i32
    %dma_wait3A_563 = tpu.memref_slice %arg2[%dma_wait3A_561, %dma_wait3A_562] : memref<80000x16xf32, #tpu.memory_space<hbm>> -> memref<80000x16xf32, #tpu.memory_space<hbm>>
    tpu.wait_indirect_dma semaphore(%arg19 : memref<!tpu.dma_semaphore, #tpu.memory_space<semaphore_mem>>) src(%dma_wait3A_563 : memref<80000x16xf32, #tpu.memory_space<hbm>>) dst(%arg14 : memref<1024x16xf32, #tpu.memory_space<vmem>>)
    %run_scoped3A_564 = arith.constant 3 : i32
    "tpu.region"() ({
      %run_scoped3A_915 = tpu.sem_alloc : memref<!tpu.dma_semaphore, #tpu.memory_space<semaphore_mem>>
      %dma_start3A_916 = arith.constant 0 : i32
      %dma_start3A_917 = tpu.memref_slice %arg12[%run_scoped3A_564, %dma_start3A_916] : memref<10x1024xi32, #tpu.memory_space<vmem>> -> memref<1x1024xi32, #tpu.memory_space<vmem>>
      %dma_start3A_918 = tpu.memref_squeeze %dma_start3A_917 : memref<1x1024xi32, #tpu.memory_space<vmem>> -> memref<1024xi32, #tpu.memory_space<vmem>>
      %dma_start3A_919 = arith.constant 0 : i32
      %dma_start3A_920 = arith.constant 0 : i32
      %dma_start3A_921 = tpu.memref_slice %arg16[%dma_start3A_919, %dma_start3A_920] : memref<40080x16xf32, #tpu.memory_space<vmem_shared>> -> memref<40080x16xf32, #tpu.memory_space<vmem_shared>>
      tpu.enqueue_indirect_dma source(%arg14 : memref<1024x16xf32, #tpu.memory_space<vmem>>) target(%dma_start3A_921 : memref<40080x16xf32, #tpu.memory_space<vmem_shared>>) offsets(%dma_start3A_918 : memref<1024xi32, #tpu.memory_space<vmem>>) semaphore(%run_scoped3A_915 : memref<!tpu.dma_semaphore, #tpu.memory_space<semaphore_mem>>) {add = true}
      %dma_wait3A_922 = arith.constant 0 : i32
      %dma_wait3A_923 = tpu.memref_slice %arg12[%run_scoped3A_564, %dma_wait3A_922] : memref<10x1024xi32, #tpu.memory_space<vmem>> -> memref<1x1024xi32, #tpu.memory_space<vmem>>
      %dma_wait3A_924 = tpu.memref_squeeze %dma_wait3A_923 : memref<1x1024xi32, #tpu.memory_space<vmem>> -> memref<1024xi32, #tpu.memory_space<vmem>>
      %dma_wait3A_925 = arith.constant 0 : i32
      %dma_wait3A_926 = arith.constant 0 : i32
      %dma_wait3A_927 = tpu.memref_slice %arg16[%dma_wait3A_925, %dma_wait3A_926] : memref<40080x16xf32, #tpu.memory_space<vmem_shared>> -> memref<40080x16xf32, #tpu.memory_space<vmem_shared>>
      tpu.wait_indirect_dma semaphore(%run_scoped3A_915 : memref<!tpu.dma_semaphore, #tpu.memory_space<semaphore_mem>>) src(%arg14 : memref<1024x16xf32, #tpu.memory_space<vmem>>) dst(%dma_wait3A_927 : memref<40080x16xf32, #tpu.memory_space<vmem_shared>>)
      tpu.yield
    }) : () -> ()
    %dma_start3A_565 = arith.constant 5 : i32
    %dma_start3A_566 = arith.constant 0 : i32
    %dma_start3A_567 = tpu.memref_slice %arg10[%dma_start3A_565, %dma_start3A_566] : memref<10x1024xi32, #tpu.memory_space<vmem>> -> memref<1x1024xi32, #tpu.memory_space<vmem>>
    %dma_start3A_568 = tpu.memref_squeeze %dma_start3A_567 : memref<1x1024xi32, #tpu.memory_space<vmem>> -> memref<1024xi32, #tpu.memory_space<vmem>>
    %dma_start3A_569 = arith.constant 0 : i32
    %dma_start3A_570 = arith.constant 0 : i32
    %dma_start3A_571 = tpu.memref_slice %arg2[%dma_start3A_569, %dma_start3A_570] : memref<80000x16xf32, #tpu.memory_space<hbm>> -> memref<80000x16xf32, #tpu.memory_space<hbm>>
    tpu.enqueue_indirect_dma source(%dma_start3A_571 : memref<80000x16xf32, #tpu.memory_space<hbm>>) target(%arg14 : memref<1024x16xf32, #tpu.memory_space<vmem>>) offsets(%dma_start3A_568 : memref<1024xi32, #tpu.memory_space<vmem>>) semaphore(%arg19 : memref<!tpu.dma_semaphore, #tpu.memory_space<semaphore_mem>>)
    %dma_wait3A_572 = arith.constant 4 : i32
    %dma_wait3A_573 = arith.constant 0 : i32
    %dma_wait3A_574 = tpu.memref_slice %arg10[%dma_wait3A_572, %dma_wait3A_573] : memref<10x1024xi32, #tpu.memory_space<vmem>> -> memref<1x1024xi32, #tpu.memory_space<vmem>>
    %dma_wait3A_575 = tpu.memref_squeeze %dma_wait3A_574 : memref<1x1024xi32, #tpu.memory_space<vmem>> -> memref<1024xi32, #tpu.memory_space<vmem>>
    %dma_wait3A_576 = arith.constant 0 : i32
    %dma_wait3A_577 = arith.constant 0 : i32
    %dma_wait3A_578 = tpu.memref_slice %arg2[%dma_wait3A_576, %dma_wait3A_577] : memref<80000x16xf32, #tpu.memory_space<hbm>> -> memref<80000x16xf32, #tpu.memory_space<hbm>>
    tpu.wait_indirect_dma semaphore(%arg18 : memref<!tpu.dma_semaphore, #tpu.memory_space<semaphore_mem>>) src(%dma_wait3A_578 : memref<80000x16xf32, #tpu.memory_space<hbm>>) dst(%arg13 : memref<1024x16xf32, #tpu.memory_space<vmem>>)
    %run_scoped3A_579 = arith.constant 4 : i32
    "tpu.region"() ({
      %run_scoped3A_915 = tpu.sem_alloc : memref<!tpu.dma_semaphore, #tpu.memory_space<semaphore_mem>>
      %dma_start3A_916 = arith.constant 0 : i32
      %dma_start3A_917 = tpu.memref_slice %arg12[%run_scoped3A_579, %dma_start3A_916] : memref<10x1024xi32, #tpu.memory_space<vmem>> -> memref<1x1024xi32, #tpu.memory_space<vmem>>
      %dma_start3A_918 = tpu.memref_squeeze %dma_start3A_917 : memref<1x1024xi32, #tpu.memory_space<vmem>> -> memref<1024xi32, #tpu.memory_space<vmem>>
      %dma_start3A_919 = arith.constant 0 : i32
      %dma_start3A_920 = arith.constant 0 : i32
      %dma_start3A_921 = tpu.memref_slice %arg16[%dma_start3A_919, %dma_start3A_920] : memref<40080x16xf32, #tpu.memory_space<vmem_shared>> -> memref<40080x16xf32, #tpu.memory_space<vmem_shared>>
      tpu.enqueue_indirect_dma source(%arg13 : memref<1024x16xf32, #tpu.memory_space<vmem>>) target(%dma_start3A_921 : memref<40080x16xf32, #tpu.memory_space<vmem_shared>>) offsets(%dma_start3A_918 : memref<1024xi32, #tpu.memory_space<vmem>>) semaphore(%run_scoped3A_915 : memref<!tpu.dma_semaphore, #tpu.memory_space<semaphore_mem>>) {add = true}
      %dma_wait3A_922 = arith.constant 0 : i32
      %dma_wait3A_923 = tpu.memref_slice %arg12[%run_scoped3A_579, %dma_wait3A_922] : memref<10x1024xi32, #tpu.memory_space<vmem>> -> memref<1x1024xi32, #tpu.memory_space<vmem>>
      %dma_wait3A_924 = tpu.memref_squeeze %dma_wait3A_923 : memref<1x1024xi32, #tpu.memory_space<vmem>> -> memref<1024xi32, #tpu.memory_space<vmem>>
      %dma_wait3A_925 = arith.constant 0 : i32
      %dma_wait3A_926 = arith.constant 0 : i32
      %dma_wait3A_927 = tpu.memref_slice %arg16[%dma_wait3A_925, %dma_wait3A_926] : memref<40080x16xf32, #tpu.memory_space<vmem_shared>> -> memref<40080x16xf32, #tpu.memory_space<vmem_shared>>
      tpu.wait_indirect_dma semaphore(%run_scoped3A_915 : memref<!tpu.dma_semaphore, #tpu.memory_space<semaphore_mem>>) src(%arg13 : memref<1024x16xf32, #tpu.memory_space<vmem>>) dst(%dma_wait3A_927 : memref<40080x16xf32, #tpu.memory_space<vmem_shared>>)
      tpu.yield
    }) : () -> ()
    %dma_start3A_580 = arith.constant 6 : i32
    %dma_start3A_581 = arith.constant 0 : i32
    %dma_start3A_582 = tpu.memref_slice %arg10[%dma_start3A_580, %dma_start3A_581] : memref<10x1024xi32, #tpu.memory_space<vmem>> -> memref<1x1024xi32, #tpu.memory_space<vmem>>
    %dma_start3A_583 = tpu.memref_squeeze %dma_start3A_582 : memref<1x1024xi32, #tpu.memory_space<vmem>> -> memref<1024xi32, #tpu.memory_space<vmem>>
    %dma_start3A_584 = arith.constant 0 : i32
    %dma_start3A_585 = arith.constant 0 : i32
    %dma_start3A_586 = tpu.memref_slice %arg2[%dma_start3A_584, %dma_start3A_585] : memref<80000x16xf32, #tpu.memory_space<hbm>> -> memref<80000x16xf32, #tpu.memory_space<hbm>>
    tpu.enqueue_indirect_dma source(%dma_start3A_586 : memref<80000x16xf32, #tpu.memory_space<hbm>>) target(%arg13 : memref<1024x16xf32, #tpu.memory_space<vmem>>) offsets(%dma_start3A_583 : memref<1024xi32, #tpu.memory_space<vmem>>) semaphore(%arg18 : memref<!tpu.dma_semaphore, #tpu.memory_space<semaphore_mem>>)
    %dma_wait3A_587 = arith.constant 5 : i32
    %dma_wait3A_588 = arith.constant 0 : i32
    %dma_wait3A_589 = tpu.memref_slice %arg10[%dma_wait3A_587, %dma_wait3A_588] : memref<10x1024xi32, #tpu.memory_space<vmem>> -> memref<1x1024xi32, #tpu.memory_space<vmem>>
    %dma_wait3A_590 = tpu.memref_squeeze %dma_wait3A_589 : memref<1x1024xi32, #tpu.memory_space<vmem>> -> memref<1024xi32, #tpu.memory_space<vmem>>
    %dma_wait3A_591 = arith.constant 0 : i32
    %dma_wait3A_592 = arith.constant 0 : i32
    %dma_wait3A_593 = tpu.memref_slice %arg2[%dma_wait3A_591, %dma_wait3A_592] : memref<80000x16xf32, #tpu.memory_space<hbm>> -> memref<80000x16xf32, #tpu.memory_space<hbm>>
    tpu.wait_indirect_dma semaphore(%arg19 : memref<!tpu.dma_semaphore, #tpu.memory_space<semaphore_mem>>) src(%dma_wait3A_593 : memref<80000x16xf32, #tpu.memory_space<hbm>>) dst(%arg14 : memref<1024x16xf32, #tpu.memory_space<vmem>>)
    %run_scoped3A_594 = arith.constant 5 : i32
    "tpu.region"() ({
      %run_scoped3A_915 = tpu.sem_alloc : memref<!tpu.dma_semaphore, #tpu.memory_space<semaphore_mem>>
      %dma_start3A_916 = arith.constant 0 : i32
      %dma_start3A_917 = tpu.memref_slice %arg12[%run_scoped3A_594, %dma_start3A_916] : memref<10x1024xi32, #tpu.memory_space<vmem>> -> memref<1x1024xi32, #tpu.memory_space<vmem>>
      %dma_start3A_918 = tpu.memref_squeeze %dma_start3A_917 : memref<1x1024xi32, #tpu.memory_space<vmem>> -> memref<1024xi32, #tpu.memory_space<vmem>>
      %dma_start3A_919 = arith.constant 0 : i32
      %dma_start3A_920 = arith.constant 0 : i32
      %dma_start3A_921 = tpu.memref_slice %arg16[%dma_start3A_919, %dma_start3A_920] : memref<40080x16xf32, #tpu.memory_space<vmem_shared>> -> memref<40080x16xf32, #tpu.memory_space<vmem_shared>>
      tpu.enqueue_indirect_dma source(%arg14 : memref<1024x16xf32, #tpu.memory_space<vmem>>) target(%dma_start3A_921 : memref<40080x16xf32, #tpu.memory_space<vmem_shared>>) offsets(%dma_start3A_918 : memref<1024xi32, #tpu.memory_space<vmem>>) semaphore(%run_scoped3A_915 : memref<!tpu.dma_semaphore, #tpu.memory_space<semaphore_mem>>) {add = true}
      %dma_wait3A_922 = arith.constant 0 : i32
      %dma_wait3A_923 = tpu.memref_slice %arg12[%run_scoped3A_594, %dma_wait3A_922] : memref<10x1024xi32, #tpu.memory_space<vmem>> -> memref<1x1024xi32, #tpu.memory_space<vmem>>
      %dma_wait3A_924 = tpu.memref_squeeze %dma_wait3A_923 : memref<1x1024xi32, #tpu.memory_space<vmem>> -> memref<1024xi32, #tpu.memory_space<vmem>>
      %dma_wait3A_925 = arith.constant 0 : i32
      %dma_wait3A_926 = arith.constant 0 : i32
      %dma_wait3A_927 = tpu.memref_slice %arg16[%dma_wait3A_925, %dma_wait3A_926] : memref<40080x16xf32, #tpu.memory_space<vmem_shared>> -> memref<40080x16xf32, #tpu.memory_space<vmem_shared>>
      tpu.wait_indirect_dma semaphore(%run_scoped3A_915 : memref<!tpu.dma_semaphore, #tpu.memory_space<semaphore_mem>>) src(%arg14 : memref<1024x16xf32, #tpu.memory_space<vmem>>) dst(%dma_wait3A_927 : memref<40080x16xf32, #tpu.memory_space<vmem_shared>>)
      tpu.yield
    }) : () -> ()
    %dma_start3A_595 = arith.constant 7 : i32
    %dma_start3A_596 = arith.constant 0 : i32
    %dma_start3A_597 = tpu.memref_slice %arg10[%dma_start3A_595, %dma_start3A_596] : memref<10x1024xi32, #tpu.memory_space<vmem>> -> memref<1x1024xi32, #tpu.memory_space<vmem>>
    %dma_start3A_598 = tpu.memref_squeeze %dma_start3A_597 : memref<1x1024xi32, #tpu.memory_space<vmem>> -> memref<1024xi32, #tpu.memory_space<vmem>>
    %dma_start3A_599 = arith.constant 0 : i32
    %dma_start3A_600 = arith.constant 0 : i32
    %dma_start3A_601 = tpu.memref_slice %arg2[%dma_start3A_599, %dma_start3A_600] : memref<80000x16xf32, #tpu.memory_space<hbm>> -> memref<80000x16xf32, #tpu.memory_space<hbm>>
    tpu.enqueue_indirect_dma source(%dma_start3A_601 : memref<80000x16xf32, #tpu.memory_space<hbm>>) target(%arg14 : memref<1024x16xf32, #tpu.memory_space<vmem>>) offsets(%dma_start3A_598 : memref<1024xi32, #tpu.memory_space<vmem>>) semaphore(%arg19 : memref<!tpu.dma_semaphore, #tpu.memory_space<semaphore_mem>>)
    %dma_wait3A_602 = arith.constant 6 : i32
    %dma_wait3A_603 = arith.constant 0 : i32
    %dma_wait3A_604 = tpu.memref_slice %arg10[%dma_wait3A_602, %dma_wait3A_603] : memref<10x1024xi32, #tpu.memory_space<vmem>> -> memref<1x1024xi32, #tpu.memory_space<vmem>>
    %dma_wait3A_605 = tpu.memref_squeeze %dma_wait3A_604 : memref<1x1024xi32, #tpu.memory_space<vmem>> -> memref<1024xi32, #tpu.memory_space<vmem>>
    %dma_wait3A_606 = arith.constant 0 : i32
    %dma_wait3A_607 = arith.constant 0 : i32
    %dma_wait3A_608 = tpu.memref_slice %arg2[%dma_wait3A_606, %dma_wait3A_607] : memref<80000x16xf32, #tpu.memory_space<hbm>> -> memref<80000x16xf32, #tpu.memory_space<hbm>>
    tpu.wait_indirect_dma semaphore(%arg18 : memref<!tpu.dma_semaphore, #tpu.memory_space<semaphore_mem>>) src(%dma_wait3A_608 : memref<80000x16xf32, #tpu.memory_space<hbm>>) dst(%arg13 : memref<1024x16xf32, #tpu.memory_space<vmem>>)
    %run_scoped3A_609 = arith.constant 6 : i32
    "tpu.region"() ({
      %run_scoped3A_915 = tpu.sem_alloc : memref<!tpu.dma_semaphore, #tpu.memory_space<semaphore_mem>>
      %dma_start3A_916 = arith.constant 0 : i32
      %dma_start3A_917 = tpu.memref_slice %arg12[%run_scoped3A_609, %dma_start3A_916] : memref<10x1024xi32, #tpu.memory_space<vmem>> -> memref<1x1024xi32, #tpu.memory_space<vmem>>
      %dma_start3A_918 = tpu.memref_squeeze %dma_start3A_917 : memref<1x1024xi32, #tpu.memory_space<vmem>> -> memref<1024xi32, #tpu.memory_space<vmem>>
      %dma_start3A_919 = arith.constant 0 : i32
      %dma_start3A_920 = arith.constant 0 : i32
      %dma_start3A_921 = tpu.memref_slice %arg16[%dma_start3A_919, %dma_start3A_920] : memref<40080x16xf32, #tpu.memory_space<vmem_shared>> -> memref<40080x16xf32, #tpu.memory_space<vmem_shared>>
      tpu.enqueue_indirect_dma source(%arg13 : memref<1024x16xf32, #tpu.memory_space<vmem>>) target(%dma_start3A_921 : memref<40080x16xf32, #tpu.memory_space<vmem_shared>>) offsets(%dma_start3A_918 : memref<1024xi32, #tpu.memory_space<vmem>>) semaphore(%run_scoped3A_915 : memref<!tpu.dma_semaphore, #tpu.memory_space<semaphore_mem>>) {add = true}
      %dma_wait3A_922 = arith.constant 0 : i32
      %dma_wait3A_923 = tpu.memref_slice %arg12[%run_scoped3A_609, %dma_wait3A_922] : memref<10x1024xi32, #tpu.memory_space<vmem>> -> memref<1x1024xi32, #tpu.memory_space<vmem>>
      %dma_wait3A_924 = tpu.memref_squeeze %dma_wait3A_923 : memref<1x1024xi32, #tpu.memory_space<vmem>> -> memref<1024xi32, #tpu.memory_space<vmem>>
      %dma_wait3A_925 = arith.constant 0 : i32
      %dma_wait3A_926 = arith.constant 0 : i32
      %dma_wait3A_927 = tpu.memref_slice %arg16[%dma_wait3A_925, %dma_wait3A_926] : memref<40080x16xf32, #tpu.memory_space<vmem_shared>> -> memref<40080x16xf32, #tpu.memory_space<vmem_shared>>
      tpu.wait_indirect_dma semaphore(%run_scoped3A_915 : memref<!tpu.dma_semaphore, #tpu.memory_space<semaphore_mem>>) src(%arg13 : memref<1024x16xf32, #tpu.memory_space<vmem>>) dst(%dma_wait3A_927 : memref<40080x16xf32, #tpu.memory_space<vmem_shared>>)
      tpu.yield
    }) : () -> ()
    %dma_start3A_610 = arith.constant 8 : i32
    %dma_start3A_611 = arith.constant 0 : i32
    %dma_start3A_612 = tpu.memref_slice %arg10[%dma_start3A_610, %dma_start3A_611] : memref<10x1024xi32, #tpu.memory_space<vmem>> -> memref<1x1024xi32, #tpu.memory_space<vmem>>
    %dma_start3A_613 = tpu.memref_squeeze %dma_start3A_612 : memref<1x1024xi32, #tpu.memory_space<vmem>> -> memref<1024xi32, #tpu.memory_space<vmem>>
    %dma_start3A_614 = arith.constant 0 : i32
    %dma_start3A_615 = arith.constant 0 : i32
    %dma_start3A_616 = tpu.memref_slice %arg2[%dma_start3A_614, %dma_start3A_615] : memref<80000x16xf32, #tpu.memory_space<hbm>> -> memref<80000x16xf32, #tpu.memory_space<hbm>>
    tpu.enqueue_indirect_dma source(%dma_start3A_616 : memref<80000x16xf32, #tpu.memory_space<hbm>>) target(%arg13 : memref<1024x16xf32, #tpu.memory_space<vmem>>) offsets(%dma_start3A_613 : memref<1024xi32, #tpu.memory_space<vmem>>) semaphore(%arg18 : memref<!tpu.dma_semaphore, #tpu.memory_space<semaphore_mem>>)
    %dma_wait3A_617 = arith.constant 7 : i32
    %dma_wait3A_618 = arith.constant 0 : i32
    %dma_wait3A_619 = tpu.memref_slice %arg10[%dma_wait3A_617, %dma_wait3A_618] : memref<10x1024xi32, #tpu.memory_space<vmem>> -> memref<1x1024xi32, #tpu.memory_space<vmem>>
    %dma_wait3A_620 = tpu.memref_squeeze %dma_wait3A_619 : memref<1x1024xi32, #tpu.memory_space<vmem>> -> memref<1024xi32, #tpu.memory_space<vmem>>
    %dma_wait3A_621 = arith.constant 0 : i32
    %dma_wait3A_622 = arith.constant 0 : i32
    %dma_wait3A_623 = tpu.memref_slice %arg2[%dma_wait3A_621, %dma_wait3A_622] : memref<80000x16xf32, #tpu.memory_space<hbm>> -> memref<80000x16xf32, #tpu.memory_space<hbm>>
    tpu.wait_indirect_dma semaphore(%arg19 : memref<!tpu.dma_semaphore, #tpu.memory_space<semaphore_mem>>) src(%dma_wait3A_623 : memref<80000x16xf32, #tpu.memory_space<hbm>>) dst(%arg14 : memref<1024x16xf32, #tpu.memory_space<vmem>>)
    %run_scoped3A_624 = arith.constant 7 : i32
    "tpu.region"() ({
      %run_scoped3A_915 = tpu.sem_alloc : memref<!tpu.dma_semaphore, #tpu.memory_space<semaphore_mem>>
      %dma_start3A_916 = arith.constant 0 : i32
      %dma_start3A_917 = tpu.memref_slice %arg12[%run_scoped3A_624, %dma_start3A_916] : memref<10x1024xi32, #tpu.memory_space<vmem>> -> memref<1x1024xi32, #tpu.memory_space<vmem>>
      %dma_start3A_918 = tpu.memref_squeeze %dma_start3A_917 : memref<1x1024xi32, #tpu.memory_space<vmem>> -> memref<1024xi32, #tpu.memory_space<vmem>>
      %dma_start3A_919 = arith.constant 0 : i32
      %dma_start3A_920 = arith.constant 0 : i32
      %dma_start3A_921 = tpu.memref_slice %arg16[%dma_start3A_919, %dma_start3A_920] : memref<40080x16xf32, #tpu.memory_space<vmem_shared>> -> memref<40080x16xf32, #tpu.memory_space<vmem_shared>>
      tpu.enqueue_indirect_dma source(%arg14 : memref<1024x16xf32, #tpu.memory_space<vmem>>) target(%dma_start3A_921 : memref<40080x16xf32, #tpu.memory_space<vmem_shared>>) offsets(%dma_start3A_918 : memref<1024xi32, #tpu.memory_space<vmem>>) semaphore(%run_scoped3A_915 : memref<!tpu.dma_semaphore, #tpu.memory_space<semaphore_mem>>) {add = true}
      %dma_wait3A_922 = arith.constant 0 : i32
      %dma_wait3A_923 = tpu.memref_slice %arg12[%run_scoped3A_624, %dma_wait3A_922] : memref<10x1024xi32, #tpu.memory_space<vmem>> -> memref<1x1024xi32, #tpu.memory_space<vmem>>
      %dma_wait3A_924 = tpu.memref_squeeze %dma_wait3A_923 : memref<1x1024xi32, #tpu.memory_space<vmem>> -> memref<1024xi32, #tpu.memory_space<vmem>>
      %dma_wait3A_925 = arith.constant 0 : i32
      %dma_wait3A_926 = arith.constant 0 : i32
      %dma_wait3A_927 = tpu.memref_slice %arg16[%dma_wait3A_925, %dma_wait3A_926] : memref<40080x16xf32, #tpu.memory_space<vmem_shared>> -> memref<40080x16xf32, #tpu.memory_space<vmem_shared>>
      tpu.wait_indirect_dma semaphore(%run_scoped3A_915 : memref<!tpu.dma_semaphore, #tpu.memory_space<semaphore_mem>>) src(%arg14 : memref<1024x16xf32, #tpu.memory_space<vmem>>) dst(%dma_wait3A_927 : memref<40080x16xf32, #tpu.memory_space<vmem_shared>>)
      tpu.yield
    }) : () -> ()
    %dma_start3A_625 = arith.constant 9 : i32
    %dma_start3A_626 = arith.constant 0 : i32
    %dma_start3A_627 = tpu.memref_slice %arg10[%dma_start3A_625, %dma_start3A_626] : memref<10x1024xi32, #tpu.memory_space<vmem>> -> memref<1x1024xi32, #tpu.memory_space<vmem>>
    %dma_start3A_628 = tpu.memref_squeeze %dma_start3A_627 : memref<1x1024xi32, #tpu.memory_space<vmem>> -> memref<1024xi32, #tpu.memory_space<vmem>>
    %dma_start3A_629 = arith.constant 0 : i32
    %dma_start3A_630 = arith.constant 0 : i32
    %dma_start3A_631 = tpu.memref_slice %arg2[%dma_start3A_629, %dma_start3A_630] : memref<80000x16xf32, #tpu.memory_space<hbm>> -> memref<80000x16xf32, #tpu.memory_space<hbm>>
    tpu.enqueue_indirect_dma source(%dma_start3A_631 : memref<80000x16xf32, #tpu.memory_space<hbm>>) target(%arg14 : memref<1024x16xf32, #tpu.memory_space<vmem>>) offsets(%dma_start3A_628 : memref<1024xi32, #tpu.memory_space<vmem>>) semaphore(%arg19 : memref<!tpu.dma_semaphore, #tpu.memory_space<semaphore_mem>>)
    %dma_wait3A_632 = arith.constant 8 : i32
    %dma_wait3A_633 = arith.constant 0 : i32
    %dma_wait3A_634 = tpu.memref_slice %arg10[%dma_wait3A_632, %dma_wait3A_633] : memref<10x1024xi32, #tpu.memory_space<vmem>> -> memref<1x1024xi32, #tpu.memory_space<vmem>>
    %dma_wait3A_635 = tpu.memref_squeeze %dma_wait3A_634 : memref<1x1024xi32, #tpu.memory_space<vmem>> -> memref<1024xi32, #tpu.memory_space<vmem>>
    %dma_wait3A_636 = arith.constant 0 : i32
    %dma_wait3A_637 = arith.constant 0 : i32
    %dma_wait3A_638 = tpu.memref_slice %arg2[%dma_wait3A_636, %dma_wait3A_637] : memref<80000x16xf32, #tpu.memory_space<hbm>> -> memref<80000x16xf32, #tpu.memory_space<hbm>>
    tpu.wait_indirect_dma semaphore(%arg18 : memref<!tpu.dma_semaphore, #tpu.memory_space<semaphore_mem>>) src(%dma_wait3A_638 : memref<80000x16xf32, #tpu.memory_space<hbm>>) dst(%arg13 : memref<1024x16xf32, #tpu.memory_space<vmem>>)
    %run_scoped3A_639 = arith.constant 8 : i32
    "tpu.region"() ({
      %run_scoped3A_915 = tpu.sem_alloc : memref<!tpu.dma_semaphore, #tpu.memory_space<semaphore_mem>>
      %dma_start3A_916 = arith.constant 0 : i32
      %dma_start3A_917 = tpu.memref_slice %arg12[%run_scoped3A_639, %dma_start3A_916] : memref<10x1024xi32, #tpu.memory_space<vmem>> -> memref<1x1024xi32, #tpu.memory_space<vmem>>
      %dma_start3A_918 = tpu.memref_squeeze %dma_start3A_917 : memref<1x1024xi32, #tpu.memory_space<vmem>> -> memref<1024xi32, #tpu.memory_space<vmem>>
      %dma_start3A_919 = arith.constant 0 : i32
      %dma_start3A_920 = arith.constant 0 : i32
      %dma_start3A_921 = tpu.memref_slice %arg16[%dma_start3A_919, %dma_start3A_920] : memref<40080x16xf32, #tpu.memory_space<vmem_shared>> -> memref<40080x16xf32, #tpu.memory_space<vmem_shared>>
      tpu.enqueue_indirect_dma source(%arg13 : memref<1024x16xf32, #tpu.memory_space<vmem>>) target(%dma_start3A_921 : memref<40080x16xf32, #tpu.memory_space<vmem_shared>>) offsets(%dma_start3A_918 : memref<1024xi32, #tpu.memory_space<vmem>>) semaphore(%run_scoped3A_915 : memref<!tpu.dma_semaphore, #tpu.memory_space<semaphore_mem>>) {add = true}
      %dma_wait3A_922 = arith.constant 0 : i32
      %dma_wait3A_923 = tpu.memref_slice %arg12[%run_scoped3A_639, %dma_wait3A_922] : memref<10x1024xi32, #tpu.memory_space<vmem>> -> memref<1x1024xi32, #tpu.memory_space<vmem>>
      %dma_wait3A_924 = tpu.memref_squeeze %dma_wait3A_923 : memref<1x1024xi32, #tpu.memory_space<vmem>> -> memref<1024xi32, #tpu.memory_space<vmem>>
      %dma_wait3A_925 = arith.constant 0 : i32
      %dma_wait3A_926 = arith.constant 0 : i32
      %dma_wait3A_927 = tpu.memref_slice %arg16[%dma_wait3A_925, %dma_wait3A_926] : memref<40080x16xf32, #tpu.memory_space<vmem_shared>> -> memref<40080x16xf32, #tpu.memory_space<vmem_shared>>
      tpu.wait_indirect_dma semaphore(%run_scoped3A_915 : memref<!tpu.dma_semaphore, #tpu.memory_space<semaphore_mem>>) src(%arg13 : memref<1024x16xf32, #tpu.memory_space<vmem>>) dst(%dma_wait3A_927 : memref<40080x16xf32, #tpu.memory_space<vmem_shared>>)
      tpu.yield
    }) : () -> ()
    %dma_wait3A_640 = arith.constant 9 : i32
    %dma_wait3A_641 = arith.constant 0 : i32
    %dma_wait3A_642 = tpu.memref_slice %arg10[%dma_wait3A_640, %dma_wait3A_641] : memref<10x1024xi32, #tpu.memory_space<vmem>> -> memref<1x1024xi32, #tpu.memory_space<vmem>>
    %dma_wait3A_643 = tpu.memref_squeeze %dma_wait3A_642 : memref<1x1024xi32, #tpu.memory_space<vmem>> -> memref<1024xi32, #tpu.memory_space<vmem>>
    %dma_wait3A_644 = arith.constant 0 : i32
    %dma_wait3A_645 = arith.constant 0 : i32
    %dma_wait3A_646 = tpu.memref_slice %arg2[%dma_wait3A_644, %dma_wait3A_645] : memref<80000x16xf32, #tpu.memory_space<hbm>> -> memref<80000x16xf32, #tpu.memory_space<hbm>>
    tpu.wait_indirect_dma semaphore(%arg19 : memref<!tpu.dma_semaphore, #tpu.memory_space<semaphore_mem>>) src(%dma_wait3A_646 : memref<80000x16xf32, #tpu.memory_space<hbm>>) dst(%arg14 : memref<1024x16xf32, #tpu.memory_space<vmem>>)
    %run_scoped3A_647 = arith.constant 9 : i32
    "tpu.region"() ({
      %run_scoped3A_915 = tpu.sem_alloc : memref<!tpu.dma_semaphore, #tpu.memory_space<semaphore_mem>>
      %dma_start3A_916 = arith.constant 0 : i32
      %dma_start3A_917 = tpu.memref_slice %arg12[%run_scoped3A_647, %dma_start3A_916] : memref<10x1024xi32, #tpu.memory_space<vmem>> -> memref<1x1024xi32, #tpu.memory_space<vmem>>
      %dma_start3A_918 = tpu.memref_squeeze %dma_start3A_917 : memref<1x1024xi32, #tpu.memory_space<vmem>> -> memref<1024xi32, #tpu.memory_space<vmem>>
      %dma_start3A_919 = arith.constant 0 : i32
      %dma_start3A_920 = arith.constant 0 : i32
      %dma_start3A_921 = tpu.memref_slice %arg16[%dma_start3A_919, %dma_start3A_920] : memref<40080x16xf32, #tpu.memory_space<vmem_shared>> -> memref<40080x16xf32, #tpu.memory_space<vmem_shared>>
      tpu.enqueue_indirect_dma source(%arg14 : memref<1024x16xf32, #tpu.memory_space<vmem>>) target(%dma_start3A_921 : memref<40080x16xf32, #tpu.memory_space<vmem_shared>>) offsets(%dma_start3A_918 : memref<1024xi32, #tpu.memory_space<vmem>>) semaphore(%run_scoped3A_915 : memref<!tpu.dma_semaphore, #tpu.memory_space<semaphore_mem>>) {add = true}
      %dma_wait3A_922 = arith.constant 0 : i32
      %dma_wait3A_923 = tpu.memref_slice %arg12[%run_scoped3A_647, %dma_wait3A_922] : memref<10x1024xi32, #tpu.memory_space<vmem>> -> memref<1x1024xi32, #tpu.memory_space<vmem>>
      %dma_wait3A_924 = tpu.memref_squeeze %dma_wait3A_923 : memref<1x1024xi32, #tpu.memory_space<vmem>> -> memref<1024xi32, #tpu.memory_space<vmem>>
      %dma_wait3A_925 = arith.constant 0 : i32
      %dma_wait3A_926 = arith.constant 0 : i32
      %dma_wait3A_927 = tpu.memref_slice %arg16[%dma_wait3A_925, %dma_wait3A_926] : memref<40080x16xf32, #tpu.memory_space<vmem_shared>> -> memref<40080x16xf32, #tpu.memory_space<vmem_shared>>
      tpu.wait_indirect_dma semaphore(%run_scoped3A_915 : memref<!tpu.dma_semaphore, #tpu.memory_space<semaphore_mem>>) src(%arg14 : memref<1024x16xf32, #tpu.memory_space<vmem>>) dst(%dma_wait3A_927 : memref<40080x16xf32, #tpu.memory_space<vmem_shared>>)
      tpu.yield
    }) : () -> ()
    %scan3A_648 = arith.constant 0 : i32
    %scan3A_649 = arith.constant 0 : i32
    %scan3A_650 = arith.constant 0 : i32
    %scan3A_651 = arith.constant 64 : i32
    %scan3A_652 = arith.addi %scan3A_650, %scan3A_651 : i32
    %scan3A_653 = arith.constant 1 : i32
    scf.for %scan3A_915 = %scan3A_650 to %scan3A_652 step %scan3A_653  : i32 {
      %mul3A_916 = arith.constant 16 : i32
      %mul3A_917 = arith.muli %scan3A_915, %mul3A_916 : i32
      %get3A = arith.index_cast %scan3A_649 : i32 to index
      %get3A_918 = arith.index_cast %mul3A_917 : i32 to index
      %get3A_919 = tpu.vector_load %arg10[%get3A, %get3A_918] {strides = array<i32>} : memref<10x1024xi32, #tpu.memory_space<vmem>>, vector<1x16xi32>,
      %get3A_920 = vector.shape_cast %get3A_919 : vector<1x16xi32> to vector<16xi32>
      %add3A_921 = arith.constant 1 : i32
      %add3A_922 = vector.broadcast %add3A_921 : i32 to vector<16xi32>
      %add3A_923 = arith.addi %get3A_920, %add3A_922 : vector<16xi32>
      %mul3A_924 = arith.constant 16 : i32
      %mul3A_925 = arith.muli %scan3A_915, %mul3A_924 : i32
      %swap3A = arith.index_cast %scan3A_649 : i32 to index
      %swap3A_926 = arith.index_cast %mul3A_925 : i32 to index
      %swap3A_927 = tpu.vector_load %arg10[%swap3A, %swap3A_926] {strides = array<i32>} : memref<10x1024xi32, #tpu.memory_space<vmem>>, vector<1x16xi32>,
      %swap3A_928 = vector.shape_cast %swap3A_927 : vector<1x16xi32> to vector<16xi32>
      %swap3A_929 = vector.shape_cast %add3A_923 : vector<16xi32> to vector<1x16xi32>
      tpu.vector_store %arg10[%swap3A, %swap3A_926], %swap3A_929 {strides = array<i32>} : memref<10x1024xi32, #tpu.memory_space<vmem>>, vector<1x16xi32>,
    }
    %scan3A_654 = arith.constant 64 : i32
    %scan3A_655 = arith.constant 1 : i32
    %dma_start3A_656 = arith.constant 0 : i32
    %dma_start3A_657 = arith.constant 0 : i32
    %dma_start3A_658 = tpu.memref_slice %arg10[%dma_start3A_656, %dma_start3A_657] : memref<10x1024xi32, #tpu.memory_space<vmem>> -> memref<1x1024xi32, #tpu.memory_space<vmem>>
    %dma_start3A_659 = tpu.memref_squeeze %dma_start3A_658 : memref<1x1024xi32, #tpu.memory_space<vmem>> -> memref<1024xi32, #tpu.memory_space<vmem>>
    %dma_start3A_660 = arith.constant 0 : i32
    %dma_start3A_661 = arith.constant 0 : i32
    %dma_start3A_662 = tpu.memref_slice %arg2[%dma_start3A_660, %dma_start3A_661] : memref<80000x16xf32, #tpu.memory_space<hbm>> -> memref<80000x16xf32, #tpu.memory_space<hbm>>
    tpu.enqueue_indirect_dma source(%dma_start3A_662 : memref<80000x16xf32, #tpu.memory_space<hbm>>) target(%arg13 : memref<1024x16xf32, #tpu.memory_space<vmem>>) offsets(%dma_start3A_659 : memref<1024xi32, #tpu.memory_space<vmem>>) semaphore(%arg18 : memref<!tpu.dma_semaphore, #tpu.memory_space<semaphore_mem>>)
    %barrier3A_663 = arith.constant 0 : index
    tpu.barrier barrier_id(%barrier3A_663)
    %mul3A_664 = arith.constant 4 : i32
    %mul3A_665 = arith.muli %mul3A_664, %arg0 : i32
    %add3A_666 = arith.constant 2 : i32
    %add3A_667 = arith.addi %mul3A_665, %add3A_666 : i32
    %jit3A_668 = arith.constant 4 : i32
    %div3A_669 = arith.divsi %arg1, %jit3A_668 : i32
    %sign3A_670 = arith.constant 0 : i32
    %sign3A_671 = arith.cmpi sgt, %arg1, %sign3A_670 : i32
    %sign3A_672 = arith.extui %sign3A_671 : i1 to i32
    %sign3A_673 = arith.constant 0 : i32
    %sign3A_674 = arith.cmpi slt, %arg1, %sign3A_673 : i32
    %sign3A_675 = arith.extui %sign3A_674 : i1 to i32
    %sign3A_676 = arith.subi %sign3A_672, %sign3A_675 : i32
    %sign3A_677 = arith.constant 0 : i32
    %sign3A_678 = arith.cmpi sgt, %jit3A_668, %sign3A_677 : i32
    %sign3A_679 = arith.extui %sign3A_678 : i1 to i32
    %sign3A_680 = arith.constant 0 : i32
    %sign3A_681 = arith.cmpi slt, %jit3A_668, %sign3A_680 : i32
    %sign3A_682 = arith.extui %sign3A_681 : i1 to i32
    %sign3A_683 = arith.subi %sign3A_679, %sign3A_682 : i32
    %ne3A_684 = arith.cmpi ne, %sign3A_676, %sign3A_683 : i32
    %rem3A_685 = arith.remsi %arg1, %jit3A_668 : i32
    %ne3A_686 = arith.constant 0 : i32
    %ne3A_687 = arith.cmpi ne, %rem3A_685, %ne3A_686 : i32
    %and3A_688 = arith.andi %ne3A_684, %ne3A_687 : i1
    %sub3A_689 = arith.constant 1 : i32
    %sub3A_690 = arith.subi %div3A_669, %sub3A_689 : i32
    %select_n3A_691 = arith.select %and3A_688, %sub3A_690, %div3A_669 : i32
    %jit3A_692 = arith.constant 4 : i32
    %eq3A_693 = arith.constant 0 : i32
    %eq3A_694 = arith.cmpi eq, %jit3A_692, %eq3A_693 : i32
    %jit3A_695 = arith.constant 1 : i32
    %select_n3A_696 = arith.select %eq3A_694, %jit3A_695, %jit3A_692 : i32
    %rem3A_697 = arith.remsi %arg1, %select_n3A_696 : i32
    %ne3A_698 = arith.constant 0 : i32
    %ne3A_699 = arith.cmpi ne, %rem3A_697, %ne3A_698 : i32
    %lt3A_700 = arith.constant 0 : i32
    %lt3A_701 = arith.cmpi slt, %rem3A_697, %lt3A_700 : i32
    %lt3A_702 = arith.constant 0 : i32
    %lt3A_703 = arith.cmpi slt, %select_n3A_696, %lt3A_702 : i32
    %ne3A_704 = arith.xori %lt3A_701, %lt3A_703 : i1
    %and3A_705 = arith.andi %ne3A_704, %ne3A_699 : i1
    %add3A_706 = arith.addi %rem3A_697, %select_n3A_696 : i32
    %select_n3A_707 = arith.select %and3A_705, %add3A_706, %rem3A_697 : i32
    %mul3A_708 = arith.constant 2504 : i32
    %mul3A_709 = arith.muli %select_n3A_707, %mul3A_708 : i32
    %multiple_of3A_710 = tpu.assume_multiple %mul3A_709, 8 : i32
    %mul3A_711 = arith.constant 16 : i32
    %mul3A_712 = arith.muli %add3A_667, %mul3A_711 : i32
    %multiple_of3A_713 = tpu.assume_multiple %mul3A_712, 16 : i32
    "tpu.region"() ({
      %run_scoped3A_915 = tpu.sem_alloc : memref<!tpu.dma_semaphore, #tpu.memory_space<semaphore_mem>>
      %dma_start3A_916 = tpu.memref_slice %arg8[%select_n3A_691, %multiple_of3A_710, %multiple_of3A_713] : memref<4x10016x128xf32, #tpu.memory_space<hbm>> -> memref<1x2504x16xf32, #tpu.memory_space<hbm>>
      %dma_start3A_917 = tpu.memref_squeeze %dma_start3A_916 : memref<1x2504x16xf32, #tpu.memory_space<hbm>> -> memref<2504x16xf32, #tpu.memory_space<hbm>>
      %dma_start3A_918 = arith.constant 0 : i32
      %dma_start3A_919 = tpu.memref_slice %arg16[%multiple_of3A, %dma_start3A_918] : memref<40080x16xf32, #tpu.memory_space<vmem_shared>> -> memref<2504x16xf32, #tpu.memory_space<vmem_shared>>
      tpu.enqueue_dma source(%dma_start3A_919 : memref<2504x16xf32, #tpu.memory_space<vmem_shared>>) target(%dma_start3A_917 : memref<2504x16xf32, #tpu.memory_space<hbm>>) target_semaphore(%run_scoped3A_915 : memref<!tpu.dma_semaphore, #tpu.memory_space<semaphore_mem>>)
      %dma_wait3A_920 = tpu.memref_slice %arg8[%select_n3A_691, %multiple_of3A_710, %multiple_of3A_713] : memref<4x10016x128xf32, #tpu.memory_space<hbm>> -> memref<1x2504x16xf32, #tpu.memory_space<hbm>>
      %dma_wait3A_921 = tpu.memref_squeeze %dma_wait3A_920 : memref<1x2504x16xf32, #tpu.memory_space<hbm>> -> memref<2504x16xf32, #tpu.memory_space<hbm>>
      %dma_wait3A_922 = arith.constant 0 : i32
      %dma_wait3A_923 = tpu.memref_slice %arg16[%multiple_of3A, %dma_wait3A_922] : memref<40080x16xf32, #tpu.memory_space<vmem_shared>> -> memref<2504x16xf32, #tpu.memory_space<vmem_shared>>
      tpu.wait_dma2 semaphore(%run_scoped3A_915 : memref<!tpu.dma_semaphore, #tpu.memory_space<semaphore_mem>>) src(%dma_wait3A_923 : memref<2504x16xf32, #tpu.memory_space<vmem_shared>>) dst(%dma_wait3A_921 : memref<2504x16xf32, #tpu.memory_space<hbm>>)
      tpu.yield
    }) : () -> ()
    "tpu.region"() ({
      %run_scoped3A_915 = tpu.sem_alloc : memref<!tpu.dma_semaphore, #tpu.memory_space<semaphore_mem>>
      %dma_start3A_916 = arith.constant 0 : i32
      %dma_start3A_917 = tpu.memref_slice %arg16[%multiple_of3A, %dma_start3A_916] : memref<40080x16xf32, #tpu.memory_space<vmem_shared>> -> memref<2504x16xf32, #tpu.memory_space<vmem_shared>>
      tpu.enqueue_dma source(%arg6 : memref<2504x16xf32, #tpu.memory_space<hbm>>) target(%dma_start3A_917 : memref<2504x16xf32, #tpu.memory_space<vmem_shared>>) target_semaphore(%run_scoped3A_915 : memref<!tpu.dma_semaphore, #tpu.memory_space<semaphore_mem>>)
      %dma_wait3A_918 = arith.constant 0 : i32
      %dma_wait3A_919 = tpu.memref_slice %arg16[%multiple_of3A, %dma_wait3A_918] : memref<40080x16xf32, #tpu.memory_space<vmem_shared>> -> memref<2504x16xf32, #tpu.memory_space<vmem_shared>>
      tpu.wait_dma2 semaphore(%run_scoped3A_915 : memref<!tpu.dma_semaphore, #tpu.memory_space<semaphore_mem>>) src(%arg6 : memref<2504x16xf32, #tpu.memory_space<hbm>>) dst(%dma_wait3A_919 : memref<2504x16xf32, #tpu.memory_space<vmem_shared>>)
      tpu.yield
    }) : () -> ()
    %barrier3A_714 = arith.constant 0 : index
    tpu.barrier barrier_id(%barrier3A_714)
    %scan3A_715 = arith.constant 0 : i32
    %scan3A_716 = arith.constant 1 : i32
    %scan3A_717 = arith.constant 9 : i32
    %scan3A_718 = arith.addi %scan3A_716, %scan3A_717 : i32
    %scan3A_719 = arith.constant 1 : i32
    scf.for %scan3A_915 = %scan3A_716 to %scan3A_718 step %scan3A_719  : i32 {
      %scan3A_916 = arith.constant 0 : i32
      %scan3A_917 = arith.constant 64 : i32
      %scan3A_918 = arith.addi %scan3A_916, %scan3A_917 : i32
      %scan3A_919 = arith.constant 1 : i32
      scf.for %scan3A_921 = %scan3A_916 to %scan3A_918 step %scan3A_919  : i32 {
        %mul3A_922 = arith.constant 16 : i32
        %mul3A_923 = arith.muli %scan3A_921, %mul3A_922 : i32
        %get3A = arith.index_cast %scan3A_915 : i32 to index
        %get3A_924 = arith.index_cast %mul3A_923 : i32 to index
        %get3A_925 = tpu.vector_load %arg10[%get3A, %get3A_924] {strides = array<i32>} : memref<10x1024xi32, #tpu.memory_space<vmem>>, vector<1x16xi32>,
        %get3A_926 = vector.shape_cast %get3A_925 : vector<1x16xi32> to vector<16xi32>
        %add3A_927 = arith.constant 1 : i32
        %add3A_928 = vector.broadcast %add3A_927 : i32 to vector<16xi32>
        %add3A_929 = arith.addi %get3A_926, %add3A_928 : vector<16xi32>
        %mul3A_930 = arith.constant 16 : i32
        %mul3A_931 = arith.muli %scan3A_921, %mul3A_930 : i32
        %swap3A = arith.index_cast %scan3A_915 : i32 to index
        %swap3A_932 = arith.index_cast %mul3A_931 : i32 to index
        %swap3A_933 = tpu.vector_load %arg10[%swap3A, %swap3A_932] {strides = array<i32>} : memref<10x1024xi32, #tpu.memory_space<vmem>>, vector<1x16xi32>,
        %swap3A_934 = vector.shape_cast %swap3A_933 : vector<1x16xi32> to vector<16xi32>
        %swap3A_935 = vector.shape_cast %add3A_929 : vector<16xi32> to vector<1x16xi32>
        tpu.vector_store %arg10[%swap3A, %swap3A_932], %swap3A_935 {strides = array<i32>} : memref<10x1024xi32, #tpu.memory_space<vmem>>, vector<1x16xi32>,
      }
      %scan3A_920 = arith.constant 64 : i32
    }
    %scan3A_720 = arith.constant 9 : i32
    %dma_start3A_721 = arith.constant 1 : i32
    %dma_start3A_722 = arith.constant 0 : i32
    %dma_start3A_723 = tpu.memref_slice %arg10[%dma_start3A_721, %dma_start3A_722] : memref<10x1024xi32, #tpu.memory_space<vmem>> -> memref<1x1024xi32, #tpu.memory_space<vmem>>
    %dma_start3A_724 = tpu.memref_squeeze %dma_start3A_723 : memref<1x1024xi32, #tpu.memory_space<vmem>> -> memref<1024xi32, #tpu.memory_space<vmem>>
    %dma_start3A_725 = arith.constant 0 : i32
    %dma_start3A_726 = arith.constant 0 : i32
    %dma_start3A_727 = tpu.memref_slice %arg2[%dma_start3A_725, %dma_start3A_726] : memref<80000x16xf32, #tpu.memory_space<hbm>> -> memref<80000x16xf32, #tpu.memory_space<hbm>>
    tpu.enqueue_indirect_dma source(%dma_start3A_727 : memref<80000x16xf32, #tpu.memory_space<hbm>>) target(%arg14 : memref<1024x16xf32, #tpu.memory_space<vmem>>) offsets(%dma_start3A_724 : memref<1024xi32, #tpu.memory_space<vmem>>) semaphore(%arg19 : memref<!tpu.dma_semaphore, #tpu.memory_space<semaphore_mem>>)
    %dma_wait3A_728 = arith.constant 0 : i32
    %dma_wait3A_729 = arith.constant 0 : i32
    %dma_wait3A_730 = tpu.memref_slice %arg10[%dma_wait3A_728, %dma_wait3A_729] : memref<10x1024xi32, #tpu.memory_space<vmem>> -> memref<1x1024xi32, #tpu.memory_space<vmem>>
    %dma_wait3A_731 = tpu.memref_squeeze %dma_wait3A_730 : memref<1x1024xi32, #tpu.memory_space<vmem>> -> memref<1024xi32, #tpu.memory_space<vmem>>
    %dma_wait3A_732 = arith.constant 0 : i32
    %dma_wait3A_733 = arith.constant 0 : i32
    %dma_wait3A_734 = tpu.memref_slice %arg2[%dma_wait3A_732, %dma_wait3A_733] : memref<80000x16xf32, #tpu.memory_space<hbm>> -> memref<80000x16xf32, #tpu.memory_space<hbm>>
    tpu.wait_indirect_dma semaphore(%arg18 : memref<!tpu.dma_semaphore, #tpu.memory_space<semaphore_mem>>) src(%dma_wait3A_734 : memref<80000x16xf32, #tpu.memory_space<hbm>>) dst(%arg13 : memref<1024x16xf32, #tpu.memory_space<vmem>>)
    %run_scoped3A_735 = arith.constant 0 : i32
    "tpu.region"() ({
      %run_scoped3A_915 = tpu.sem_alloc : memref<!tpu.dma_semaphore, #tpu.memory_space<semaphore_mem>>
      %dma_start3A_916 = arith.constant 0 : i32
      %dma_start3A_917 = tpu.memref_slice %arg12[%run_scoped3A_735, %dma_start3A_916] : memref<10x1024xi32, #tpu.memory_space<vmem>> -> memref<1x1024xi32, #tpu.memory_space<vmem>>
      %dma_start3A_918 = tpu.memref_squeeze %dma_start3A_917 : memref<1x1024xi32, #tpu.memory_space<vmem>> -> memref<1024xi32, #tpu.memory_space<vmem>>
      %dma_start3A_919 = arith.constant 0 : i32
      %dma_start3A_920 = arith.constant 0 : i32
      %dma_start3A_921 = tpu.memref_slice %arg16[%dma_start3A_919, %dma_start3A_920] : memref<40080x16xf32, #tpu.memory_space<vmem_shared>> -> memref<40080x16xf32, #tpu.memory_space<vmem_shared>>
      tpu.enqueue_indirect_dma source(%arg13 : memref<1024x16xf32, #tpu.memory_space<vmem>>) target(%dma_start3A_921 : memref<40080x16xf32, #tpu.memory_space<vmem_shared>>) offsets(%dma_start3A_918 : memref<1024xi32, #tpu.memory_space<vmem>>) semaphore(%run_scoped3A_915 : memref<!tpu.dma_semaphore, #tpu.memory_space<semaphore_mem>>) {add = true}
      %dma_wait3A_922 = arith.constant 0 : i32
      %dma_wait3A_923 = tpu.memref_slice %arg12[%run_scoped3A_735, %dma_wait3A_922] : memref<10x1024xi32, #tpu.memory_space<vmem>> -> memref<1x1024xi32, #tpu.memory_space<vmem>>
      %dma_wait3A_924 = tpu.memref_squeeze %dma_wait3A_923 : memref<1x1024xi32, #tpu.memory_space<vmem>> -> memref<1024xi32, #tpu.memory_space<vmem>>
      %dma_wait3A_925 = arith.constant 0 : i32
      %dma_wait3A_926 = arith.constant 0 : i32
      %dma_wait3A_927 = tpu.memref_slice %arg16[%dma_wait3A_925, %dma_wait3A_926] : memref<40080x16xf32, #tpu.memory_space<vmem_shared>> -> memref<40080x16xf32, #tpu.memory_space<vmem_shared>>
      tpu.wait_indirect_dma semaphore(%run_scoped3A_915 : memref<!tpu.dma_semaphore, #tpu.memory_space<semaphore_mem>>) src(%arg13 : memref<1024x16xf32, #tpu.memory_space<vmem>>) dst(%dma_wait3A_927 : memref<40080x16xf32, #tpu.memory_space<vmem_shared>>)
      tpu.yield
    }) : () -> ()
    %dma_start3A_736 = arith.constant 2 : i32
    %dma_start3A_737 = arith.constant 0 : i32
    %dma_start3A_738 = tpu.memref_slice %arg10[%dma_start3A_736, %dma_start3A_737] : memref<10x1024xi32, #tpu.memory_space<vmem>> -> memref<1x1024xi32, #tpu.memory_space<vmem>>
    %dma_start3A_739 = tpu.memref_squeeze %dma_start3A_738 : memref<1x1024xi32, #tpu.memory_space<vmem>> -> memref<1024xi32, #tpu.memory_space<vmem>>
    %dma_start3A_740 = arith.constant 0 : i32
    %dma_start3A_741 = arith.constant 0 : i32
    %dma_start3A_742 = tpu.memref_slice %arg2[%dma_start3A_740, %dma_start3A_741] : memref<80000x16xf32, #tpu.memory_space<hbm>> -> memref<80000x16xf32, #tpu.memory_space<hbm>>
    tpu.enqueue_indirect_dma source(%dma_start3A_742 : memref<80000x16xf32, #tpu.memory_space<hbm>>) target(%arg13 : memref<1024x16xf32, #tpu.memory_space<vmem>>) offsets(%dma_start3A_739 : memref<1024xi32, #tpu.memory_space<vmem>>) semaphore(%arg18 : memref<!tpu.dma_semaphore, #tpu.memory_space<semaphore_mem>>)
    %dma_wait3A_743 = arith.constant 1 : i32
    %dma_wait3A_744 = arith.constant 0 : i32
    %dma_wait3A_745 = tpu.memref_slice %arg10[%dma_wait3A_743, %dma_wait3A_744] : memref<10x1024xi32, #tpu.memory_space<vmem>> -> memref<1x1024xi32, #tpu.memory_space<vmem>>
    %dma_wait3A_746 = tpu.memref_squeeze %dma_wait3A_745 : memref<1x1024xi32, #tpu.memory_space<vmem>> -> memref<1024xi32, #tpu.memory_space<vmem>>
    %dma_wait3A_747 = arith.constant 0 : i32
    %dma_wait3A_748 = arith.constant 0 : i32
    %dma_wait3A_749 = tpu.memref_slice %arg2[%dma_wait3A_747, %dma_wait3A_748] : memref<80000x16xf32, #tpu.memory_space<hbm>> -> memref<80000x16xf32, #tpu.memory_space<hbm>>
    tpu.wait_indirect_dma semaphore(%arg19 : memref<!tpu.dma_semaphore, #tpu.memory_space<semaphore_mem>>) src(%dma_wait3A_749 : memref<80000x16xf32, #tpu.memory_space<hbm>>) dst(%arg14 : memref<1024x16xf32, #tpu.memory_space<vmem>>)
    %run_scoped3A_750 = arith.constant 1 : i32
    "tpu.region"() ({
      %run_scoped3A_915 = tpu.sem_alloc : memref<!tpu.dma_semaphore, #tpu.memory_space<semaphore_mem>>
      %dma_start3A_916 = arith.constant 0 : i32
      %dma_start3A_917 = tpu.memref_slice %arg12[%run_scoped3A_750, %dma_start3A_916] : memref<10x1024xi32, #tpu.memory_space<vmem>> -> memref<1x1024xi32, #tpu.memory_space<vmem>>
      %dma_start3A_918 = tpu.memref_squeeze %dma_start3A_917 : memref<1x1024xi32, #tpu.memory_space<vmem>> -> memref<1024xi32, #tpu.memory_space<vmem>>
      %dma_start3A_919 = arith.constant 0 : i32
      %dma_start3A_920 = arith.constant 0 : i32
      %dma_start3A_921 = tpu.memref_slice %arg16[%dma_start3A_919, %dma_start3A_920] : memref<40080x16xf32, #tpu.memory_space<vmem_shared>> -> memref<40080x16xf32, #tpu.memory_space<vmem_shared>>
      tpu.enqueue_indirect_dma source(%arg14 : memref<1024x16xf32, #tpu.memory_space<vmem>>) target(%dma_start3A_921 : memref<40080x16xf32, #tpu.memory_space<vmem_shared>>) offsets(%dma_start3A_918 : memref<1024xi32, #tpu.memory_space<vmem>>) semaphore(%run_scoped3A_915 : memref<!tpu.dma_semaphore, #tpu.memory_space<semaphore_mem>>) {add = true}
      %dma_wait3A_922 = arith.constant 0 : i32
      %dma_wait3A_923 = tpu.memref_slice %arg12[%run_scoped3A_750, %dma_wait3A_922] : memref<10x1024xi32, #tpu.memory_space<vmem>> -> memref<1x1024xi32, #tpu.memory_space<vmem>>
      %dma_wait3A_924 = tpu.memref_squeeze %dma_wait3A_923 : memref<1x1024xi32, #tpu.memory_space<vmem>> -> memref<1024xi32, #tpu.memory_space<vmem>>
      %dma_wait3A_925 = arith.constant 0 : i32
      %dma_wait3A_926 = arith.constant 0 : i32
      %dma_wait3A_927 = tpu.memref_slice %arg16[%dma_wait3A_925, %dma_wait3A_926] : memref<40080x16xf32, #tpu.memory_space<vmem_shared>> -> memref<40080x16xf32, #tpu.memory_space<vmem_shared>>
      tpu.wait_indirect_dma semaphore(%run_scoped3A_915 : memref<!tpu.dma_semaphore, #tpu.memory_space<semaphore_mem>>) src(%arg14 : memref<1024x16xf32, #tpu.memory_space<vmem>>) dst(%dma_wait3A_927 : memref<40080x16xf32, #tpu.memory_space<vmem_shared>>)
      tpu.yield
    }) : () -> ()
    %dma_start3A_751 = arith.constant 3 : i32
    %dma_start3A_752 = arith.constant 0 : i32
    %dma_start3A_753 = tpu.memref_slice %arg10[%dma_start3A_751, %dma_start3A_752] : memref<10x1024xi32, #tpu.memory_space<vmem>> -> memref<1x1024xi32, #tpu.memory_space<vmem>>
    %dma_start3A_754 = tpu.memref_squeeze %dma_start3A_753 : memref<1x1024xi32, #tpu.memory_space<vmem>> -> memref<1024xi32, #tpu.memory_space<vmem>>
    %dma_start3A_755 = arith.constant 0 : i32
    %dma_start3A_756 = arith.constant 0 : i32
    %dma_start3A_757 = tpu.memref_slice %arg2[%dma_start3A_755, %dma_start3A_756] : memref<80000x16xf32, #tpu.memory_space<hbm>> -> memref<80000x16xf32, #tpu.memory_space<hbm>>
    tpu.enqueue_indirect_dma source(%dma_start3A_757 : memref<80000x16xf32, #tpu.memory_space<hbm>>) target(%arg14 : memref<1024x16xf32, #tpu.memory_space<vmem>>) offsets(%dma_start3A_754 : memref<1024xi32, #tpu.memory_space<vmem>>) semaphore(%arg19 : memref<!tpu.dma_semaphore, #tpu.memory_space<semaphore_mem>>)
    %dma_wait3A_758 = arith.constant 2 : i32
    %dma_wait3A_759 = arith.constant 0 : i32
    %dma_wait3A_760 = tpu.memref_slice %arg10[%dma_wait3A_758, %dma_wait3A_759] : memref<10x1024xi32, #tpu.memory_space<vmem>> -> memref<1x1024xi32, #tpu.memory_space<vmem>>
    %dma_wait3A_761 = tpu.memref_squeeze %dma_wait3A_760 : memref<1x1024xi32, #tpu.memory_space<vmem>> -> memref<1024xi32, #tpu.memory_space<vmem>>
    %dma_wait3A_762 = arith.constant 0 : i32
    %dma_wait3A_763 = arith.constant 0 : i32
    %dma_wait3A_764 = tpu.memref_slice %arg2[%dma_wait3A_762, %dma_wait3A_763] : memref<80000x16xf32, #tpu.memory_space<hbm>> -> memref<80000x16xf32, #tpu.memory_space<hbm>>
    tpu.wait_indirect_dma semaphore(%arg18 : memref<!tpu.dma_semaphore, #tpu.memory_space<semaphore_mem>>) src(%dma_wait3A_764 : memref<80000x16xf32, #tpu.memory_space<hbm>>) dst(%arg13 : memref<1024x16xf32, #tpu.memory_space<vmem>>)
    %run_scoped3A_765 = arith.constant 2 : i32
    "tpu.region"() ({
      %run_scoped3A_915 = tpu.sem_alloc : memref<!tpu.dma_semaphore, #tpu.memory_space<semaphore_mem>>
      %dma_start3A_916 = arith.constant 0 : i32
      %dma_start3A_917 = tpu.memref_slice %arg12[%run_scoped3A_765, %dma_start3A_916] : memref<10x1024xi32, #tpu.memory_space<vmem>> -> memref<1x1024xi32, #tpu.memory_space<vmem>>
      %dma_start3A_918 = tpu.memref_squeeze %dma_start3A_917 : memref<1x1024xi32, #tpu.memory_space<vmem>> -> memref<1024xi32, #tpu.memory_space<vmem>>
      %dma_start3A_919 = arith.constant 0 : i32
      %dma_start3A_920 = arith.constant 0 : i32
      %dma_start3A_921 = tpu.memref_slice %arg16[%dma_start3A_919, %dma_start3A_920] : memref<40080x16xf32, #tpu.memory_space<vmem_shared>> -> memref<40080x16xf32, #tpu.memory_space<vmem_shared>>
      tpu.enqueue_indirect_dma source(%arg13 : memref<1024x16xf32, #tpu.memory_space<vmem>>) target(%dma_start3A_921 : memref<40080x16xf32, #tpu.memory_space<vmem_shared>>) offsets(%dma_start3A_918 : memref<1024xi32, #tpu.memory_space<vmem>>) semaphore(%run_scoped3A_915 : memref<!tpu.dma_semaphore, #tpu.memory_space<semaphore_mem>>) {add = true}
      %dma_wait3A_922 = arith.constant 0 : i32
      %dma_wait3A_923 = tpu.memref_slice %arg12[%run_scoped3A_765, %dma_wait3A_922] : memref<10x1024xi32, #tpu.memory_space<vmem>> -> memref<1x1024xi32, #tpu.memory_space<vmem>>
      %dma_wait3A_924 = tpu.memref_squeeze %dma_wait3A_923 : memref<1x1024xi32, #tpu.memory_space<vmem>> -> memref<1024xi32, #tpu.memory_space<vmem>>
      %dma_wait3A_925 = arith.constant 0 : i32
      %dma_wait3A_926 = arith.constant 0 : i32
      %dma_wait3A_927 = tpu.memref_slice %arg16[%dma_wait3A_925, %dma_wait3A_926] : memref<40080x16xf32, #tpu.memory_space<vmem_shared>> -> memref<40080x16xf32, #tpu.memory_space<vmem_shared>>
      tpu.wait_indirect_dma semaphore(%run_scoped3A_915 : memref<!tpu.dma_semaphore, #tpu.memory_space<semaphore_mem>>) src(%arg13 : memref<1024x16xf32, #tpu.memory_space<vmem>>) dst(%dma_wait3A_927 : memref<40080x16xf32, #tpu.memory_space<vmem_shared>>)
      tpu.yield
    }) : () -> ()
    %dma_start3A_766 = arith.constant 4 : i32
    %dma_start3A_767 = arith.constant 0 : i32
    %dma_start3A_768 = tpu.memref_slice %arg10[%dma_start3A_766, %dma_start3A_767] : memref<10x1024xi32, #tpu.memory_space<vmem>> -> memref<1x1024xi32, #tpu.memory_space<vmem>>
    %dma_start3A_769 = tpu.memref_squeeze %dma_start3A_768 : memref<1x1024xi32, #tpu.memory_space<vmem>> -> memref<1024xi32, #tpu.memory_space<vmem>>
    %dma_start3A_770 = arith.constant 0 : i32
    %dma_start3A_771 = arith.constant 0 : i32
    %dma_start3A_772 = tpu.memref_slice %arg2[%dma_start3A_770, %dma_start3A_771] : memref<80000x16xf32, #tpu.memory_space<hbm>> -> memref<80000x16xf32, #tpu.memory_space<hbm>>
    tpu.enqueue_indirect_dma source(%dma_start3A_772 : memref<80000x16xf32, #tpu.memory_space<hbm>>) target(%arg13 : memref<1024x16xf32, #tpu.memory_space<vmem>>) offsets(%dma_start3A_769 : memref<1024xi32, #tpu.memory_space<vmem>>) semaphore(%arg18 : memref<!tpu.dma_semaphore, #tpu.memory_space<semaphore_mem>>)
    %dma_wait3A_773 = arith.constant 3 : i32
    %dma_wait3A_774 = arith.constant 0 : i32
    %dma_wait3A_775 = tpu.memref_slice %arg10[%dma_wait3A_773, %dma_wait3A_774] : memref<10x1024xi32, #tpu.memory_space<vmem>> -> memref<1x1024xi32, #tpu.memory_space<vmem>>
    %dma_wait3A_776 = tpu.memref_squeeze %dma_wait3A_775 : memref<1x1024xi32, #tpu.memory_space<vmem>> -> memref<1024xi32, #tpu.memory_space<vmem>>
    %dma_wait3A_777 = arith.constant 0 : i32
    %dma_wait3A_778 = arith.constant 0 : i32
    %dma_wait3A_779 = tpu.memref_slice %arg2[%dma_wait3A_777, %dma_wait3A_778] : memref<80000x16xf32, #tpu.memory_space<hbm>> -> memref<80000x16xf32, #tpu.memory_space<hbm>>
    tpu.wait_indirect_dma semaphore(%arg19 : memref<!tpu.dma_semaphore, #tpu.memory_space<semaphore_mem>>) src(%dma_wait3A_779 : memref<80000x16xf32, #tpu.memory_space<hbm>>) dst(%arg14 : memref<1024x16xf32, #tpu.memory_space<vmem>>)
    %run_scoped3A_780 = arith.constant 3 : i32
    "tpu.region"() ({
      %run_scoped3A_915 = tpu.sem_alloc : memref<!tpu.dma_semaphore, #tpu.memory_space<semaphore_mem>>
      %dma_start3A_916 = arith.constant 0 : i32
      %dma_start3A_917 = tpu.memref_slice %arg12[%run_scoped3A_780, %dma_start3A_916] : memref<10x1024xi32, #tpu.memory_space<vmem>> -> memref<1x1024xi32, #tpu.memory_space<vmem>>
      %dma_start3A_918 = tpu.memref_squeeze %dma_start3A_917 : memref<1x1024xi32, #tpu.memory_space<vmem>> -> memref<1024xi32, #tpu.memory_space<vmem>>
      %dma_start3A_919 = arith.constant 0 : i32
      %dma_start3A_920 = arith.constant 0 : i32
      %dma_start3A_921 = tpu.memref_slice %arg16[%dma_start3A_919, %dma_start3A_920] : memref<40080x16xf32, #tpu.memory_space<vmem_shared>> -> memref<40080x16xf32, #tpu.memory_space<vmem_shared>>
      tpu.enqueue_indirect_dma source(%arg14 : memref<1024x16xf32, #tpu.memory_space<vmem>>) target(%dma_start3A_921 : memref<40080x16xf32, #tpu.memory_space<vmem_shared>>) offsets(%dma_start3A_918 : memref<1024xi32, #tpu.memory_space<vmem>>) semaphore(%run_scoped3A_915 : memref<!tpu.dma_semaphore, #tpu.memory_space<semaphore_mem>>) {add = true}
      %dma_wait3A_922 = arith.constant 0 : i32
      %dma_wait3A_923 = tpu.memref_slice %arg12[%run_scoped3A_780, %dma_wait3A_922] : memref<10x1024xi32, #tpu.memory_space<vmem>> -> memref<1x1024xi32, #tpu.memory_space<vmem>>
      %dma_wait3A_924 = tpu.memref_squeeze %dma_wait3A_923 : memref<1x1024xi32, #tpu.memory_space<vmem>> -> memref<1024xi32, #tpu.memory_space<vmem>>
      %dma_wait3A_925 = arith.constant 0 : i32
      %dma_wait3A_926 = arith.constant 0 : i32
      %dma_wait3A_927 = tpu.memref_slice %arg16[%dma_wait3A_925, %dma_wait3A_926] : memref<40080x16xf32, #tpu.memory_space<vmem_shared>> -> memref<40080x16xf32, #tpu.memory_space<vmem_shared>>
      tpu.wait_indirect_dma semaphore(%run_scoped3A_915 : memref<!tpu.dma_semaphore, #tpu.memory_space<semaphore_mem>>) src(%arg14 : memref<1024x16xf32, #tpu.memory_space<vmem>>) dst(%dma_wait3A_927 : memref<40080x16xf32, #tpu.memory_space<vmem_shared>>)
      tpu.yield
    }) : () -> ()
    %dma_start3A_781 = arith.constant 5 : i32
    %dma_start3A_782 = arith.constant 0 : i32
    %dma_start3A_783 = tpu.memref_slice %arg10[%dma_start3A_781, %dma_start3A_782] : memref<10x1024xi32, #tpu.memory_space<vmem>> -> memref<1x1024xi32, #tpu.memory_space<vmem>>
    %dma_start3A_784 = tpu.memref_squeeze %dma_start3A_783 : memref<1x1024xi32, #tpu.memory_space<vmem>> -> memref<1024xi32, #tpu.memory_space<vmem>>
    %dma_start3A_785 = arith.constant 0 : i32
    %dma_start3A_786 = arith.constant 0 : i32
    %dma_start3A_787 = tpu.memref_slice %arg2[%dma_start3A_785, %dma_start3A_786] : memref<80000x16xf32, #tpu.memory_space<hbm>> -> memref<80000x16xf32, #tpu.memory_space<hbm>>
    tpu.enqueue_indirect_dma source(%dma_start3A_787 : memref<80000x16xf32, #tpu.memory_space<hbm>>) target(%arg14 : memref<1024x16xf32, #tpu.memory_space<vmem>>) offsets(%dma_start3A_784 : memref<1024xi32, #tpu.memory_space<vmem>>) semaphore(%arg19 : memref<!tpu.dma_semaphore, #tpu.memory_space<semaphore_mem>>)
    %dma_wait3A_788 = arith.constant 4 : i32
    %dma_wait3A_789 = arith.constant 0 : i32
    %dma_wait3A_790 = tpu.memref_slice %arg10[%dma_wait3A_788, %dma_wait3A_789] : memref<10x1024xi32, #tpu.memory_space<vmem>> -> memref<1x1024xi32, #tpu.memory_space<vmem>>
    %dma_wait3A_791 = tpu.memref_squeeze %dma_wait3A_790 : memref<1x1024xi32, #tpu.memory_space<vmem>> -> memref<1024xi32, #tpu.memory_space<vmem>>
    %dma_wait3A_792 = arith.constant 0 : i32
    %dma_wait3A_793 = arith.constant 0 : i32
    %dma_wait3A_794 = tpu.memref_slice %arg2[%dma_wait3A_792, %dma_wait3A_793] : memref<80000x16xf32, #tpu.memory_space<hbm>> -> memref<80000x16xf32, #tpu.memory_space<hbm>>
    tpu.wait_indirect_dma semaphore(%arg18 : memref<!tpu.dma_semaphore, #tpu.memory_space<semaphore_mem>>) src(%dma_wait3A_794 : memref<80000x16xf32, #tpu.memory_space<hbm>>) dst(%arg13 : memref<1024x16xf32, #tpu.memory_space<vmem>>)
    %run_scoped3A_795 = arith.constant 4 : i32
    "tpu.region"() ({
      %run_scoped3A_915 = tpu.sem_alloc : memref<!tpu.dma_semaphore, #tpu.memory_space<semaphore_mem>>
      %dma_start3A_916 = arith.constant 0 : i32
      %dma_start3A_917 = tpu.memref_slice %arg12[%run_scoped3A_795, %dma_start3A_916] : memref<10x1024xi32, #tpu.memory_space<vmem>> -> memref<1x1024xi32, #tpu.memory_space<vmem>>
      %dma_start3A_918 = tpu.memref_squeeze %dma_start3A_917 : memref<1x1024xi32, #tpu.memory_space<vmem>> -> memref<1024xi32, #tpu.memory_space<vmem>>
      %dma_start3A_919 = arith.constant 0 : i32
      %dma_start3A_920 = arith.constant 0 : i32
      %dma_start3A_921 = tpu.memref_slice %arg16[%dma_start3A_919, %dma_start3A_920] : memref<40080x16xf32, #tpu.memory_space<vmem_shared>> -> memref<40080x16xf32, #tpu.memory_space<vmem_shared>>
      tpu.enqueue_indirect_dma source(%arg13 : memref<1024x16xf32, #tpu.memory_space<vmem>>) target(%dma_start3A_921 : memref<40080x16xf32, #tpu.memory_space<vmem_shared>>) offsets(%dma_start3A_918 : memref<1024xi32, #tpu.memory_space<vmem>>) semaphore(%run_scoped3A_915 : memref<!tpu.dma_semaphore, #tpu.memory_space<semaphore_mem>>) {add = true}
      %dma_wait3A_922 = arith.constant 0 : i32
      %dma_wait3A_923 = tpu.memref_slice %arg12[%run_scoped3A_795, %dma_wait3A_922] : memref<10x1024xi32, #tpu.memory_space<vmem>> -> memref<1x1024xi32, #tpu.memory_space<vmem>>
      %dma_wait3A_924 = tpu.memref_squeeze %dma_wait3A_923 : memref<1x1024xi32, #tpu.memory_space<vmem>> -> memref<1024xi32, #tpu.memory_space<vmem>>
      %dma_wait3A_925 = arith.constant 0 : i32
      %dma_wait3A_926 = arith.constant 0 : i32
      %dma_wait3A_927 = tpu.memref_slice %arg16[%dma_wait3A_925, %dma_wait3A_926] : memref<40080x16xf32, #tpu.memory_space<vmem_shared>> -> memref<40080x16xf32, #tpu.memory_space<vmem_shared>>
      tpu.wait_indirect_dma semaphore(%run_scoped3A_915 : memref<!tpu.dma_semaphore, #tpu.memory_space<semaphore_mem>>) src(%arg13 : memref<1024x16xf32, #tpu.memory_space<vmem>>) dst(%dma_wait3A_927 : memref<40080x16xf32, #tpu.memory_space<vmem_shared>>)
      tpu.yield
    }) : () -> ()
    %dma_start3A_796 = arith.constant 6 : i32
    %dma_start3A_797 = arith.constant 0 : i32
    %dma_start3A_798 = tpu.memref_slice %arg10[%dma_start3A_796, %dma_start3A_797] : memref<10x1024xi32, #tpu.memory_space<vmem>> -> memref<1x1024xi32, #tpu.memory_space<vmem>>
    %dma_start3A_799 = tpu.memref_squeeze %dma_start3A_798 : memref<1x1024xi32, #tpu.memory_space<vmem>> -> memref<1024xi32, #tpu.memory_space<vmem>>
    %dma_start3A_800 = arith.constant 0 : i32
    %dma_start3A_801 = arith.constant 0 : i32
    %dma_start3A_802 = tpu.memref_slice %arg2[%dma_start3A_800, %dma_start3A_801] : memref<80000x16xf32, #tpu.memory_space<hbm>> -> memref<80000x16xf32, #tpu.memory_space<hbm>>
    tpu.enqueue_indirect_dma source(%dma_start3A_802 : memref<80000x16xf32, #tpu.memory_space<hbm>>) target(%arg13 : memref<1024x16xf32, #tpu.memory_space<vmem>>) offsets(%dma_start3A_799 : memref<1024xi32, #tpu.memory_space<vmem>>) semaphore(%arg18 : memref<!tpu.dma_semaphore, #tpu.memory_space<semaphore_mem>>)
    %dma_wait3A_803 = arith.constant 5 : i32
    %dma_wait3A_804 = arith.constant 0 : i32
    %dma_wait3A_805 = tpu.memref_slice %arg10[%dma_wait3A_803, %dma_wait3A_804] : memref<10x1024xi32, #tpu.memory_space<vmem>> -> memref<1x1024xi32, #tpu.memory_space<vmem>>
    %dma_wait3A_806 = tpu.memref_squeeze %dma_wait3A_805 : memref<1x1024xi32, #tpu.memory_space<vmem>> -> memref<1024xi32, #tpu.memory_space<vmem>>
    %dma_wait3A_807 = arith.constant 0 : i32
    %dma_wait3A_808 = arith.constant 0 : i32
    %dma_wait3A_809 = tpu.memref_slice %arg2[%dma_wait3A_807, %dma_wait3A_808] : memref<80000x16xf32, #tpu.memory_space<hbm>> -> memref<80000x16xf32, #tpu.memory_space<hbm>>
    tpu.wait_indirect_dma semaphore(%arg19 : memref<!tpu.dma_semaphore, #tpu.memory_space<semaphore_mem>>) src(%dma_wait3A_809 : memref<80000x16xf32, #tpu.memory_space<hbm>>) dst(%arg14 : memref<1024x16xf32, #tpu.memory_space<vmem>>)
    %run_scoped3A_810 = arith.constant 5 : i32
    "tpu.region"() ({
      %run_scoped3A_915 = tpu.sem_alloc : memref<!tpu.dma_semaphore, #tpu.memory_space<semaphore_mem>>
      %dma_start3A_916 = arith.constant 0 : i32
      %dma_start3A_917 = tpu.memref_slice %arg12[%run_scoped3A_810, %dma_start3A_916] : memref<10x1024xi32, #tpu.memory_space<vmem>> -> memref<1x1024xi32, #tpu.memory_space<vmem>>
      %dma_start3A_918 = tpu.memref_squeeze %dma_start3A_917 : memref<1x1024xi32, #tpu.memory_space<vmem>> -> memref<1024xi32, #tpu.memory_space<vmem>>
      %dma_start3A_919 = arith.constant 0 : i32
      %dma_start3A_920 = arith.constant 0 : i32
      %dma_start3A_921 = tpu.memref_slice %arg16[%dma_start3A_919, %dma_start3A_920] : memref<40080x16xf32, #tpu.memory_space<vmem_shared>> -> memref<40080x16xf32, #tpu.memory_space<vmem_shared>>
      tpu.enqueue_indirect_dma source(%arg14 : memref<1024x16xf32, #tpu.memory_space<vmem>>) target(%dma_start3A_921 : memref<40080x16xf32, #tpu.memory_space<vmem_shared>>) offsets(%dma_start3A_918 : memref<1024xi32, #tpu.memory_space<vmem>>) semaphore(%run_scoped3A_915 : memref<!tpu.dma_semaphore, #tpu.memory_space<semaphore_mem>>) {add = true}
      %dma_wait3A_922 = arith.constant 0 : i32
      %dma_wait3A_923 = tpu.memref_slice %arg12[%run_scoped3A_810, %dma_wait3A_922] : memref<10x1024xi32, #tpu.memory_space<vmem>> -> memref<1x1024xi32, #tpu.memory_space<vmem>>
      %dma_wait3A_924 = tpu.memref_squeeze %dma_wait3A_923 : memref<1x1024xi32, #tpu.memory_space<vmem>> -> memref<1024xi32, #tpu.memory_space<vmem>>
      %dma_wait3A_925 = arith.constant 0 : i32
      %dma_wait3A_926 = arith.constant 0 : i32
      %dma_wait3A_927 = tpu.memref_slice %arg16[%dma_wait3A_925, %dma_wait3A_926] : memref<40080x16xf32, #tpu.memory_space<vmem_shared>> -> memref<40080x16xf32, #tpu.memory_space<vmem_shared>>
      tpu.wait_indirect_dma semaphore(%run_scoped3A_915 : memref<!tpu.dma_semaphore, #tpu.memory_space<semaphore_mem>>) src(%arg14 : memref<1024x16xf32, #tpu.memory_space<vmem>>) dst(%dma_wait3A_927 : memref<40080x16xf32, #tpu.memory_space<vmem_shared>>)
      tpu.yield
    }) : () -> ()
    %dma_start3A_811 = arith.constant 7 : i32
    %dma_start3A_812 = arith.constant 0 : i32
    %dma_start3A_813 = tpu.memref_slice %arg10[%dma_start3A_811, %dma_start3A_812] : memref<10x1024xi32, #tpu.memory_space<vmem>> -> memref<1x1024xi32, #tpu.memory_space<vmem>>
    %dma_start3A_814 = tpu.memref_squeeze %dma_start3A_813 : memref<1x1024xi32, #tpu.memory_space<vmem>> -> memref<1024xi32, #tpu.memory_space<vmem>>
    %dma_start3A_815 = arith.constant 0 : i32
    %dma_start3A_816 = arith.constant 0 : i32
    %dma_start3A_817 = tpu.memref_slice %arg2[%dma_start3A_815, %dma_start3A_816] : memref<80000x16xf32, #tpu.memory_space<hbm>> -> memref<80000x16xf32, #tpu.memory_space<hbm>>
    tpu.enqueue_indirect_dma source(%dma_start3A_817 : memref<80000x16xf32, #tpu.memory_space<hbm>>) target(%arg14 : memref<1024x16xf32, #tpu.memory_space<vmem>>) offsets(%dma_start3A_814 : memref<1024xi32, #tpu.memory_space<vmem>>) semaphore(%arg19 : memref<!tpu.dma_semaphore, #tpu.memory_space<semaphore_mem>>)
    %dma_wait3A_818 = arith.constant 6 : i32
    %dma_wait3A_819 = arith.constant 0 : i32
    %dma_wait3A_820 = tpu.memref_slice %arg10[%dma_wait3A_818, %dma_wait3A_819] : memref<10x1024xi32, #tpu.memory_space<vmem>> -> memref<1x1024xi32, #tpu.memory_space<vmem>>
    %dma_wait3A_821 = tpu.memref_squeeze %dma_wait3A_820 : memref<1x1024xi32, #tpu.memory_space<vmem>> -> memref<1024xi32, #tpu.memory_space<vmem>>
    %dma_wait3A_822 = arith.constant 0 : i32
    %dma_wait3A_823 = arith.constant 0 : i32
    %dma_wait3A_824 = tpu.memref_slice %arg2[%dma_wait3A_822, %dma_wait3A_823] : memref<80000x16xf32, #tpu.memory_space<hbm>> -> memref<80000x16xf32, #tpu.memory_space<hbm>>
    tpu.wait_indirect_dma semaphore(%arg18 : memref<!tpu.dma_semaphore, #tpu.memory_space<semaphore_mem>>) src(%dma_wait3A_824 : memref<80000x16xf32, #tpu.memory_space<hbm>>) dst(%arg13 : memref<1024x16xf32, #tpu.memory_space<vmem>>)
    %run_scoped3A_825 = arith.constant 6 : i32
    "tpu.region"() ({
      %run_scoped3A_915 = tpu.sem_alloc : memref<!tpu.dma_semaphore, #tpu.memory_space<semaphore_mem>>
      %dma_start3A_916 = arith.constant 0 : i32
      %dma_start3A_917 = tpu.memref_slice %arg12[%run_scoped3A_825, %dma_start3A_916] : memref<10x1024xi32, #tpu.memory_space<vmem>> -> memref<1x1024xi32, #tpu.memory_space<vmem>>
      %dma_start3A_918 = tpu.memref_squeeze %dma_start3A_917 : memref<1x1024xi32, #tpu.memory_space<vmem>> -> memref<1024xi32, #tpu.memory_space<vmem>>
      %dma_start3A_919 = arith.constant 0 : i32
      %dma_start3A_920 = arith.constant 0 : i32
      %dma_start3A_921 = tpu.memref_slice %arg16[%dma_start3A_919, %dma_start3A_920] : memref<40080x16xf32, #tpu.memory_space<vmem_shared>> -> memref<40080x16xf32, #tpu.memory_space<vmem_shared>>
      tpu.enqueue_indirect_dma source(%arg13 : memref<1024x16xf32, #tpu.memory_space<vmem>>) target(%dma_start3A_921 : memref<40080x16xf32, #tpu.memory_space<vmem_shared>>) offsets(%dma_start3A_918 : memref<1024xi32, #tpu.memory_space<vmem>>) semaphore(%run_scoped3A_915 : memref<!tpu.dma_semaphore, #tpu.memory_space<semaphore_mem>>) {add = true}
      %dma_wait3A_922 = arith.constant 0 : i32
      %dma_wait3A_923 = tpu.memref_slice %arg12[%run_scoped3A_825, %dma_wait3A_922] : memref<10x1024xi32, #tpu.memory_space<vmem>> -> memref<1x1024xi32, #tpu.memory_space<vmem>>
      %dma_wait3A_924 = tpu.memref_squeeze %dma_wait3A_923 : memref<1x1024xi32, #tpu.memory_space<vmem>> -> memref<1024xi32, #tpu.memory_space<vmem>>
      %dma_wait3A_925 = arith.constant 0 : i32
      %dma_wait3A_926 = arith.constant 0 : i32
      %dma_wait3A_927 = tpu.memref_slice %arg16[%dma_wait3A_925, %dma_wait3A_926] : memref<40080x16xf32, #tpu.memory_space<vmem_shared>> -> memref<40080x16xf32, #tpu.memory_space<vmem_shared>>
      tpu.wait_indirect_dma semaphore(%run_scoped3A_915 : memref<!tpu.dma_semaphore, #tpu.memory_space<semaphore_mem>>) src(%arg13 : memref<1024x16xf32, #tpu.memory_space<vmem>>) dst(%dma_wait3A_927 : memref<40080x16xf32, #tpu.memory_space<vmem_shared>>)
      tpu.yield
    }) : () -> ()
    %dma_start3A_826 = arith.constant 8 : i32
    %dma_start3A_827 = arith.constant 0 : i32
    %dma_start3A_828 = tpu.memref_slice %arg10[%dma_start3A_826, %dma_start3A_827] : memref<10x1024xi32, #tpu.memory_space<vmem>> -> memref<1x1024xi32, #tpu.memory_space<vmem>>
    %dma_start3A_829 = tpu.memref_squeeze %dma_start3A_828 : memref<1x1024xi32, #tpu.memory_space<vmem>> -> memref<1024xi32, #tpu.memory_space<vmem>>
    %dma_start3A_830 = arith.constant 0 : i32
    %dma_start3A_831 = arith.constant 0 : i32
    %dma_start3A_832 = tpu.memref_slice %arg2[%dma_start3A_830, %dma_start3A_831] : memref<80000x16xf32, #tpu.memory_space<hbm>> -> memref<80000x16xf32, #tpu.memory_space<hbm>>
    tpu.enqueue_indirect_dma source(%dma_start3A_832 : memref<80000x16xf32, #tpu.memory_space<hbm>>) target(%arg13 : memref<1024x16xf32, #tpu.memory_space<vmem>>) offsets(%dma_start3A_829 : memref<1024xi32, #tpu.memory_space<vmem>>) semaphore(%arg18 : memref<!tpu.dma_semaphore, #tpu.memory_space<semaphore_mem>>)
    %dma_wait3A_833 = arith.constant 7 : i32
    %dma_wait3A_834 = arith.constant 0 : i32
    %dma_wait3A_835 = tpu.memref_slice %arg10[%dma_wait3A_833, %dma_wait3A_834] : memref<10x1024xi32, #tpu.memory_space<vmem>> -> memref<1x1024xi32, #tpu.memory_space<vmem>>
    %dma_wait3A_836 = tpu.memref_squeeze %dma_wait3A_835 : memref<1x1024xi32, #tpu.memory_space<vmem>> -> memref<1024xi32, #tpu.memory_space<vmem>>
    %dma_wait3A_837 = arith.constant 0 : i32
    %dma_wait3A_838 = arith.constant 0 : i32
    %dma_wait3A_839 = tpu.memref_slice %arg2[%dma_wait3A_837, %dma_wait3A_838] : memref<80000x16xf32, #tpu.memory_space<hbm>> -> memref<80000x16xf32, #tpu.memory_space<hbm>>
    tpu.wait_indirect_dma semaphore(%arg19 : memref<!tpu.dma_semaphore, #tpu.memory_space<semaphore_mem>>) src(%dma_wait3A_839 : memref<80000x16xf32, #tpu.memory_space<hbm>>) dst(%arg14 : memref<1024x16xf32, #tpu.memory_space<vmem>>)
    %run_scoped3A_840 = arith.constant 7 : i32
    "tpu.region"() ({
      %run_scoped3A_915 = tpu.sem_alloc : memref<!tpu.dma_semaphore, #tpu.memory_space<semaphore_mem>>
      %dma_start3A_916 = arith.constant 0 : i32
      %dma_start3A_917 = tpu.memref_slice %arg12[%run_scoped3A_840, %dma_start3A_916] : memref<10x1024xi32, #tpu.memory_space<vmem>> -> memref<1x1024xi32, #tpu.memory_space<vmem>>
      %dma_start3A_918 = tpu.memref_squeeze %dma_start3A_917 : memref<1x1024xi32, #tpu.memory_space<vmem>> -> memref<1024xi32, #tpu.memory_space<vmem>>
      %dma_start3A_919 = arith.constant 0 : i32
      %dma_start3A_920 = arith.constant 0 : i32
      %dma_start3A_921 = tpu.memref_slice %arg16[%dma_start3A_919, %dma_start3A_920] : memref<40080x16xf32, #tpu.memory_space<vmem_shared>> -> memref<40080x16xf32, #tpu.memory_space<vmem_shared>>
      tpu.enqueue_indirect_dma source(%arg14 : memref<1024x16xf32, #tpu.memory_space<vmem>>) target(%dma_start3A_921 : memref<40080x16xf32, #tpu.memory_space<vmem_shared>>) offsets(%dma_start3A_918 : memref<1024xi32, #tpu.memory_space<vmem>>) semaphore(%run_scoped3A_915 : memref<!tpu.dma_semaphore, #tpu.memory_space<semaphore_mem>>) {add = true}
      %dma_wait3A_922 = arith.constant 0 : i32
      %dma_wait3A_923 = tpu.memref_slice %arg12[%run_scoped3A_840, %dma_wait3A_922] : memref<10x1024xi32, #tpu.memory_space<vmem>> -> memref<1x1024xi32, #tpu.memory_space<vmem>>
      %dma_wait3A_924 = tpu.memref_squeeze %dma_wait3A_923 : memref<1x1024xi32, #tpu.memory_space<vmem>> -> memref<1024xi32, #tpu.memory_space<vmem>>
      %dma_wait3A_925 = arith.constant 0 : i32
      %dma_wait3A_926 = arith.constant 0 : i32
      %dma_wait3A_927 = tpu.memref_slice %arg16[%dma_wait3A_925, %dma_wait3A_926] : memref<40080x16xf32, #tpu.memory_space<vmem_shared>> -> memref<40080x16xf32, #tpu.memory_space<vmem_shared>>
      tpu.wait_indirect_dma semaphore(%run_scoped3A_915 : memref<!tpu.dma_semaphore, #tpu.memory_space<semaphore_mem>>) src(%arg14 : memref<1024x16xf32, #tpu.memory_space<vmem>>) dst(%dma_wait3A_927 : memref<40080x16xf32, #tpu.memory_space<vmem_shared>>)
      tpu.yield
    }) : () -> ()
    %dma_start3A_841 = arith.constant 9 : i32
    %dma_start3A_842 = arith.constant 0 : i32
    %dma_start3A_843 = tpu.memref_slice %arg10[%dma_start3A_841, %dma_start3A_842] : memref<10x1024xi32, #tpu.memory_space<vmem>> -> memref<1x1024xi32, #tpu.memory_space<vmem>>
    %dma_start3A_844 = tpu.memref_squeeze %dma_start3A_843 : memref<1x1024xi32, #tpu.memory_space<vmem>> -> memref<1024xi32, #tpu.memory_space<vmem>>
    %dma_start3A_845 = arith.constant 0 : i32
    %dma_start3A_846 = arith.constant 0 : i32
    %dma_start3A_847 = tpu.memref_slice %arg2[%dma_start3A_845, %dma_start3A_846] : memref<80000x16xf32, #tpu.memory_space<hbm>> -> memref<80000x16xf32, #tpu.memory_space<hbm>>
    tpu.enqueue_indirect_dma source(%dma_start3A_847 : memref<80000x16xf32, #tpu.memory_space<hbm>>) target(%arg14 : memref<1024x16xf32, #tpu.memory_space<vmem>>) offsets(%dma_start3A_844 : memref<1024xi32, #tpu.memory_space<vmem>>) semaphore(%arg19 : memref<!tpu.dma_semaphore, #tpu.memory_space<semaphore_mem>>)
    %dma_wait3A_848 = arith.constant 8 : i32
    %dma_wait3A_849 = arith.constant 0 : i32
    %dma_wait3A_850 = tpu.memref_slice %arg10[%dma_wait3A_848, %dma_wait3A_849] : memref<10x1024xi32, #tpu.memory_space<vmem>> -> memref<1x1024xi32, #tpu.memory_space<vmem>>
    %dma_wait3A_851 = tpu.memref_squeeze %dma_wait3A_850 : memref<1x1024xi32, #tpu.memory_space<vmem>> -> memref<1024xi32, #tpu.memory_space<vmem>>
    %dma_wait3A_852 = arith.constant 0 : i32
    %dma_wait3A_853 = arith.constant 0 : i32
    %dma_wait3A_854 = tpu.memref_slice %arg2[%dma_wait3A_852, %dma_wait3A_853] : memref<80000x16xf32, #tpu.memory_space<hbm>> -> memref<80000x16xf32, #tpu.memory_space<hbm>>
    tpu.wait_indirect_dma semaphore(%arg18 : memref<!tpu.dma_semaphore, #tpu.memory_space<semaphore_mem>>) src(%dma_wait3A_854 : memref<80000x16xf32, #tpu.memory_space<hbm>>) dst(%arg13 : memref<1024x16xf32, #tpu.memory_space<vmem>>)
    %run_scoped3A_855 = arith.constant 8 : i32
    "tpu.region"() ({
      %run_scoped3A_915 = tpu.sem_alloc : memref<!tpu.dma_semaphore, #tpu.memory_space<semaphore_mem>>
      %dma_start3A_916 = arith.constant 0 : i32
      %dma_start3A_917 = tpu.memref_slice %arg12[%run_scoped3A_855, %dma_start3A_916] : memref<10x1024xi32, #tpu.memory_space<vmem>> -> memref<1x1024xi32, #tpu.memory_space<vmem>>
      %dma_start3A_918 = tpu.memref_squeeze %dma_start3A_917 : memref<1x1024xi32, #tpu.memory_space<vmem>> -> memref<1024xi32, #tpu.memory_space<vmem>>
      %dma_start3A_919 = arith.constant 0 : i32
      %dma_start3A_920 = arith.constant 0 : i32
      %dma_start3A_921 = tpu.memref_slice %arg16[%dma_start3A_919, %dma_start3A_920] : memref<40080x16xf32, #tpu.memory_space<vmem_shared>> -> memref<40080x16xf32, #tpu.memory_space<vmem_shared>>
      tpu.enqueue_indirect_dma source(%arg13 : memref<1024x16xf32, #tpu.memory_space<vmem>>) target(%dma_start3A_921 : memref<40080x16xf32, #tpu.memory_space<vmem_shared>>) offsets(%dma_start3A_918 : memref<1024xi32, #tpu.memory_space<vmem>>) semaphore(%run_scoped3A_915 : memref<!tpu.dma_semaphore, #tpu.memory_space<semaphore_mem>>) {add = true}
      %dma_wait3A_922 = arith.constant 0 : i32
      %dma_wait3A_923 = tpu.memref_slice %arg12[%run_scoped3A_855, %dma_wait3A_922] : memref<10x1024xi32, #tpu.memory_space<vmem>> -> memref<1x1024xi32, #tpu.memory_space<vmem>>
      %dma_wait3A_924 = tpu.memref_squeeze %dma_wait3A_923 : memref<1x1024xi32, #tpu.memory_space<vmem>> -> memref<1024xi32, #tpu.memory_space<vmem>>
      %dma_wait3A_925 = arith.constant 0 : i32
      %dma_wait3A_926 = arith.constant 0 : i32
      %dma_wait3A_927 = tpu.memref_slice %arg16[%dma_wait3A_925, %dma_wait3A_926] : memref<40080x16xf32, #tpu.memory_space<vmem_shared>> -> memref<40080x16xf32, #tpu.memory_space<vmem_shared>>
      tpu.wait_indirect_dma semaphore(%run_scoped3A_915 : memref<!tpu.dma_semaphore, #tpu.memory_space<semaphore_mem>>) src(%arg13 : memref<1024x16xf32, #tpu.memory_space<vmem>>) dst(%dma_wait3A_927 : memref<40080x16xf32, #tpu.memory_space<vmem_shared>>)
      tpu.yield
    }) : () -> ()
    %dma_wait3A_856 = arith.constant 9 : i32
    %dma_wait3A_857 = arith.constant 0 : i32
    %dma_wait3A_858 = tpu.memref_slice %arg10[%dma_wait3A_856, %dma_wait3A_857] : memref<10x1024xi32, #tpu.memory_space<vmem>> -> memref<1x1024xi32, #tpu.memory_space<vmem>>
    %dma_wait3A_859 = tpu.memref_squeeze %dma_wait3A_858 : memref<1x1024xi32, #tpu.memory_space<vmem>> -> memref<1024xi32, #tpu.memory_space<vmem>>
    %dma_wait3A_860 = arith.constant 0 : i32
    %dma_wait3A_861 = arith.constant 0 : i32
    %dma_wait3A_862 = tpu.memref_slice %arg2[%dma_wait3A_860, %dma_wait3A_861] : memref<80000x16xf32, #tpu.memory_space<hbm>> -> memref<80000x16xf32, #tpu.memory_space<hbm>>
    tpu.wait_indirect_dma semaphore(%arg19 : memref<!tpu.dma_semaphore, #tpu.memory_space<semaphore_mem>>) src(%dma_wait3A_862 : memref<80000x16xf32, #tpu.memory_space<hbm>>) dst(%arg14 : memref<1024x16xf32, #tpu.memory_space<vmem>>)
    %run_scoped3A_863 = arith.constant 9 : i32
    "tpu.region"() ({
      %run_scoped3A_915 = tpu.sem_alloc : memref<!tpu.dma_semaphore, #tpu.memory_space<semaphore_mem>>
      %dma_start3A_916 = arith.constant 0 : i32
      %dma_start3A_917 = tpu.memref_slice %arg12[%run_scoped3A_863, %dma_start3A_916] : memref<10x1024xi32, #tpu.memory_space<vmem>> -> memref<1x1024xi32, #tpu.memory_space<vmem>>
      %dma_start3A_918 = tpu.memref_squeeze %dma_start3A_917 : memref<1x1024xi32, #tpu.memory_space<vmem>> -> memref<1024xi32, #tpu.memory_space<vmem>>
      %dma_start3A_919 = arith.constant 0 : i32
      %dma_start3A_920 = arith.constant 0 : i32
      %dma_start3A_921 = tpu.memref_slice %arg16[%dma_start3A_919, %dma_start3A_920] : memref<40080x16xf32, #tpu.memory_space<vmem_shared>> -> memref<40080x16xf32, #tpu.memory_space<vmem_shared>>
      tpu.enqueue_indirect_dma source(%arg14 : memref<1024x16xf32, #tpu.memory_space<vmem>>) target(%dma_start3A_921 : memref<40080x16xf32, #tpu.memory_space<vmem_shared>>) offsets(%dma_start3A_918 : memref<1024xi32, #tpu.memory_space<vmem>>) semaphore(%run_scoped3A_915 : memref<!tpu.dma_semaphore, #tpu.memory_space<semaphore_mem>>) {add = true}
      %dma_wait3A_922 = arith.constant 0 : i32
      %dma_wait3A_923 = tpu.memref_slice %arg12[%run_scoped3A_863, %dma_wait3A_922] : memref<10x1024xi32, #tpu.memory_space<vmem>> -> memref<1x1024xi32, #tpu.memory_space<vmem>>
      %dma_wait3A_924 = tpu.memref_squeeze %dma_wait3A_923 : memref<1x1024xi32, #tpu.memory_space<vmem>> -> memref<1024xi32, #tpu.memory_space<vmem>>
      %dma_wait3A_925 = arith.constant 0 : i32
      %dma_wait3A_926 = arith.constant 0 : i32
      %dma_wait3A_927 = tpu.memref_slice %arg16[%dma_wait3A_925, %dma_wait3A_926] : memref<40080x16xf32, #tpu.memory_space<vmem_shared>> -> memref<40080x16xf32, #tpu.memory_space<vmem_shared>>
      tpu.wait_indirect_dma semaphore(%run_scoped3A_915 : memref<!tpu.dma_semaphore, #tpu.memory_space<semaphore_mem>>) src(%arg14 : memref<1024x16xf32, #tpu.memory_space<vmem>>) dst(%dma_wait3A_927 : memref<40080x16xf32, #tpu.memory_space<vmem_shared>>)
      tpu.yield
    }) : () -> ()
    %barrier3A_864 = arith.constant 0 : index
    tpu.barrier barrier_id(%barrier3A_864)
    %mul3A_865 = arith.constant 4 : i32
    %mul3A_866 = arith.muli %mul3A_865, %arg0 : i32
    %add3A_867 = arith.constant 3 : i32
    %add3A_868 = arith.addi %mul3A_866, %add3A_867 : i32
    %jit3A_869 = arith.constant 4 : i32
    %div3A_870 = arith.divsi %arg1, %jit3A_869 : i32
    %sign3A_871 = arith.constant 0 : i32
    %sign3A_872 = arith.cmpi sgt, %arg1, %sign3A_871 : i32
    %sign3A_873 = arith.extui %sign3A_872 : i1 to i32
    %sign3A_874 = arith.constant 0 : i32
    %sign3A_875 = arith.cmpi slt, %arg1, %sign3A_874 : i32
    %sign3A_876 = arith.extui %sign3A_875 : i1 to i32
    %sign3A_877 = arith.subi %sign3A_873, %sign3A_876 : i32
    %sign3A_878 = arith.constant 0 : i32
    %sign3A_879 = arith.cmpi sgt, %jit3A_869, %sign3A_878 : i32
    %sign3A_880 = arith.extui %sign3A_879 : i1 to i32
    %sign3A_881 = arith.constant 0 : i32
    %sign3A_882 = arith.cmpi slt, %jit3A_869, %sign3A_881 : i32
    %sign3A_883 = arith.extui %sign3A_882 : i1 to i32
    %sign3A_884 = arith.subi %sign3A_880, %sign3A_883 : i32
    %ne3A_885 = arith.cmpi ne, %sign3A_877, %sign3A_884 : i32
    %rem3A_886 = arith.remsi %arg1, %jit3A_869 : i32
    %ne3A_887 = arith.constant 0 : i32
    %ne3A_888 = arith.cmpi ne, %rem3A_886, %ne3A_887 : i32
    %and3A_889 = arith.andi %ne3A_885, %ne3A_888 : i1
    %sub3A_890 = arith.constant 1 : i32
    %sub3A_891 = arith.subi %div3A_870, %sub3A_890 : i32
    %select_n3A_892 = arith.select %and3A_889, %sub3A_891, %div3A_870 : i32
    %jit3A_893 = arith.constant 4 : i32
    %eq3A_894 = arith.constant 0 : i32
    %eq3A_895 = arith.cmpi eq, %jit3A_893, %eq3A_894 : i32
    %jit3A_896 = arith.constant 1 : i32
    %select_n3A_897 = arith.select %eq3A_895, %jit3A_896, %jit3A_893 : i32
    %rem3A_898 = arith.remsi %arg1, %select_n3A_897 : i32
    %ne3A_899 = arith.constant 0 : i32
    %ne3A_900 = arith.cmpi ne, %rem3A_898, %ne3A_899 : i32
    %lt3A_901 = arith.constant 0 : i32
    %lt3A_902 = arith.cmpi slt, %rem3A_898, %lt3A_901 : i32
    %lt3A_903 = arith.constant 0 : i32
    %lt3A_904 = arith.cmpi slt, %select_n3A_897, %lt3A_903 : i32
    %ne3A_905 = arith.xori %lt3A_902, %lt3A_904 : i1
    %and3A_906 = arith.andi %ne3A_905, %ne3A_900 : i1
    %add3A_907 = arith.addi %rem3A_898, %select_n3A_897 : i32
    %select_n3A_908 = arith.select %and3A_906, %add3A_907, %rem3A_898 : i32
    %mul3A_909 = arith.constant 2504 : i32
    %mul3A_910 = arith.muli %select_n3A_908, %mul3A_909 : i32
    %multiple_of3A_911 = tpu.assume_multiple %mul3A_910, 8 : i32
    %mul3A_912 = arith.constant 16 : i32
    %mul3A_913 = arith.muli %add3A_868, %mul3A_912 : i32
    %multiple_of3A_914 = tpu.assume_multiple %mul3A_913, 16 : i32
    "tpu.region"() ({
      %run_scoped3A_915 = tpu.sem_alloc : memref<!tpu.dma_semaphore, #tpu.memory_space<semaphore_mem>>
      %dma_start3A_916 = tpu.memref_slice %arg8[%select_n3A_892, %multiple_of3A_911, %multiple_of3A_914] : memref<4x10016x128xf32, #tpu.memory_space<hbm>> -> memref<1x2504x16xf32, #tpu.memory_space<hbm>>
      %dma_start3A_917 = tpu.memref_squeeze %dma_start3A_916 : memref<1x2504x16xf32, #tpu.memory_space<hbm>> -> memref<2504x16xf32, #tpu.memory_space<hbm>>
      %dma_start3A_918 = arith.constant 0 : i32
      %dma_start3A_919 = tpu.memref_slice %arg16[%multiple_of3A, %dma_start3A_918] : memref<40080x16xf32, #tpu.memory_space<vmem_shared>> -> memref<2504x16xf32, #tpu.memory_space<vmem_shared>>
      tpu.enqueue_dma source(%dma_start3A_919 : memref<2504x16xf32, #tpu.memory_space<vmem_shared>>) target(%dma_start3A_917 : memref<2504x16xf32, #tpu.memory_space<hbm>>) target_semaphore(%run_scoped3A_915 : memref<!tpu.dma_semaphore, #tpu.memory_space<semaphore_mem>>)
      %dma_wait3A_920 = tpu.memref_slice %arg8[%select_n3A_892, %multiple_of3A_911, %multiple_of3A_914] : memref<4x10016x128xf32, #tpu.memory_space<hbm>> -> memref<1x2504x16xf32, #tpu.memory_space<hbm>>
      %dma_wait3A_921 = tpu.memref_squeeze %dma_wait3A_920 : memref<1x2504x16xf32, #tpu.memory_space<hbm>> -> memref<2504x16xf32, #tpu.memory_space<hbm>>
      %dma_wait3A_922 = arith.constant 0 : i32
      %dma_wait3A_923 = tpu.memref_slice %arg16[%multiple_of3A, %dma_wait3A_922] : memref<40080x16xf32, #tpu.memory_space<vmem_shared>> -> memref<2504x16xf32, #tpu.memory_space<vmem_shared>>
      tpu.wait_dma2 semaphore(%run_scoped3A_915 : memref<!tpu.dma_semaphore, #tpu.memory_space<semaphore_mem>>) src(%dma_wait3A_923 : memref<2504x16xf32, #tpu.memory_space<vmem_shared>>) dst(%dma_wait3A_921 : memref<2504x16xf32, #tpu.memory_space<hbm>>)
      tpu.yield
    }) : () -> ()
    return
  }
}

module attributes {stable_mosaic.version = 14 : i64} {
  func.func @_tc_self_body(%arg0: i32, %arg1: memref<1000x128xf32, #tpu.memory_space<vmem>>, %arg2: memref<128x32xf32, #tpu.memory_space<vmem>>, %arg3: memref<1x32xf32, #tpu.memory_space<vmem>>, %arg4: memref<128x256xf32, #tpu.memory_space<vmem>>, %arg5: memref<1000x32xf32, #tpu.memory_space<vmem>>, %arg6: memref<1000x64xf32, #tpu.memory_space<vmem>>) attributes {dimension_semantics = [#tpu.dimension_semantics<arbitrary>], iteration_bounds = array<i64: 10>, scalar_prefetch = 0 : i64, scratch_operands = 0 : i64, tpu.core_type = #tpu.core_type<tc>, window_params = [{transform_indices = @transform_0, window_bounds = array<i64: 1000, 128>}, {pipeline_mode = #tpu.pipeline_mode<synchronous>, transform_indices = @transform_1, window_bounds = array<i64: 128, 32>}, {pipeline_mode = #tpu.pipeline_mode<synchronous>, transform_indices = @transform_2, window_bounds = array<i64: 1, 32>}, {pipeline_mode = #tpu.pipeline_mode<synchronous>, transform_indices = @transform_3, window_bounds = array<i64: 128, 256>}, {transform_indices = @transform_4, window_bounds = array<i64: 1000, 32>}, {transform_indices = @transform_5, window_bounds = array<i64: 1000, 64>}]} {
    %get3A = arith.constant 0 : index
    %get3A_0 = arith.constant 0 : index
    %get3A_1 = vector.load %arg1[%get3A, %get3A_0] : memref<1000x128xf32, #tpu.memory_space<vmem>>, vector<1000x128xf32>
    %get3A_2 = arith.constant 0 : index
    %get3A_3 = arith.constant 0 : index
    %get3A_4 = vector.load %arg2[%get3A_2, %get3A_3] : memref<128x32xf32, #tpu.memory_space<vmem>>, vector<128x32xf32>
    %dot_general3A = arith.constant dense<0.000000e+00> : vector<1000x32xf32>
    %dot_general3A_5 = tpu.matmul %get3A_1, %get3A_4, %dot_general3A {dimension_numbers = #tpu.dot_dimension_numbers<[1], [0], [0], [1], [0, 0, 1, 1], [], []>, transpose_lhs_hint = false} : vector<1000x128xf32>, vector<128x32xf32>, vector<1000x32xf32> -> vector<1000x32xf32>
    %get3A_6 = arith.constant 0 : index
    %get3A_7 = arith.constant 0 : index
    %get3A_8 = vector.load %arg3[%get3A_6, %get3A_7] : memref<1x32xf32, #tpu.memory_space<vmem>>, vector<1x32xf32>
    %add3A = vector.broadcast %get3A_8 : vector<1x32xf32> to vector<1000x32xf32>
    %add3A_9 = arith.addf %dot_general3A_5, %add3A : vector<1000x32xf32>
    %gt3A = arith.constant 0.000000e+00 : f32
    %gt3A_10 = vector.broadcast %gt3A : f32 to vector<1000x32xf32>
    %gt3A_11 = arith.cmpf ogt, %add3A_9, %gt3A_10 : vector<1000x32xf32>
    %mul3A = arith.constant 2.000000e-01 : f32
    %mul3A_12 = vector.broadcast %mul3A : f32 to vector<1000x32xf32>
    %mul3A_13 = arith.mulf %mul3A_12, %add3A_9 : vector<1000x32xf32>
    %select_n3A = arith.select %gt3A_11, %add3A_9, %mul3A_13 : vector<1000x32xi1>, vector<1000x32xf32>
    %swap3A = arith.constant 0 : index
    %swap3A_14 = arith.constant 0 : index
    %swap3A_15 = vector.load %arg5[%swap3A, %swap3A_14] : memref<1000x32xf32, #tpu.memory_space<vmem>>, vector<1000x32xf32>
    tpu.vector_store %arg5[%swap3A, %swap3A_14], %select_n3A {strides = array<i32>} : memref<1000x32xf32, #tpu.memory_space<vmem>>, vector<1000x32xf32>,
    %get3A_16 = arith.constant 0 : index
    %get3A_17 = arith.constant 0 : index
    %get3A_18 = vector.load %arg4[%get3A_16, %get3A_17] : memref<128x256xf32, #tpu.memory_space<vmem>>, vector<128x256xf32>
    %dot_general3A_19 = arith.constant dense<0.000000e+00> : vector<1000x256xf32>
    %dot_general3A_20 = tpu.matmul %get3A_1, %get3A_18, %dot_general3A_19 {dimension_numbers = #tpu.dot_dimension_numbers<[1], [0], [0], [1], [0, 0, 1, 1], [], []>, transpose_lhs_hint = false} : vector<1000x128xf32>, vector<128x256xf32>, vector<1000x256xf32> -> vector<1000x256xf32>
    %broadcast_in_dim3A = arith.constant 0.000000e+00 : f32
    %broadcast_in_dim3A_21 = vector.broadcast %broadcast_in_dim3A : f32 to vector<1000x64xf32>
    %slice3A = vector.extract_strided_slice %dot_general3A_20 {offsets = [0, 0], sizes = [1000, 64], strides = [1, 1]} : vector<1000x256xf32> to vector<1000x64xf32>
    %slice3A_22 = vector.extract_strided_slice %select_n3A {offsets = [0, 16], sizes = [1000, 1], strides = [1, 1]} : vector<1000x32xf32> to vector<1000x1xf32>
    %squeeze3A = vector.shape_cast %slice3A_22 : vector<1000x1xf32> to vector<1000xf32>
    %broadcast_in_dim3A_23 = vector.shape_cast %squeeze3A : vector<1000xf32> to vector<1000x1xf32>
    %mul3A_24 = vector.broadcast %broadcast_in_dim3A_23 : vector<1000x1xf32> to vector<1000x64xf32>
    %mul3A_25 = arith.mulf %slice3A, %mul3A_24 : vector<1000x64xf32>
    %add3A_26 = arith.addf %broadcast_in_dim3A_21, %mul3A_25 : vector<1000x64xf32>
    %slice3A_27 = vector.extract_strided_slice %dot_general3A_20 {offsets = [0, 64], sizes = [1000, 64], strides = [1, 1]} : vector<1000x256xf32> to vector<1000x64xf32>
    %slice3A_28 = vector.extract_strided_slice %select_n3A {offsets = [0, 17], sizes = [1000, 1], strides = [1, 1]} : vector<1000x32xf32> to vector<1000x1xf32>
    %squeeze3A_29 = vector.shape_cast %slice3A_28 : vector<1000x1xf32> to vector<1000xf32>
    %broadcast_in_dim3A_30 = vector.shape_cast %squeeze3A_29 : vector<1000xf32> to vector<1000x1xf32>
    %mul3A_31 = vector.broadcast %broadcast_in_dim3A_30 : vector<1000x1xf32> to vector<1000x64xf32>
    %mul3A_32 = arith.mulf %slice3A_27, %mul3A_31 : vector<1000x64xf32>
    %add3A_33 = arith.addf %add3A_26, %mul3A_32 : vector<1000x64xf32>
    %slice3A_34 = vector.extract_strided_slice %dot_general3A_20 {offsets = [0, 128], sizes = [1000, 64], strides = [1, 1]} : vector<1000x256xf32> to vector<1000x64xf32>
    %slice3A_35 = vector.extract_strided_slice %select_n3A {offsets = [0, 18], sizes = [1000, 1], strides = [1, 1]} : vector<1000x32xf32> to vector<1000x1xf32>
    %squeeze3A_36 = vector.shape_cast %slice3A_35 : vector<1000x1xf32> to vector<1000xf32>
    %broadcast_in_dim3A_37 = vector.shape_cast %squeeze3A_36 : vector<1000xf32> to vector<1000x1xf32>
    %mul3A_38 = vector.broadcast %broadcast_in_dim3A_37 : vector<1000x1xf32> to vector<1000x64xf32>
    %mul3A_39 = arith.mulf %slice3A_34, %mul3A_38 : vector<1000x64xf32>
    %add3A_40 = arith.addf %add3A_33, %mul3A_39 : vector<1000x64xf32>
    %slice3A_41 = vector.extract_strided_slice %dot_general3A_20 {offsets = [0, 192], sizes = [1000, 64], strides = [1, 1]} : vector<1000x256xf32> to vector<1000x64xf32>
    %slice3A_42 = vector.extract_strided_slice %select_n3A {offsets = [0, 19], sizes = [1000, 1], strides = [1, 1]} : vector<1000x32xf32> to vector<1000x1xf32>
    %squeeze3A_43 = vector.shape_cast %slice3A_42 : vector<1000x1xf32> to vector<1000xf32>
    %broadcast_in_dim3A_44 = vector.shape_cast %squeeze3A_43 : vector<1000xf32> to vector<1000x1xf32>
    %mul3A_45 = vector.broadcast %broadcast_in_dim3A_44 : vector<1000x1xf32> to vector<1000x64xf32>
    %mul3A_46 = arith.mulf %slice3A_41, %mul3A_45 : vector<1000x64xf32>
    %add3A_47 = arith.addf %add3A_40, %mul3A_46 : vector<1000x64xf32>
    %swap3A_48 = arith.constant 0 : index
    %swap3A_49 = arith.constant 0 : index
    %swap3A_50 = vector.load %arg6[%swap3A_48, %swap3A_49] : memref<1000x64xf32, #tpu.memory_space<vmem>>, vector<1000x64xf32>
    tpu.vector_store %arg6[%swap3A_48, %swap3A_49], %add3A_47 {strides = array<i32>} : memref<1000x64xf32, #tpu.memory_space<vmem>>, vector<1000x64xf32>,
    return
  }
  func.func @transform_0(%arg0: i32) -> (i32, i32) {
    %c0_i32 = arith.constant 0 : i32
    %c0_i32_0 = arith.constant 0 : i32
    return %arg0, %c0_i32 : i32, i32
  }
  func.func @transform_1(%arg0: i32) -> (i32, i32) {
    %c0_i32 = arith.constant 0 : i32
    %c0_i32_0 = arith.constant 0 : i32
    %c0_i32_1 = arith.constant 0 : i32
    return %c0_i32, %c0_i32_0 : i32, i32
  }
  func.func @transform_2(%arg0: i32) -> (i32, i32) {
    %c0_i32 = arith.constant 0 : i32
    %c0_i32_0 = arith.constant 0 : i32
    %c0_i32_1 = arith.constant 0 : i32
    return %c0_i32, %c0_i32_0 : i32, i32
  }
  func.func @transform_3(%arg0: i32) -> (i32, i32) {
    %c0_i32 = arith.constant 0 : i32
    %c0_i32_0 = arith.constant 0 : i32
    %c0_i32_1 = arith.constant 0 : i32
    return %c0_i32, %c0_i32_0 : i32, i32
  }
  func.func @transform_4(%arg0: i32) -> (i32, i32) {
    %c0_i32 = arith.constant 0 : i32
    %c0_i32_0 = arith.constant 0 : i32
    return %arg0, %c0_i32 : i32, i32
  }
  func.func @transform_5(%arg0: i32) -> (i32, i32) {
    %c0_i32 = arith.constant 0 : i32
    %c0_i32_0 = arith.constant 0 : i32
    return %arg0, %c0_i32 : i32, i32
  }
}

module attributes {stable_mosaic.version = 14 : i64} {
  func.func @_tc_agg_body(%arg0: i32, %arg1: memref<4x1000x128xf32, #tpu.memory_space<vmem>>, %arg2: memref<1000x16xf32, #tpu.memory_space<vmem>>, %arg3: memref<1000x32xf32, #tpu.memory_space<vmem>>, %arg4: memref<1000x64xf32, #tpu.memory_space<vmem>>, %arg5: memref<4x128x256xf32, #tpu.memory_space<vmem>>, %arg6: memref<1x64xf32, #tpu.memory_space<vmem>>, %arg7: memref<1000x64xf32, #tpu.memory_space<vmem>>) attributes {dimension_semantics = [#tpu.dimension_semantics<arbitrary>], iteration_bounds = array<i64: 10>, scalar_prefetch = 0 : i64, scratch_operands = 0 : i64, tpu.core_type = #tpu.core_type<tc>, window_params = [{transform_indices = @transform_0, window_bounds = array<i64: 4, 1000, 128>}, {transform_indices = @transform_1, window_bounds = array<i64: 1000, 16>}, {transform_indices = @transform_2, window_bounds = array<i64: 1000, 32>}, {transform_indices = @transform_3, window_bounds = array<i64: 1000, 64>}, {pipeline_mode = #tpu.pipeline_mode<synchronous>, transform_indices = @transform_4, window_bounds = array<i64: 4, 128, 256>}, {pipeline_mode = #tpu.pipeline_mode<synchronous>, transform_indices = @transform_5, window_bounds = array<i64: 1, 64>}, {transform_indices = @transform_6, window_bounds = array<i64: 1000, 64>}]} {
    %get3A = arith.constant 0 : index
    %get3A_0 = arith.constant 0 : index
    %get3A_1 = vector.load %arg3[%get3A, %get3A_0] : memref<1000x32xf32, #tpu.memory_space<vmem>>, vector<1000x32xf32>
    %broadcast_in_dim3A = arith.constant 0.000000e+00 : f32
    %broadcast_in_dim3A_2 = vector.broadcast %broadcast_in_dim3A : f32 to vector<1000x64xf32>
    %get3A_3 = arith.constant 0 : index
    %get3A_4 = arith.constant 0 : index
    %get3A_5 = arith.constant 0 : index
    %get3A_6 = vector.load %arg1[%get3A_3, %get3A_4, %get3A_5] : memref<4x1000x128xf32, #tpu.memory_space<vmem>>, vector<1x1000x128xf32>
    %get3A_7 = vector.shape_cast %get3A_6 : vector<1x1000x128xf32> to vector<1000x128xf32>
    %get3A_8 = arith.constant 0 : index
    %get3A_9 = arith.constant 0 : index
    %get3A_10 = arith.constant 0 : index
    %get3A_11 = vector.load %arg5[%get3A_8, %get3A_9, %get3A_10] : memref<4x128x256xf32, #tpu.memory_space<vmem>>, vector<1x128x256xf32>
    %get3A_12 = vector.shape_cast %get3A_11 : vector<1x128x256xf32> to vector<128x256xf32>
    %dot_general3A = arith.constant dense<0.000000e+00> : vector<1000x256xf32>
    %dot_general3A_13 = tpu.matmul %get3A_7, %get3A_12, %dot_general3A {dimension_numbers = #tpu.dot_dimension_numbers<[1], [0], [0], [1], [0, 0, 1, 1], [], []>, transpose_lhs_hint = false} : vector<1000x128xf32>, vector<128x256xf32>, vector<1000x256xf32> -> vector<1000x256xf32>
    %slice3A = vector.extract_strided_slice %dot_general3A_13 {offsets = [0, 0], sizes = [1000, 64], strides = [1, 1]} : vector<1000x256xf32> to vector<1000x64xf32>
    %slice3A_14 = vector.extract_strided_slice %get3A_1 {offsets = [0, 0], sizes = [1000, 1], strides = [1, 1]} : vector<1000x32xf32> to vector<1000x1xf32>
    %squeeze3A = vector.shape_cast %slice3A_14 : vector<1000x1xf32> to vector<1000xf32>
    %broadcast_in_dim3A_15 = vector.shape_cast %squeeze3A : vector<1000xf32> to vector<1000x1xf32>
    %mul3A = vector.broadcast %broadcast_in_dim3A_15 : vector<1000x1xf32> to vector<1000x64xf32>
    %mul3A_16 = arith.mulf %slice3A, %mul3A : vector<1000x64xf32>
    %add3A = arith.addf %broadcast_in_dim3A_2, %mul3A_16 : vector<1000x64xf32>
    %slice3A_17 = vector.extract_strided_slice %dot_general3A_13 {offsets = [0, 64], sizes = [1000, 64], strides = [1, 1]} : vector<1000x256xf32> to vector<1000x64xf32>
    %slice3A_18 = vector.extract_strided_slice %get3A_1 {offsets = [0, 1], sizes = [1000, 1], strides = [1, 1]} : vector<1000x32xf32> to vector<1000x1xf32>
    %squeeze3A_19 = vector.shape_cast %slice3A_18 : vector<1000x1xf32> to vector<1000xf32>
    %broadcast_in_dim3A_20 = vector.shape_cast %squeeze3A_19 : vector<1000xf32> to vector<1000x1xf32>
    %mul3A_21 = vector.broadcast %broadcast_in_dim3A_20 : vector<1000x1xf32> to vector<1000x64xf32>
    %mul3A_22 = arith.mulf %slice3A_17, %mul3A_21 : vector<1000x64xf32>
    %add3A_23 = arith.addf %add3A, %mul3A_22 : vector<1000x64xf32>
    %slice3A_24 = vector.extract_strided_slice %dot_general3A_13 {offsets = [0, 128], sizes = [1000, 64], strides = [1, 1]} : vector<1000x256xf32> to vector<1000x64xf32>
    %slice3A_25 = vector.extract_strided_slice %get3A_1 {offsets = [0, 2], sizes = [1000, 1], strides = [1, 1]} : vector<1000x32xf32> to vector<1000x1xf32>
    %squeeze3A_26 = vector.shape_cast %slice3A_25 : vector<1000x1xf32> to vector<1000xf32>
    %broadcast_in_dim3A_27 = vector.shape_cast %squeeze3A_26 : vector<1000xf32> to vector<1000x1xf32>
    %mul3A_28 = vector.broadcast %broadcast_in_dim3A_27 : vector<1000x1xf32> to vector<1000x64xf32>
    %mul3A_29 = arith.mulf %slice3A_24, %mul3A_28 : vector<1000x64xf32>
    %add3A_30 = arith.addf %add3A_23, %mul3A_29 : vector<1000x64xf32>
    %slice3A_31 = vector.extract_strided_slice %dot_general3A_13 {offsets = [0, 192], sizes = [1000, 64], strides = [1, 1]} : vector<1000x256xf32> to vector<1000x64xf32>
    %slice3A_32 = vector.extract_strided_slice %get3A_1 {offsets = [0, 3], sizes = [1000, 1], strides = [1, 1]} : vector<1000x32xf32> to vector<1000x1xf32>
    %squeeze3A_33 = vector.shape_cast %slice3A_32 : vector<1000x1xf32> to vector<1000xf32>
    %broadcast_in_dim3A_34 = vector.shape_cast %squeeze3A_33 : vector<1000xf32> to vector<1000x1xf32>
    %mul3A_35 = vector.broadcast %broadcast_in_dim3A_34 : vector<1000x1xf32> to vector<1000x64xf32>
    %mul3A_36 = arith.mulf %slice3A_31, %mul3A_35 : vector<1000x64xf32>
    %add3A_37 = arith.addf %add3A_30, %mul3A_36 : vector<1000x64xf32>
    %get3A_38 = arith.constant 1 : index
    %get3A_39 = arith.constant 0 : index
    %get3A_40 = arith.constant 0 : index
    %get3A_41 = vector.load %arg1[%get3A_38, %get3A_39, %get3A_40] : memref<4x1000x128xf32, #tpu.memory_space<vmem>>, vector<1x1000x128xf32>
    %get3A_42 = vector.shape_cast %get3A_41 : vector<1x1000x128xf32> to vector<1000x128xf32>
    %get3A_43 = arith.constant 1 : index
    %get3A_44 = arith.constant 0 : index
    %get3A_45 = arith.constant 0 : index
    %get3A_46 = vector.load %arg5[%get3A_43, %get3A_44, %get3A_45] : memref<4x128x256xf32, #tpu.memory_space<vmem>>, vector<1x128x256xf32>
    %get3A_47 = vector.shape_cast %get3A_46 : vector<1x128x256xf32> to vector<128x256xf32>
    %dot_general3A_48 = arith.constant dense<0.000000e+00> : vector<1000x256xf32>
    %dot_general3A_49 = tpu.matmul %get3A_42, %get3A_47, %dot_general3A_48 {dimension_numbers = #tpu.dot_dimension_numbers<[1], [0], [0], [1], [0, 0, 1, 1], [], []>, transpose_lhs_hint = false} : vector<1000x128xf32>, vector<128x256xf32>, vector<1000x256xf32> -> vector<1000x256xf32>
    %slice3A_50 = vector.extract_strided_slice %dot_general3A_49 {offsets = [0, 0], sizes = [1000, 64], strides = [1, 1]} : vector<1000x256xf32> to vector<1000x64xf32>
    %slice3A_51 = vector.extract_strided_slice %get3A_1 {offsets = [0, 4], sizes = [1000, 1], strides = [1, 1]} : vector<1000x32xf32> to vector<1000x1xf32>
    %squeeze3A_52 = vector.shape_cast %slice3A_51 : vector<1000x1xf32> to vector<1000xf32>
    %broadcast_in_dim3A_53 = vector.shape_cast %squeeze3A_52 : vector<1000xf32> to vector<1000x1xf32>
    %mul3A_54 = vector.broadcast %broadcast_in_dim3A_53 : vector<1000x1xf32> to vector<1000x64xf32>
    %mul3A_55 = arith.mulf %slice3A_50, %mul3A_54 : vector<1000x64xf32>
    %add3A_56 = arith.addf %add3A_37, %mul3A_55 : vector<1000x64xf32>
    %slice3A_57 = vector.extract_strided_slice %dot_general3A_49 {offsets = [0, 64], sizes = [1000, 64], strides = [1, 1]} : vector<1000x256xf32> to vector<1000x64xf32>
    %slice3A_58 = vector.extract_strided_slice %get3A_1 {offsets = [0, 5], sizes = [1000, 1], strides = [1, 1]} : vector<1000x32xf32> to vector<1000x1xf32>
    %squeeze3A_59 = vector.shape_cast %slice3A_58 : vector<1000x1xf32> to vector<1000xf32>
    %broadcast_in_dim3A_60 = vector.shape_cast %squeeze3A_59 : vector<1000xf32> to vector<1000x1xf32>
    %mul3A_61 = vector.broadcast %broadcast_in_dim3A_60 : vector<1000x1xf32> to vector<1000x64xf32>
    %mul3A_62 = arith.mulf %slice3A_57, %mul3A_61 : vector<1000x64xf32>
    %add3A_63 = arith.addf %add3A_56, %mul3A_62 : vector<1000x64xf32>
    %slice3A_64 = vector.extract_strided_slice %dot_general3A_49 {offsets = [0, 128], sizes = [1000, 64], strides = [1, 1]} : vector<1000x256xf32> to vector<1000x64xf32>
    %slice3A_65 = vector.extract_strided_slice %get3A_1 {offsets = [0, 6], sizes = [1000, 1], strides = [1, 1]} : vector<1000x32xf32> to vector<1000x1xf32>
    %squeeze3A_66 = vector.shape_cast %slice3A_65 : vector<1000x1xf32> to vector<1000xf32>
    %broadcast_in_dim3A_67 = vector.shape_cast %squeeze3A_66 : vector<1000xf32> to vector<1000x1xf32>
    %mul3A_68 = vector.broadcast %broadcast_in_dim3A_67 : vector<1000x1xf32> to vector<1000x64xf32>
    %mul3A_69 = arith.mulf %slice3A_64, %mul3A_68 : vector<1000x64xf32>
    %add3A_70 = arith.addf %add3A_63, %mul3A_69 : vector<1000x64xf32>
    %slice3A_71 = vector.extract_strided_slice %dot_general3A_49 {offsets = [0, 192], sizes = [1000, 64], strides = [1, 1]} : vector<1000x256xf32> to vector<1000x64xf32>
    %slice3A_72 = vector.extract_strided_slice %get3A_1 {offsets = [0, 7], sizes = [1000, 1], strides = [1, 1]} : vector<1000x32xf32> to vector<1000x1xf32>
    %squeeze3A_73 = vector.shape_cast %slice3A_72 : vector<1000x1xf32> to vector<1000xf32>
    %broadcast_in_dim3A_74 = vector.shape_cast %squeeze3A_73 : vector<1000xf32> to vector<1000x1xf32>
    %mul3A_75 = vector.broadcast %broadcast_in_dim3A_74 : vector<1000x1xf32> to vector<1000x64xf32>
    %mul3A_76 = arith.mulf %slice3A_71, %mul3A_75 : vector<1000x64xf32>
    %add3A_77 = arith.addf %add3A_70, %mul3A_76 : vector<1000x64xf32>
    %get3A_78 = arith.constant 2 : index
    %get3A_79 = arith.constant 0 : index
    %get3A_80 = arith.constant 0 : index
    %get3A_81 = vector.load %arg1[%get3A_78, %get3A_79, %get3A_80] : memref<4x1000x128xf32, #tpu.memory_space<vmem>>, vector<1x1000x128xf32>
    %get3A_82 = vector.shape_cast %get3A_81 : vector<1x1000x128xf32> to vector<1000x128xf32>
    %get3A_83 = arith.constant 2 : index
    %get3A_84 = arith.constant 0 : index
    %get3A_85 = arith.constant 0 : index
    %get3A_86 = vector.load %arg5[%get3A_83, %get3A_84, %get3A_85] : memref<4x128x256xf32, #tpu.memory_space<vmem>>, vector<1x128x256xf32>
    %get3A_87 = vector.shape_cast %get3A_86 : vector<1x128x256xf32> to vector<128x256xf32>
    %dot_general3A_88 = arith.constant dense<0.000000e+00> : vector<1000x256xf32>
    %dot_general3A_89 = tpu.matmul %get3A_82, %get3A_87, %dot_general3A_88 {dimension_numbers = #tpu.dot_dimension_numbers<[1], [0], [0], [1], [0, 0, 1, 1], [], []>, transpose_lhs_hint = false} : vector<1000x128xf32>, vector<128x256xf32>, vector<1000x256xf32> -> vector<1000x256xf32>
    %slice3A_90 = vector.extract_strided_slice %dot_general3A_89 {offsets = [0, 0], sizes = [1000, 64], strides = [1, 1]} : vector<1000x256xf32> to vector<1000x64xf32>
    %slice3A_91 = vector.extract_strided_slice %get3A_1 {offsets = [0, 8], sizes = [1000, 1], strides = [1, 1]} : vector<1000x32xf32> to vector<1000x1xf32>
    %squeeze3A_92 = vector.shape_cast %slice3A_91 : vector<1000x1xf32> to vector<1000xf32>
    %broadcast_in_dim3A_93 = vector.shape_cast %squeeze3A_92 : vector<1000xf32> to vector<1000x1xf32>
    %mul3A_94 = vector.broadcast %broadcast_in_dim3A_93 : vector<1000x1xf32> to vector<1000x64xf32>
    %mul3A_95 = arith.mulf %slice3A_90, %mul3A_94 : vector<1000x64xf32>
    %add3A_96 = arith.addf %add3A_77, %mul3A_95 : vector<1000x64xf32>
    %slice3A_97 = vector.extract_strided_slice %dot_general3A_89 {offsets = [0, 64], sizes = [1000, 64], strides = [1, 1]} : vector<1000x256xf32> to vector<1000x64xf32>
    %slice3A_98 = vector.extract_strided_slice %get3A_1 {offsets = [0, 9], sizes = [1000, 1], strides = [1, 1]} : vector<1000x32xf32> to vector<1000x1xf32>
    %squeeze3A_99 = vector.shape_cast %slice3A_98 : vector<1000x1xf32> to vector<1000xf32>
    %broadcast_in_dim3A_100 = vector.shape_cast %squeeze3A_99 : vector<1000xf32> to vector<1000x1xf32>
    %mul3A_101 = vector.broadcast %broadcast_in_dim3A_100 : vector<1000x1xf32> to vector<1000x64xf32>
    %mul3A_102 = arith.mulf %slice3A_97, %mul3A_101 : vector<1000x64xf32>
    %add3A_103 = arith.addf %add3A_96, %mul3A_102 : vector<1000x64xf32>
    %slice3A_104 = vector.extract_strided_slice %dot_general3A_89 {offsets = [0, 128], sizes = [1000, 64], strides = [1, 1]} : vector<1000x256xf32> to vector<1000x64xf32>
    %slice3A_105 = vector.extract_strided_slice %get3A_1 {offsets = [0, 10], sizes = [1000, 1], strides = [1, 1]} : vector<1000x32xf32> to vector<1000x1xf32>
    %squeeze3A_106 = vector.shape_cast %slice3A_105 : vector<1000x1xf32> to vector<1000xf32>
    %broadcast_in_dim3A_107 = vector.shape_cast %squeeze3A_106 : vector<1000xf32> to vector<1000x1xf32>
    %mul3A_108 = vector.broadcast %broadcast_in_dim3A_107 : vector<1000x1xf32> to vector<1000x64xf32>
    %mul3A_109 = arith.mulf %slice3A_104, %mul3A_108 : vector<1000x64xf32>
    %add3A_110 = arith.addf %add3A_103, %mul3A_109 : vector<1000x64xf32>
    %slice3A_111 = vector.extract_strided_slice %dot_general3A_89 {offsets = [0, 192], sizes = [1000, 64], strides = [1, 1]} : vector<1000x256xf32> to vector<1000x64xf32>
    %slice3A_112 = vector.extract_strided_slice %get3A_1 {offsets = [0, 11], sizes = [1000, 1], strides = [1, 1]} : vector<1000x32xf32> to vector<1000x1xf32>
    %squeeze3A_113 = vector.shape_cast %slice3A_112 : vector<1000x1xf32> to vector<1000xf32>
    %broadcast_in_dim3A_114 = vector.shape_cast %squeeze3A_113 : vector<1000xf32> to vector<1000x1xf32>
    %mul3A_115 = vector.broadcast %broadcast_in_dim3A_114 : vector<1000x1xf32> to vector<1000x64xf32>
    %mul3A_116 = arith.mulf %slice3A_111, %mul3A_115 : vector<1000x64xf32>
    %add3A_117 = arith.addf %add3A_110, %mul3A_116 : vector<1000x64xf32>
    %get3A_118 = arith.constant 3 : index
    %get3A_119 = arith.constant 0 : index
    %get3A_120 = arith.constant 0 : index
    %get3A_121 = vector.load %arg1[%get3A_118, %get3A_119, %get3A_120] : memref<4x1000x128xf32, #tpu.memory_space<vmem>>, vector<1x1000x128xf32>
    %get3A_122 = vector.shape_cast %get3A_121 : vector<1x1000x128xf32> to vector<1000x128xf32>
    %get3A_123 = arith.constant 3 : index
    %get3A_124 = arith.constant 0 : index
    %get3A_125 = arith.constant 0 : index
    %get3A_126 = vector.load %arg5[%get3A_123, %get3A_124, %get3A_125] : memref<4x128x256xf32, #tpu.memory_space<vmem>>, vector<1x128x256xf32>
    %get3A_127 = vector.shape_cast %get3A_126 : vector<1x128x256xf32> to vector<128x256xf32>
    %dot_general3A_128 = arith.constant dense<0.000000e+00> : vector<1000x256xf32>
    %dot_general3A_129 = tpu.matmul %get3A_122, %get3A_127, %dot_general3A_128 {dimension_numbers = #tpu.dot_dimension_numbers<[1], [0], [0], [1], [0, 0, 1, 1], [], []>, transpose_lhs_hint = false} : vector<1000x128xf32>, vector<128x256xf32>, vector<1000x256xf32> -> vector<1000x256xf32>
    %slice3A_130 = vector.extract_strided_slice %dot_general3A_129 {offsets = [0, 0], sizes = [1000, 64], strides = [1, 1]} : vector<1000x256xf32> to vector<1000x64xf32>
    %slice3A_131 = vector.extract_strided_slice %get3A_1 {offsets = [0, 12], sizes = [1000, 1], strides = [1, 1]} : vector<1000x32xf32> to vector<1000x1xf32>
    %squeeze3A_132 = vector.shape_cast %slice3A_131 : vector<1000x1xf32> to vector<1000xf32>
    %broadcast_in_dim3A_133 = vector.shape_cast %squeeze3A_132 : vector<1000xf32> to vector<1000x1xf32>
    %mul3A_134 = vector.broadcast %broadcast_in_dim3A_133 : vector<1000x1xf32> to vector<1000x64xf32>
    %mul3A_135 = arith.mulf %slice3A_130, %mul3A_134 : vector<1000x64xf32>
    %add3A_136 = arith.addf %add3A_117, %mul3A_135 : vector<1000x64xf32>
    %slice3A_137 = vector.extract_strided_slice %dot_general3A_129 {offsets = [0, 64], sizes = [1000, 64], strides = [1, 1]} : vector<1000x256xf32> to vector<1000x64xf32>
    %slice3A_138 = vector.extract_strided_slice %get3A_1 {offsets = [0, 13], sizes = [1000, 1], strides = [1, 1]} : vector<1000x32xf32> to vector<1000x1xf32>
    %squeeze3A_139 = vector.shape_cast %slice3A_138 : vector<1000x1xf32> to vector<1000xf32>
    %broadcast_in_dim3A_140 = vector.shape_cast %squeeze3A_139 : vector<1000xf32> to vector<1000x1xf32>
    %mul3A_141 = vector.broadcast %broadcast_in_dim3A_140 : vector<1000x1xf32> to vector<1000x64xf32>
    %mul3A_142 = arith.mulf %slice3A_137, %mul3A_141 : vector<1000x64xf32>
    %add3A_143 = arith.addf %add3A_136, %mul3A_142 : vector<1000x64xf32>
    %slice3A_144 = vector.extract_strided_slice %dot_general3A_129 {offsets = [0, 128], sizes = [1000, 64], strides = [1, 1]} : vector<1000x256xf32> to vector<1000x64xf32>
    %slice3A_145 = vector.extract_strided_slice %get3A_1 {offsets = [0, 14], sizes = [1000, 1], strides = [1, 1]} : vector<1000x32xf32> to vector<1000x1xf32>
    %squeeze3A_146 = vector.shape_cast %slice3A_145 : vector<1000x1xf32> to vector<1000xf32>
    %broadcast_in_dim3A_147 = vector.shape_cast %squeeze3A_146 : vector<1000xf32> to vector<1000x1xf32>
    %mul3A_148 = vector.broadcast %broadcast_in_dim3A_147 : vector<1000x1xf32> to vector<1000x64xf32>
    %mul3A_149 = arith.mulf %slice3A_144, %mul3A_148 : vector<1000x64xf32>
    %add3A_150 = arith.addf %add3A_143, %mul3A_149 : vector<1000x64xf32>
    %slice3A_151 = vector.extract_strided_slice %dot_general3A_129 {offsets = [0, 192], sizes = [1000, 64], strides = [1, 1]} : vector<1000x256xf32> to vector<1000x64xf32>
    %slice3A_152 = vector.extract_strided_slice %get3A_1 {offsets = [0, 15], sizes = [1000, 1], strides = [1, 1]} : vector<1000x32xf32> to vector<1000x1xf32>
    %squeeze3A_153 = vector.shape_cast %slice3A_152 : vector<1000x1xf32> to vector<1000xf32>
    %broadcast_in_dim3A_154 = vector.shape_cast %squeeze3A_153 : vector<1000xf32> to vector<1000x1xf32>
    %mul3A_155 = vector.broadcast %broadcast_in_dim3A_154 : vector<1000x1xf32> to vector<1000x64xf32>
    %mul3A_156 = arith.mulf %slice3A_151, %mul3A_155 : vector<1000x64xf32>
    %add3A_157 = arith.addf %add3A_150, %mul3A_156 : vector<1000x64xf32>
    %get3A_158 = arith.constant 0 : index
    %get3A_159 = arith.constant 0 : index
    %get3A_160 = vector.load %arg2[%get3A_158, %get3A_159] : memref<1000x16xf32, #tpu.memory_space<vmem>>, vector<1000x1xf32>
    %max3A = arith.constant 1.000000e+00 : f32
    %max3A_161 = vector.broadcast %max3A : f32 to vector<1000x1xf32>
    %max3A_162 = arith.maximumf %get3A_160, %max3A_161 : vector<1000x1xf32>
    %div3A = vector.broadcast %max3A_162 : vector<1000x1xf32> to vector<1000x64xf32>
    %div3A_163 = arith.divf %add3A_157, %div3A : vector<1000x64xf32>
    %get3A_164 = arith.constant 0 : index
    %get3A_165 = arith.constant 0 : index
    %get3A_166 = vector.load %arg4[%get3A_164, %get3A_165] : memref<1000x64xf32, #tpu.memory_space<vmem>>, vector<1000x64xf32>
    %add3A_167 = arith.addf %div3A_163, %get3A_166 : vector<1000x64xf32>
    %get3A_168 = arith.constant 0 : index
    %get3A_169 = arith.constant 0 : index
    %get3A_170 = vector.load %arg6[%get3A_168, %get3A_169] : memref<1x64xf32, #tpu.memory_space<vmem>>, vector<1x64xf32>
    %add3A_171 = vector.broadcast %get3A_170 : vector<1x64xf32> to vector<1000x64xf32>
    %add3A_172 = arith.addf %add3A_167, %add3A_171 : vector<1000x64xf32>
    %swap3A = arith.constant 0 : index
    %swap3A_173 = arith.constant 0 : index
    %swap3A_174 = vector.load %arg7[%swap3A, %swap3A_173] : memref<1000x64xf32, #tpu.memory_space<vmem>>, vector<1000x64xf32>
    tpu.vector_store %arg7[%swap3A, %swap3A_173], %add3A_172 {strides = array<i32>} : memref<1000x64xf32, #tpu.memory_space<vmem>>, vector<1000x64xf32>,
    return
  }
  func.func @transform_0(%arg0: i32) -> (i32, i32, i32) {
    %c0_i32 = arith.constant 0 : i32
    %c0_i32_0 = arith.constant 0 : i32
    %c0_i32_1 = arith.constant 0 : i32
    return %c0_i32, %arg0, %c0_i32_0 : i32, i32, i32
  }
  func.func @transform_1(%arg0: i32) -> (i32, i32) {
    %c0_i32 = arith.constant 0 : i32
    %c0_i32_0 = arith.constant 0 : i32
    return %arg0, %c0_i32 : i32, i32
  }
  func.func @transform_2(%arg0: i32) -> (i32, i32) {
    %c0_i32 = arith.constant 0 : i32
    %c0_i32_0 = arith.constant 0 : i32
    return %arg0, %c0_i32 : i32, i32
  }
  func.func @transform_3(%arg0: i32) -> (i32, i32) {
    %c0_i32 = arith.constant 0 : i32
    %c0_i32_0 = arith.constant 0 : i32
    return %arg0, %c0_i32 : i32, i32
  }
  func.func @transform_4(%arg0: i32) -> (i32, i32, i32) {
    %c0_i32 = arith.constant 0 : i32
    %c0_i32_0 = arith.constant 0 : i32
    %c0_i32_1 = arith.constant 0 : i32
    %c0_i32_2 = arith.constant 0 : i32
    return %c0_i32, %c0_i32_0, %c0_i32_1 : i32, i32, i32
  }
  func.func @transform_5(%arg0: i32) -> (i32, i32) {
    %c0_i32 = arith.constant 0 : i32
    %c0_i32_0 = arith.constant 0 : i32
    %c0_i32_1 = arith.constant 0 : i32
    return %c0_i32, %c0_i32_0 : i32, i32
  }
  func.func @transform_6(%arg0: i32) -> (i32, i32) {
    %c0_i32 = arith.constant 0 : i32
    %c0_i32_0 = arith.constant 0 : i32
    return %arg0, %c0_i32 : i32, i32
  }
}

</mosaic_0001>

<sc_bundles>
// kernel: kernel.5.cloned.1.call-start
scs
__scs_entry_jumppad:
0x0: {  	(pc) =	sbr.rel $0x88, $3  }
0x1: {  	(tag) =	ssettag $0x0;
	lr =	simm.s32 $0x1  }
0x2: {  	[smem:$0x3F97] =	sst lr;
	_ =	strace $0xD0000000  }
0x3: {  	_ = 	snop  }
0x4: {  	_ = 	snop  }
0x5: {  	_ = 	snop  }
0x6: {  	_ = 	snop  }
0x7: {  	_ = 	snop  }
__scs_overlays_trampoline_lowered:
0x8: {  	[smem:$0x3FA6] =	sst s0  }
0x9: {  	[smem:$0x3FA7] =	sst s1  }
0xa: {  	[smem:$0x3FA8] =	sst s2  }
0xb: {  	[smem:$0x3FA9] =	sst s3  }
0xc: {  	[smem:$0x3FAA] =	sst s4  }
0xd: {  	[smem:$0x3FAB] =	sst s5  }
0xe: {  	[smem:$0x3FAC] =	sst s6  }
0xf: {  	[smem:$0x3FAD] =	sst s7  }
0x10: {  	[smem:$0x3FAE] =	sst s8  }
0x11: {  	[smem:$0x3FAF] =	sst s9;
	s0 =	simm.s32 @!p0 $0x0  }
0x12: {  	s1 =	sld [smem:$0x3F95];
	s0 =	simm.s32 @p0 $0x1  }
0x13: {  	[smem:$0x3FB0] =	sst s0;
	s0 =	simm.s32 @!p1 $0x0  }
0x14: {  	s2 =	sld [smem:$0x3F94];
	s0 =	simm.s32 @p1 $0x1  }
0x15: {  	[smem:$0x3FB1] =	sst s0;
	s0 =	simm.s32 @!p2 $0x0  }
0x16: {  	s3 =	sld [smem:$0x3FDB];
	s0 =	simm.s32 @p2 $0x1  }
0x17: {  	s4 =	simm.s32 $0x1BF5;
	[smem:$0x3FB3] =	sst s0  }
0x18: {  	s0 =	sld [smem:$0x3F96];
	_ =	swait.ge [sflag:s4], $0x0  }
0x19: {  	s7 =	sld [smem:$0x3F97]  }
0x1a: {  	s8 =	sadd.s32 $0xFFFFE003, lr  }
0x1b: {  	s9 =	sadd.s32 $0xFFFFFEF7, lr;
	s5 =	simm.s32 $0xFFFFFFFF;
	p2 =	slt.u32 s8, $0xFFFFF086  }
0x1c: {  	p1 =	slt.u32 s9, $0xF7A;
	s5 =	simm.s32 @!p2 $0x0  }
0x1d: {  	s5 =	simm.s32 @p1 $0x1;
	p0 =	seq.s32 s7, s2  }
0x1e: {  	s7 =	smul.u32 @!p0 $0xF7A, s2;
	p2 =	seq.s32 @!p0 s5, $0x0  }
0x1f: {  	s9 =	smul.u32 $0xF7A, s1;
	s8 =	simm.s32 @!p0 $0x1BF5;
	p2 =	por !p2, p0  }
0x20: {  	[sflag:s8] =	ssyncset.s32 @!p0 $0xFFFFF086;
	s6 =	sadd.s32 @!p0 s3, s7;
	s7 =	simm.s32 @!p0 $0x108  }
0x21: {  	s3 =	sadd.s32 s3, s9;
	s6 =	sadd.s32 @!p0 $0x88, s6;
	s7 =	simm.s32 @p2 $0x1082  }
0x22: {  	[simem:s7], [sflag:s8] =	dma.local @!p0 [hbm:s6], $0xF7A  }
0x23: {  	s9 =	sor.u32 $0xD0000000, s2;
	s6 =	simm.s32 $0x108;
	_ =	swait.ge @!p0 [sflag:s8], $0x0  }
0x24: {  	s3 =	sadd.s32 $0x88, s3;
	s6 =	simm.s32 @!p1 $0x1082;
	[sflag:s4] =	ssyncset.s32 $0xFFFFF086  }
0x25: {  	[simem:s6], [sflag:s4] =	dma.local [hbm:s3], $0xF7A  }
0x26: {  	[smem:$0x3F97] =	sst s1;
	(tag) =	ssettag s2;
	_ =	strace s9  }
0x27: {  	s1 =	sld [smem:$0x3FA7]  }
0x28: {  	s2 =	sld [smem:$0x3FA8]  }
0x29: {  	s4 =	sld [smem:$0x3FAA]  }
0x2a: {  	p0 =	seq.s32 s5, $0x0;
	s5 =	sld [smem:$0x3FAB]  }
0x2b: {  	s6 =	sld [smem:$0x3FAC]  }
0x2c: {  	s7 =	sld [smem:$0x3FAD]  }
0x2d: {  	s3 =	simm.s32 $0x108;
	s8 =	sld [smem:$0x3FAE]  }
0x2e: {  	s3 =	simm.s32 @!p0 $0x1082;
	s9 =	sld [smem:$0x3FAF]  }
0x2f: {  	lr =	sadd.s32 s0, s3;
	s0 =	sld [smem:$0x3FA6]  }
0x30: {  	s3 =	sld [smem:$0x3FA9]  }
0x31: {  	[smem:$0x3FB2] =	sst s10  }
0x32: {  	s10 =	sld [smem:$0x3FB0];
	_ =	sdelay $0x3  }
0x33: {  	p0 =	seq.s32 s10, $0x1;
	s10 =	sld [smem:$0x3FB2];
	_ =	sdelay $0x3  }
0x34: {  	[smem:$0x3FB2] =	sst s10  }
0x35: {  	s10 =	sld [smem:$0x3FB1];
	_ =	sdelay $0x3  }
0x36: {  	p1 =	seq.s32 s10, $0x1;
	s10 =	sld [smem:$0x3FB2];
	_ =	sdelay $0x3  }
0x37: {  	[smem:$0x3FB2] =	sst s10  }
0x38: {  	s10 =	sld [smem:$0x3FB3]  }
0x39: {  	_ = 	snop;
	(pc) =	sbr.ind lr, $3  }
0x3a: {  	_ = 	snop  }
0x3b: {  	_ = 	snop  }
0x3c: {  	p2 =	seq.s32 s10, $0x1;
	s10 =	sld [smem:$0x3FB2]  }
0x3d: {  	_ =	shalt  }
0x3e: {  	_ =	shalt  }
0x3f: {  	_ =	shalt  }
0x40: {  	_ =	shalt  }
0x41: {  	_ =	shalt  }
0x42: {  	_ =	shalt  }
0x43: {  	_ =	shalt  }
0x44: {  	_ =	shalt  }
0x45: {  	_ =	shalt  }
0x46: {  	_ =	shalt  }
0x47: {  	_ =	shalt  }
0x48: {  	_ =	shalt  }
0x49: {  	_ =	shalt  }
0x4a: {  	_ =	shalt  }
0x4b: {  	_ =	shalt  }
0x4c: {  	_ =	shalt  }
0x4d: {  	_ =	shalt  }
0x4e: {  	_ =	shalt  }
0x4f: {  	_ =	shalt  }
0x50: {  	_ =	shalt  }
0x51: {  	_ =	shalt  }
0x52: {  	_ =	shalt  }
0x53: {  	_ =	shalt  }
0x54: {  	_ =	shalt  }
0x55: {  	_ =	shalt  }
0x56: {  	_ =	shalt  }
0x57: {  	_ =	shalt  }
0x58: {  	_ =	shalt  }
0x59: {  	_ =	shalt  }
0x5a: {  	_ =	shalt  }
0x5b: {  	_ =	shalt  }
0x5c: {  	_ =	shalt  }
0x5d: {  	_ =	shalt  }
0x5e: {  	_ =	shalt  }
0x5f: {  	_ =	shalt  }
0x60: {  	_ =	shalt  }
0x61: {  	_ =	shalt  }
0x62: {  	_ =	shalt  }
0x63: {  	_ =	shalt  }
0x64: {  	_ =	shalt  }
0x65: {  	_ =	shalt  }
0x66: {  	_ =	shalt  }
0x67: {  	_ =	shalt  }
0x68: {  	_ =	shalt  }
0x69: {  	_ =	shalt  }
0x6a: {  	_ =	shalt  }
0x6b: {  	_ =	shalt  }
0x6c: {  	_ =	shalt  }
0x6d: {  	_ =	shalt  }
0x6e: {  	_ =	shalt  }
0x6f: {  	_ =	shalt  }
0x70: {  	_ =	shalt  }
0x71: {  	_ =	shalt  }
0x72: {  	_ =	shalt  }
0x73: {  	_ =	shalt  }
0x74: {  	_ =	shalt  }
0x75: {  	_ =	shalt  }
0x76: {  	_ =	shalt  }
0x77: {  	_ =	shalt  }
0x78: {  	_ =	shalt  }
0x79: {  	_ =	shalt  }
0x7a: {  	_ =	shalt  }
0x7b: {  	_ =	shalt  }
0x7c: {  	_ =	shalt  }
0x7d: {  	_ =	shalt  }
0x7e: {  	_ =	shalt  }
0x7f: {  	_ =	shalt  }
0x80: {  	_ =	shalt  }
0x81: {  	_ =	shalt  }
0x82: {  	_ =	shalt  }
0x83: {  	_ =	shalt  }
0x84: {  	_ =	shalt  }
0x85: {  	_ =	shalt  }
0x86: {  	_ =	shalt  }
0x87: {  	_ =	shalt  }
.Lfunc_end0:
.L_simem_size_0:
called_computation_lowered:
.L_overlay_start_0:
0x88: {  	s2 =	sld [smem:$0x3FD9]  }
0x89: {  	s3 =	sld [smem:$0x3FFE];
	_ =	sdelay $0x1  }
0x8a: {  	s1 =	srdreg.scid  }
0x8b: {  	s0 =	sand.u32 $0x1, s1  }
0x8c: {  	s17 =	sshll.u32 s0, $0xA;
	s2 =	sadd.s32 s3, s2  }
0x8d: {  	s2 =	sadd.s32 s2, s17  }
0x8e: {  	[smem:$0x3FBE] =	sst s2  }
0x8f: {  	_ = 	snop  }
0x90: {  	s2 =	sld [smem:$0x3FC9]  }
0x91: {  	s18 =	sld [smem:$0x3FD0];
	(tm) =	ssettm $0x1  }
0x92: {  	s4 =	sld [smem:$0x3FFB];
	_ =	sdelay $0x3  }
0x93: {  	_ =	strace s4  }
0x94: {  	s4 =	sld [smem:$0x3FFC];
	_ =	sdelay $0x3  }
0x95: {  	_ =	strace s4  }
0x96: {  	s4 =	sld [smem:$0x3FFD];
	_ =	sdelay $0x3  }
0x97: {  	_ =	strace s4  }
0x98: {  	_ =	strace $0x8FFFFFFF  }
0x99: {  	s19 =	sld [smem:$0x3FDB];
	_ =	sdelay $0x1  }
0x9a: {  	s5 =	simm.s32 $_scs_section_size  }
0x9b: {  	s6 =	simm.s32 $_size__tile_overlayer_lowered;
	s7 =	simm.s32 $_tile_overlayer_lowered  }
0x9c: {  	s22 =	simm.s32 $0x1BFF;
	s21 =	sshll.u32 s7, $0x1;
	s4 =	sadd.s32 s5, s19  }
0x9d: {  	s8 =	simm.s32 $0x0;
	s20 =	sshll.u32 s6, $0x1;
	s6 =	sadd.s32 s21, s4  }
0x9e: {  	[timem:s8], [sflag:s22] =	dma.local [hbm:s6], s20  }
0x9f: {  	_ =	swait.ge [sflag:s22], s20  }
0xa0: {  	s5 =	ssub.s32 $0x0, s20;
	[sflag:s22] =	ssyncset.done $0x0  }
0xa1: {  	[sflag:s22] =	ssyncadd.s32 s5;
	_ =	sdelay $0x1  }
0xa2: {  	s23 =	simm.s32 $0x1B8B  }
0xa3: {  	_ =	swait.ge [sflag:s23], $0x1  }
0xa4: {  	[sflag:s23] =	ssyncset.done $0x0  }
0xa5: {  	s25 =	simm.s32 $0x1B8E;
	s24 =	sld [smem:$0x3FFE];
	[sflag:s23] =	ssyncadd.s32 $0xFFFFFFFF  }
0xa6: {  	s26 =	simm.s32 $execute0_lowered;
	[smem:$0x3FD2] =	sst s25  }
0xa7: {  	s6 =	sshll.u32 s26, $0x1;
	_ =	strace $0x80000046;
	[dreg:$0x1] =	wrdreg $0xFFFFFFFF  }
0xa8: {  	s28 =	simm.s32 $_size_execute0_lowered;
	s4 =	sadd.s32 s4, s6;
	[dreg:$0x0] =	wrdreg $0x0  }
0xa9: {  	s6 =	sshll.u32 s28, $0x1;
	[dreg:$0x2] =	wrdreg s4  }
0xaa: {  	[dreg:$0x3] =	wrdreg s6  }
0xab: {  	[dreg:$0x4] =	wrdreg $0xC0  }
0xac: {  	_ =	task [dreg:s8], $0x5FFFF  }
0xad: {  	[dreg:$0x1] =	wrdreg $0xFFFFFFFF  }
0xae: {  	[dreg:$0x0] =	wrdreg $0x60  }
0xaf: {  	[dreg:$0x2] =	wrdreg s2  }
0xb0: {  	[dreg:$0x3] =	wrdreg s18  }
0xb1: {  	[dreg:$0x4] =	wrdreg s24  }
0xb2: {  	[dreg:$0x5] =	wrdreg $0x138000  }
0xb3: {  	[dreg:$0x6] =	wrdreg $0x1D4900  }
0xb4: {  	[dreg:$0x7] =	wrdreg $0x9  }
0xb5: {  	_ =	task.clear_ibuf [dreg:s8], $0x8FFFF;
	_ =	strace $0x90000046  }
0xb6: {  	s29 =	simm.s32 $0x9;
	_ =	strace $0x80000048  }
0xb7: {  	_ =	swait.ge [sflag:s29], $0x1  }
0xb8: {  	[sflag:s29] =	ssyncadd.s32 $0xFFFFFFFF  }
0xb9: {  	_ =	strace $0x90000048  }
0xba: {  	_ =	sfence  }
0xbb: {  	s30 =	sld [smem:$0x0];
	_ =	sdelay $0x2  }
0xbc: {  	s31 =	sshll.u32 s1, $0xD;
	s1 =	sshrl.u32 s1, $0x2  }
0xbd: {  	s3 =	sand.u32 $0x4000, s31;
	s1 =	sadd.s32 s1, s30  }
0xbe: {  	s0 =	sor.u32 s3, s0;
	s1 =	sshll.u32 s1, $0x11  }
0xbf: {  	s0 =	sor.u32 s1, s0  }
0xc0: {  	s0 =	sadd.s32 $0x8F2B, s0  }
0xc1: {  	[sflag:s0] =	ssyncadd.remote.s32 $0x1  }
0xc2: {  	_ =	sfence.sel $0xFFFF  }
0xc3: {  	[dreg:$0x0] =	wrdreg $0xFFFFFFFF;
	(pc) =	sbr.abs _section_cstart, $3  }
0xc4: {  	[dreg:$0x1] =	wrdreg $0xFFFFFFFF  }
0xc5: {  	_ =	task.clear_ibuf [dreg:s8], $0x2FFFF;
	_ =	strace $0x9FFFFFFF  }
0xc6: {  	(tm) =	ssettm $0x7FFFFFFF  }
0xc7: {  	_ =	shalt  }
tec
execute0_lowered:
.L_overlay_start_1:
0x0: {  	(tag) =	ssettag $0x1  }
0x1: {  	s1 =	rddreg [dreg:$0x0]  }
0x2: {  	s0 =	rddreg [dreg:$0x1]  }
0x3: {  	s2 =	rddreg [dreg:$0x2]  }
0x4: {  	s3 =	rddreg [dreg:$0x3]  }
0x5: {  	s16 =	stileid.u32;
	s4 =	rddreg [dreg:$0x4]  }
0x6: {  	s8 =	srdreg.scid;
	s23 =	simm.s32 $0x400;
	s9 =	smul.u32 $0x500, s16  }
0x7: {  	s28 =	simm.s32 $0x1;
	s5 =	sshrl.u32 s16, $0x2;
	s11 =	smul.u32 $0x2800, s16  }
0x8: {  	s6 =	sand.u32 $0x3, s16;
	s8 =	sand.u32 $0x1, s8;
	s14 =	smul.u32 $0x27200, s16  }
0x9: {  	s12 =	sadd.s32 $0xA600, s2;
	s7 =	smul.u32 $0x139000, s5;
	s5 =	simm.s32 $0x0  }
0xa: {  	s6 =	smul.u32 $0x4E400, s6;
	s30 =	sshll.u32 s8, $0x6;
	s13 =	ssub.s32 $0x2, s8  }
0xb: {  	s22 =	sshll.u32 s8, $0x2;
	p0 =	sne.s32 s8, $0x0;
	s8 =	simm.s32 $0x7000  }
0xc: {  	[smem:$0x7FF] =	sst s5;
	s31 =	sadd.s32 s9, s2;
	s15 =	sshrl.u32 s11, $0x3  }
0xd: {  	s17 =	sshrl.u32 s13, $0x1;
	s0 =	sadd.s32 s0, s9;
	s20 =	sshrl.u32 s14, $0x2  }
0xe: {  	s9 =	simm.s32 $0x10;
	_ =	strace $0x80000047;
	[dreg:$0x6] =	wrdreg s12  }
0xf: {  	s6 =	sadd.s32 s6, s7;
	[dreg:$0x7] =	wrdreg s0;
	s18 =	sadd.s32 $0x5600, s31  }
0x10: {  	s12 =	ssub.s32 s13, s17;
	s19 =	sadd.s32 $0x600, s31;
	[dreg:$0x8] =	wrdreg s18  }
0x11: {  	s0 =	sadd.s32 s20, s3;
	s20 =	simm.s32 $0x5000;
	[dreg:$0x9] =	wrdreg s19  }
0x12: {  	s31 =	sshll.u32 s16, $0x6;
	s6 =	sor.u32 s30, s6;
	[dreg:$0xa] =	wrdreg s0  }
0x13: {  	s30 =	smax.u32 s12, $0x1;
	s18 =	simm.s32 $0x3;
	s10 =	sshrl.u32 s6, $0x3  }
0x14: {  	s6 =	sadd.s32 $0xAC00, s2;
	[dreg:$0x10] =	wrdreg s30;
	s10 =	sadd.s32 s10, s2  }
0x15: {  	s2 =	sadd.s32 s15, s2;
	s15 =	smul.u32 $0xA000, s16;
	s24 =	sadd.s32 $0x11000, s10  }
0x16: {  	s2 =	sadd.s32 $0xC000, s2;
	s25 =	sadd.s32 $0x11002, s10;
	[dreg:$0xb] =	wrdreg s24  }
0x17: {  	s26 =	sadd.s32 $0x11004, s10;
	s29 =	sadd.s32 $0x11006, s10;
	[dreg:$0xc] =	wrdreg s2  }
0x18: {  	s10 =	simm.s32 $0x2;
	s21 =	sshrl.u32 s15, $0x2;
	[dreg:$0xd] =	wrdreg s25  }
0x19: {  	s2 =	sadd.s32 s11, s4;
	[dreg:$0xe] =	wrdreg s26;
	s0 =	sadd.s32 s21, s4  }
0x1a: {  	[dreg:$0xf] =	wrdreg s29;
	s25 =	simm.s32 $0x7800;
	s0 =	sshrl.u32 @!p0 s0, $0x3  }
0x1b: {  	v1 =	vimm.f32 $0.0e+00;
	vm0 =	vcmask $0x300;
	s26 =	simm.s32 $0xB800;
	[dreg:$0x11] =	wrdreg s0;
	s0 =	sshrl.u32 @!p0 s2, $0x3  }
0x1c: {  	v1 =	vsel vm0, $0x3F800000, v1;
	v0 =	vmov s22;
	s11 =	simm.s32 $0x0;
	s21 =	sor.u32 $0x1C03, s31;
	[dreg:$0x12] =	wrdreg s0  }
.LBB2_1:
0x1d: {  	s2 =	rddreg [dreg:$0x7]  }
0x1e: {  	[tilespmem:s5], [sflag:$0x3] =	stream.linear.gather [hbm4b:s2+s5], $0x2800, $0x38;
	[tilespmem:$0x1FC90] =	vst v63  }
0x1f: {  	_ =	swait.ge [sflag:s18], $0x2800  }
0x20: {  	[sflag:s18] =	ssyncset.done $0x0  }
0x21: {  	s12 =	simm.s32 $0x2800;
	s29 =	rddreg [dreg:$0x8];
	[sflag:s18] =	ssyncadd.s32 $0xFFFFD800  }
0x22: {  	[tilespmem:s12], [sflag:$0x3] =	stream.linear.gather [hbm4b:s29+s5], $0x2800, $0x38;
	[tilespmem:$0x1FC90] =	vst v63  }
0x23: {  	_ =	swait.ge [sflag:s18], $0x2800  }
0x24: {  	[sflag:s18] =	ssyncset.done $0x0  }
0x25: {  	s30 =	rddreg [dreg:$0x9];
	[sflag:s18] =	ssyncadd.s32 $0xFFFFD800  }
0x26: {  	[tilespmem:s20], [sflag:$0x3] =	stream.linear.gather [hbm4b:s30+s5], $0x2800, $0x38;
	[tilespmem:$0x1FC90] =	vst v63  }
0x27: {  	_ =	swait.ge [sflag:s18], $0x2800  }
0x28: {  	[sflag:s18] =	ssyncset.done $0x0;
	s31 =	rddreg [dreg:$0xa]  }
0x29: {  	[sflag:s18] =	ssyncadd.s32 $0xFFFFD800;
	s12 =	sshrl.u32 s31, $0x3  }
0x2a: {  	[spmem:s12], [sflag:s21] =	dma.local [hbm:s6], $0x1390  }
0x2b: {  	_ =	swait.ge [sflag:s18], $0x1390  }
0x2c: {  	[sflag:s18] =	ssyncset.done $0x0;
	s2 =	rddreg [dreg:$0x6]  }
0x2d: {  	s13 =	rddreg [dreg:$0x11];
	[sflag:s18] =	ssyncadd.s32 $0xFFFFEC70  }
0x2e: {  	[spmem:s13], [sflag:s21] =	dma.local @!p0 [hbm:s2], $0x500  }
0x2f: {  	s13 =	simm.s32 @!p0 $0x3  }
0x30: {  	s7 =	simm.s32 $0x1C00;
	s19 =	simm.s32 $0x1400;
	_ =	swait.ge @!p0 [sflag:s13], $0x500  }
0x31: {  	s0 =	simm.s32 $0xC00;
	s14 =	simm.s32 $0x5000;
	[sflag:s13] =	ssyncset.done @!p0 $0x0  }
0x32: {  	s15 =	simm.s32 $0x0;
	[sflag:s13] =	ssyncadd.s32 @!p0 $0xFFFFFB00;
	s13 =	simm.s32 $0x2800  }
.LBB2_2:
0x33: {  	v2 =	vmov s14;
	_ =	sdelay $0x1  }
0x34: {  	v3 =	vmov s13;
	_ =	sdelay $0x1  }
0x35: {  	s16 =	simm.s32 $0x0;
	s17 =	simm.s32 $0x40  }
.LBB2_3:
0x36: {  	p1 =	sne.s32 s17, $0xFC0;
	v4 =	vld.idx.msk [tilespmem:v2+s16+$0x0 ss:$0x1], $0xffff;
	_ =	sdelay $0x1  }
0x37: {  	v5 =	vld.idx.msk [tilespmem:v3+s16+$0x0 ss:$0x1], $0xffff;
	_ =	sdelay $0x2  }
.Ltmp0:
0x38: {  	(pc) =	sbr.rel @p1 .LBB2_3-.Ltmp0, $3  }
0x39: {  	v4 =	vmul.u32 $0x2720, v4;
	_ =	sdelay $0x1  }
0x3a: {  	v4 =	vadd.s32 v5, v4  }
0x3b: {  	[tilespmem:v2+s16+$0x0 ss:$0x1] =	vst.idx.msk $0xffff, v4;
	s16 =	sshra.s32 s17, $0x2;
	s17 =	sadd.s32 $0x40, s17  }
0x3c: {  	_ =	sdelay $0x3  }
0x3d: {  	v4 =	vld.idx.msk [tilespmem:v2+s16+$0x0 ss:$0x1], $0xffff;
	_ =	sdelay $0x1  }
0x3e: {  	v3 =	vld.idx.msk [tilespmem:v3+s16+$0x0 ss:$0x1], $0xffff;
	s15 =	sadd.s32 $0x1, s15  }
0x3f: {  	p1 =	sne.s32 s15, $0xA  }
.Ltmp1:
0x40: {  	_ = 	snop;
	(pc) =	sbr.rel @p1 .LBB2_2-.Ltmp1, $3  }
0x41: {  	v4 =	vmul.u32 $0x2720, v4;
	_ =	sdelay $0x1  }
0x42: {  	v3 =	vadd.s32 v3, v4  }
0x43: {  	s14 =	sadd.s32 $0x400, s14;
	s13 =	sadd.s32 $0x400, s13;
	[tilespmem:v2+s16+$0x0 ss:$0x1] =	vst.idx.msk $0xffff, v3  }
.Ltmp2:
0x44: {  	(pc) =	sbr.rel @p0 .LBB2_9-.Ltmp2, $1  }
0x45: {  	_ =	sdelay $0x3  }
0x46: {  	s13 =	simm.s32 $0x40;
	s14 =	simm.s32 $0x0  }
.LBB2_7:
0x47: {  	p1 =	sne.s32 s13, $0xFFC0;
	[tilespmem:s14+$0xF800] =	vst v1;
	s14 =	smov.u32 s13;
	s13 =	sadd.s32 $0x40, s13  }
.Ltmp3:
0x48: {  	(pc) =	sbr.rel @p1 .LBB2_7-.Ltmp3, $2  }
0x49: {  	_ =	sdelay $0x2  }
0x4a: {  	s14 =	sshra.s32 s14, $0x2  }
0x4b: {  	[tilespmem:s14+$0xF800] =	vst v1  }
.LBB2_9:
0x4c: {  	[bflag:$0x0] =	sbarrier.arrive $0xFFFF;
	s13 =	simm.s32 $0x0;
	s14 =	simm.s32 $0x40  }
.LBB2_10:
0x4d: {  	p1 =	sne.s32 s14, $0xFC0;
	v2 =	vld [tilespmem:s13+$0x0];
	_ =	sdelay $0x2  }
.Ltmp4:
0x4e: {  	(pc) =	sbr.rel @p1 .LBB2_10-.Ltmp4, $4  }
0x4f: {  	_ = 	snop  }
0x50: {  	v2 =	vshll.u32 v2, $0x3  }
0x51: {  	v2 =	vor.u32 v0, v2  }
0x52: {  	[tilespmem:s13+$0x0] =	vst v2;
	s13 =	sshra.s32 s14, $0x2;
	s14 =	sadd.s32 $0x40, s14  }
0x53: {  	v2 =	vld [tilespmem:s13+$0x0];
	_ =	sdelay $0x4  }
0x54: {  	v2 =	vshll.u32 v2, $0x3  }
0x55: {  	v2 =	vor.u32 v0, v2  }
0x56: {  	s14 =	simm.s32 $0x40;
	[tilespmem:s13+$0x0] =	vst v2;
	s13 =	simm.s32 $0x0  }
.LBB2_12:
0x57: {  	p1 =	sne.s32 s14, $0xFC0;
	v2 =	vld [tilespmem:s13+$0x400];
	_ =	sdelay $0x2  }
.Ltmp5:
0x58: {  	(pc) =	sbr.rel @p1 .LBB2_12-.Ltmp5, $4  }
0x59: {  	_ = 	snop  }
0x5a: {  	v2 =	vshll.u32 v2, $0x3  }
0x5b: {  	v2 =	vor.u32 v0, v2  }
0x5c: {  	[tilespmem:s13+$0x400] =	vst v2;
	s13 =	sshra.s32 s14, $0x2;
	s14 =	sadd.s32 $0x40, s14  }
0x5d: {  	v2 =	vld [tilespmem:s13+$0x400];
	_ =	sdelay $0x4  }
0x5e: {  	v2 =	vshll.u32 v2, $0x3  }
0x5f: {  	v2 =	vor.u32 v0, v2  }
0x60: {  	s14 =	simm.s32 $0x40;
	[tilespmem:s13+$0x400] =	vst v2;
	s13 =	simm.s32 $0x0  }
.LBB2_14:
0x61: {  	p1 =	sne.s32 s14, $0xFC0;
	v2 =	vld [tilespmem:s13+$0x800];
	_ =	sdelay $0x2  }
.Ltmp6:
0x62: {  	(pc) =	sbr.rel @p1 .LBB2_14-.Ltmp6, $4  }
0x63: {  	_ = 	snop  }
0x64: {  	v2 =	vshll.u32 v2, $0x3  }
0x65: {  	v2 =	vor.u32 v0, v2  }
0x66: {  	[tilespmem:s13+$0x800] =	vst v2;
	s13 =	sshra.s32 s14, $0x2;
	s14 =	sadd.s32 $0x40, s14  }
0x67: {  	v2 =	vld [tilespmem:s13+$0x800];
	_ =	sdelay $0x4  }
0x68: {  	v2 =	vshll.u32 v2, $0x3  }
0x69: {  	v2 =	vor.u32 v0, v2  }
0x6a: {  	s14 =	simm.s32 $0x40;
	[tilespmem:s13+$0x800] =	vst v2;
	s13 =	simm.s32 $0x0  }
.LBB2_16:
0x6b: {  	p1 =	sne.s32 s14, $0xFC0;
	v2 =	vld [tilespmem:s13+$0xC00];
	_ =	sdelay $0x2  }
.Ltmp7:
0x6c: {  	(pc) =	sbr.rel @p1 .LBB2_16-.Ltmp7, $4  }
0x6d: {  	_ = 	snop  }
0x6e: {  	v2 =	vshll.u32 v2, $0x3  }
0x6f: {  	v2 =	vor.u32 v0, v2  }
0x70: {  	[tilespmem:s13+$0xC00] =	vst v2;
	s13 =	sshra.s32 s14, $0x2;
	s14 =	sadd.s32 $0x40, s14  }
0x71: {  	v2 =	vld [tilespmem:s13+$0xC00];
	_ =	sdelay $0x4  }
0x72: {  	v2 =	vshll.u32 v2, $0x3  }
0x73: {  	v2 =	vor.u32 v0, v2  }
0x74: {  	s14 =	simm.s32 $0x40;
	[tilespmem:s13+$0xC00] =	vst v2;
	s13 =	simm.s32 $0x0  }
.LBB2_18:
0x75: {  	p1 =	sne.s32 s14, $0xFC0;
	v2 =	vld [tilespmem:s13+$0x1000];
	_ =	sdelay $0x2  }
.Ltmp8:
0x76: {  	(pc) =	sbr.rel @p1 .LBB2_18-.Ltmp8, $4  }
0x77: {  	_ = 	snop  }
0x78: {  	v2 =	vshll.u32 v2, $0x3  }
0x79: {  	v2 =	vor.u32 v0, v2  }
0x7a: {  	[tilespmem:s13+$0x1000] =	vst v2;
	s13 =	sshra.s32 s14, $0x2;
	s14 =	sadd.s32 $0x40, s14  }
0x7b: {  	v2 =	vld [tilespmem:s13+$0x1000];
	_ =	sdelay $0x4  }
0x7c: {  	v2 =	vshll.u32 v2, $0x3  }
0x7d: {  	v2 =	vor.u32 v0, v2  }
0x7e: {  	s14 =	simm.s32 $0x40;
	[tilespmem:s13+$0x1000] =	vst v2;
	s13 =	simm.s32 $0x0  }
.LBB2_20:
0x7f: {  	p1 =	sne.s32 s14, $0xFC0;
	v2 =	vld [tilespmem:s13+$0x1400];
	_ =	sdelay $0x2  }
.Ltmp9:
0x80: {  	(pc) =	sbr.rel @p1 .LBB2_20-.Ltmp9, $4  }
0x81: {  	_ = 	snop  }
0x82: {  	v2 =	vshll.u32 v2, $0x3  }
0x83: {  	v2 =	vor.u32 v0, v2  }
0x84: {  	[tilespmem:s13+$0x1400] =	vst v2;
	s13 =	sshra.s32 s14, $0x2;
	s14 =	sadd.s32 $0x40, s14  }
0x85: {  	v2 =	vld [tilespmem:s13+$0x1400];
	_ =	sdelay $0x4  }
0x86: {  	v2 =	vshll.u32 v2, $0x3  }
0x87: {  	v2 =	vor.u32 v0, v2  }
0x88: {  	s14 =	simm.s32 $0x40;
	[tilespmem:s13+$0x1400] =	vst v2;
	s13 =	simm.s32 $0x0  }
.LBB2_22:
0x89: {  	p1 =	sne.s32 s14, $0xFC0;
	v2 =	vld [tilespmem:s13+$0x1800];
	_ =	sdelay $0x2  }
.Ltmp10:
0x8a: {  	(pc) =	sbr.rel @p1 .LBB2_22-.Ltmp10, $4  }
0x8b: {  	_ = 	snop  }
0x8c: {  	v2 =	vshll.u32 v2, $0x3  }
0x8d: {  	v2 =	vor.u32 v0, v2  }
0x8e: {  	[tilespmem:s13+$0x1800] =	vst v2;
	s13 =	sshra.s32 s14, $0x2;
	s14 =	sadd.s32 $0x40, s14  }
0x8f: {  	v2 =	vld [tilespmem:s13+$0x1800];
	_ =	sdelay $0x4  }
0x90: {  	v2 =	vshll.u32 v2, $0x3  }
0x91: {  	v2 =	vor.u32 v0, v2  }
0x92: {  	s14 =	simm.s32 $0x40;
	[tilespmem:s13+$0x1800] =	vst v2;
	s13 =	simm.s32 $0x0  }
.LBB2_24:
0x93: {  	p1 =	sne.s32 s14, $0xFC0;
	v2 =	vld [tilespmem:s13+$0x1C00];
	_ =	sdelay $0x2  }
.Ltmp11:
0x94: {  	(pc) =	sbr.rel @p1 .LBB2_24-.Ltmp11, $4  }
0x95: {  	_ = 	snop  }
0x96: {  	v2 =	vshll.u32 v2, $0x3  }
0x97: {  	v2 =	vor.u32 v0, v2  }
0x98: {  	[tilespmem:s13+$0x1C00] =	vst v2;
	s13 =	sshra.s32 s14, $0x2;
	s14 =	sadd.s32 $0x40, s14  }
0x99: {  	v2 =	vld [tilespmem:s13+$0x1C00];
	_ =	sdelay $0x4  }
0x9a: {  	v2 =	vshll.u32 v2, $0x3  }
0x9b: {  	v2 =	vor.u32 v0, v2  }
0x9c: {  	s14 =	simm.s32 $0x40;
	[tilespmem:s13+$0x1C00] =	vst v2;
	s13 =	simm.s32 $0x0  }
.LBB2_26:
0x9d: {  	p1 =	sne.s32 s14, $0xFC0;
	v2 =	vld [tilespmem:s13+$0x2000];
	_ =	sdelay $0x2  }
.Ltmp12:
0x9e: {  	(pc) =	sbr.rel @p1 .LBB2_26-.Ltmp12, $4  }
0x9f: {  	_ = 	snop  }
0xa0: {  	v2 =	vshll.u32 v2, $0x3  }
0xa1: {  	v2 =	vor.u32 v0, v2  }
0xa2: {  	[tilespmem:s13+$0x2000] =	vst v2;
	s13 =	sshra.s32 s14, $0x2;
	s14 =	sadd.s32 $0x40, s14  }
0xa3: {  	v2 =	vld [tilespmem:s13+$0x2000];
	_ =	sdelay $0x4  }
0xa4: {  	v2 =	vshll.u32 v2, $0x3  }
0xa5: {  	v2 =	vor.u32 v0, v2  }
0xa6: {  	s14 =	simm.s32 $0x40;
	[tilespmem:s13+$0x2000] =	vst v2;
	s13 =	simm.s32 $0x0  }
.LBB2_28:
0xa7: {  	p1 =	sne.s32 s14, $0xFC0;
	v2 =	vld [tilespmem:s13+$0x2400];
	_ =	sdelay $0x2  }
.Ltmp13:
0xa8: {  	(pc) =	sbr.rel @p1 .LBB2_28-.Ltmp13, $4  }
0xa9: {  	_ = 	snop  }
0xaa: {  	v2 =	vshll.u32 v2, $0x3  }
0xab: {  	v2 =	vor.u32 v0, v2  }
0xac: {  	[tilespmem:s13+$0x2400] =	vst v2;
	s13 =	sshra.s32 s14, $0x2;
	s14 =	sadd.s32 $0x40, s14  }
0xad: {  	v2 =	vld [tilespmem:s13+$0x2400];
	_ =	sdelay $0x4  }
0xae: {  	v2 =	vshll.u32 v2, $0x3  }
0xaf: {  	v2 =	vor.u32 v0, v2  }
0xb0: {  	[tilespmem:s13+$0x2400] =	vst v2  }
0xb1: {  	[tilespmem:s25], [sflag:$0x1] =	stream.indirect.gather [hbm4b:s1+s23], $0x10, s5, s23, $0xb8;
	[tilespmem:$0x1FC90] =	vst v63  }
0xb2: {  	_ = 	snop  }
0xb3: {  	[tilespmem:s26], [sflag:$0x2] =	stream.indirect.gather [hbm4b:s1+s23], $0x10, s23, s23, $0xb8;
	[tilespmem:$0x1FC90] =	vst v63  }
0xb4: {  	_ =	swait.ge [sflag:s28], $0x4000  }
0xb5: {  	[sflag:s28] =	ssyncset.done $0x0  }
0xb6: {  	[sflag:s28] =	ssyncadd.s32 $0xFFFFC000  }
0xb7: {  	[spmem:s3] =	stream.indirect.scatter.add.f32 [tilespmem:s25], [sflag:$0x3], $0x10, s20, s23, $0xb8;
	[tilespmem:$0x1FC90] =	vst v63  }
0xb8: {  	_ =	swait.ge [sflag:s18], $0x4000  }
0xb9: {  	s15 =	simm.s32 @p0 $0x400;
	s30 =	simm.s32 @p0 $0x7800;
	[sflag:s18] =	ssyncset.done $0x0  }
0xba: {  	s17 =	simm.s32 @p0 $0x2;
	s13 =	simm.s32 @p0 $0x800;
	[sflag:s18] =	ssyncadd.s32 $0xFFFFC000  }
0xbb: {  	[tilespmem:s30], [sflag:$0x1] =	stream.indirect.gather @p0 [hbm4b:s1+s15], $0x10, s13, s15, $0xb8;
	[tilespmem:$0x1FC90] =	vst v63  }
0xbc: {  	_ =	swait.ge @p0 [sflag:s17], $0x4000  }
0xbd: {  	[sflag:s17] =	ssyncset.done @p0 $0x0  }
0xbe: {  	s22 =	simm.s32 @p0 $0xB800;
	s13 =	simm.s32 @p0 $0x5400;
	[sflag:s17] =	ssyncadd.s32 @p0 $0xFFFFC000  }
0xbf: {  	[spmem:s3] =	stream.indirect.scatter.add.f32 @p0 [tilespmem:s22], [sflag:$0x3], $0x10, s13, s15, $0xb8;
	[tilespmem:$0x1FC90] =	vst v63  }
0xc0: {  	s16 =	simm.s32 @!p0 $0x2800;
	s14 =	simm.s32 @!p0 $0xF800;
	s13 =	simm.s32 @!p0 $0x400  }
0xc1: {  	[spmem:s4] =	stream.indirect.scatter.add.f32 @!p0 [tilespmem:s14], [sflag:$0x3], $0x10, s16, s13, $0xb8;
	[tilespmem:$0x1FC90] =	vst v63  }
0xc2: {  	s16 =	simm.s32 @!p0 $0x3  }
0xc3: {  	_ =	swait.ge @!p0 [sflag:s16], $0x4000  }
0xc4: {  	[sflag:s16] =	ssyncset.done @!p0 $0x0  }
0xc5: {  	s24 =	simm.s32 @!p0 $0x800;
	s31 =	simm.s32 @!p0 $0x7800;
	[sflag:s16] =	ssyncadd.s32 @!p0 $0xFFFFC000  }
0xc6: {  	[tilespmem:s31], [sflag:$0x1] =	stream.indirect.gather @!p0 [hbm4b:s1+s13], $0x10, s24, s13, $0xb8;
	[tilespmem:$0x1FC90] =	vst v63  }
0xc7: {  	s24 =	simm.s32 @!p0 $0x2  }
0xc8: {  	_ =	swait.ge @!p0 [sflag:s24], $0x4000  }
0xc9: {  	[sflag:s24] =	ssyncset.done @!p0 $0x0  }
0xca: {  	s2 =	simm.s32 @!p0 $0x5400;
	s29 =	simm.s32 @!p0 $0xB800;
	[sflag:s24] =	ssyncadd.s32 @!p0 $0xFFFFC000  }
0xcb: {  	[spmem:s3] =	stream.indirect.scatter.add.f32 @!p0 [tilespmem:s29], [sflag:$0x3], $0x10, s2, s13, $0xb8;
	[tilespmem:$0x1FC90] =	vst v63  }
0xcc: {  	_ =	swait.ge @!p0 [sflag:s16], $0x4000  }
0xcd: {  	[sflag:s16] =	ssyncset.done @!p0 $0x0  }
0xce: {  	s2 =	simm.s32 @!p0 $0x2C00;
	[sflag:s16] =	ssyncadd.s32 @!p0 $0xFFFFC000  }
0xcf: {  	[spmem:s4] =	stream.indirect.scatter.add.f32 @!p0 [tilespmem:s14], [sflag:$0x3], $0x10, s2, s13, $0xb8;
	[tilespmem:$0x1FC90] =	vst v63  }
0xd0: {  	_ =	swait.ge [sflag:s18], $0x4000  }
0xd1: {  	[sflag:s18] =	ssyncset.done $0x0  }
0xd2: {  	[sflag:s18] =	ssyncadd.s32 $0xFFFFC000  }
0xd3: {  	[tilespmem:s26], [sflag:$0x2] =	stream.indirect.gather [hbm4b:s1+s23], $0x10, s0, s23, $0xb8;
	[tilespmem:$0x1FC90] =	vst v63  }
0xd4: {  	_ =	swait.ge [sflag:s28], $0x4000  }
0xd5: {  	[sflag:s28] =	ssyncset.done $0x0  }
0xd6: {  	s0 =	simm.s32 $0x5800;
	[sflag:s28] =	ssyncadd.s32 $0xFFFFC000  }
0xd7: {  	[spmem:s3] =	stream.indirect.scatter.add.f32 [tilespmem:s25], [sflag:$0x3], $0x10, s0, s23, $0xb8;
	[tilespmem:$0x1FC90] =	vst v63  }
0xd8: {  	_ =	swait.ge [sflag:s18], $0x4000  }
0xd9: {  	[sflag:s18] =	ssyncset.done $0x0  }
0xda: {  	s2 =	simm.s32 @p0 $0x1000;
	[sflag:s18] =	ssyncadd.s32 $0xFFFFC000  }
0xdb: {  	[tilespmem:s30], [sflag:$0x1] =	stream.indirect.gather @p0 [hbm4b:s1+s15], $0x10, s2, s15, $0xb8;
	[tilespmem:$0x1FC90] =	vst v63  }
0xdc: {  	_ =	swait.ge @p0 [sflag:s17], $0x4000  }
0xdd: {  	[sflag:s17] =	ssyncset.done @p0 $0x0  }
0xde: {  	s2 =	simm.s32 @p0 $0x5C00;
	[sflag:s17] =	ssyncadd.s32 @p0 $0xFFFFC000  }
0xdf: {  	[spmem:s3] =	stream.indirect.scatter.add.f32 @p0 [tilespmem:s22], [sflag:$0x3], $0x10, s2, s15, $0xb8;
	[tilespmem:$0x1FC90] =	vst v63  }
0xe0: {  	s2 =	simm.s32 @!p0 $0x3000  }
0xe1: {  	[spmem:s4] =	stream.indirect.scatter.add.f32 @!p0 [tilespmem:s14], [sflag:$0x3], $0x10, s2, s13, $0xb8;
	[tilespmem:$0x1FC90] =	vst v63  }
0xe2: {  	_ =	swait.ge @!p0 [sflag:s16], $0x4000  }
0xe3: {  	[sflag:s16] =	ssyncset.done @!p0 $0x0  }
0xe4: {  	s2 =	simm.s32 @!p0 $0x1000;
	[sflag:s16] =	ssyncadd.s32 @!p0 $0xFFFFC000  }
0xe5: {  	[tilespmem:s31], [sflag:$0x1] =	stream.indirect.gather @!p0 [hbm4b:s1+s13], $0x10, s2, s13, $0xb8;
	[tilespmem:$0x1FC90] =	vst v63  }
0xe6: {  	_ =	swait.ge @!p0 [sflag:s24], $0x4000  }
0xe7: {  	[sflag:s24] =	ssyncset.done @!p0 $0x0  }
0xe8: {  	s2 =	simm.s32 @!p0 $0x5C00;
	[sflag:s24] =	ssyncadd.s32 @!p0 $0xFFFFC000  }
0xe9: {  	[spmem:s3] =	stream.indirect.scatter.add.f32 @!p0 [tilespmem:s29], [sflag:$0x3], $0x10, s2, s13, $0xb8;
	[tilespmem:$0x1FC90] =	vst v63  }
0xea: {  	_ =	swait.ge @!p0 [sflag:s16], $0x4000  }
0xeb: {  	[sflag:s16] =	ssyncset.done @!p0 $0x0  }
0xec: {  	s2 =	simm.s32 @!p0 $0x3400;
	[sflag:s16] =	ssyncadd.s32 @!p0 $0xFFFFC000  }
0xed: {  	[spmem:s4] =	stream.indirect.scatter.add.f32 @!p0 [tilespmem:s14], [sflag:$0x3], $0x10, s2, s13, $0xb8;
	[tilespmem:$0x1FC90] =	vst v63  }
0xee: {  	_ =	swait.ge [sflag:s18], $0x4000  }
0xef: {  	[sflag:s18] =	ssyncset.done $0x0  }
0xf0: {  	[sflag:s18] =	ssyncadd.s32 $0xFFFFC000  }
0xf1: {  	[tilespmem:s26], [sflag:$0x2] =	stream.indirect.gather [hbm4b:s1+s23], $0x10, s19, s23, $0xb8;
	[tilespmem:$0x1FC90] =	vst v63  }
0xf2: {  	_ =	swait.ge [sflag:s28], $0x4000  }
0xf3: {  	[sflag:s28] =	ssyncset.done $0x0  }
0xf4: {  	s19 =	simm.s32 $0x6000;
	[sflag:s28] =	ssyncadd.s32 $0xFFFFC000  }
0xf5: {  	[spmem:s3] =	stream.indirect.scatter.add.f32 [tilespmem:s25], [sflag:$0x3], $0x10, s19, s23, $0xb8;
	[tilespmem:$0x1FC90] =	vst v63  }
0xf6: {  	_ =	swait.ge [sflag:s18], $0x4000  }
0xf7: {  	[sflag:s18] =	ssyncset.done $0x0  }
0xf8: {  	s2 =	simm.s32 @p0 $0x1800;
	[sflag:s18] =	ssyncadd.s32 $0xFFFFC000  }
0xf9: {  	[tilespmem:s30], [sflag:$0x1] =	stream.indirect.gather @p0 [hbm4b:s1+s15], $0x10, s2, s15, $0xb8;
	[tilespmem:$0x1FC90] =	vst v63  }
0xfa: {  	_ =	swait.ge @p0 [sflag:s17], $0x4000  }
0xfb: {  	[sflag:s17] =	ssyncset.done @p0 $0x0  }
0xfc: {  	s2 =	simm.s32 @p0 $0x6400;
	[sflag:s17] =	ssyncadd.s32 @p0 $0xFFFFC000  }
0xfd: {  	[spmem:s3] =	stream.indirect.scatter.add.f32 @p0 [tilespmem:s22], [sflag:$0x3], $0x10, s2, s15, $0xb8;
	[tilespmem:$0x1FC90] =	vst v63  }
0xfe: {  	s2 =	simm.s32 @!p0 $0x3800  }
0xff: {  	[spmem:s4] =	stream.indirect.scatter.add.f32 @!p0 [tilespmem:s14], [sflag:$0x3], $0x10, s2, s13, $0xb8;
	[tilespmem:$0x1FC90] =	vst v63  }
0x100: {  	_ =	swait.ge @!p0 [sflag:s16], $0x4000  }
0x101: {  	[sflag:s16] =	ssyncset.done @!p0 $0x0  }
0x102: {  	s2 =	simm.s32 @!p0 $0x1800;
	[sflag:s16] =	ssyncadd.s32 @!p0 $0xFFFFC000  }
0x103: {  	[tilespmem:s31], [sflag:$0x1] =	stream.indirect.gather @!p0 [hbm4b:s1+s13], $0x10, s2, s13, $0xb8;
	[tilespmem:$0x1FC90] =	vst v63  }
0x104: {  	_ =	swait.ge @!p0 [sflag:s24], $0x4000  }
0x105: {  	[sflag:s24] =	ssyncset.done @!p0 $0x0  }
0x106: {  	s2 =	simm.s32 @!p0 $0x6400;
	[sflag:s24] =	ssyncadd.s32 @!p0 $0xFFFFC000  }
0x107: {  	[spmem:s3] =	stream.indirect.scatter.add.f32 @!p0 [tilespmem:s29], [sflag:$0x3], $0x10, s2, s13, $0xb8;
	[tilespmem:$0x1FC90] =	vst v63  }
0x108: {  	_ =	swait.ge @!p0 [sflag:s16], $0x4000  }
0x109: {  	[sflag:s16] =	ssyncset.done @!p0 $0x0  }
0x10a: {  	s2 =	simm.s32 @!p0 $0x3C00;
	[sflag:s16] =	ssyncadd.s32 @!p0 $0xFFFFC000  }
0x10b: {  	[spmem:s4] =	stream.indirect.scatter.add.f32 @!p0 [tilespmem:s14], [sflag:$0x3], $0x10, s2, s13, $0xb8;
	[tilespmem:$0x1FC90] =	vst v63  }
0x10c: {  	_ =	swait.ge [sflag:s18], $0x4000  }
0x10d: {  	[sflag:s18] =	ssyncset.done $0x0  }
0x10e: {  	[sflag:s18] =	ssyncadd.s32 $0xFFFFC000  }
0x10f: {  	[tilespmem:s26], [sflag:$0x2] =	stream.indirect.gather [hbm4b:s1+s23], $0x10, s7, s23, $0xb8;
	[tilespmem:$0x1FC90] =	vst v63  }
0x110: {  	_ =	swait.ge [sflag:s28], $0x4000  }
0x111: {  	[sflag:s28] =	ssyncset.done $0x0  }
0x112: {  	s7 =	simm.s32 $0x6800;
	[sflag:s28] =	ssyncadd.s32 $0xFFFFC000  }
0x113: {  	[spmem:s3] =	stream.indirect.scatter.add.f32 [tilespmem:s25], [sflag:$0x3], $0x10, s7, s23, $0xb8;
	[tilespmem:$0x1FC90] =	vst v63  }
0x114: {  	_ =	swait.ge [sflag:s18], $0x4000  }
0x115: {  	[sflag:s18] =	ssyncset.done $0x0  }
0x116: {  	s2 =	simm.s32 @p0 $0x2000;
	[sflag:s18] =	ssyncadd.s32 $0xFFFFC000  }
0x117: {  	[tilespmem:s30], [sflag:$0x1] =	stream.indirect.gather @p0 [hbm4b:s1+s15], $0x10, s2, s15, $0xb8;
	[tilespmem:$0x1FC90] =	vst v63  }
0x118: {  	_ =	swait.ge @p0 [sflag:s17], $0x4000  }
0x119: {  	[sflag:s17] =	ssyncset.done @p0 $0x0  }
0x11a: {  	s2 =	simm.s32 @p0 $0x6C00;
	[sflag:s17] =	ssyncadd.s32 @p0 $0xFFFFC000  }
0x11b: {  	[spmem:s3] =	stream.indirect.scatter.add.f32 @p0 [tilespmem:s22], [sflag:$0x3], $0x10, s2, s15, $0xb8;
	[tilespmem:$0x1FC90] =	vst v63  }
0x11c: {  	s2 =	simm.s32 @!p0 $0x4000  }
0x11d: {  	[spmem:s4] =	stream.indirect.scatter.add.f32 @!p0 [tilespmem:s14], [sflag:$0x3], $0x10, s2, s13, $0xb8;
	[tilespmem:$0x1FC90] =	vst v63  }
0x11e: {  	_ =	swait.ge @!p0 [sflag:s16], $0x4000  }
0x11f: {  	[sflag:s16] =	ssyncset.done @!p0 $0x0  }
0x120: {  	s2 =	simm.s32 @!p0 $0x2000;
	[sflag:s16] =	ssyncadd.s32 @!p0 $0xFFFFC000  }
0x121: {  	[tilespmem:s31], [sflag:$0x1] =	stream.indirect.gather @!p0 [hbm4b:s1+s13], $0x10, s2, s13, $0xb8;
	[tilespmem:$0x1FC90] =	vst v63  }
0x122: {  	_ =	swait.ge @!p0 [sflag:s24], $0x4000  }
0x123: {  	[sflag:s24] =	ssyncset.done @!p0 $0x0  }
0x124: {  	s2 =	simm.s32 @!p0 $0x6C00;
	[sflag:s24] =	ssyncadd.s32 @!p0 $0xFFFFC000  }
0x125: {  	[spmem:s3] =	stream.indirect.scatter.add.f32 @!p0 [tilespmem:s29], [sflag:$0x3], $0x10, s2, s13, $0xb8;
	[tilespmem:$0x1FC90] =	vst v63  }
0x126: {  	_ =	swait.ge @!p0 [sflag:s16], $0x4000  }
0x127: {  	[sflag:s16] =	ssyncset.done @!p0 $0x0  }
0x128: {  	s2 =	simm.s32 @!p0 $0x4400;
	[sflag:s16] =	ssyncadd.s32 @!p0 $0xFFFFC000  }
0x129: {  	[spmem:s4] =	stream.indirect.scatter.add.f32 @!p0 [tilespmem:s14], [sflag:$0x3], $0x10, s2, s13, $0xb8;
	[tilespmem:$0x1FC90] =	vst v63  }
0x12a: {  	_ =	swait.ge [sflag:s18], $0x4000  }
0x12b: {  	[sflag:s18] =	ssyncset.done $0x0  }
0x12c: {  	s30 =	simm.s32 $0x2400;
	[sflag:s18] =	ssyncadd.s32 $0xFFFFC000  }
0x12d: {  	[tilespmem:s26], [sflag:$0x2] =	stream.indirect.gather [hbm4b:s1+s23], $0x10, s30, s23, $0xb8;
	[tilespmem:$0x1FC90] =	vst v63  }
0x12e: {  	_ =	swait.ge [sflag:s28], $0x4000  }
0x12f: {  	[sflag:s28] =	ssyncset.done $0x0  }
0x130: {  	[sflag:s28] =	ssyncadd.s32 $0xFFFFC000  }
0x131: {  	[spmem:s3] =	stream.indirect.scatter.add.f32 [tilespmem:s25], [sflag:$0x3], $0x10, s8, s23, $0xb8;
	[tilespmem:$0x1FC90] =	vst v63  }
0x132: {  	_ =	swait.ge [sflag:s18], $0x4000  }
0x133: {  	[sflag:s18] =	ssyncset.done $0x0  }
0x134: {  	[sflag:s18] =	ssyncadd.s32 $0xFFFFC000  }
0x135: {  	_ =	swait.ge @p0 [sflag:s17], $0x4000  }
0x136: {  	[sflag:s17] =	ssyncset.done @p0 $0x0  }
0x137: {  	s2 =	simm.s32 @p0 $0x7400;
	[sflag:s17] =	ssyncadd.s32 @p0 $0xFFFFC000  }
0x138: {  	[spmem:s3] =	stream.indirect.scatter.add.f32 @p0 [tilespmem:s22], [sflag:$0x3], $0x10, s2, s15, $0xb8;
	[tilespmem:$0x1FC90] =	vst v63  }
0x139: {  	s2 =	simm.s32 @!p0 $0x4800  }
0x13a: {  	[spmem:s4] =	stream.indirect.scatter.add.f32 @!p0 [tilespmem:s14], [sflag:$0x3], $0x10, s2, s13, $0xb8;
	[tilespmem:$0x1FC90] =	vst v63  }
0x13b: {  	_ =	swait.ge @!p0 [sflag:s16], $0x4000  }
0x13c: {  	[sflag:s16] =	ssyncset.done @!p0 $0x0  }
0x13d: {  	[sflag:s16] =	ssyncadd.s32 @!p0 $0xFFFFC000  }
0x13e: {  	_ =	swait.ge @!p0 [sflag:s24], $0x4000  }
0x13f: {  	[sflag:s24] =	ssyncset.done @!p0 $0x0  }
0x140: {  	s2 =	simm.s32 @!p0 $0x7400;
	[sflag:s24] =	ssyncadd.s32 @!p0 $0xFFFFC000  }
0x141: {  	[spmem:s3] =	stream.indirect.scatter.add.f32 @!p0 [tilespmem:s29], [sflag:$0x3], $0x10, s2, s13, $0xb8;
	[tilespmem:$0x1FC90] =	vst v63  }
0x142: {  	_ =	swait.ge @!p0 [sflag:s16], $0x4000  }
0x143: {  	[sflag:s16] =	ssyncset.done @!p0 $0x0  }
0x144: {  	s2 =	simm.s32 @!p0 $0x4C00;
	[sflag:s16] =	ssyncadd.s32 @!p0 $0xFFFFC000  }
0x145: {  	[spmem:s4] =	stream.indirect.scatter.add.f32 @!p0 [tilespmem:s14], [sflag:$0x3], $0x10, s2, s13, $0xb8;
	[tilespmem:$0x1FC90] =	vst v63  }
0x146: {  	_ =	swait.ge [sflag:s18], $0x4000  }
0x147: {  	[sflag:s18] =	ssyncset.done $0x0  }
0x148: {  	s13 =	simm.s32 $0x0;
	s14 =	simm.s32 $0x40;
	[sflag:s18] =	ssyncadd.s32 $0xFFFFC000  }
.LBB2_30:
0x149: {  	p1 =	sne.s32 s14, $0xFC0;
	v2 =	vld [tilespmem:s13+$0x0];
	_ =	sdelay $0x1  }
.Ltmp14:
0x14a: {  	(pc) =	sbr.rel @p1 .LBB2_30-.Ltmp14, $3  }
0x14b: {  	_ =	sdelay $0x1  }
0x14c: {  	v2 =	vadd.s32 $0x1, v2  }
0x14d: {  	[tilespmem:s13+$0x0] =	vst v2;
	s13 =	sshra.s32 s14, $0x2;
	s14 =	sadd.s32 $0x40, s14  }
0x14e: {  	v2 =	vld [tilespmem:s13+$0x0];
	_ =	sdelay $0x4  }
0x14f: {  	v2 =	vadd.s32 $0x1, v2  }
0x150: {  	[tilespmem:s13+$0x0] =	vst v2  }
0x151: {  	[tilespmem:s25], [sflag:$0x1] =	stream.indirect.gather [hbm4b:s1+s23], $0x10, s5, s23, $0xb8;
	[tilespmem:$0x1FC90] =	vst v63  }
0x152: {  	[bflag:$0x0] =	sbarrier.arrive $0xFFFF  }
0x153: {  	s2 =	rddreg [dreg:$0xb]  }
0x154: {  	[hbm:s2@s9], [sflag:s21] =	dma.strided [spmem:s12@s10], $0x1390, s28, $0x2   }
0x155: {  	_ =	swait.ge [sflag:s18], $0x1390  }
0x156: {  	[sflag:s18] =	ssyncset.done $0x0;
	s2 =	rddreg [dreg:$0xc]  }
0x157: {  	s13 =	rddreg [dreg:$0x12];
	[sflag:s18] =	ssyncadd.s32 $0xFFFFEC70  }
0x158: {  	[hbm:s2], [sflag:s21] =	dma.local @!p0 [spmem:s13], $0x500  }
0x159: {  	s2 =	simm.s32 @!p0 $0x3  }
0x15a: {  	_ =	swait.ge @!p0 [sflag:s2], $0x500  }
0x15b: {  	[sflag:s2] =	ssyncset.done @!p0 $0x0  }
0x15c: {  	[sflag:s2] =	ssyncadd.s32 @!p0 $0xFFFFFB00  }
0x15d: {  	[spmem:s12], [sflag:s21] =	dma.local [hbm:s6], $0x1390  }
0x15e: {  	_ =	swait.ge [sflag:s18], $0x1390  }
0x15f: {  	s14 =	simm.s32 $0x40;
	s22 =	simm.s32 $0x800;
	[sflag:s18] =	ssyncset.done $0x0  }
0x160: {  	s24 =	simm.s32 $0x5400;
	s29 =	simm.s32 $0x1000;
	[sflag:s18] =	ssyncadd.s32 $0xFFFFEC70  }
0x161: {  	s31 =	simm.s32 $0x5C00;
	s13 =	simm.s32 $0x0;
	[bflag:$0x0] =	sbarrier.arrive $0xFFFF  }
.LBB2_32:
0x162: {  	p1 =	sne.s32 s14, $0xFC0;
	v2 =	vld [tilespmem:s13+$0x400];
	_ =	sdelay $0x1  }
.Ltmp15:
0x163: {  	(pc) =	sbr.rel @p1 .LBB2_32-.Ltmp15, $3  }
0x164: {  	_ =	sdelay $0x1  }
0x165: {  	v2 =	vadd.s32 $0x1, v2  }
0x166: {  	[tilespmem:s13+$0x400] =	vst v2;
	s13 =	sshra.s32 s14, $0x2;
	s14 =	sadd.s32 $0x40, s14  }
0x167: {  	v2 =	vld [tilespmem:s13+$0x400];
	_ =	sdelay $0x4  }
0x168: {  	s14 =	simm.s32 $0x40;
	s15 =	simm.s32 $0xC00;
	v2 =	vadd.s32 $0x1, v2  }
0x169: {  	s16 =	simm.s32 $0x1400;
	s17 =	simm.s32 $0x1C00;
	[tilespmem:s13+$0x400] =	vst v2;
	s13 =	simm.s32 $0x0  }
.LBB2_34:
0x16a: {  	p1 =	sne.s32 s14, $0xFC0;
	v2 =	vld [tilespmem:s13+$0x800];
	_ =	sdelay $0x1  }
.Ltmp16:
0x16b: {  	(pc) =	sbr.rel @p1 .LBB2_34-.Ltmp16, $3  }
0x16c: {  	_ =	sdelay $0x1  }
0x16d: {  	v2 =	vadd.s32 $0x1, v2  }
0x16e: {  	[tilespmem:s13+$0x800] =	vst v2;
	s13 =	sshra.s32 s14, $0x2;
	s14 =	sadd.s32 $0x40, s14  }
0x16f: {  	v2 =	vld [tilespmem:s13+$0x800];
	_ =	sdelay $0x4  }
0x170: {  	v2 =	vadd.s32 $0x1, v2  }
0x171: {  	s14 =	simm.s32 $0x40;
	[tilespmem:s13+$0x800] =	vst v2;
	s13 =	simm.s32 $0x0  }
.LBB2_36:
0x172: {  	p1 =	sne.s32 s14, $0xFC0;
	v2 =	vld [tilespmem:s13+$0xC00];
	_ =	sdelay $0x1  }
.Ltmp17:
0x173: {  	(pc) =	sbr.rel @p1 .LBB2_36-.Ltmp17, $3  }
0x174: {  	_ =	sdelay $0x1  }
0x175: {  	v2 =	vadd.s32 $0x1, v2  }
0x176: {  	[tilespmem:s13+$0xC00] =	vst v2;
	s13 =	sshra.s32 s14, $0x2;
	s14 =	sadd.s32 $0x40, s14  }
0x177: {  	v2 =	vld [tilespmem:s13+$0xC00];
	_ =	sdelay $0x4  }
0x178: {  	v2 =	vadd.s32 $0x1, v2  }
0x179: {  	s14 =	simm.s32 $0x40;
	[tilespmem:s13+$0xC00] =	vst v2;
	s13 =	simm.s32 $0x0  }
.LBB2_38:
0x17a: {  	p1 =	sne.s32 s14, $0xFC0;
	v2 =	vld [tilespmem:s13+$0x1000];
	_ =	sdelay $0x1  }
.Ltmp18:
0x17b: {  	(pc) =	sbr.rel @p1 .LBB2_38-.Ltmp18, $3  }
0x17c: {  	_ =	sdelay $0x1  }
0x17d: {  	v2 =	vadd.s32 $0x1, v2  }
0x17e: {  	[tilespmem:s13+$0x1000] =	vst v2;
	s13 =	sshra.s32 s14, $0x2;
	s14 =	sadd.s32 $0x40, s14  }
0x17f: {  	v2 =	vld [tilespmem:s13+$0x1000];
	_ =	sdelay $0x4  }
0x180: {  	v2 =	vadd.s32 $0x1, v2  }
0x181: {  	s14 =	simm.s32 $0x40;
	[tilespmem:s13+$0x1000] =	vst v2;
	s13 =	simm.s32 $0x0  }
.LBB2_40:
0x182: {  	p1 =	sne.s32 s14, $0xFC0;
	v2 =	vld [tilespmem:s13+$0x1400];
	_ =	sdelay $0x1  }
.Ltmp19:
0x183: {  	(pc) =	sbr.rel @p1 .LBB2_40-.Ltmp19, $3  }
0x184: {  	_ =	sdelay $0x1  }
0x185: {  	v2 =	vadd.s32 $0x1, v2  }
0x186: {  	[tilespmem:s13+$0x1400] =	vst v2;
	s13 =	sshra.s32 s14, $0x2;
	s14 =	sadd.s32 $0x40, s14  }
0x187: {  	v2 =	vld [tilespmem:s13+$0x1400];
	_ =	sdelay $0x4  }
0x188: {  	v2 =	vadd.s32 $0x1, v2  }
0x189: {  	s14 =	simm.s32 $0x40;
	[tilespmem:s13+$0x1400] =	vst v2;
	s13 =	simm.s32 $0x0  }
.LBB2_42:
0x18a: {  	p1 =	sne.s32 s14, $0xFC0;
	v2 =	vld [tilespmem:s13+$0x1800];
	_ =	sdelay $0x1  }
.Ltmp20:
0x18b: {  	(pc) =	sbr.rel @p1 .LBB2_42-.Ltmp20, $3  }
0x18c: {  	_ =	sdelay $0x1  }
0x18d: {  	v2 =	vadd.s32 $0x1, v2  }
0x18e: {  	[tilespmem:s13+$0x1800] =	vst v2;
	s13 =	sshra.s32 s14, $0x2;
	s14 =	sadd.s32 $0x40, s14  }
0x18f: {  	v2 =	vld [tilespmem:s13+$0x1800];
	_ =	sdelay $0x4  }
0x190: {  	v2 =	vadd.s32 $0x1, v2  }
0x191: {  	s14 =	simm.s32 $0x40;
	[tilespmem:s13+$0x1800] =	vst v2;
	s13 =	simm.s32 $0x0  }
.LBB2_44:
0x192: {  	p1 =	sne.s32 s14, $0xFC0;
	v2 =	vld [tilespmem:s13+$0x1C00];
	_ =	sdelay $0x1  }
.Ltmp21:
0x193: {  	(pc) =	sbr.rel @p1 .LBB2_44-.Ltmp21, $3  }
0x194: {  	_ =	sdelay $0x1  }
0x195: {  	v2 =	vadd.s32 $0x1, v2  }
0x196: {  	[tilespmem:s13+$0x1C00] =	vst v2;
	s13 =	sshra.s32 s14, $0x2;
	s14 =	sadd.s32 $0x40, s14  }
0x197: {  	v2 =	vld [tilespmem:s13+$0x1C00];
	_ =	sdelay $0x4  }
0x198: {  	v2 =	vadd.s32 $0x1, v2  }
0x199: {  	s14 =	simm.s32 $0x40;
	[tilespmem:s13+$0x1C00] =	vst v2;
	s13 =	simm.s32 $0x0  }
.LBB2_46:
0x19a: {  	p1 =	sne.s32 s14, $0xFC0;
	v2 =	vld [tilespmem:s13+$0x2000];
	_ =	sdelay $0x1  }
.Ltmp22:
0x19b: {  	(pc) =	sbr.rel @p1 .LBB2_46-.Ltmp22, $3  }
0x19c: {  	_ =	sdelay $0x1  }
0x19d: {  	v2 =	vadd.s32 $0x1, v2  }
0x19e: {  	[tilespmem:s13+$0x2000] =	vst v2;
	s13 =	sshra.s32 s14, $0x2;
	s14 =	sadd.s32 $0x40, s14  }
0x19f: {  	v2 =	vld [tilespmem:s13+$0x2000];
	_ =	sdelay $0x4  }
0x1a0: {  	v2 =	vadd.s32 $0x1, v2  }
0x1a1: {  	s14 =	simm.s32 $0x40;
	[tilespmem:s13+$0x2000] =	vst v2;
	s13 =	simm.s32 $0x0  }
.LBB2_48:
0x1a2: {  	p1 =	sne.s32 s14, $0xFC0;
	v2 =	vld [tilespmem:s13+$0x2400];
	_ =	sdelay $0x1  }
.Ltmp23:
0x1a3: {  	(pc) =	sbr.rel @p1 .LBB2_48-.Ltmp23, $3  }
0x1a4: {  	_ =	sdelay $0x1  }
0x1a5: {  	v2 =	vadd.s32 $0x1, v2  }
0x1a6: {  	[tilespmem:s13+$0x2400] =	vst v2;
	s13 =	sshra.s32 s14, $0x2;
	s14 =	sadd.s32 $0x40, s14  }
0x1a7: {  	v2 =	vld [tilespmem:s13+$0x2400];
	_ =	sdelay $0x4  }
0x1a8: {  	v2 =	vadd.s32 $0x1, v2  }
0x1a9: {  	[tilespmem:s13+$0x2400] =	vst v2  }
0x1aa: {  	[tilespmem:s26], [sflag:$0x2] =	stream.indirect.gather [hbm4b:s1+s23], $0x10, s23, s23, $0xb8;
	[tilespmem:$0x1FC90] =	vst v63  }
0x1ab: {  	_ =	swait.ge [sflag:s28], $0x4000  }
0x1ac: {  	[sflag:s28] =	ssyncset.done $0x0  }
0x1ad: {  	[sflag:s28] =	ssyncadd.s32 $0xFFFFC000  }
0x1ae: {  	[spmem:s3] =	stream.indirect.scatter.add.f32 [tilespmem:s25], [sflag:$0x3], $0x10, s20, s23, $0xb8;
	[tilespmem:$0x1FC90] =	vst v63  }
0x1af: {  	_ =	swait.ge [sflag:s18], $0x4000  }
0x1b0: {  	[sflag:s18] =	ssyncset.done $0x0  }
0x1b1: {  	[sflag:s18] =	ssyncadd.s32 $0xFFFFC000  }
0x1b2: {  	[tilespmem:s25], [sflag:$0x1] =	stream.indirect.gather [hbm4b:s1+s23], $0x10, s22, s23, $0xb8;
	[tilespmem:$0x1FC90] =	vst v63  }
0x1b3: {  	_ =	swait.ge [sflag:s10], $0x4000  }
0x1b4: {  	[sflag:s10] =	ssyncset.done $0x0  }
0x1b5: {  	[sflag:s10] =	ssyncadd.s32 $0xFFFFC000  }
0x1b6: {  	[spmem:s3] =	stream.indirect.scatter.add.f32 [tilespmem:s26], [sflag:$0x3], $0x10, s24, s23, $0xb8;
	[tilespmem:$0x1FC90] =	vst v63  }
0x1b7: {  	_ =	swait.ge [sflag:s18], $0x4000  }
0x1b8: {  	[sflag:s18] =	ssyncset.done $0x0  }
0x1b9: {  	[sflag:s18] =	ssyncadd.s32 $0xFFFFC000  }
0x1ba: {  	[tilespmem:s26], [sflag:$0x2] =	stream.indirect.gather [hbm4b:s1+s23], $0x10, s15, s23, $0xb8;
	[tilespmem:$0x1FC90] =	vst v63  }
0x1bb: {  	_ =	swait.ge [sflag:s28], $0x4000  }
0x1bc: {  	[sflag:s28] =	ssyncset.done $0x0  }
0x1bd: {  	[sflag:s28] =	ssyncadd.s32 $0xFFFFC000  }
0x1be: {  	[spmem:s3] =	stream.indirect.scatter.add.f32 [tilespmem:s25], [sflag:$0x3], $0x10, s0, s23, $0xb8;
	[tilespmem:$0x1FC90] =	vst v63  }
0x1bf: {  	_ =	swait.ge [sflag:s18], $0x4000  }
0x1c0: {  	[sflag:s18] =	ssyncset.done $0x0  }
0x1c1: {  	[sflag:s18] =	ssyncadd.s32 $0xFFFFC000  }
0x1c2: {  	[tilespmem:s25], [sflag:$0x1] =	stream.indirect.gather [hbm4b:s1+s23], $0x10, s29, s23, $0xb8;
	[tilespmem:$0x1FC90] =	vst v63  }
0x1c3: {  	_ =	swait.ge [sflag:s10], $0x4000  }
0x1c4: {  	[sflag:s10] =	ssyncset.done $0x0  }
0x1c5: {  	[sflag:s10] =	ssyncadd.s32 $0xFFFFC000  }
0x1c6: {  	[spmem:s3] =	stream.indirect.scatter.add.f32 [tilespmem:s26], [sflag:$0x3], $0x10, s31, s23, $0xb8;
	[tilespmem:$0x1FC90] =	vst v63  }
0x1c7: {  	_ =	swait.ge [sflag:s18], $0x4000  }
0x1c8: {  	[sflag:s18] =	ssyncset.done $0x0  }
0x1c9: {  	[sflag:s18] =	ssyncadd.s32 $0xFFFFC000  }
0x1ca: {  	[tilespmem:s26], [sflag:$0x2] =	stream.indirect.gather [hbm4b:s1+s23], $0x10, s16, s23, $0xb8;
	[tilespmem:$0x1FC90] =	vst v63  }
0x1cb: {  	_ =	swait.ge [sflag:s28], $0x4000  }
0x1cc: {  	[sflag:s28] =	ssyncset.done $0x0  }
0x1cd: {  	[sflag:s28] =	ssyncadd.s32 $0xFFFFC000  }
0x1ce: {  	[spmem:s3] =	stream.indirect.scatter.add.f32 [tilespmem:s25], [sflag:$0x3], $0x10, s19, s23, $0xb8;
	[tilespmem:$0x1FC90] =	vst v63  }
0x1cf: {  	_ =	swait.ge [sflag:s18], $0x4000  }
0x1d0: {  	[sflag:s18] =	ssyncset.done $0x0  }
0x1d1: {  	s2 =	simm.s32 $0x1800;
	[sflag:s18] =	ssyncadd.s32 $0xFFFFC000  }
0x1d2: {  	[tilespmem:s25], [sflag:$0x1] =	stream.indirect.gather [hbm4b:s1+s23], $0x10, s2, s23, $0xb8;
	[tilespmem:$0x1FC90] =	vst v63  }
0x1d3: {  	_ =	swait.ge [sflag:s10], $0x4000  }
0x1d4: {  	[sflag:s10] =	ssyncset.done $0x0  }
0x1d5: {  	s13 =	simm.s32 $0x6400;
	[sflag:s10] =	ssyncadd.s32 $0xFFFFC000  }
0x1d6: {  	[spmem:s3] =	stream.indirect.scatter.add.f32 [tilespmem:s26], [sflag:$0x3], $0x10, s13, s23, $0xb8;
	[tilespmem:$0x1FC90] =	vst v63  }
0x1d7: {  	_ =	swait.ge [sflag:s18], $0x4000  }
0x1d8: {  	[sflag:s18] =	ssyncset.done $0x0  }
0x1d9: {  	[sflag:s18] =	ssyncadd.s32 $0xFFFFC000  }
0x1da: {  	[tilespmem:s26], [sflag:$0x2] =	stream.indirect.gather [hbm4b:s1+s23], $0x10, s17, s23, $0xb8;
	[tilespmem:$0x1FC90] =	vst v63  }
0x1db: {  	_ =	swait.ge [sflag:s28], $0x4000  }
0x1dc: {  	[sflag:s28] =	ssyncset.done $0x0  }
0x1dd: {  	[sflag:s28] =	ssyncadd.s32 $0xFFFFC000  }
0x1de: {  	[spmem:s3] =	stream.indirect.scatter.add.f32 [tilespmem:s25], [sflag:$0x3], $0x10, s7, s23, $0xb8;
	[tilespmem:$0x1FC90] =	vst v63  }
0x1df: {  	_ =	swait.ge [sflag:s18], $0x4000  }
0x1e0: {  	[sflag:s18] =	ssyncset.done $0x0  }
0x1e1: {  	s14 =	simm.s32 $0x2000;
	[sflag:s18] =	ssyncadd.s32 $0xFFFFC000  }
0x1e2: {  	[tilespmem:s25], [sflag:$0x1] =	stream.indirect.gather [hbm4b:s1+s23], $0x10, s14, s23, $0xb8;
	[tilespmem:$0x1FC90] =	vst v63  }
0x1e3: {  	_ =	swait.ge [sflag:s10], $0x4000  }
0x1e4: {  	[sflag:s10] =	ssyncset.done $0x0  }
0x1e5: {  	s13 =	simm.s32 $0x6C00;
	[sflag:s10] =	ssyncadd.s32 $0xFFFFC000  }
0x1e6: {  	[spmem:s3] =	stream.indirect.scatter.add.f32 [tilespmem:s26], [sflag:$0x3], $0x10, s13, s23, $0xb8;
	[tilespmem:$0x1FC90] =	vst v63  }
0x1e7: {  	_ =	swait.ge [sflag:s18], $0x4000  }
0x1e8: {  	[sflag:s18] =	ssyncset.done $0x0  }
0x1e9: {  	[sflag:s18] =	ssyncadd.s32 $0xFFFFC000  }
0x1ea: {  	[tilespmem:s26], [sflag:$0x2] =	stream.indirect.gather [hbm4b:s1+s23], $0x10, s30, s23, $0xb8;
	[tilespmem:$0x1FC90] =	vst v63  }
0x1eb: {  	_ =	swait.ge [sflag:s28], $0x4000  }
0x1ec: {  	[sflag:s28] =	ssyncset.done $0x0  }
0x1ed: {  	[sflag:s28] =	ssyncadd.s32 $0xFFFFC000  }
0x1ee: {  	[spmem:s3] =	stream.indirect.scatter.add.f32 [tilespmem:s25], [sflag:$0x3], $0x10, s8, s23, $0xb8;
	[tilespmem:$0x1FC90] =	vst v63  }
0x1ef: {  	_ =	swait.ge [sflag:s18], $0x4000  }
0x1f0: {  	[sflag:s18] =	ssyncset.done $0x0  }
0x1f1: {  	[sflag:s18] =	ssyncadd.s32 $0xFFFFC000  }
0x1f2: {  	_ =	swait.ge [sflag:s10], $0x4000  }
0x1f3: {  	[sflag:s10] =	ssyncset.done $0x0  }
0x1f4: {  	s14 =	simm.s32 $0x7400;
	[sflag:s10] =	ssyncadd.s32 $0xFFFFC000  }
0x1f5: {  	[spmem:s3] =	stream.indirect.scatter.add.f32 [tilespmem:s26], [sflag:$0x3], $0x10, s14, s23, $0xb8;
	[tilespmem:$0x1FC90] =	vst v63  }
0x1f6: {  	_ =	swait.ge [sflag:s18], $0x4000  }
0x1f7: {  	[sflag:s18] =	ssyncset.done $0x0  }
0x1f8: {  	s13 =	simm.s32 $0x0;
	s14 =	simm.s32 $0x40;
	[sflag:s18] =	ssyncadd.s32 $0xFFFFC000  }
.LBB2_50:
0x1f9: {  	p1 =	sne.s32 s14, $0xFC0;
	v2 =	vld [tilespmem:s13+$0x0];
	_ =	sdelay $0x1  }
.Ltmp24:
0x1fa: {  	(pc) =	sbr.rel @p1 .LBB2_50-.Ltmp24, $3  }
0x1fb: {  	_ =	sdelay $0x1  }
0x1fc: {  	v2 =	vadd.s32 $0x1, v2  }
0x1fd: {  	[tilespmem:s13+$0x0] =	vst v2;
	s13 =	sshra.s32 s14, $0x2;
	s14 =	sadd.s32 $0x40, s14  }
0x1fe: {  	v2 =	vld [tilespmem:s13+$0x0];
	_ =	sdelay $0x4  }
0x1ff: {  	v2 =	vadd.s32 $0x1, v2  }
0x200: {  	s2 =	simm.s32 $0x0;
	[tilespmem:s13+$0x0] =	vst v2  }
0x201: {  	[tilespmem:s25], [sflag:$0x1] =	stream.indirect.gather [hbm4b:s1+s23], $0x10, s2, s23, $0xb8;
	[tilespmem:$0x1FC90] =	vst v63  }
0x202: {  	[bflag:$0x0] =	sbarrier.arrive $0xFFFF  }
0x203: {  	s14 =	rddreg [dreg:$0xd]  }
0x204: {  	[hbm:s14@s9], [sflag:s21] =	dma.strided [spmem:s12@s10], $0x1390, s28, $0x2   }
0x205: {  	_ =	swait.ge [sflag:s18], $0x1390  }
0x206: {  	[sflag:s18] =	ssyncset.done $0x0  }
0x207: {  	[sflag:s18] =	ssyncadd.s32 $0xFFFFEC70  }
0x208: {  	[spmem:s12], [sflag:s21] =	dma.local [hbm:s6], $0x1390  }
0x209: {  	_ =	swait.ge [sflag:s18], $0x1390  }
0x20a: {  	[sflag:s18] =	ssyncset.done $0x0  }
0x20b: {  	[sflag:s18] =	ssyncadd.s32 $0xFFFFEC70  }
0x20c: {  	s13 =	simm.s32 $0x0;
	s14 =	simm.s32 $0x40;
	[bflag:$0x0] =	sbarrier.arrive $0xFFFF  }
.LBB2_52:
0x20d: {  	p1 =	sne.s32 s14, $0xFC0;
	v2 =	vld [tilespmem:s13+$0x400];
	_ =	sdelay $0x1  }
.Ltmp25:
0x20e: {  	(pc) =	sbr.rel @p1 .LBB2_52-.Ltmp25, $3  }
0x20f: {  	_ =	sdelay $0x1  }
0x210: {  	v2 =	vadd.s32 $0x1, v2  }
0x211: {  	[tilespmem:s13+$0x400] =	vst v2;
	s13 =	sshra.s32 s14, $0x2;
	s14 =	sadd.s32 $0x40, s14  }
0x212: {  	v2 =	vld [tilespmem:s13+$0x400];
	_ =	sdelay $0x4  }
0x213: {  	v2 =	vadd.s32 $0x1, v2  }
0x214: {  	s14 =	simm.s32 $0x40;
	[tilespmem:s13+$0x400] =	vst v2;
	s13 =	simm.s32 $0x0  }
.LBB2_54:
0x215: {  	p1 =	sne.s32 s14, $0xFC0;
	v2 =	vld [tilespmem:s13+$0x800];
	_ =	sdelay $0x1  }
.Ltmp26:
0x216: {  	(pc) =	sbr.rel @p1 .LBB2_54-.Ltmp26, $3  }
0x217: {  	_ =	sdelay $0x1  }
0x218: {  	v2 =	vadd.s32 $0x1, v2  }
0x219: {  	[tilespmem:s13+$0x800] =	vst v2;
	s13 =	sshra.s32 s14, $0x2;
	s14 =	sadd.s32 $0x40, s14  }
0x21a: {  	v2 =	vld [tilespmem:s13+$0x800];
	_ =	sdelay $0x4  }
0x21b: {  	v2 =	vadd.s32 $0x1, v2  }
0x21c: {  	s14 =	simm.s32 $0x40;
	[tilespmem:s13+$0x800] =	vst v2;
	s13 =	simm.s32 $0x0  }
.LBB2_56:
0x21d: {  	p1 =	sne.s32 s14, $0xFC0;
	v2 =	vld [tilespmem:s13+$0xC00];
	_ =	sdelay $0x1  }
.Ltmp27:
0x21e: {  	(pc) =	sbr.rel @p1 .LBB2_56-.Ltmp27, $3  }
0x21f: {  	_ =	sdelay $0x1  }
0x220: {  	v2 =	vadd.s32 $0x1, v2  }
0x221: {  	[tilespmem:s13+$0xC00] =	vst v2;
	s13 =	sshra.s32 s14, $0x2;
	s14 =	sadd.s32 $0x40, s14  }
0x222: {  	v2 =	vld [tilespmem:s13+$0xC00];
	_ =	sdelay $0x4  }
0x223: {  	v2 =	vadd.s32 $0x1, v2  }
0x224: {  	s14 =	simm.s32 $0x40;
	[tilespmem:s13+$0xC00] =	vst v2;
	s13 =	simm.s32 $0x0  }
.LBB2_58:
0x225: {  	p1 =	sne.s32 s14, $0xFC0;
	v2 =	vld [tilespmem:s13+$0x1000];
	_ =	sdelay $0x1  }
.Ltmp28:
0x226: {  	(pc) =	sbr.rel @p1 .LBB2_58-.Ltmp28, $3  }
0x227: {  	_ =	sdelay $0x1  }
0x228: {  	v2 =	vadd.s32 $0x1, v2  }
0x229: {  	[tilespmem:s13+$0x1000] =	vst v2;
	s13 =	sshra.s32 s14, $0x2;
	s14 =	sadd.s32 $0x40, s14  }
0x22a: {  	v2 =	vld [tilespmem:s13+$0x1000];
	_ =	sdelay $0x4  }
0x22b: {  	v2 =	vadd.s32 $0x1, v2  }
0x22c: {  	s14 =	simm.s32 $0x40;
	[tilespmem:s13+$0x1000] =	vst v2;
	s13 =	simm.s32 $0x0  }
.LBB2_60:
0x22d: {  	p1 =	sne.s32 s14, $0xFC0;
	v2 =	vld [tilespmem:s13+$0x1400];
	_ =	sdelay $0x1  }
.Ltmp29:
0x22e: {  	(pc) =	sbr.rel @p1 .LBB2_60-.Ltmp29, $3  }
0x22f: {  	_ =	sdelay $0x1  }
0x230: {  	v2 =	vadd.s32 $0x1, v2  }
0x231: {  	[tilespmem:s13+$0x1400] =	vst v2;
	s13 =	sshra.s32 s14, $0x2;
	s14 =	sadd.s32 $0x40, s14  }
0x232: {  	v2 =	vld [tilespmem:s13+$0x1400];
	_ =	sdelay $0x4  }
0x233: {  	v2 =	vadd.s32 $0x1, v2  }
0x234: {  	s14 =	simm.s32 $0x40;
	[tilespmem:s13+$0x1400] =	vst v2;
	s13 =	simm.s32 $0x0  }
.LBB2_62:
0x235: {  	p1 =	sne.s32 s14, $0xFC0;
	v2 =	vld [tilespmem:s13+$0x1800];
	_ =	sdelay $0x1  }
.Ltmp30:
0x236: {  	(pc) =	sbr.rel @p1 .LBB2_62-.Ltmp30, $3  }
0x237: {  	_ =	sdelay $0x1  }
0x238: {  	v2 =	vadd.s32 $0x1, v2  }
0x239: {  	[tilespmem:s13+$0x1800] =	vst v2;
	s13 =	sshra.s32 s14, $0x2;
	s14 =	sadd.s32 $0x40, s14  }
0x23a: {  	v2 =	vld [tilespmem:s13+$0x1800];
	_ =	sdelay $0x4  }
0x23b: {  	v2 =	vadd.s32 $0x1, v2  }
0x23c: {  	s14 =	simm.s32 $0x40;
	[tilespmem:s13+$0x1800] =	vst v2;
	s13 =	simm.s32 $0x0  }
.LBB2_64:
0x23d: {  	p1 =	sne.s32 s14, $0xFC0;
	v2 =	vld [tilespmem:s13+$0x1C00];
	_ =	sdelay $0x1  }
.Ltmp31:
0x23e: {  	(pc) =	sbr.rel @p1 .LBB2_64-.Ltmp31, $3  }
0x23f: {  	_ =	sdelay $0x1  }
0x240: {  	v2 =	vadd.s32 $0x1, v2  }
0x241: {  	[tilespmem:s13+$0x1C00] =	vst v2;
	s13 =	sshra.s32 s14, $0x2;
	s14 =	sadd.s32 $0x40, s14  }
0x242: {  	v2 =	vld [tilespmem:s13+$0x1C00];
	_ =	sdelay $0x4  }
0x243: {  	v2 =	vadd.s32 $0x1, v2  }
0x244: {  	s14 =	simm.s32 $0x40;
	[tilespmem:s13+$0x1C00] =	vst v2;
	s13 =	simm.s32 $0x0  }
.LBB2_66:
0x245: {  	p1 =	sne.s32 s14, $0xFC0;
	v2 =	vld [tilespmem:s13+$0x2000];
	_ =	sdelay $0x1  }
.Ltmp32:
0x246: {  	(pc) =	sbr.rel @p1 .LBB2_66-.Ltmp32, $3  }
0x247: {  	_ =	sdelay $0x1  }
0x248: {  	v2 =	vadd.s32 $0x1, v2  }
0x249: {  	[tilespmem:s13+$0x2000] =	vst v2;
	s13 =	sshra.s32 s14, $0x2;
	s14 =	sadd.s32 $0x40, s14  }
0x24a: {  	v2 =	vld [tilespmem:s13+$0x2000];
	_ =	sdelay $0x4  }
0x24b: {  	v2 =	vadd.s32 $0x1, v2  }
0x24c: {  	s14 =	simm.s32 $0x40;
	[tilespmem:s13+$0x2000] =	vst v2;
	s13 =	simm.s32 $0x0  }
.LBB2_68:
0x24d: {  	p1 =	sne.s32 s14, $0xFC0;
	v2 =	vld [tilespmem:s13+$0x2400];
	_ =	sdelay $0x1  }
.Ltmp33:
0x24e: {  	(pc) =	sbr.rel @p1 .LBB2_68-.Ltmp33, $3  }
0x24f: {  	_ =	sdelay $0x1  }
0x250: {  	v2 =	vadd.s32 $0x1, v2  }
0x251: {  	[tilespmem:s13+$0x2400] =	vst v2;
	s13 =	sshra.s32 s14, $0x2;
	s14 =	sadd.s32 $0x40, s14  }
0x252: {  	v2 =	vld [tilespmem:s13+$0x2400];
	_ =	sdelay $0x4  }
0x253: {  	v2 =	vadd.s32 $0x1, v2  }
0x254: {  	[tilespmem:s13+$0x2400] =	vst v2  }
0x255: {  	[tilespmem:s26], [sflag:$0x2] =	stream.indirect.gather [hbm4b:s1+s23], $0x10, s23, s23, $0xb8;
	[tilespmem:$0x1FC90] =	vst v63  }
0x256: {  	_ =	swait.ge [sflag:s28], $0x4000  }
0x257: {  	[sflag:s28] =	ssyncset.done $0x0  }
0x258: {  	[sflag:s28] =	ssyncadd.s32 $0xFFFFC000  }
0x259: {  	[spmem:s3] =	stream.indirect.scatter.add.f32 [tilespmem:s25], [sflag:$0x3], $0x10, s20, s23, $0xb8;
	[tilespmem:$0x1FC90] =	vst v63  }
0x25a: {  	_ =	swait.ge [sflag:s18], $0x4000  }
0x25b: {  	[sflag:s18] =	ssyncset.done $0x0  }
0x25c: {  	[sflag:s18] =	ssyncadd.s32 $0xFFFFC000  }
0x25d: {  	[tilespmem:s25], [sflag:$0x1] =	stream.indirect.gather [hbm4b:s1+s23], $0x10, s22, s23, $0xb8;
	[tilespmem:$0x1FC90] =	vst v63  }
0x25e: {  	_ =	swait.ge [sflag:s10], $0x4000  }
0x25f: {  	[sflag:s10] =	ssyncset.done $0x0  }
0x260: {  	[sflag:s10] =	ssyncadd.s32 $0xFFFFC000  }
0x261: {  	[spmem:s3] =	stream.indirect.scatter.add.f32 [tilespmem:s26], [sflag:$0x3], $0x10, s24, s23, $0xb8;
	[tilespmem:$0x1FC90] =	vst v63  }
0x262: {  	_ =	swait.ge [sflag:s18], $0x4000  }
0x263: {  	[sflag:s18] =	ssyncset.done $0x0  }
0x264: {  	[sflag:s18] =	ssyncadd.s32 $0xFFFFC000  }
0x265: {  	[tilespmem:s26], [sflag:$0x2] =	stream.indirect.gather [hbm4b:s1+s23], $0x10, s15, s23, $0xb8;
	[tilespmem:$0x1FC90] =	vst v63  }
0x266: {  	_ =	swait.ge [sflag:s28], $0x4000  }
0x267: {  	[sflag:s28] =	ssyncset.done $0x0  }
0x268: {  	[sflag:s28] =	ssyncadd.s32 $0xFFFFC000  }
0x269: {  	[spmem:s3] =	stream.indirect.scatter.add.f32 [tilespmem:s25], [sflag:$0x3], $0x10, s0, s23, $0xb8;
	[tilespmem:$0x1FC90] =	vst v63  }
0x26a: {  	_ =	swait.ge [sflag:s18], $0x4000  }
0x26b: {  	[sflag:s18] =	ssyncset.done $0x0  }
0x26c: {  	[sflag:s18] =	ssyncadd.s32 $0xFFFFC000  }
0x26d: {  	[tilespmem:s25], [sflag:$0x1] =	stream.indirect.gather [hbm4b:s1+s23], $0x10, s29, s23, $0xb8;
	[tilespmem:$0x1FC90] =	vst v63  }
0x26e: {  	_ =	swait.ge [sflag:s10], $0x4000  }
0x26f: {  	[sflag:s10] =	ssyncset.done $0x0  }
0x270: {  	[sflag:s10] =	ssyncadd.s32 $0xFFFFC000  }
0x271: {  	[spmem:s3] =	stream.indirect.scatter.add.f32 [tilespmem:s26], [sflag:$0x3], $0x10, s31, s23, $0xb8;
	[tilespmem:$0x1FC90] =	vst v63  }
0x272: {  	_ =	swait.ge [sflag:s18], $0x4000  }
0x273: {  	[sflag:s18] =	ssyncset.done $0x0  }
0x274: {  	[sflag:s18] =	ssyncadd.s32 $0xFFFFC000  }
0x275: {  	[tilespmem:s26], [sflag:$0x2] =	stream.indirect.gather [hbm4b:s1+s23], $0x10, s16, s23, $0xb8;
	[tilespmem:$0x1FC90] =	vst v63  }
0x276: {  	_ =	swait.ge [sflag:s28], $0x4000  }
0x277: {  	[sflag:s28] =	ssyncset.done $0x0  }
0x278: {  	[sflag:s28] =	ssyncadd.s32 $0xFFFFC000  }
0x279: {  	[spmem:s3] =	stream.indirect.scatter.add.f32 [tilespmem:s25], [sflag:$0x3], $0x10, s19, s23, $0xb8;
	[tilespmem:$0x1FC90] =	vst v63  }
0x27a: {  	_ =	swait.ge [sflag:s18], $0x4000  }
0x27b: {  	[sflag:s18] =	ssyncset.done $0x0  }
0x27c: {  	s2 =	simm.s32 $0x1800;
	[sflag:s18] =	ssyncadd.s32 $0xFFFFC000  }
0x27d: {  	[tilespmem:s25], [sflag:$0x1] =	stream.indirect.gather [hbm4b:s1+s23], $0x10, s2, s23, $0xb8;
	[tilespmem:$0x1FC90] =	vst v63  }
0x27e: {  	_ =	swait.ge [sflag:s10], $0x4000  }
0x27f: {  	[sflag:s10] =	ssyncset.done $0x0  }
0x280: {  	s13 =	simm.s32 $0x6400;
	[sflag:s10] =	ssyncadd.s32 $0xFFFFC000  }
0x281: {  	[spmem:s3] =	stream.indirect.scatter.add.f32 [tilespmem:s26], [sflag:$0x3], $0x10, s13, s23, $0xb8;
	[tilespmem:$0x1FC90] =	vst v63  }
0x282: {  	_ =	swait.ge [sflag:s18], $0x4000  }
0x283: {  	[sflag:s18] =	ssyncset.done $0x0  }
0x284: {  	[sflag:s18] =	ssyncadd.s32 $0xFFFFC000  }
0x285: {  	[tilespmem:s26], [sflag:$0x2] =	stream.indirect.gather [hbm4b:s1+s23], $0x10, s17, s23, $0xb8;
	[tilespmem:$0x1FC90] =	vst v63  }
0x286: {  	_ =	swait.ge [sflag:s28], $0x4000  }
0x287: {  	[sflag:s28] =	ssyncset.done $0x0  }
0x288: {  	[sflag:s28] =	ssyncadd.s32 $0xFFFFC000  }
0x289: {  	[spmem:s3] =	stream.indirect.scatter.add.f32 [tilespmem:s25], [sflag:$0x3], $0x10, s7, s23, $0xb8;
	[tilespmem:$0x1FC90] =	vst v63  }
0x28a: {  	_ =	swait.ge [sflag:s18], $0x4000  }
0x28b: {  	[sflag:s18] =	ssyncset.done $0x0  }
0x28c: {  	s14 =	simm.s32 $0x2000;
	[sflag:s18] =	ssyncadd.s32 $0xFFFFC000  }
0x28d: {  	[tilespmem:s25], [sflag:$0x1] =	stream.indirect.gather [hbm4b:s1+s23], $0x10, s14, s23, $0xb8;
	[tilespmem:$0x1FC90] =	vst v63  }
0x28e: {  	_ =	swait.ge [sflag:s10], $0x4000  }
0x28f: {  	[sflag:s10] =	ssyncset.done $0x0  }
0x290: {  	s13 =	simm.s32 $0x6C00;
	[sflag:s10] =	ssyncadd.s32 $0xFFFFC000  }
0x291: {  	[spmem:s3] =	stream.indirect.scatter.add.f32 [tilespmem:s26], [sflag:$0x3], $0x10, s13, s23, $0xb8;
	[tilespmem:$0x1FC90] =	vst v63  }
0x292: {  	_ =	swait.ge [sflag:s18], $0x4000  }
0x293: {  	[sflag:s18] =	ssyncset.done $0x0  }
0x294: {  	[sflag:s18] =	ssyncadd.s32 $0xFFFFC000  }
0x295: {  	[tilespmem:s26], [sflag:$0x2] =	stream.indirect.gather [hbm4b:s1+s23], $0x10, s30, s23, $0xb8;
	[tilespmem:$0x1FC90] =	vst v63  }
0x296: {  	_ =	swait.ge [sflag:s28], $0x4000  }
0x297: {  	[sflag:s28] =	ssyncset.done $0x0  }
0x298: {  	[sflag:s28] =	ssyncadd.s32 $0xFFFFC000  }
0x299: {  	[spmem:s3] =	stream.indirect.scatter.add.f32 [tilespmem:s25], [sflag:$0x3], $0x10, s8, s23, $0xb8;
	[tilespmem:$0x1FC90] =	vst v63  }
0x29a: {  	_ =	swait.ge [sflag:s18], $0x4000  }
0x29b: {  	[sflag:s18] =	ssyncset.done $0x0  }
0x29c: {  	[sflag:s18] =	ssyncadd.s32 $0xFFFFC000  }
0x29d: {  	_ =	swait.ge [sflag:s10], $0x4000  }
0x29e: {  	[sflag:s10] =	ssyncset.done $0x0  }
0x29f: {  	s14 =	simm.s32 $0x7400;
	[sflag:s10] =	ssyncadd.s32 $0xFFFFC000  }
0x2a0: {  	[spmem:s3] =	stream.indirect.scatter.add.f32 [tilespmem:s26], [sflag:$0x3], $0x10, s14, s23, $0xb8;
	[tilespmem:$0x1FC90] =	vst v63  }
0x2a1: {  	_ =	swait.ge [sflag:s18], $0x4000  }
0x2a2: {  	[sflag:s18] =	ssyncset.done $0x0  }
0x2a3: {  	s13 =	simm.s32 $0x0;
	s14 =	simm.s32 $0x40;
	[sflag:s18] =	ssyncadd.s32 $0xFFFFC000  }
.LBB2_70:
0x2a4: {  	p1 =	sne.s32 s14, $0xFC0;
	v2 =	vld [tilespmem:s13+$0x0];
	_ =	sdelay $0x1  }
.Ltmp34:
0x2a5: {  	(pc) =	sbr.rel @p1 .LBB2_70-.Ltmp34, $3  }
0x2a6: {  	_ =	sdelay $0x1  }
0x2a7: {  	v2 =	vadd.s32 $0x1, v2  }
0x2a8: {  	[tilespmem:s13+$0x0] =	vst v2;
	s13 =	sshra.s32 s14, $0x2;
	s14 =	sadd.s32 $0x40, s14  }
0x2a9: {  	v2 =	vld [tilespmem:s13+$0x0];
	_ =	sdelay $0x4  }
0x2aa: {  	v2 =	vadd.s32 $0x1, v2  }
0x2ab: {  	s2 =	simm.s32 $0x0;
	[tilespmem:s13+$0x0] =	vst v2  }
0x2ac: {  	[tilespmem:s25], [sflag:$0x1] =	stream.indirect.gather [hbm4b:s1+s23], $0x10, s2, s23, $0xb8;
	[tilespmem:$0x1FC90] =	vst v63  }
0x2ad: {  	[bflag:$0x0] =	sbarrier.arrive $0xFFFF  }
0x2ae: {  	s14 =	rddreg [dreg:$0xe]  }
0x2af: {  	[hbm:s14@s9], [sflag:s21] =	dma.strided [spmem:s12@s10], $0x1390, s28, $0x2   }
0x2b0: {  	_ =	swait.ge [sflag:s18], $0x1390  }
0x2b1: {  	[sflag:s18] =	ssyncset.done $0x0  }
0x2b2: {  	[sflag:s18] =	ssyncadd.s32 $0xFFFFEC70  }
0x2b3: {  	[spmem:s12], [sflag:s21] =	dma.local [hbm:s6], $0x1390  }
0x2b4: {  	_ =	swait.ge [sflag:s18], $0x1390  }
0x2b5: {  	[sflag:s18] =	ssyncset.done $0x0  }
0x2b6: {  	[sflag:s18] =	ssyncadd.s32 $0xFFFFEC70  }
0x2b7: {  	s13 =	simm.s32 $0x0;
	s14 =	simm.s32 $0x40;
	[bflag:$0x0] =	sbarrier.arrive $0xFFFF  }
.LBB2_72:
0x2b8: {  	p1 =	sne.s32 s14, $0xFC0;
	v2 =	vld [tilespmem:s13+$0x400];
	_ =	sdelay $0x1  }
.Ltmp35:
0x2b9: {  	(pc) =	sbr.rel @p1 .LBB2_72-.Ltmp35, $3  }
0x2ba: {  	_ =	sdelay $0x1  }
0x2bb: {  	v2 =	vadd.s32 $0x1, v2  }
0x2bc: {  	[tilespmem:s13+$0x400] =	vst v2;
	s13 =	sshra.s32 s14, $0x2;
	s14 =	sadd.s32 $0x40, s14  }
0x2bd: {  	v2 =	vld [tilespmem:s13+$0x400];
	_ =	sdelay $0x4  }
0x2be: {  	v2 =	vadd.s32 $0x1, v2  }
0x2bf: {  	s14 =	simm.s32 $0x40;
	[tilespmem:s13+$0x400] =	vst v2;
	s13 =	simm.s32 $0x0  }
.LBB2_74:
0x2c0: {  	p1 =	sne.s32 s14, $0xFC0;
	v2 =	vld [tilespmem:s13+$0x800];
	_ =	sdelay $0x1  }
.Ltmp36:
0x2c1: {  	(pc) =	sbr.rel @p1 .LBB2_74-.Ltmp36, $3  }
0x2c2: {  	_ =	sdelay $0x1  }
0x2c3: {  	v2 =	vadd.s32 $0x1, v2  }
0x2c4: {  	[tilespmem:s13+$0x800] =	vst v2;
	s13 =	sshra.s32 s14, $0x2;
	s14 =	sadd.s32 $0x40, s14  }
0x2c5: {  	v2 =	vld [tilespmem:s13+$0x800];
	_ =	sdelay $0x4  }
0x2c6: {  	v2 =	vadd.s32 $0x1, v2  }
0x2c7: {  	s14 =	simm.s32 $0x40;
	[tilespmem:s13+$0x800] =	vst v2;
	s13 =	simm.s32 $0x0  }
.LBB2_76:
0x2c8: {  	p1 =	sne.s32 s14, $0xFC0;
	v2 =	vld [tilespmem:s13+$0xC00];
	_ =	sdelay $0x1  }
.Ltmp37:
0x2c9: {  	(pc) =	sbr.rel @p1 .LBB2_76-.Ltmp37, $3  }
0x2ca: {  	_ =	sdelay $0x1  }
0x2cb: {  	v2 =	vadd.s32 $0x1, v2  }
0x2cc: {  	[tilespmem:s13+$0xC00] =	vst v2;
	s13 =	sshra.s32 s14, $0x2;
	s14 =	sadd.s32 $0x40, s14  }
0x2cd: {  	v2 =	vld [tilespmem:s13+$0xC00];
	_ =	sdelay $0x4  }
0x2ce: {  	v2 =	vadd.s32 $0x1, v2  }
0x2cf: {  	s14 =	simm.s32 $0x40;
	[tilespmem:s13+$0xC00] =	vst v2;
	s13 =	simm.s32 $0x0  }
.LBB2_78:
0x2d0: {  	p1 =	sne.s32 s14, $0xFC0;
	v2 =	vld [tilespmem:s13+$0x1000];
	_ =	sdelay $0x1  }
.Ltmp38:
0x2d1: {  	(pc) =	sbr.rel @p1 .LBB2_78-.Ltmp38, $3  }
0x2d2: {  	_ =	sdelay $0x1  }
0x2d3: {  	v2 =	vadd.s32 $0x1, v2  }
0x2d4: {  	[tilespmem:s13+$0x1000] =	vst v2;
	s13 =	sshra.s32 s14, $0x2;
	s14 =	sadd.s32 $0x40, s14  }
0x2d5: {  	v2 =	vld [tilespmem:s13+$0x1000];
	_ =	sdelay $0x4  }
0x2d6: {  	v2 =	vadd.s32 $0x1, v2  }
0x2d7: {  	s14 =	simm.s32 $0x40;
	[tilespmem:s13+$0x1000] =	vst v2;
	s13 =	simm.s32 $0x0  }
.LBB2_80:
0x2d8: {  	p1 =	sne.s32 s14, $0xFC0;
	v2 =	vld [tilespmem:s13+$0x1400];
	_ =	sdelay $0x1  }
.Ltmp39:
0x2d9: {  	(pc) =	sbr.rel @p1 .LBB2_80-.Ltmp39, $3  }
0x2da: {  	_ =	sdelay $0x1  }
0x2db: {  	v2 =	vadd.s32 $0x1, v2  }
0x2dc: {  	[tilespmem:s13+$0x1400] =	vst v2;
	s13 =	sshra.s32 s14, $0x2;
	s14 =	sadd.s32 $0x40, s14  }
0x2dd: {  	v2 =	vld [tilespmem:s13+$0x1400];
	_ =	sdelay $0x4  }
0x2de: {  	v2 =	vadd.s32 $0x1, v2  }
0x2df: {  	s14 =	simm.s32 $0x40;
	[tilespmem:s13+$0x1400] =	vst v2;
	s13 =	simm.s32 $0x0  }
.LBB2_82:
0x2e0: {  	p1 =	sne.s32 s14, $0xFC0;
	v2 =	vld [tilespmem:s13+$0x1800];
	_ =	sdelay $0x1  }
.Ltmp40:
0x2e1: {  	(pc) =	sbr.rel @p1 .LBB2_82-.Ltmp40, $3  }
0x2e2: {  	_ =	sdelay $0x1  }
0x2e3: {  	v2 =	vadd.s32 $0x1, v2  }
0x2e4: {  	[tilespmem:s13+$0x1800] =	vst v2;
	s13 =	sshra.s32 s14, $0x2;
	s14 =	sadd.s32 $0x40, s14  }
0x2e5: {  	v2 =	vld [tilespmem:s13+$0x1800];
	_ =	sdelay $0x4  }
0x2e6: {  	v2 =	vadd.s32 $0x1, v2  }
0x2e7: {  	s14 =	simm.s32 $0x40;
	[tilespmem:s13+$0x1800] =	vst v2;
	s13 =	simm.s32 $0x0  }
.LBB2_84:
0x2e8: {  	p1 =	sne.s32 s14, $0xFC0;
	v2 =	vld [tilespmem:s13+$0x1C00];
	_ =	sdelay $0x1  }
.Ltmp41:
0x2e9: {  	(pc) =	sbr.rel @p1 .LBB2_84-.Ltmp41, $3  }
0x2ea: {  	_ =	sdelay $0x1  }
0x2eb: {  	v2 =	vadd.s32 $0x1, v2  }
0x2ec: {  	[tilespmem:s13+$0x1C00] =	vst v2;
	s13 =	sshra.s32 s14, $0x2;
	s14 =	sadd.s32 $0x40, s14  }
0x2ed: {  	v2 =	vld [tilespmem:s13+$0x1C00];
	_ =	sdelay $0x4  }
0x2ee: {  	v2 =	vadd.s32 $0x1, v2  }
0x2ef: {  	s14 =	simm.s32 $0x40;
	[tilespmem:s13+$0x1C00] =	vst v2;
	s13 =	simm.s32 $0x0  }
.LBB2_86:
0x2f0: {  	p1 =	sne.s32 s14, $0xFC0;
	v2 =	vld [tilespmem:s13+$0x2000];
	_ =	sdelay $0x1  }
.Ltmp42:
0x2f1: {  	(pc) =	sbr.rel @p1 .LBB2_86-.Ltmp42, $3  }
0x2f2: {  	_ =	sdelay $0x1  }
0x2f3: {  	v2 =	vadd.s32 $0x1, v2  }
0x2f4: {  	[tilespmem:s13+$0x2000] =	vst v2;
	s13 =	sshra.s32 s14, $0x2;
	s14 =	sadd.s32 $0x40, s14  }
0x2f5: {  	v2 =	vld [tilespmem:s13+$0x2000];
	_ =	sdelay $0x4  }
0x2f6: {  	v2 =	vadd.s32 $0x1, v2  }
0x2f7: {  	s14 =	simm.s32 $0x40;
	[tilespmem:s13+$0x2000] =	vst v2;
	s13 =	simm.s32 $0x0  }
.LBB2_88:
0x2f8: {  	p1 =	sne.s32 s14, $0xFC0;
	v2 =	vld [tilespmem:s13+$0x2400];
	_ =	sdelay $0x1  }
.Ltmp43:
0x2f9: {  	(pc) =	sbr.rel @p1 .LBB2_88-.Ltmp43, $3  }
0x2fa: {  	_ =	sdelay $0x1  }
0x2fb: {  	v2 =	vadd.s32 $0x1, v2  }
0x2fc: {  	[tilespmem:s13+$0x2400] =	vst v2;
	s13 =	sshra.s32 s14, $0x2;
	s14 =	sadd.s32 $0x40, s14  }
0x2fd: {  	v2 =	vld [tilespmem:s13+$0x2400];
	_ =	sdelay $0x4  }
0x2fe: {  	v2 =	vadd.s32 $0x1, v2  }
0x2ff: {  	[tilespmem:s13+$0x2400] =	vst v2  }
0x300: {  	[tilespmem:s26], [sflag:$0x2] =	stream.indirect.gather [hbm4b:s1+s23], $0x10, s23, s23, $0xb8;
	[tilespmem:$0x1FC90] =	vst v63  }
0x301: {  	_ =	swait.ge [sflag:s28], $0x4000  }
0x302: {  	[sflag:s28] =	ssyncset.done $0x0  }
0x303: {  	[sflag:s28] =	ssyncadd.s32 $0xFFFFC000  }
0x304: {  	[spmem:s3] =	stream.indirect.scatter.add.f32 [tilespmem:s25], [sflag:$0x3], $0x10, s20, s23, $0xb8;
	[tilespmem:$0x1FC90] =	vst v63  }
0x305: {  	_ =	swait.ge [sflag:s18], $0x4000  }
0x306: {  	[sflag:s18] =	ssyncset.done $0x0  }
0x307: {  	[sflag:s18] =	ssyncadd.s32 $0xFFFFC000  }
0x308: {  	[tilespmem:s25], [sflag:$0x1] =	stream.indirect.gather [hbm4b:s1+s23], $0x10, s22, s23, $0xb8;
	[tilespmem:$0x1FC90] =	vst v63  }
0x309: {  	_ =	swait.ge [sflag:s10], $0x4000  }
0x30a: {  	[sflag:s10] =	ssyncset.done $0x0  }
0x30b: {  	[sflag:s10] =	ssyncadd.s32 $0xFFFFC000  }
0x30c: {  	[spmem:s3] =	stream.indirect.scatter.add.f32 [tilespmem:s26], [sflag:$0x3], $0x10, s24, s23, $0xb8;
	[tilespmem:$0x1FC90] =	vst v63  }
0x30d: {  	_ =	swait.ge [sflag:s18], $0x4000  }
0x30e: {  	[sflag:s18] =	ssyncset.done $0x0  }
0x30f: {  	[sflag:s18] =	ssyncadd.s32 $0xFFFFC000  }
0x310: {  	[tilespmem:s26], [sflag:$0x2] =	stream.indirect.gather [hbm4b:s1+s23], $0x10, s15, s23, $0xb8;
	[tilespmem:$0x1FC90] =	vst v63  }
0x311: {  	_ =	swait.ge [sflag:s28], $0x4000  }
0x312: {  	[sflag:s28] =	ssyncset.done $0x0  }
0x313: {  	[sflag:s28] =	ssyncadd.s32 $0xFFFFC000  }
0x314: {  	[spmem:s3] =	stream.indirect.scatter.add.f32 [tilespmem:s25], [sflag:$0x3], $0x10, s0, s23, $0xb8;
	[tilespmem:$0x1FC90] =	vst v63  }
0x315: {  	_ =	swait.ge [sflag:s18], $0x4000  }
0x316: {  	[sflag:s18] =	ssyncset.done $0x0  }
0x317: {  	[sflag:s18] =	ssyncadd.s32 $0xFFFFC000  }
0x318: {  	[tilespmem:s25], [sflag:$0x1] =	stream.indirect.gather [hbm4b:s1+s23], $0x10, s29, s23, $0xb8;
	[tilespmem:$0x1FC90] =	vst v63  }
0x319: {  	_ =	swait.ge [sflag:s10], $0x4000  }
0x31a: {  	[sflag:s10] =	ssyncset.done $0x0  }
0x31b: {  	[sflag:s10] =	ssyncadd.s32 $0xFFFFC000  }
0x31c: {  	[spmem:s3] =	stream.indirect.scatter.add.f32 [tilespmem:s26], [sflag:$0x3], $0x10, s31, s23, $0xb8;
	[tilespmem:$0x1FC90] =	vst v63  }
0x31d: {  	_ =	swait.ge [sflag:s18], $0x4000  }
0x31e: {  	[sflag:s18] =	ssyncset.done $0x0  }
0x31f: {  	[sflag:s18] =	ssyncadd.s32 $0xFFFFC000  }
0x320: {  	[tilespmem:s26], [sflag:$0x2] =	stream.indirect.gather [hbm4b:s1+s23], $0x10, s16, s23, $0xb8;
	[tilespmem:$0x1FC90] =	vst v63  }
0x321: {  	_ =	swait.ge [sflag:s28], $0x4000  }
0x322: {  	[sflag:s28] =	ssyncset.done $0x0  }
0x323: {  	[sflag:s28] =	ssyncadd.s32 $0xFFFFC000  }
0x324: {  	[spmem:s3] =	stream.indirect.scatter.add.f32 [tilespmem:s25], [sflag:$0x3], $0x10, s19, s23, $0xb8;
	[tilespmem:$0x1FC90] =	vst v63  }
0x325: {  	_ =	swait.ge [sflag:s18], $0x4000  }
0x326: {  	[sflag:s18] =	ssyncset.done $0x0  }
0x327: {  	s19 =	simm.s32 $0x1800;
	[sflag:s18] =	ssyncadd.s32 $0xFFFFC000  }
0x328: {  	[tilespmem:s25], [sflag:$0x1] =	stream.indirect.gather [hbm4b:s1+s23], $0x10, s19, s23, $0xb8;
	[tilespmem:$0x1FC90] =	vst v63  }
0x329: {  	_ =	swait.ge [sflag:s10], $0x4000  }
0x32a: {  	[sflag:s10] =	ssyncset.done $0x0  }
0x32b: {  	s22 =	simm.s32 $0x6400;
	[sflag:s10] =	ssyncadd.s32 $0xFFFFC000  }
0x32c: {  	[spmem:s3] =	stream.indirect.scatter.add.f32 [tilespmem:s26], [sflag:$0x3], $0x10, s22, s23, $0xb8;
	[tilespmem:$0x1FC90] =	vst v63  }
0x32d: {  	_ =	swait.ge [sflag:s18], $0x4000  }
0x32e: {  	[sflag:s18] =	ssyncset.done $0x0  }
0x32f: {  	[sflag:s18] =	ssyncadd.s32 $0xFFFFC000  }
0x330: {  	[tilespmem:s26], [sflag:$0x2] =	stream.indirect.gather [hbm4b:s1+s23], $0x10, s17, s23, $0xb8;
	[tilespmem:$0x1FC90] =	vst v63  }
0x331: {  	_ =	swait.ge [sflag:s28], $0x4000  }
0x332: {  	[sflag:s28] =	ssyncset.done $0x0  }
0x333: {  	[sflag:s28] =	ssyncadd.s32 $0xFFFFC000  }
0x334: {  	[spmem:s3] =	stream.indirect.scatter.add.f32 [tilespmem:s25], [sflag:$0x3], $0x10, s7, s23, $0xb8;
	[tilespmem:$0x1FC90] =	vst v63  }
0x335: {  	_ =	swait.ge [sflag:s18], $0x4000  }
0x336: {  	[sflag:s18] =	ssyncset.done $0x0  }
0x337: {  	s24 =	simm.s32 $0x2000;
	[sflag:s18] =	ssyncadd.s32 $0xFFFFC000  }
0x338: {  	[tilespmem:s25], [sflag:$0x1] =	stream.indirect.gather [hbm4b:s1+s23], $0x10, s24, s23, $0xb8;
	[tilespmem:$0x1FC90] =	vst v63  }
0x339: {  	_ =	swait.ge [sflag:s10], $0x4000  }
0x33a: {  	[sflag:s10] =	ssyncset.done $0x0  }
0x33b: {  	s29 =	simm.s32 $0x6C00;
	[sflag:s10] =	ssyncadd.s32 $0xFFFFC000  }
0x33c: {  	[spmem:s3] =	stream.indirect.scatter.add.f32 [tilespmem:s26], [sflag:$0x3], $0x10, s29, s23, $0xb8;
	[tilespmem:$0x1FC90] =	vst v63  }
0x33d: {  	_ =	swait.ge [sflag:s18], $0x4000  }
0x33e: {  	[sflag:s18] =	ssyncset.done $0x0  }
0x33f: {  	[sflag:s18] =	ssyncadd.s32 $0xFFFFC000  }
0x340: {  	[tilespmem:s26], [sflag:$0x2] =	stream.indirect.gather [hbm4b:s1+s23], $0x10, s30, s23, $0xb8;
	[tilespmem:$0x1FC90] =	vst v63  }
0x341: {  	_ =	swait.ge [sflag:s28], $0x4000  }
0x342: {  	[sflag:s28] =	ssyncset.done $0x0  }
0x343: {  	[sflag:s28] =	ssyncadd.s32 $0xFFFFC000  }
0x344: {  	[spmem:s3] =	stream.indirect.scatter.add.f32 [tilespmem:s25], [sflag:$0x3], $0x10, s8, s23, $0xb8;
	[tilespmem:$0x1FC90] =	vst v63  }
0x345: {  	_ =	swait.ge [sflag:s18], $0x4000  }
0x346: {  	[sflag:s18] =	ssyncset.done $0x0  }
0x347: {  	[sflag:s18] =	ssyncadd.s32 $0xFFFFC000  }
0x348: {  	_ =	swait.ge [sflag:s10], $0x4000  }
0x349: {  	[sflag:s10] =	ssyncset.done $0x0  }
0x34a: {  	s30 =	simm.s32 $0x7400;
	[sflag:s10] =	ssyncadd.s32 $0xFFFFC000  }
0x34b: {  	[spmem:s3] =	stream.indirect.scatter.add.f32 [tilespmem:s26], [sflag:$0x3], $0x10, s30, s23, $0xb8;
	[tilespmem:$0x1FC90] =	vst v63  }
0x34c: {  	_ =	swait.ge [sflag:s18], $0x4000  }
0x34d: {  	[sflag:s18] =	ssyncset.done $0x0  }
0x34e: {  	[sflag:s18] =	ssyncadd.s32 $0xFFFFC000  }
0x34f: {  	[bflag:$0x0] =	sbarrier.arrive $0xFFFF  }
0x350: {  	s2 =	rddreg [dreg:$0xf]  }
0x351: {  	[hbm:s2@s9], [sflag:s21] =	dma.strided [spmem:s12@s10], $0x1390, s28, $0x2   }
0x352: {  	_ =	swait.ge [sflag:s18], $0x1390  }
0x353: {  	s11 =	sadd.s32 $0x1, s11;
	s31 =	rddreg [dreg:$0x10]  }
0x354: {  	p1 =	sne.s32 s11, s31  }
.Ltmp44:
0x355: {  	_ = 	snop;
	(pc) =	sbr.rel @p1 .LBB2_1-.Ltmp44, $3  }
0x356: {  	_ =	sdelay $0x1  }
0x357: {  	[sflag:s18] =	ssyncset.done $0x0  }
0x358: {  	[sflag:s18] =	ssyncadd.s32 $0xFFFFEC70  }
0x359: {  	_ =	sfence.sel $0x180000  }
0x35a: {  	[bflag:$0x0] =	sbarrier.arrive $0xFFFF  }
0x35b: {  	_ =	strace $0x90000047  }
0x35c: {  	s0 =	stileid.u32;
	[bflag:$0x2] =	sbarrier.arrive $0xFFFF  }
0x35d: {  	p0 =	sne.s32 s0, $0x0;
	s0 =	rddreg [dreg:$0x5]  }
0x35e: {  	s0 =	sadd.s32 @!p0 $0x100000, s0  }
0x35f: {  	[sflag:s0] =	ssyncadd.tile.s32 @!p0 $0x1;
	_ =	shalt  }
.Lfunc_end2:
_tile_overlayer_lowered:
.L_overlay_start_2:
0x360: {  	(tag) =	ssettag $0x2  }
0x361: {  	s0 =	rddreg [dreg:$0x0];
	s2 =	stileid.u32  }
0x362: {  	s1 =	rddreg [dreg:$0x1];
	p0 =	sne.s32 s2, $0x0  }
0x363: {  	s3 =	rddreg [dreg:$0x2];
	[bflag:$0x3] =	sbarrier.arrive $0xFFFF;
	s2 =	simm.s32 @!p0 $0x1C03  }
0x364: {  	[timem:s3], [sflag:s2] =	dma.local @!p0 [hbm:s0], s1  }
0x365: {  	s0 =	simm.s32 @!p0 $0x3  }
0x366: {  	_ =	swait.ge @!p0 [sflag:s0], s1  }
0x367: {  	s1 =	ssub.s32 @!p0 $0x0, s1;
	[sflag:s0] =	ssyncset.done @!p0 $0x0  }
0x368: {  	[sflag:s0] =	ssyncadd.s32 @!p0 s1  }
0x369: {  	[bflag:$0x3] =	sbarrier.arrive $0xFFFF  }
0x36a: {  	_ =	shalt  }

</sc_bundles>
